<compile_context>
chip_gen: v7x
topology: tpu7x:2x2x1
jax: 0.10.2.dev20260603
libtpu: 0.0.44.dev20260713+nightly
codegen_flags: <defaults>
</compile_context>

<pallas_src>
import functools

import jax
import jax.numpy as jnp
from jax import lax
from jax.experimental import pallas as pl
from jax.experimental.pallas import tpu as pltpu
from jax.experimental.pallas import tpu_sc as plsc

_NC = 2
_NS = 16
_K = 128


@functools.partial(jax.jit, static_argnames=("n_nodes", "channels"))
def _spmm_partials(h, idx2d, zeros, *, n_nodes, channels):
    nrows_total = idx2d.shape[0] // 2
    np_nodes = zeros.shape[0]
    ntiles = _NC * _NS
    nct = nrows_total // ntiles
    rpt = np_nodes // _NS
    mesh = plsc.VectorSubcoreMesh(core_axis_name="c", subcore_axis_name="s")

    nbuf = 2
    nh = 2
    nch = nct // nh
    @functools.partial(
        pl.kernel,
        out_type=jax.ShapeDtypeStruct((2 * np_nodes, channels), jnp.float32),
        mesh=mesh,
        scratch_types=(
            [pltpu.VMEM((nch, _K), jnp.int32)] * 2
            + [pltpu.VMEM((_K, channels), jnp.float32)] * nbuf
            + [pltpu.VMEM_SHARED((np_nodes, channels), jnp.float32)]
            + [pltpu.SemaphoreType.DMA] * (nbuf + 1)
        ),
    )
    def spmm(h_hbm, idx_hbm, zeros_hbm, out_hbm, src_v, dst_v, *scratch):
        rows = scratch[:nbuf]
        acc = scratch[nbuf]
        sem_g = scratch[nbuf + 1:nbuf + 1 + nbuf]
        sem_s = scratch[nbuf + 1 + nbuf]
        cid = lax.axis_index("c")
        sid = lax.axis_index("s")
        tid = cid * _NS + sid

        def gather(j):
            pltpu.async_copy(h_hbm.at[src_v.at[j]], rows[j % nbuf],
                             sem_g[j % nbuf])

        def gwait(j):
            pltpu.make_async_copy(h_hbm.at[src_v.at[j]], rows[j % nbuf],
                                  sem_g[j % nbuf]).wait()

        def scat(j):
            pltpu.async_copy(rows[j % nbuf], acc.at[dst_v.at[j]], sem_s,
                             add=True)

        def swait(j):
            pltpu.make_async_copy(rows[j % nbuf], acc.at[dst_v.at[j]],
                                  sem_s).wait()

        for h in range(nh):
            base = tid * nct + h * nch
            pltpu.sync_copy(idx_hbm.at[pl.ds(base, nch)], src_v)
            pltpu.sync_copy(idx_hbm.at[pl.ds(nrows_total + base, nch)], dst_v)
            for b in range(min(nbuf, nch)):
                gather(b)
            if h == 0:
                pltpu.sync_copy(zeros_hbm.at[pl.ds(sid * rpt, rpt)],
                                acc.at[pl.ds(sid * rpt, rpt)])
                plsc.subcore_barrier()
            for j in range(nch):
                gwait(j)
                if j > 0:
                    swait(j - 1)
                    if j - 1 + nbuf < nch:
                        gather(j - 1 + nbuf)
                scat(j)
            swait(nch - 1)

        plsc.subcore_barrier()
        pltpu.sync_copy(acc.at[pl.ds(sid * rpt, rpt)],
                        out_hbm.at[pl.ds(cid * np_nodes + sid * rpt, rpt)])

    return spmm(h, idx2d, zeros)


def _mm_body(a, w, o):
    o[...] = jnp.dot(a[...], w[...], preferred_element_type=jnp.float32)


def _l1_body(pa0, pa1, pb0, pb1, w1a, w1b, o):
    ha = jnp.maximum(pa0[...] + pa1[...], 0.0)
    hb = jnp.maximum(pb0[...] + pb1[...], 0.0)
    o[...] = (jnp.dot(ha, w1a[...], preferred_element_type=jnp.float32)
              + jnp.dot(hb, w1b[...], preferred_element_type=jnp.float32))


def _relu_body(q0, q1, o):
    o[...] = jnp.maximum(q0[...] + q1[...], 0.0)


def _softmax_body(r0, r1, o):
    ncls = o.shape[-1]
    s = r0[...] + r1[...]
    lane = lax.broadcasted_iota(jnp.int32, s.shape, 1)
    s = jnp.where(lane < ncls, s, -jnp.inf)
    m = jnp.max(s, axis=-1, keepdims=True)
    e = jnp.exp(s - m)
    p = e / jnp.sum(e, axis=-1, keepdims=True)
    o[...] = p[:, :ncls]


def kernel(x, edge_index, W0, W1, W2):
    n, d_feat = x.shape
    e = edge_index.shape[1]
    c0 = W0.shape[1]
    c1 = W1.shape[1]
    ncls = W2.shape[1]

    npad = ((n + 127) // 128) * 128
    ntiles = _NC * _NS
    nct = -(-e // (ntiles * _K * 16)) * 16
    epad = ntiles * nct * _K
    src_p = jnp.concatenate(
        [edge_index[0], jnp.zeros((epad - e,), jnp.int32)])
    dst_p = jnp.concatenate(
        [edge_index[1], jnp.full((epad - e,), npad - 1, jnp.int32)])
    idx2d = jnp.concatenate(
        [src_p.reshape(epad // _K, _K), dst_p.reshape(epad // _K, _K)], axis=0)
    zeros_f = jnp.zeros((npad, c1), jnp.float32)

    blk = 1000
    grid = (n // blk,)

    def mm(a, w):
        return pl.pallas_call(
            _mm_body,
            grid=grid,
            in_specs=[
                pl.BlockSpec((blk, a.shape[1]), lambda i: (i, 0)),
                pl.BlockSpec(w.shape, lambda i: (0, 0)),
            ],
            out_specs=pl.BlockSpec((blk, w.shape[1]), lambda i: (i, 0)),
            out_shape=jax.ShapeDtypeStruct((n, w.shape[1]), jnp.float32),
        )(a, w)

    h0a = mm(x, W0[:, :c1])
    h0b = mm(x, W0[:, c1:])
    pa = _spmm_partials(h0a, idx2d, zeros_f, n_nodes=n, channels=c1)
    pb = _spmm_partials(h0b, idx2d, zeros_f, n_nodes=n, channels=c1)

    h1p = pl.pallas_call(
        _l1_body,
        grid=grid,
        in_specs=[
            pl.BlockSpec((blk, c1), lambda i: (i, 0)),
            pl.BlockSpec((blk, c1), lambda i: (i, 0)),
            pl.BlockSpec((blk, c1), lambda i: (i, 0)),
            pl.BlockSpec((blk, c1), lambda i: (i, 0)),
            pl.BlockSpec((c1, c1), lambda i: (0, 0)),
            pl.BlockSpec((c1, c1), lambda i: (0, 0)),
        ],
        out_specs=pl.BlockSpec((blk, c1), lambda i: (i, 0)),
        out_shape=jax.ShapeDtypeStruct((n, c1), jnp.float32),
    )(pa[:n], pa[npad:npad + n], pb[:n], pb[npad:npad + n],
      W1[:c1], W1[c1:])

    q = _spmm_partials(h1p, idx2d, zeros_f, n_nodes=n, channels=c1)

    h1 = pl.pallas_call(
        _relu_body,
        grid=grid,
        in_specs=[
            pl.BlockSpec((blk, c1), lambda i: (i, 0)),
            pl.BlockSpec((blk, c1), lambda i: (i, 0)),
        ],
        out_specs=pl.BlockSpec((blk, c1), lambda i: (i, 0)),
        out_shape=jax.ShapeDtypeStruct((n, c1), jnp.float32),
    )(q[:n], q[npad:npad + n])

    w2p = jnp.pad(W2, ((0, 0), (0, 128 - ncls)))
    h2p = mm(h1, w2p)
    r = _spmm_partials(h2p, idx2d, zeros_f, n_nodes=n, channels=c1)

    out = pl.pallas_call(
        _softmax_body,
        grid=grid,
        in_specs=[
            pl.BlockSpec((blk, c1), lambda i: (i, 0)),
            pl.BlockSpec((blk, c1), lambda i: (i, 0)),
        ],
        out_specs=pl.BlockSpec((blk, ncls), lambda i: (i, 0)),
        out_shape=jax.ShapeDtypeStruct((n, ncls), jnp.float32),
    )(r[:n], r[npad:npad + n])

    return out

# --- scband reference (transcript-rebuilt; emitter-appended) ---
"""Pipeline reference for scband-gcn-model-8658654069006 (READ-ONLY COPY).

The authoritative reference and input builder live on the scoring server;
editing this copy changes nothing except your own understanding.
"""

import jax, jax.numpy as jnp
import numpy as np

N = 10000
E = 320000
D_FEAT = 128
CHANNELS = 256
NUM_CLASSES = 40


def _glorot(key, shape):
    fan_in, fan_out = shape[0], shape[1]
    limit = np.sqrt(6.0 / (fan_in + fan_out)).astype(np.float32)
    return jax.random.uniform(key, shape, dtype=jnp.float32, minval=-limit, maxval=limit)


def setup_inputs(seed: int = 0) -> dict:
    key = jax.random.key(seed)
    k1, k2, k3, k4, k5 = jax.random.split(key, 5)
    x = jax.random.normal(k1, (N, D_FEAT), dtype=jnp.float32)
    edge_index = jax.random.randint(k2, (2, E), 0, N, dtype=jnp.int32)
    W0 = _glorot(k3, (D_FEAT, CHANNELS))
    W1 = _glorot(k4, (CHANNELS, CHANNELS // 2))
    W2 = _glorot(k5, (CHANNELS // 2, NUM_CLASSES))
    return {"x": x, "edge_index": edge_index, "W0": W0, "W1": W1, "W2": W2}


def reference(x, edge_index, W0, W1, W2):
    # GCN_Layer.call: output = x @ W; output = A @ output; activation(output)
    # Sparse adjacency matmul A @ h is realized as gather(h, src) + segment_sum over dst.
    # Dropout layers are identity at inference (training=False).
    src = edge_index[0]
    dst = edge_index[1]

    def gcn_layer(h, W, act):
        h = jnp.dot(h, W)
        msgs = jnp.take(h, src, axis=0)
        agg = jax.ops.segment_sum(msgs, dst, num_segments=N)
        return act(agg)

    h0 = gcn_layer(x, W0, jax.nn.relu)
    h1 = gcn_layer(h0, W1, jax.nn.relu)
    out = gcn_layer(h1, W2, lambda z: jax.nn.softmax(z, axis=-1))
    return out

if __name__ == "__main__":
    import jax
    _d = setup_inputs()
    print(jax.jit(kernel)(*tuple(_d.values())))

</pallas_src>

<mosaic_0001>
#map = affine_map<(d0, d1) -> (0, 0)>
module attributes {stable_mosaic.version = 14 : i64} {
  func.func @spmm(%arg0: i32, %arg1: i32, %arg2: memref<10000x128xf32, #tpu.memory_space<hbm>>, %arg3: memref<5120x128xi32, #tpu.memory_space<hbm>>, %arg4: memref<10112x128xf32, #tpu.memory_space<hbm>>, %arg5: memref<20224x128xf32, #tpu.memory_space<hbm>>, %arg6: memref<40x128xi32, #tpu.memory_space<vmem>>, %arg7: memref<40x128xi32, #tpu.memory_space<vmem>>, %arg8: memref<128x128xf32, #tpu.memory_space<vmem>>, %arg9: memref<128x128xf32, #tpu.memory_space<vmem>>, %arg10: memref<10112x128xf32, #tpu.memory_space<vmem_shared>>, %arg11: memref<!tpu.dma_semaphore, #tpu.memory_space<semaphore_mem>>, %arg12: memref<!tpu.dma_semaphore, #tpu.memory_space<semaphore_mem>>, %arg13: memref<!tpu.dma_semaphore, #tpu.memory_space<semaphore_mem>>) attributes {dimension_semantics = [#tpu.dimension_semantics<core_parallel>, #tpu.dimension_semantics<subcore_parallel>], iteration_bounds = array<i64: 2, 16>, scalar_prefetch = 0 : i64, scratch_operands = 8 : i64, tpu.core_type = #tpu.core_type<sc_vector_subcore>, window_params = [{transform_indices = #map}, {transform_indices = #map}, {transform_indices = #map}, {transform_indices = #map}]} {
    %mul3A = arith.constant 16 : i32
    %mul3A_0 = arith.muli %arg0, %mul3A : i32
    %add3A = arith.addi %mul3A_0, %arg1 : i32
    %mul3A_1 = arith.constant 80 : i32
    %mul3A_2 = arith.muli %add3A, %mul3A_1 : i32
    %add3A_3 = arith.constant 0 : i32
    %add3A_4 = arith.addi %mul3A_2, %add3A_3 : i32
    "tpu.region"() ({
      %run_scoped3A = tpu.sem_alloc : memref<!tpu.dma_semaphore, #tpu.memory_space<semaphore_mem>>
      %dma_start3A_2263 = arith.constant 0 : i32
      %dma_start3A_2264 = tpu.memref_slice %arg3[%add3A_4, %dma_start3A_2263] : memref<5120x128xi32, #tpu.memory_space<hbm>> -> memref<40x128xi32, #tpu.memory_space<hbm>>
      %dma_start3A_2265 = arith.constant 0 : i32
      %dma_start3A_2266 = tpu.memref_slice %arg3[%add3A_4, %dma_start3A_2265] : memref<5120x128xi32, #tpu.memory_space<hbm>> -> memref<40x128xi32, #tpu.memory_space<hbm>>
      tpu.enqueue_dma source(%dma_start3A_2266 : memref<40x128xi32, #tpu.memory_space<hbm>>) target(%arg6 : memref<40x128xi32, #tpu.memory_space<vmem>>) target_semaphore(%run_scoped3A : memref<!tpu.dma_semaphore, #tpu.memory_space<semaphore_mem>>)
      %dma_wait3A_2267 = arith.constant 0 : i32
      %dma_wait3A_2268 = tpu.memref_slice %arg3[%add3A_4, %dma_wait3A_2267] : memref<5120x128xi32, #tpu.memory_space<hbm>> -> memref<40x128xi32, #tpu.memory_space<hbm>>
      %dma_wait3A_2269 = arith.constant 0 : i32
      %dma_wait3A_2270 = tpu.memref_slice %arg3[%add3A_4, %dma_wait3A_2269] : memref<5120x128xi32, #tpu.memory_space<hbm>> -> memref<40x128xi32, #tpu.memory_space<hbm>>
      tpu.wait_dma2 semaphore(%run_scoped3A : memref<!tpu.dma_semaphore, #tpu.memory_space<semaphore_mem>>) src(%dma_wait3A_2270 : memref<40x128xi32, #tpu.memory_space<hbm>>) dst(%arg6 : memref<40x128xi32, #tpu.memory_space<vmem>>)
      tpu.yield
    }) : () -> ()
    %add3A_5 = arith.constant 2560 : i32
    %add3A_6 = arith.addi %add3A_5, %add3A_4 : i32
    "tpu.region"() ({
      %run_scoped3A = tpu.sem_alloc : memref<!tpu.dma_semaphore, #tpu.memory_space<semaphore_mem>>
      %dma_start3A_2263 = arith.constant 0 : i32
      %dma_start3A_2264 = tpu.memref_slice %arg3[%add3A_6, %dma_start3A_2263] : memref<5120x128xi32, #tpu.memory_space<hbm>> -> memref<40x128xi32, #tpu.memory_space<hbm>>
      %dma_start3A_2265 = arith.constant 0 : i32
      %dma_start3A_2266 = tpu.memref_slice %arg3[%add3A_6, %dma_start3A_2265] : memref<5120x128xi32, #tpu.memory_space<hbm>> -> memref<40x128xi32, #tpu.memory_space<hbm>>
      tpu.enqueue_dma source(%dma_start3A_2266 : memref<40x128xi32, #tpu.memory_space<hbm>>) target(%arg7 : memref<40x128xi32, #tpu.memory_space<vmem>>) target_semaphore(%run_scoped3A : memref<!tpu.dma_semaphore, #tpu.memory_space<semaphore_mem>>)
      %dma_wait3A_2267 = arith.constant 0 : i32
      %dma_wait3A_2268 = tpu.memref_slice %arg3[%add3A_6, %dma_wait3A_2267] : memref<5120x128xi32, #tpu.memory_space<hbm>> -> memref<40x128xi32, #tpu.memory_space<hbm>>
      %dma_wait3A_2269 = arith.constant 0 : i32
      %dma_wait3A_2270 = tpu.memref_slice %arg3[%add3A_6, %dma_wait3A_2269] : memref<5120x128xi32, #tpu.memory_space<hbm>> -> memref<40x128xi32, #tpu.memory_space<hbm>>
      tpu.wait_dma2 semaphore(%run_scoped3A : memref<!tpu.dma_semaphore, #tpu.memory_space<semaphore_mem>>) src(%dma_wait3A_2270 : memref<40x128xi32, #tpu.memory_space<hbm>>) dst(%arg7 : memref<40x128xi32, #tpu.memory_space<vmem>>)
      tpu.yield
    }) : () -> ()
    %dma_start3A = arith.constant 0 : i32
    %dma_start3A_7 = arith.constant 0 : i32
    %dma_start3A_8 = tpu.memref_slice %arg6[%dma_start3A, %dma_start3A_7] : memref<40x128xi32, #tpu.memory_space<vmem>> -> memref<1x128xi32, #tpu.memory_space<vmem>>
    %dma_start3A_9 = tpu.memref_squeeze %dma_start3A_8 : memref<1x128xi32, #tpu.memory_space<vmem>> -> memref<128xi32, #tpu.memory_space<vmem>>
    %dma_start3A_10 = arith.constant 0 : i32
    %dma_start3A_11 = arith.constant 0 : i32
    %dma_start3A_12 = tpu.memref_slice %arg2[%dma_start3A_10, %dma_start3A_11] : memref<10000x128xf32, #tpu.memory_space<hbm>> -> memref<10000x128xf32, #tpu.memory_space<hbm>>
    tpu.enqueue_indirect_dma source(%dma_start3A_12 : memref<10000x128xf32, #tpu.memory_space<hbm>>) target(%arg8 : memref<128x128xf32, #tpu.memory_space<vmem>>) offsets(%dma_start3A_9 : memref<128xi32, #tpu.memory_space<vmem>>) semaphore(%arg11 : memref<!tpu.dma_semaphore, #tpu.memory_space<semaphore_mem>>)
    %dma_start3A_13 = arith.constant 1 : i32
    %dma_start3A_14 = arith.constant 0 : i32
    %dma_start3A_15 = tpu.memref_slice %arg6[%dma_start3A_13, %dma_start3A_14] : memref<40x128xi32, #tpu.memory_space<vmem>> -> memref<1x128xi32, #tpu.memory_space<vmem>>
    %dma_start3A_16 = tpu.memref_squeeze %dma_start3A_15 : memref<1x128xi32, #tpu.memory_space<vmem>> -> memref<128xi32, #tpu.memory_space<vmem>>
    %dma_start3A_17 = arith.constant 0 : i32
    %dma_start3A_18 = arith.constant 0 : i32
    %dma_start3A_19 = tpu.memref_slice %arg2[%dma_start3A_17, %dma_start3A_18] : memref<10000x128xf32, #tpu.memory_space<hbm>> -> memref<10000x128xf32, #tpu.memory_space<hbm>>
    tpu.enqueue_indirect_dma source(%dma_start3A_19 : memref<10000x128xf32, #tpu.memory_space<hbm>>) target(%arg9 : memref<128x128xf32, #tpu.memory_space<vmem>>) offsets(%dma_start3A_16 : memref<128xi32, #tpu.memory_space<vmem>>) semaphore(%arg12 : memref<!tpu.dma_semaphore, #tpu.memory_space<semaphore_mem>>)
    %mul3A_20 = arith.constant 632 : i32
    %mul3A_21 = arith.muli %arg1, %mul3A_20 : i32
    %mul3A_22 = arith.constant 632 : i32
    %mul3A_23 = arith.muli %arg1, %mul3A_22 : i32
    "tpu.region"() ({
      %run_scoped3A = tpu.sem_alloc : memref<!tpu.dma_semaphore, #tpu.memory_space<semaphore_mem>>
      %dma_start3A_2263 = arith.constant 0 : i32
      %dma_start3A_2264 = tpu.memref_slice %arg10[%mul3A_23, %dma_start3A_2263] : memref<10112x128xf32, #tpu.memory_space<vmem_shared>> -> memref<632x128xf32, #tpu.memory_space<vmem_shared>>
      %dma_start3A_2265 = arith.constant 0 : i32
      %dma_start3A_2266 = tpu.memref_slice %arg4[%mul3A_21, %dma_start3A_2265] : memref<10112x128xf32, #tpu.memory_space<hbm>> -> memref<632x128xf32, #tpu.memory_space<hbm>>
      tpu.enqueue_dma source(%dma_start3A_2266 : memref<632x128xf32, #tpu.memory_space<hbm>>) target(%dma_start3A_2264 : memref<632x128xf32, #tpu.memory_space<vmem_shared>>) target_semaphore(%run_scoped3A : memref<!tpu.dma_semaphore, #tpu.memory_space<semaphore_mem>>)
      %dma_wait3A_2267 = arith.constant 0 : i32
      %dma_wait3A_2268 = tpu.memref_slice %arg10[%mul3A_23, %dma_wait3A_2267] : memref<10112x128xf32, #tpu.memory_space<vmem_shared>> -> memref<632x128xf32, #tpu.memory_space<vmem_shared>>
      %dma_wait3A_2269 = arith.constant 0 : i32
      %dma_wait3A_2270 = tpu.memref_slice %arg4[%mul3A_21, %dma_wait3A_2269] : memref<10112x128xf32, #tpu.memory_space<hbm>> -> memref<632x128xf32, #tpu.memory_space<hbm>>
      tpu.wait_dma2 semaphore(%run_scoped3A : memref<!tpu.dma_semaphore, #tpu.memory_space<semaphore_mem>>) src(%dma_wait3A_2270 : memref<632x128xf32, #tpu.memory_space<hbm>>) dst(%dma_wait3A_2268 : memref<632x128xf32, #tpu.memory_space<vmem_shared>>)
      tpu.yield
    }) : () -> ()
    %barrier3A = arith.constant 0 : index
    tpu.barrier barrier_id(%barrier3A)
    %dma_wait3A = arith.constant 0 : i32
    %dma_wait3A_24 = arith.constant 0 : i32
    %dma_wait3A_25 = tpu.memref_slice %arg6[%dma_wait3A, %dma_wait3A_24] : memref<40x128xi32, #tpu.memory_space<vmem>> -> memref<1x128xi32, #tpu.memory_space<vmem>>
    %dma_wait3A_26 = tpu.memref_squeeze %dma_wait3A_25 : memref<1x128xi32, #tpu.memory_space<vmem>> -> memref<128xi32, #tpu.memory_space<vmem>>
    %dma_wait3A_27 = arith.constant 0 : i32
    %dma_wait3A_28 = arith.constant 0 : i32
    %dma_wait3A_29 = tpu.memref_slice %arg2[%dma_wait3A_27, %dma_wait3A_28] : memref<10000x128xf32, #tpu.memory_space<hbm>> -> memref<10000x128xf32, #tpu.memory_space<hbm>>
    tpu.wait_indirect_dma semaphore(%arg11 : memref<!tpu.dma_semaphore, #tpu.memory_space<semaphore_mem>>) src(%dma_wait3A_29 : memref<10000x128xf32, #tpu.memory_space<hbm>>) dst(%arg8 : memref<128x128xf32, #tpu.memory_space<vmem>>)
    %dma_start3A_30 = arith.constant 0 : i32
    %dma_start3A_31 = arith.constant 0 : i32
    %dma_start3A_32 = tpu.memref_slice %arg7[%dma_start3A_30, %dma_start3A_31] : memref<40x128xi32, #tpu.memory_space<vmem>> -> memref<1x128xi32, #tpu.memory_space<vmem>>
    %dma_start3A_33 = tpu.memref_squeeze %dma_start3A_32 : memref<1x128xi32, #tpu.memory_space<vmem>> -> memref<128xi32, #tpu.memory_space<vmem>>
    %dma_start3A_34 = arith.constant 0 : i32
    %dma_start3A_35 = arith.constant 0 : i32
    %dma_start3A_36 = tpu.memref_slice %arg10[%dma_start3A_34, %dma_start3A_35] : memref<10112x128xf32, #tpu.memory_space<vmem_shared>> -> memref<10112x128xf32, #tpu.memory_space<vmem_shared>>
    tpu.enqueue_indirect_dma source(%arg8 : memref<128x128xf32, #tpu.memory_space<vmem>>) target(%dma_start3A_36 : memref<10112x128xf32, #tpu.memory_space<vmem_shared>>) offsets(%dma_start3A_33 : memref<128xi32, #tpu.memory_space<vmem>>) semaphore(%arg13 : memref<!tpu.dma_semaphore, #tpu.memory_space<semaphore_mem>>) {add = true}
    %dma_wait3A_37 = arith.constant 1 : i32
    %dma_wait3A_38 = arith.constant 0 : i32
    %dma_wait3A_39 = tpu.memref_slice %arg6[%dma_wait3A_37, %dma_wait3A_38] : memref<40x128xi32, #tpu.memory_space<vmem>> -> memref<1x128xi32, #tpu.memory_space<vmem>>
    %dma_wait3A_40 = tpu.memref_squeeze %dma_wait3A_39 : memref<1x128xi32, #tpu.memory_space<vmem>> -> memref<128xi32, #tpu.memory_space<vmem>>
    %dma_wait3A_41 = arith.constant 0 : i32
    %dma_wait3A_42 = arith.constant 0 : i32
    %dma_wait3A_43 = tpu.memref_slice %arg2[%dma_wait3A_41, %dma_wait3A_42] : memref<10000x128xf32, #tpu.memory_space<hbm>> -> memref<10000x128xf32, #tpu.memory_space<hbm>>
    tpu.wait_indirect_dma semaphore(%arg12 : memref<!tpu.dma_semaphore, #tpu.memory_space<semaphore_mem>>) src(%dma_wait3A_43 : memref<10000x128xf32, #tpu.memory_space<hbm>>) dst(%arg9 : memref<128x128xf32, #tpu.memory_space<vmem>>)
    %dma_wait3A_44 = arith.constant 0 : i32
    %dma_wait3A_45 = arith.constant 0 : i32
    %dma_wait3A_46 = tpu.memref_slice %arg7[%dma_wait3A_44, %dma_wait3A_45] : memref<40x128xi32, #tpu.memory_space<vmem>> -> memref<1x128xi32, #tpu.memory_space<vmem>>
    %dma_wait3A_47 = tpu.memref_squeeze %dma_wait3A_46 : memref<1x128xi32, #tpu.memory_space<vmem>> -> memref<128xi32, #tpu.memory_space<vmem>>
    %dma_wait3A_48 = arith.constant 0 : i32
    %dma_wait3A_49 = arith.constant 0 : i32
    %dma_wait3A_50 = tpu.memref_slice %arg10[%dma_wait3A_48, %dma_wait3A_49] : memref<10112x128xf32, #tpu.memory_space<vmem_shared>> -> memref<10112x128xf32, #tpu.memory_space<vmem_shared>>
    tpu.wait_indirect_dma semaphore(%arg13 : memref<!tpu.dma_semaphore, #tpu.memory_space<semaphore_mem>>) src(%arg8 : memref<128x128xf32, #tpu.memory_space<vmem>>) dst(%dma_wait3A_50 : memref<10112x128xf32, #tpu.memory_space<vmem_shared>>)
    %dma_start3A_51 = arith.constant 2 : i32
    %dma_start3A_52 = arith.constant 0 : i32
    %dma_start3A_53 = tpu.memref_slice %arg6[%dma_start3A_51, %dma_start3A_52] : memref<40x128xi32, #tpu.memory_space<vmem>> -> memref<1x128xi32, #tpu.memory_space<vmem>>
    %dma_start3A_54 = tpu.memref_squeeze %dma_start3A_53 : memref<1x128xi32, #tpu.memory_space<vmem>> -> memref<128xi32, #tpu.memory_space<vmem>>
    %dma_start3A_55 = arith.constant 0 : i32
    %dma_start3A_56 = arith.constant 0 : i32
    %dma_start3A_57 = tpu.memref_slice %arg2[%dma_start3A_55, %dma_start3A_56] : memref<10000x128xf32, #tpu.memory_space<hbm>> -> memref<10000x128xf32, #tpu.memory_space<hbm>>
    tpu.enqueue_indirect_dma source(%dma_start3A_57 : memref<10000x128xf32, #tpu.memory_space<hbm>>) target(%arg8 : memref<128x128xf32, #tpu.memory_space<vmem>>) offsets(%dma_start3A_54 : memref<128xi32, #tpu.memory_space<vmem>>) semaphore(%arg11 : memref<!tpu.dma_semaphore, #tpu.memory_space<semaphore_mem>>)
    %dma_start3A_58 = arith.constant 1 : i32
    %dma_start3A_59 = arith.constant 0 : i32
    %dma_start3A_60 = tpu.memref_slice %arg7[%dma_start3A_58, %dma_start3A_59] : memref<40x128xi32, #tpu.memory_space<vmem>> -> memref<1x128xi32, #tpu.memory_space<vmem>>
    %dma_start3A_61 = tpu.memref_squeeze %dma_start3A_60 : memref<1x128xi32, #tpu.memory_space<vmem>> -> memref<128xi32, #tpu.memory_space<vmem>>
    %dma_start3A_62 = arith.constant 0 : i32
    %dma_start3A_63 = arith.constant 0 : i32
    %dma_start3A_64 = tpu.memref_slice %arg10[%dma_start3A_62, %dma_start3A_63] : memref<10112x128xf32, #tpu.memory_space<vmem_shared>> -> memref<10112x128xf32, #tpu.memory_space<vmem_shared>>
    tpu.enqueue_indirect_dma source(%arg9 : memref<128x128xf32, #tpu.memory_space<vmem>>) target(%dma_start3A_64 : memref<10112x128xf32, #tpu.memory_space<vmem_shared>>) offsets(%dma_start3A_61 : memref<128xi32, #tpu.memory_space<vmem>>) semaphore(%arg13 : memref<!tpu.dma_semaphore, #tpu.memory_space<semaphore_mem>>) {add = true}
    %dma_wait3A_65 = arith.constant 2 : i32
    %dma_wait3A_66 = arith.constant 0 : i32
    %dma_wait3A_67 = tpu.memref_slice %arg6[%dma_wait3A_65, %dma_wait3A_66] : memref<40x128xi32, #tpu.memory_space<vmem>> -> memref<1x128xi32, #tpu.memory_space<vmem>>
    %dma_wait3A_68 = tpu.memref_squeeze %dma_wait3A_67 : memref<1x128xi32, #tpu.memory_space<vmem>> -> memref<128xi32, #tpu.memory_space<vmem>>
    %dma_wait3A_69 = arith.constant 0 : i32
    %dma_wait3A_70 = arith.constant 0 : i32
    %dma_wait3A_71 = tpu.memref_slice %arg2[%dma_wait3A_69, %dma_wait3A_70] : memref<10000x128xf32, #tpu.memory_space<hbm>> -> memref<10000x128xf32, #tpu.memory_space<hbm>>
    tpu.wait_indirect_dma semaphore(%arg11 : memref<!tpu.dma_semaphore, #tpu.memory_space<semaphore_mem>>) src(%dma_wait3A_71 : memref<10000x128xf32, #tpu.memory_space<hbm>>) dst(%arg8 : memref<128x128xf32, #tpu.memory_space<vmem>>)
    %dma_wait3A_72 = arith.constant 1 : i32
    %dma_wait3A_73 = arith.constant 0 : i32
    %dma_wait3A_74 = tpu.memref_slice %arg7[%dma_wait3A_72, %dma_wait3A_73] : memref<40x128xi32, #tpu.memory_space<vmem>> -> memref<1x128xi32, #tpu.memory_space<vmem>>
    %dma_wait3A_75 = tpu.memref_squeeze %dma_wait3A_74 : memref<1x128xi32, #tpu.memory_space<vmem>> -> memref<128xi32, #tpu.memory_space<vmem>>
    %dma_wait3A_76 = arith.constant 0 : i32
    %dma_wait3A_77 = arith.constant 0 : i32
    %dma_wait3A_78 = tpu.memref_slice %arg10[%dma_wait3A_76, %dma_wait3A_77] : memref<10112x128xf32, #tpu.memory_space<vmem_shared>> -> memref<10112x128xf32, #tpu.memory_space<vmem_shared>>
    tpu.wait_indirect_dma semaphore(%arg13 : memref<!tpu.dma_semaphore, #tpu.memory_space<semaphore_mem>>) src(%arg9 : memref<128x128xf32, #tpu.memory_space<vmem>>) dst(%dma_wait3A_78 : memref<10112x128xf32, #tpu.memory_space<vmem_shared>>)
    %dma_start3A_79 = arith.constant 3 : i32
    %dma_start3A_80 = arith.constant 0 : i32
    %dma_start3A_81 = tpu.memref_slice %arg6[%dma_start3A_79, %dma_start3A_80] : memref<40x128xi32, #tpu.memory_space<vmem>> -> memref<1x128xi32, #tpu.memory_space<vmem>>
    %dma_start3A_82 = tpu.memref_squeeze %dma_start3A_81 : memref<1x128xi32, #tpu.memory_space<vmem>> -> memref<128xi32, #tpu.memory_space<vmem>>
    %dma_start3A_83 = arith.constant 0 : i32
    %dma_start3A_84 = arith.constant 0 : i32
    %dma_start3A_85 = tpu.memref_slice %arg2[%dma_start3A_83, %dma_start3A_84] : memref<10000x128xf32, #tpu.memory_space<hbm>> -> memref<10000x128xf32, #tpu.memory_space<hbm>>
    tpu.enqueue_indirect_dma source(%dma_start3A_85 : memref<10000x128xf32, #tpu.memory_space<hbm>>) target(%arg9 : memref<128x128xf32, #tpu.memory_space<vmem>>) offsets(%dma_start3A_82 : memref<128xi32, #tpu.memory_space<vmem>>) semaphore(%arg12 : memref<!tpu.dma_semaphore, #tpu.memory_space<semaphore_mem>>)
    %dma_start3A_86 = arith.constant 2 : i32
    %dma_start3A_87 = arith.constant 0 : i32
    %dma_start3A_88 = tpu.memref_slice %arg7[%dma_start3A_86, %dma_start3A_87] : memref<40x128xi32, #tpu.memory_space<vmem>> -> memref<1x128xi32, #tpu.memory_space<vmem>>
    %dma_start3A_89 = tpu.memref_squeeze %dma_start3A_88 : memref<1x128xi32, #tpu.memory_space<vmem>> -> memref<128xi32, #tpu.memory_space<vmem>>
    %dma_start3A_90 = arith.constant 0 : i32
    %dma_start3A_91 = arith.constant 0 : i32
    %dma_start3A_92 = tpu.memref_slice %arg10[%dma_start3A_90, %dma_start3A_91] : memref<10112x128xf32, #tpu.memory_space<vmem_shared>> -> memref<10112x128xf32, #tpu.memory_space<vmem_shared>>
    tpu.enqueue_indirect_dma source(%arg8 : memref<128x128xf32, #tpu.memory_space<vmem>>) target(%dma_start3A_92 : memref<10112x128xf32, #tpu.memory_space<vmem_shared>>) offsets(%dma_start3A_89 : memref<128xi32, #tpu.memory_space<vmem>>) semaphore(%arg13 : memref<!tpu.dma_semaphore, #tpu.memory_space<semaphore_mem>>) {add = true}
    %dma_wait3A_93 = arith.constant 3 : i32
    %dma_wait3A_94 = arith.constant 0 : i32
    %dma_wait3A_95 = tpu.memref_slice %arg6[%dma_wait3A_93, %dma_wait3A_94] : memref<40x128xi32, #tpu.memory_space<vmem>> -> memref<1x128xi32, #tpu.memory_space<vmem>>
    %dma_wait3A_96 = tpu.memref_squeeze %dma_wait3A_95 : memref<1x128xi32, #tpu.memory_space<vmem>> -> memref<128xi32, #tpu.memory_space<vmem>>
    %dma_wait3A_97 = arith.constant 0 : i32
    %dma_wait3A_98 = arith.constant 0 : i32
    %dma_wait3A_99 = tpu.memref_slice %arg2[%dma_wait3A_97, %dma_wait3A_98] : memref<10000x128xf32, #tpu.memory_space<hbm>> -> memref<10000x128xf32, #tpu.memory_space<hbm>>
    tpu.wait_indirect_dma semaphore(%arg12 : memref<!tpu.dma_semaphore, #tpu.memory_space<semaphore_mem>>) src(%dma_wait3A_99 : memref<10000x128xf32, #tpu.memory_space<hbm>>) dst(%arg9 : memref<128x128xf32, #tpu.memory_space<vmem>>)
    %dma_wait3A_100 = arith.constant 2 : i32
    %dma_wait3A_101 = arith.constant 0 : i32
    %dma_wait3A_102 = tpu.memref_slice %arg7[%dma_wait3A_100, %dma_wait3A_101] : memref<40x128xi32, #tpu.memory_space<vmem>> -> memref<1x128xi32, #tpu.memory_space<vmem>>
    %dma_wait3A_103 = tpu.memref_squeeze %dma_wait3A_102 : memref<1x128xi32, #tpu.memory_space<vmem>> -> memref<128xi32, #tpu.memory_space<vmem>>
    %dma_wait3A_104 = arith.constant 0 : i32
    %dma_wait3A_105 = arith.constant 0 : i32
    %dma_wait3A_106 = tpu.memref_slice %arg10[%dma_wait3A_104, %dma_wait3A_105] : memref<10112x128xf32, #tpu.memory_space<vmem_shared>> -> memref<10112x128xf32, #tpu.memory_space<vmem_shared>>
    tpu.wait_indirect_dma semaphore(%arg13 : memref<!tpu.dma_semaphore, #tpu.memory_space<semaphore_mem>>) src(%arg8 : memref<128x128xf32, #tpu.memory_space<vmem>>) dst(%dma_wait3A_106 : memref<10112x128xf32, #tpu.memory_space<vmem_shared>>)
    %dma_start3A_107 = arith.constant 4 : i32
    %dma_start3A_108 = arith.constant 0 : i32
    %dma_start3A_109 = tpu.memref_slice %arg6[%dma_start3A_107, %dma_start3A_108] : memref<40x128xi32, #tpu.memory_space<vmem>> -> memref<1x128xi32, #tpu.memory_space<vmem>>
    %dma_start3A_110 = tpu.memref_squeeze %dma_start3A_109 : memref<1x128xi32, #tpu.memory_space<vmem>> -> memref<128xi32, #tpu.memory_space<vmem>>
    %dma_start3A_111 = arith.constant 0 : i32
    %dma_start3A_112 = arith.constant 0 : i32
    %dma_start3A_113 = tpu.memref_slice %arg2[%dma_start3A_111, %dma_start3A_112] : memref<10000x128xf32, #tpu.memory_space<hbm>> -> memref<10000x128xf32, #tpu.memory_space<hbm>>
    tpu.enqueue_indirect_dma source(%dma_start3A_113 : memref<10000x128xf32, #tpu.memory_space<hbm>>) target(%arg8 : memref<128x128xf32, #tpu.memory_space<vmem>>) offsets(%dma_start3A_110 : memref<128xi32, #tpu.memory_space<vmem>>) semaphore(%arg11 : memref<!tpu.dma_semaphore, #tpu.memory_space<semaphore_mem>>)
    %dma_start3A_114 = arith.constant 3 : i32
    %dma_start3A_115 = arith.constant 0 : i32
    %dma_start3A_116 = tpu.memref_slice %arg7[%dma_start3A_114, %dma_start3A_115] : memref<40x128xi32, #tpu.memory_space<vmem>> -> memref<1x128xi32, #tpu.memory_space<vmem>>
    %dma_start3A_117 = tpu.memref_squeeze %dma_start3A_116 : memref<1x128xi32, #tpu.memory_space<vmem>> -> memref<128xi32, #tpu.memory_space<vmem>>
    %dma_start3A_118 = arith.constant 0 : i32
    %dma_start3A_119 = arith.constant 0 : i32
    %dma_start3A_120 = tpu.memref_slice %arg10[%dma_start3A_118, %dma_start3A_119] : memref<10112x128xf32, #tpu.memory_space<vmem_shared>> -> memref<10112x128xf32, #tpu.memory_space<vmem_shared>>
    tpu.enqueue_indirect_dma source(%arg9 : memref<128x128xf32, #tpu.memory_space<vmem>>) target(%dma_start3A_120 : memref<10112x128xf32, #tpu.memory_space<vmem_shared>>) offsets(%dma_start3A_117 : memref<128xi32, #tpu.memory_space<vmem>>) semaphore(%arg13 : memref<!tpu.dma_semaphore, #tpu.memory_space<semaphore_mem>>) {add = true}
    %dma_wait3A_121 = arith.constant 4 : i32
    %dma_wait3A_122 = arith.constant 0 : i32
    %dma_wait3A_123 = tpu.memref_slice %arg6[%dma_wait3A_121, %dma_wait3A_122] : memref<40x128xi32, #tpu.memory_space<vmem>> -> memref<1x128xi32, #tpu.memory_space<vmem>>
    %dma_wait3A_124 = tpu.memref_squeeze %dma_wait3A_123 : memref<1x128xi32, #tpu.memory_space<vmem>> -> memref<128xi32, #tpu.memory_space<vmem>>
    %dma_wait3A_125 = arith.constant 0 : i32
    %dma_wait3A_126 = arith.constant 0 : i32
    %dma_wait3A_127 = tpu.memref_slice %arg2[%dma_wait3A_125, %dma_wait3A_126] : memref<10000x128xf32, #tpu.memory_space<hbm>> -> memref<10000x128xf32, #tpu.memory_space<hbm>>
    tpu.wait_indirect_dma semaphore(%arg11 : memref<!tpu.dma_semaphore, #tpu.memory_space<semaphore_mem>>) src(%dma_wait3A_127 : memref<10000x128xf32, #tpu.memory_space<hbm>>) dst(%arg8 : memref<128x128xf32, #tpu.memory_space<vmem>>)
    %dma_wait3A_128 = arith.constant 3 : i32
    %dma_wait3A_129 = arith.constant 0 : i32
    %dma_wait3A_130 = tpu.memref_slice %arg7[%dma_wait3A_128, %dma_wait3A_129] : memref<40x128xi32, #tpu.memory_space<vmem>> -> memref<1x128xi32, #tpu.memory_space<vmem>>
    %dma_wait3A_131 = tpu.memref_squeeze %dma_wait3A_130 : memref<1x128xi32, #tpu.memory_space<vmem>> -> memref<128xi32, #tpu.memory_space<vmem>>
    %dma_wait3A_132 = arith.constant 0 : i32
    %dma_wait3A_133 = arith.constant 0 : i32
    %dma_wait3A_134 = tpu.memref_slice %arg10[%dma_wait3A_132, %dma_wait3A_133] : memref<10112x128xf32, #tpu.memory_space<vmem_shared>> -> memref<10112x128xf32, #tpu.memory_space<vmem_shared>>
    tpu.wait_indirect_dma semaphore(%arg13 : memref<!tpu.dma_semaphore, #tpu.memory_space<semaphore_mem>>) src(%arg9 : memref<128x128xf32, #tpu.memory_space<vmem>>) dst(%dma_wait3A_134 : memref<10112x128xf32, #tpu.memory_space<vmem_shared>>)
    %dma_start3A_135 = arith.constant 5 : i32
    %dma_start3A_136 = arith.constant 0 : i32
    %dma_start3A_137 = tpu.memref_slice %arg6[%dma_start3A_135, %dma_start3A_136] : memref<40x128xi32, #tpu.memory_space<vmem>> -> memref<1x128xi32, #tpu.memory_space<vmem>>
    %dma_start3A_138 = tpu.memref_squeeze %dma_start3A_137 : memref<1x128xi32, #tpu.memory_space<vmem>> -> memref<128xi32, #tpu.memory_space<vmem>>
    %dma_start3A_139 = arith.constant 0 : i32
    %dma_start3A_140 = arith.constant 0 : i32
    %dma_start3A_141 = tpu.memref_slice %arg2[%dma_start3A_139, %dma_start3A_140] : memref<10000x128xf32, #tpu.memory_space<hbm>> -> memref<10000x128xf32, #tpu.memory_space<hbm>>
    tpu.enqueue_indirect_dma source(%dma_start3A_141 : memref<10000x128xf32, #tpu.memory_space<hbm>>) target(%arg9 : memref<128x128xf32, #tpu.memory_space<vmem>>) offsets(%dma_start3A_138 : memref<128xi32, #tpu.memory_space<vmem>>) semaphore(%arg12 : memref<!tpu.dma_semaphore, #tpu.memory_space<semaphore_mem>>)
    %dma_start3A_142 = arith.constant 4 : i32
    %dma_start3A_143 = arith.constant 0 : i32
    %dma_start3A_144 = tpu.memref_slice %arg7[%dma_start3A_142, %dma_start3A_143] : memref<40x128xi32, #tpu.memory_space<vmem>> -> memref<1x128xi32, #tpu.memory_space<vmem>>
    %dma_start3A_145 = tpu.memref_squeeze %dma_start3A_144 : memref<1x128xi32, #tpu.memory_space<vmem>> -> memref<128xi32, #tpu.memory_space<vmem>>
    %dma_start3A_146 = arith.constant 0 : i32
    %dma_start3A_147 = arith.constant 0 : i32
    %dma_start3A_148 = tpu.memref_slice %arg10[%dma_start3A_146, %dma_start3A_147] : memref<10112x128xf32, #tpu.memory_space<vmem_shared>> -> memref<10112x128xf32, #tpu.memory_space<vmem_shared>>
    tpu.enqueue_indirect_dma source(%arg8 : memref<128x128xf32, #tpu.memory_space<vmem>>) target(%dma_start3A_148 : memref<10112x128xf32, #tpu.memory_space<vmem_shared>>) offsets(%dma_start3A_145 : memref<128xi32, #tpu.memory_space<vmem>>) semaphore(%arg13 : memref<!tpu.dma_semaphore, #tpu.memory_space<semaphore_mem>>) {add = true}
    %dma_wait3A_149 = arith.constant 5 : i32
    %dma_wait3A_150 = arith.constant 0 : i32
    %dma_wait3A_151 = tpu.memref_slice %arg6[%dma_wait3A_149, %dma_wait3A_150] : memref<40x128xi32, #tpu.memory_space<vmem>> -> memref<1x128xi32, #tpu.memory_space<vmem>>
    %dma_wait3A_152 = tpu.memref_squeeze %dma_wait3A_151 : memref<1x128xi32, #tpu.memory_space<vmem>> -> memref<128xi32, #tpu.memory_space<vmem>>
    %dma_wait3A_153 = arith.constant 0 : i32
    %dma_wait3A_154 = arith.constant 0 : i32
    %dma_wait3A_155 = tpu.memref_slice %arg2[%dma_wait3A_153, %dma_wait3A_154] : memref<10000x128xf32, #tpu.memory_space<hbm>> -> memref<10000x128xf32, #tpu.memory_space<hbm>>
    tpu.wait_indirect_dma semaphore(%arg12 : memref<!tpu.dma_semaphore, #tpu.memory_space<semaphore_mem>>) src(%dma_wait3A_155 : memref<10000x128xf32, #tpu.memory_space<hbm>>) dst(%arg9 : memref<128x128xf32, #tpu.memory_space<vmem>>)
    %dma_wait3A_156 = arith.constant 4 : i32
    %dma_wait3A_157 = arith.constant 0 : i32
    %dma_wait3A_158 = tpu.memref_slice %arg7[%dma_wait3A_156, %dma_wait3A_157] : memref<40x128xi32, #tpu.memory_space<vmem>> -> memref<1x128xi32, #tpu.memory_space<vmem>>
    %dma_wait3A_159 = tpu.memref_squeeze %dma_wait3A_158 : memref<1x128xi32, #tpu.memory_space<vmem>> -> memref<128xi32, #tpu.memory_space<vmem>>
    %dma_wait3A_160 = arith.constant 0 : i32
    %dma_wait3A_161 = arith.constant 0 : i32
    %dma_wait3A_162 = tpu.memref_slice %arg10[%dma_wait3A_160, %dma_wait3A_161] : memref<10112x128xf32, #tpu.memory_space<vmem_shared>> -> memref<10112x128xf32, #tpu.memory_space<vmem_shared>>
    tpu.wait_indirect_dma semaphore(%arg13 : memref<!tpu.dma_semaphore, #tpu.memory_space<semaphore_mem>>) src(%arg8 : memref<128x128xf32, #tpu.memory_space<vmem>>) dst(%dma_wait3A_162 : memref<10112x128xf32, #tpu.memory_space<vmem_shared>>)
    %dma_start3A_163 = arith.constant 6 : i32
    %dma_start3A_164 = arith.constant 0 : i32
    %dma_start3A_165 = tpu.memref_slice %arg6[%dma_start3A_163, %dma_start3A_164] : memref<40x128xi32, #tpu.memory_space<vmem>> -> memref<1x128xi32, #tpu.memory_space<vmem>>
    %dma_start3A_166 = tpu.memref_squeeze %dma_start3A_165 : memref<1x128xi32, #tpu.memory_space<vmem>> -> memref<128xi32, #tpu.memory_space<vmem>>
    %dma_start3A_167 = arith.constant 0 : i32
    %dma_start3A_168 = arith.constant 0 : i32
    %dma_start3A_169 = tpu.memref_slice %arg2[%dma_start3A_167, %dma_start3A_168] : memref<10000x128xf32, #tpu.memory_space<hbm>> -> memref<10000x128xf32, #tpu.memory_space<hbm>>
    tpu.enqueue_indirect_dma source(%dma_start3A_169 : memref<10000x128xf32, #tpu.memory_space<hbm>>) target(%arg8 : memref<128x128xf32, #tpu.memory_space<vmem>>) offsets(%dma_start3A_166 : memref<128xi32, #tpu.memory_space<vmem>>) semaphore(%arg11 : memref<!tpu.dma_semaphore, #tpu.memory_space<semaphore_mem>>)
    %dma_start3A_170 = arith.constant 5 : i32
    %dma_start3A_171 = arith.constant 0 : i32
    %dma_start3A_172 = tpu.memref_slice %arg7[%dma_start3A_170, %dma_start3A_171] : memref<40x128xi32, #tpu.memory_space<vmem>> -> memref<1x128xi32, #tpu.memory_space<vmem>>
    %dma_start3A_173 = tpu.memref_squeeze %dma_start3A_172 : memref<1x128xi32, #tpu.memory_space<vmem>> -> memref<128xi32, #tpu.memory_space<vmem>>
    %dma_start3A_174 = arith.constant 0 : i32
    %dma_start3A_175 = arith.constant 0 : i32
    %dma_start3A_176 = tpu.memref_slice %arg10[%dma_start3A_174, %dma_start3A_175] : memref<10112x128xf32, #tpu.memory_space<vmem_shared>> -> memref<10112x128xf32, #tpu.memory_space<vmem_shared>>
    tpu.enqueue_indirect_dma source(%arg9 : memref<128x128xf32, #tpu.memory_space<vmem>>) target(%dma_start3A_176 : memref<10112x128xf32, #tpu.memory_space<vmem_shared>>) offsets(%dma_start3A_173 : memref<128xi32, #tpu.memory_space<vmem>>) semaphore(%arg13 : memref<!tpu.dma_semaphore, #tpu.memory_space<semaphore_mem>>) {add = true}
    %dma_wait3A_177 = arith.constant 6 : i32
    %dma_wait3A_178 = arith.constant 0 : i32
    %dma_wait3A_179 = tpu.memref_slice %arg6[%dma_wait3A_177, %dma_wait3A_178] : memref<40x128xi32, #tpu.memory_space<vmem>> -> memref<1x128xi32, #tpu.memory_space<vmem>>
    %dma_wait3A_180 = tpu.memref_squeeze %dma_wait3A_179 : memref<1x128xi32, #tpu.memory_space<vmem>> -> memref<128xi32, #tpu.memory_space<vmem>>
    %dma_wait3A_181 = arith.constant 0 : i32
    %dma_wait3A_182 = arith.constant 0 : i32
    %dma_wait3A_183 = tpu.memref_slice %arg2[%dma_wait3A_181, %dma_wait3A_182] : memref<10000x128xf32, #tpu.memory_space<hbm>> -> memref<10000x128xf32, #tpu.memory_space<hbm>>
    tpu.wait_indirect_dma semaphore(%arg11 : memref<!tpu.dma_semaphore, #tpu.memory_space<semaphore_mem>>) src(%dma_wait3A_183 : memref<10000x128xf32, #tpu.memory_space<hbm>>) dst(%arg8 : memref<128x128xf32, #tpu.memory_space<vmem>>)
    %dma_wait3A_184 = arith.constant 5 : i32
    %dma_wait3A_185 = arith.constant 0 : i32
    %dma_wait3A_186 = tpu.memref_slice %arg7[%dma_wait3A_184, %dma_wait3A_185] : memref<40x128xi32, #tpu.memory_space<vmem>> -> memref<1x128xi32, #tpu.memory_space<vmem>>
    %dma_wait3A_187 = tpu.memref_squeeze %dma_wait3A_186 : memref<1x128xi32, #tpu.memory_space<vmem>> -> memref<128xi32, #tpu.memory_space<vmem>>
    %dma_wait3A_188 = arith.constant 0 : i32
    %dma_wait3A_189 = arith.constant 0 : i32
    %dma_wait3A_190 = tpu.memref_slice %arg10[%dma_wait3A_188, %dma_wait3A_189] : memref<10112x128xf32, #tpu.memory_space<vmem_shared>> -> memref<10112x128xf32, #tpu.memory_space<vmem_shared>>
    tpu.wait_indirect_dma semaphore(%arg13 : memref<!tpu.dma_semaphore, #tpu.memory_space<semaphore_mem>>) src(%arg9 : memref<128x128xf32, #tpu.memory_space<vmem>>) dst(%dma_wait3A_190 : memref<10112x128xf32, #tpu.memory_space<vmem_shared>>)
    %dma_start3A_191 = arith.constant 7 : i32
    %dma_start3A_192 = arith.constant 0 : i32
    %dma_start3A_193 = tpu.memref_slice %arg6[%dma_start3A_191, %dma_start3A_192] : memref<40x128xi32, #tpu.memory_space<vmem>> -> memref<1x128xi32, #tpu.memory_space<vmem>>
    %dma_start3A_194 = tpu.memref_squeeze %dma_start3A_193 : memref<1x128xi32, #tpu.memory_space<vmem>> -> memref<128xi32, #tpu.memory_space<vmem>>
    %dma_start3A_195 = arith.constant 0 : i32
    %dma_start3A_196 = arith.constant 0 : i32
    %dma_start3A_197 = tpu.memref_slice %arg2[%dma_start3A_195, %dma_start3A_196] : memref<10000x128xf32, #tpu.memory_space<hbm>> -> memref<10000x128xf32, #tpu.memory_space<hbm>>
    tpu.enqueue_indirect_dma source(%dma_start3A_197 : memref<10000x128xf32, #tpu.memory_space<hbm>>) target(%arg9 : memref<128x128xf32, #tpu.memory_space<vmem>>) offsets(%dma_start3A_194 : memref<128xi32, #tpu.memory_space<vmem>>) semaphore(%arg12 : memref<!tpu.dma_semaphore, #tpu.memory_space<semaphore_mem>>)
    %dma_start3A_198 = arith.constant 6 : i32
    %dma_start3A_199 = arith.constant 0 : i32
    %dma_start3A_200 = tpu.memref_slice %arg7[%dma_start3A_198, %dma_start3A_199] : memref<40x128xi32, #tpu.memory_space<vmem>> -> memref<1x128xi32, #tpu.memory_space<vmem>>
    %dma_start3A_201 = tpu.memref_squeeze %dma_start3A_200 : memref<1x128xi32, #tpu.memory_space<vmem>> -> memref<128xi32, #tpu.memory_space<vmem>>
    %dma_start3A_202 = arith.constant 0 : i32
    %dma_start3A_203 = arith.constant 0 : i32
    %dma_start3A_204 = tpu.memref_slice %arg10[%dma_start3A_202, %dma_start3A_203] : memref<10112x128xf32, #tpu.memory_space<vmem_shared>> -> memref<10112x128xf32, #tpu.memory_space<vmem_shared>>
    tpu.enqueue_indirect_dma source(%arg8 : memref<128x128xf32, #tpu.memory_space<vmem>>) target(%dma_start3A_204 : memref<10112x128xf32, #tpu.memory_space<vmem_shared>>) offsets(%dma_start3A_201 : memref<128xi32, #tpu.memory_space<vmem>>) semaphore(%arg13 : memref<!tpu.dma_semaphore, #tpu.memory_space<semaphore_mem>>) {add = true}
    %dma_wait3A_205 = arith.constant 7 : i32
    %dma_wait3A_206 = arith.constant 0 : i32
    %dma_wait3A_207 = tpu.memref_slice %arg6[%dma_wait3A_205, %dma_wait3A_206] : memref<40x128xi32, #tpu.memory_space<vmem>> -> memref<1x128xi32, #tpu.memory_space<vmem>>
    %dma_wait3A_208 = tpu.memref_squeeze %dma_wait3A_207 : memref<1x128xi32, #tpu.memory_space<vmem>> -> memref<128xi32, #tpu.memory_space<vmem>>
    %dma_wait3A_209 = arith.constant 0 : i32
    %dma_wait3A_210 = arith.constant 0 : i32
    %dma_wait3A_211 = tpu.memref_slice %arg2[%dma_wait3A_209, %dma_wait3A_210] : memref<10000x128xf32, #tpu.memory_space<hbm>> -> memref<10000x128xf32, #tpu.memory_space<hbm>>
    tpu.wait_indirect_dma semaphore(%arg12 : memref<!tpu.dma_semaphore, #tpu.memory_space<semaphore_mem>>) src(%dma_wait3A_211 : memref<10000x128xf32, #tpu.memory_space<hbm>>) dst(%arg9 : memref<128x128xf32, #tpu.memory_space<vmem>>)
    %dma_wait3A_212 = arith.constant 6 : i32
    %dma_wait3A_213 = arith.constant 0 : i32
    %dma_wait3A_214 = tpu.memref_slice %arg7[%dma_wait3A_212, %dma_wait3A_213] : memref<40x128xi32, #tpu.memory_space<vmem>> -> memref<1x128xi32, #tpu.memory_space<vmem>>
    %dma_wait3A_215 = tpu.memref_squeeze %dma_wait3A_214 : memref<1x128xi32, #tpu.memory_space<vmem>> -> memref<128xi32, #tpu.memory_space<vmem>>
    %dma_wait3A_216 = arith.constant 0 : i32
    %dma_wait3A_217 = arith.constant 0 : i32
    %dma_wait3A_218 = tpu.memref_slice %arg10[%dma_wait3A_216, %dma_wait3A_217] : memref<10112x128xf32, #tpu.memory_space<vmem_shared>> -> memref<10112x128xf32, #tpu.memory_space<vmem_shared>>
    tpu.wait_indirect_dma semaphore(%arg13 : memref<!tpu.dma_semaphore, #tpu.memory_space<semaphore_mem>>) src(%arg8 : memref<128x128xf32, #tpu.memory_space<vmem>>) dst(%dma_wait3A_218 : memref<10112x128xf32, #tpu.memory_space<vmem_shared>>)
    %dma_start3A_219 = arith.constant 8 : i32
    %dma_start3A_220 = arith.constant 0 : i32
    %dma_start3A_221 = tpu.memref_slice %arg6[%dma_start3A_219, %dma_start3A_220] : memref<40x128xi32, #tpu.memory_space<vmem>> -> memref<1x128xi32, #tpu.memory_space<vmem>>
    %dma_start3A_222 = tpu.memref_squeeze %dma_start3A_221 : memref<1x128xi32, #tpu.memory_space<vmem>> -> memref<128xi32, #tpu.memory_space<vmem>>
    %dma_start3A_223 = arith.constant 0 : i32
    %dma_start3A_224 = arith.constant 0 : i32
    %dma_start3A_225 = tpu.memref_slice %arg2[%dma_start3A_223, %dma_start3A_224] : memref<10000x128xf32, #tpu.memory_space<hbm>> -> memref<10000x128xf32, #tpu.memory_space<hbm>>
    tpu.enqueue_indirect_dma source(%dma_start3A_225 : memref<10000x128xf32, #tpu.memory_space<hbm>>) target(%arg8 : memref<128x128xf32, #tpu.memory_space<vmem>>) offsets(%dma_start3A_222 : memref<128xi32, #tpu.memory_space<vmem>>) semaphore(%arg11 : memref<!tpu.dma_semaphore, #tpu.memory_space<semaphore_mem>>)
    %dma_start3A_226 = arith.constant 7 : i32
    %dma_start3A_227 = arith.constant 0 : i32
    %dma_start3A_228 = tpu.memref_slice %arg7[%dma_start3A_226, %dma_start3A_227] : memref<40x128xi32, #tpu.memory_space<vmem>> -> memref<1x128xi32, #tpu.memory_space<vmem>>
    %dma_start3A_229 = tpu.memref_squeeze %dma_start3A_228 : memref<1x128xi32, #tpu.memory_space<vmem>> -> memref<128xi32, #tpu.memory_space<vmem>>
    %dma_start3A_230 = arith.constant 0 : i32
    %dma_start3A_231 = arith.constant 0 : i32
    %dma_start3A_232 = tpu.memref_slice %arg10[%dma_start3A_230, %dma_start3A_231] : memref<10112x128xf32, #tpu.memory_space<vmem_shared>> -> memref<10112x128xf32, #tpu.memory_space<vmem_shared>>
    tpu.enqueue_indirect_dma source(%arg9 : memref<128x128xf32, #tpu.memory_space<vmem>>) target(%dma_start3A_232 : memref<10112x128xf32, #tpu.memory_space<vmem_shared>>) offsets(%dma_start3A_229 : memref<128xi32, #tpu.memory_space<vmem>>) semaphore(%arg13 : memref<!tpu.dma_semaphore, #tpu.memory_space<semaphore_mem>>) {add = true}
    %dma_wait3A_233 = arith.constant 8 : i32
    %dma_wait3A_234 = arith.constant 0 : i32
    %dma_wait3A_235 = tpu.memref_slice %arg6[%dma_wait3A_233, %dma_wait3A_234] : memref<40x128xi32, #tpu.memory_space<vmem>> -> memref<1x128xi32, #tpu.memory_space<vmem>>
    %dma_wait3A_236 = tpu.memref_squeeze %dma_wait3A_235 : memref<1x128xi32, #tpu.memory_space<vmem>> -> memref<128xi32, #tpu.memory_space<vmem>>
    %dma_wait3A_237 = arith.constant 0 : i32
    %dma_wait3A_238 = arith.constant 0 : i32
    %dma_wait3A_239 = tpu.memref_slice %arg2[%dma_wait3A_237, %dma_wait3A_238] : memref<10000x128xf32, #tpu.memory_space<hbm>> -> memref<10000x128xf32, #tpu.memory_space<hbm>>
    tpu.wait_indirect_dma semaphore(%arg11 : memref<!tpu.dma_semaphore, #tpu.memory_space<semaphore_mem>>) src(%dma_wait3A_239 : memref<10000x128xf32, #tpu.memory_space<hbm>>) dst(%arg8 : memref<128x128xf32, #tpu.memory_space<vmem>>)
    %dma_wait3A_240 = arith.constant 7 : i32
    %dma_wait3A_241 = arith.constant 0 : i32
    %dma_wait3A_242 = tpu.memref_slice %arg7[%dma_wait3A_240, %dma_wait3A_241] : memref<40x128xi32, #tpu.memory_space<vmem>> -> memref<1x128xi32, #tpu.memory_space<vmem>>
    %dma_wait3A_243 = tpu.memref_squeeze %dma_wait3A_242 : memref<1x128xi32, #tpu.memory_space<vmem>> -> memref<128xi32, #tpu.memory_space<vmem>>
    %dma_wait3A_244 = arith.constant 0 : i32
    %dma_wait3A_245 = arith.constant 0 : i32
    %dma_wait3A_246 = tpu.memref_slice %arg10[%dma_wait3A_244, %dma_wait3A_245] : memref<10112x128xf32, #tpu.memory_space<vmem_shared>> -> memref<10112x128xf32, #tpu.memory_space<vmem_shared>>
    tpu.wait_indirect_dma semaphore(%arg13 : memref<!tpu.dma_semaphore, #tpu.memory_space<semaphore_mem>>) src(%arg9 : memref<128x128xf32, #tpu.memory_space<vmem>>) dst(%dma_wait3A_246 : memref<10112x128xf32, #tpu.memory_space<vmem_shared>>)
    %dma_start3A_247 = arith.constant 9 : i32
    %dma_start3A_248 = arith.constant 0 : i32
    %dma_start3A_249 = tpu.memref_slice %arg6[%dma_start3A_247, %dma_start3A_248] : memref<40x128xi32, #tpu.memory_space<vmem>> -> memref<1x128xi32, #tpu.memory_space<vmem>>
    %dma_start3A_250 = tpu.memref_squeeze %dma_start3A_249 : memref<1x128xi32, #tpu.memory_space<vmem>> -> memref<128xi32, #tpu.memory_space<vmem>>
    %dma_start3A_251 = arith.constant 0 : i32
    %dma_start3A_252 = arith.constant 0 : i32
    %dma_start3A_253 = tpu.memref_slice %arg2[%dma_start3A_251, %dma_start3A_252] : memref<10000x128xf32, #tpu.memory_space<hbm>> -> memref<10000x128xf32, #tpu.memory_space<hbm>>
    tpu.enqueue_indirect_dma source(%dma_start3A_253 : memref<10000x128xf32, #tpu.memory_space<hbm>>) target(%arg9 : memref<128x128xf32, #tpu.memory_space<vmem>>) offsets(%dma_start3A_250 : memref<128xi32, #tpu.memory_space<vmem>>) semaphore(%arg12 : memref<!tpu.dma_semaphore, #tpu.memory_space<semaphore_mem>>)
    %dma_start3A_254 = arith.constant 8 : i32
    %dma_start3A_255 = arith.constant 0 : i32
    %dma_start3A_256 = tpu.memref_slice %arg7[%dma_start3A_254, %dma_start3A_255] : memref<40x128xi32, #tpu.memory_space<vmem>> -> memref<1x128xi32, #tpu.memory_space<vmem>>
    %dma_start3A_257 = tpu.memref_squeeze %dma_start3A_256 : memref<1x128xi32, #tpu.memory_space<vmem>> -> memref<128xi32, #tpu.memory_space<vmem>>
    %dma_start3A_258 = arith.constant 0 : i32
    %dma_start3A_259 = arith.constant 0 : i32
    %dma_start3A_260 = tpu.memref_slice %arg10[%dma_start3A_258, %dma_start3A_259] : memref<10112x128xf32, #tpu.memory_space<vmem_shared>> -> memref<10112x128xf32, #tpu.memory_space<vmem_shared>>
    tpu.enqueue_indirect_dma source(%arg8 : memref<128x128xf32, #tpu.memory_space<vmem>>) target(%dma_start3A_260 : memref<10112x128xf32, #tpu.memory_space<vmem_shared>>) offsets(%dma_start3A_257 : memref<128xi32, #tpu.memory_space<vmem>>) semaphore(%arg13 : memref<!tpu.dma_semaphore, #tpu.memory_space<semaphore_mem>>) {add = true}
    %dma_wait3A_261 = arith.constant 9 : i32
    %dma_wait3A_262 = arith.constant 0 : i32
    %dma_wait3A_263 = tpu.memref_slice %arg6[%dma_wait3A_261, %dma_wait3A_262] : memref<40x128xi32, #tpu.memory_space<vmem>> -> memref<1x128xi32, #tpu.memory_space<vmem>>
    %dma_wait3A_264 = tpu.memref_squeeze %dma_wait3A_263 : memref<1x128xi32, #tpu.memory_space<vmem>> -> memref<128xi32, #tpu.memory_space<vmem>>
    %dma_wait3A_265 = arith.constant 0 : i32
    %dma_wait3A_266 = arith.constant 0 : i32
    %dma_wait3A_267 = tpu.memref_slice %arg2[%dma_wait3A_265, %dma_wait3A_266] : memref<10000x128xf32, #tpu.memory_space<hbm>> -> memref<10000x128xf32, #tpu.memory_space<hbm>>
    tpu.wait_indirect_dma semaphore(%arg12 : memref<!tpu.dma_semaphore, #tpu.memory_space<semaphore_mem>>) src(%dma_wait3A_267 : memref<10000x128xf32, #tpu.memory_space<hbm>>) dst(%arg9 : memref<128x128xf32, #tpu.memory_space<vmem>>)
    %dma_wait3A_268 = arith.constant 8 : i32
    %dma_wait3A_269 = arith.constant 0 : i32
    %dma_wait3A_270 = tpu.memref_slice %arg7[%dma_wait3A_268, %dma_wait3A_269] : memref<40x128xi32, #tpu.memory_space<vmem>> -> memref<1x128xi32, #tpu.memory_space<vmem>>
    %dma_wait3A_271 = tpu.memref_squeeze %dma_wait3A_270 : memref<1x128xi32, #tpu.memory_space<vmem>> -> memref<128xi32, #tpu.memory_space<vmem>>
    %dma_wait3A_272 = arith.constant 0 : i32
    %dma_wait3A_273 = arith.constant 0 : i32
    %dma_wait3A_274 = tpu.memref_slice %arg10[%dma_wait3A_272, %dma_wait3A_273] : memref<10112x128xf32, #tpu.memory_space<vmem_shared>> -> memref<10112x128xf32, #tpu.memory_space<vmem_shared>>
    tpu.wait_indirect_dma semaphore(%arg13 : memref<!tpu.dma_semaphore, #tpu.memory_space<semaphore_mem>>) src(%arg8 : memref<128x128xf32, #tpu.memory_space<vmem>>) dst(%dma_wait3A_274 : memref<10112x128xf32, #tpu.memory_space<vmem_shared>>)
    %dma_start3A_275 = arith.constant 10 : i32
    %dma_start3A_276 = arith.constant 0 : i32
    %dma_start3A_277 = tpu.memref_slice %arg6[%dma_start3A_275, %dma_start3A_276] : memref<40x128xi32, #tpu.memory_space<vmem>> -> memref<1x128xi32, #tpu.memory_space<vmem>>
    %dma_start3A_278 = tpu.memref_squeeze %dma_start3A_277 : memref<1x128xi32, #tpu.memory_space<vmem>> -> memref<128xi32, #tpu.memory_space<vmem>>
    %dma_start3A_279 = arith.constant 0 : i32
    %dma_start3A_280 = arith.constant 0 : i32
    %dma_start3A_281 = tpu.memref_slice %arg2[%dma_start3A_279, %dma_start3A_280] : memref<10000x128xf32, #tpu.memory_space<hbm>> -> memref<10000x128xf32, #tpu.memory_space<hbm>>
    tpu.enqueue_indirect_dma source(%dma_start3A_281 : memref<10000x128xf32, #tpu.memory_space<hbm>>) target(%arg8 : memref<128x128xf32, #tpu.memory_space<vmem>>) offsets(%dma_start3A_278 : memref<128xi32, #tpu.memory_space<vmem>>) semaphore(%arg11 : memref<!tpu.dma_semaphore, #tpu.memory_space<semaphore_mem>>)
    %dma_start3A_282 = arith.constant 9 : i32
    %dma_start3A_283 = arith.constant 0 : i32
    %dma_start3A_284 = tpu.memref_slice %arg7[%dma_start3A_282, %dma_start3A_283] : memref<40x128xi32, #tpu.memory_space<vmem>> -> memref<1x128xi32, #tpu.memory_space<vmem>>
    %dma_start3A_285 = tpu.memref_squeeze %dma_start3A_284 : memref<1x128xi32, #tpu.memory_space<vmem>> -> memref<128xi32, #tpu.memory_space<vmem>>
    %dma_start3A_286 = arith.constant 0 : i32
    %dma_start3A_287 = arith.constant 0 : i32
    %dma_start3A_288 = tpu.memref_slice %arg10[%dma_start3A_286, %dma_start3A_287] : memref<10112x128xf32, #tpu.memory_space<vmem_shared>> -> memref<10112x128xf32, #tpu.memory_space<vmem_shared>>
    tpu.enqueue_indirect_dma source(%arg9 : memref<128x128xf32, #tpu.memory_space<vmem>>) target(%dma_start3A_288 : memref<10112x128xf32, #tpu.memory_space<vmem_shared>>) offsets(%dma_start3A_285 : memref<128xi32, #tpu.memory_space<vmem>>) semaphore(%arg13 : memref<!tpu.dma_semaphore, #tpu.memory_space<semaphore_mem>>) {add = true}
    %dma_wait3A_289 = arith.constant 10 : i32
    %dma_wait3A_290 = arith.constant 0 : i32
    %dma_wait3A_291 = tpu.memref_slice %arg6[%dma_wait3A_289, %dma_wait3A_290] : memref<40x128xi32, #tpu.memory_space<vmem>> -> memref<1x128xi32, #tpu.memory_space<vmem>>
    %dma_wait3A_292 = tpu.memref_squeeze %dma_wait3A_291 : memref<1x128xi32, #tpu.memory_space<vmem>> -> memref<128xi32, #tpu.memory_space<vmem>>
    %dma_wait3A_293 = arith.constant 0 : i32
    %dma_wait3A_294 = arith.constant 0 : i32
    %dma_wait3A_295 = tpu.memref_slice %arg2[%dma_wait3A_293, %dma_wait3A_294] : memref<10000x128xf32, #tpu.memory_space<hbm>> -> memref<10000x128xf32, #tpu.memory_space<hbm>>
    tpu.wait_indirect_dma semaphore(%arg11 : memref<!tpu.dma_semaphore, #tpu.memory_space<semaphore_mem>>) src(%dma_wait3A_295 : memref<10000x128xf32, #tpu.memory_space<hbm>>) dst(%arg8 : memref<128x128xf32, #tpu.memory_space<vmem>>)
    %dma_wait3A_296 = arith.constant 9 : i32
    %dma_wait3A_297 = arith.constant 0 : i32
    %dma_wait3A_298 = tpu.memref_slice %arg7[%dma_wait3A_296, %dma_wait3A_297] : memref<40x128xi32, #tpu.memory_space<vmem>> -> memref<1x128xi32, #tpu.memory_space<vmem>>
    %dma_wait3A_299 = tpu.memref_squeeze %dma_wait3A_298 : memref<1x128xi32, #tpu.memory_space<vmem>> -> memref<128xi32, #tpu.memory_space<vmem>>
    %dma_wait3A_300 = arith.constant 0 : i32
    %dma_wait3A_301 = arith.constant 0 : i32
    %dma_wait3A_302 = tpu.memref_slice %arg10[%dma_wait3A_300, %dma_wait3A_301] : memref<10112x128xf32, #tpu.memory_space<vmem_shared>> -> memref<10112x128xf32, #tpu.memory_space<vmem_shared>>
    tpu.wait_indirect_dma semaphore(%arg13 : memref<!tpu.dma_semaphore, #tpu.memory_space<semaphore_mem>>) src(%arg9 : memref<128x128xf32, #tpu.memory_space<vmem>>) dst(%dma_wait3A_302 : memref<10112x128xf32, #tpu.memory_space<vmem_shared>>)
    %dma_start3A_303 = arith.constant 11 : i32
    %dma_start3A_304 = arith.constant 0 : i32
    %dma_start3A_305 = tpu.memref_slice %arg6[%dma_start3A_303, %dma_start3A_304] : memref<40x128xi32, #tpu.memory_space<vmem>> -> memref<1x128xi32, #tpu.memory_space<vmem>>
    %dma_start3A_306 = tpu.memref_squeeze %dma_start3A_305 : memref<1x128xi32, #tpu.memory_space<vmem>> -> memref<128xi32, #tpu.memory_space<vmem>>
    %dma_start3A_307 = arith.constant 0 : i32
    %dma_start3A_308 = arith.constant 0 : i32
    %dma_start3A_309 = tpu.memref_slice %arg2[%dma_start3A_307, %dma_start3A_308] : memref<10000x128xf32, #tpu.memory_space<hbm>> -> memref<10000x128xf32, #tpu.memory_space<hbm>>
    tpu.enqueue_indirect_dma source(%dma_start3A_309 : memref<10000x128xf32, #tpu.memory_space<hbm>>) target(%arg9 : memref<128x128xf32, #tpu.memory_space<vmem>>) offsets(%dma_start3A_306 : memref<128xi32, #tpu.memory_space<vmem>>) semaphore(%arg12 : memref<!tpu.dma_semaphore, #tpu.memory_space<semaphore_mem>>)
    %dma_start3A_310 = arith.constant 10 : i32
    %dma_start3A_311 = arith.constant 0 : i32
    %dma_start3A_312 = tpu.memref_slice %arg7[%dma_start3A_310, %dma_start3A_311] : memref<40x128xi32, #tpu.memory_space<vmem>> -> memref<1x128xi32, #tpu.memory_space<vmem>>
    %dma_start3A_313 = tpu.memref_squeeze %dma_start3A_312 : memref<1x128xi32, #tpu.memory_space<vmem>> -> memref<128xi32, #tpu.memory_space<vmem>>
    %dma_start3A_314 = arith.constant 0 : i32
    %dma_start3A_315 = arith.constant 0 : i32
    %dma_start3A_316 = tpu.memref_slice %arg10[%dma_start3A_314, %dma_start3A_315] : memref<10112x128xf32, #tpu.memory_space<vmem_shared>> -> memref<10112x128xf32, #tpu.memory_space<vmem_shared>>
    tpu.enqueue_indirect_dma source(%arg8 : memref<128x128xf32, #tpu.memory_space<vmem>>) target(%dma_start3A_316 : memref<10112x128xf32, #tpu.memory_space<vmem_shared>>) offsets(%dma_start3A_313 : memref<128xi32, #tpu.memory_space<vmem>>) semaphore(%arg13 : memref<!tpu.dma_semaphore, #tpu.memory_space<semaphore_mem>>) {add = true}
    %dma_wait3A_317 = arith.constant 11 : i32
    %dma_wait3A_318 = arith.constant 0 : i32
    %dma_wait3A_319 = tpu.memref_slice %arg6[%dma_wait3A_317, %dma_wait3A_318] : memref<40x128xi32, #tpu.memory_space<vmem>> -> memref<1x128xi32, #tpu.memory_space<vmem>>
    %dma_wait3A_320 = tpu.memref_squeeze %dma_wait3A_319 : memref<1x128xi32, #tpu.memory_space<vmem>> -> memref<128xi32, #tpu.memory_space<vmem>>
    %dma_wait3A_321 = arith.constant 0 : i32
    %dma_wait3A_322 = arith.constant 0 : i32
    %dma_wait3A_323 = tpu.memref_slice %arg2[%dma_wait3A_321, %dma_wait3A_322] : memref<10000x128xf32, #tpu.memory_space<hbm>> -> memref<10000x128xf32, #tpu.memory_space<hbm>>
    tpu.wait_indirect_dma semaphore(%arg12 : memref<!tpu.dma_semaphore, #tpu.memory_space<semaphore_mem>>) src(%dma_wait3A_323 : memref<10000x128xf32, #tpu.memory_space<hbm>>) dst(%arg9 : memref<128x128xf32, #tpu.memory_space<vmem>>)
    %dma_wait3A_324 = arith.constant 10 : i32
    %dma_wait3A_325 = arith.constant 0 : i32
    %dma_wait3A_326 = tpu.memref_slice %arg7[%dma_wait3A_324, %dma_wait3A_325] : memref<40x128xi32, #tpu.memory_space<vmem>> -> memref<1x128xi32, #tpu.memory_space<vmem>>
    %dma_wait3A_327 = tpu.memref_squeeze %dma_wait3A_326 : memref<1x128xi32, #tpu.memory_space<vmem>> -> memref<128xi32, #tpu.memory_space<vmem>>
    %dma_wait3A_328 = arith.constant 0 : i32
    %dma_wait3A_329 = arith.constant 0 : i32
    %dma_wait3A_330 = tpu.memref_slice %arg10[%dma_wait3A_328, %dma_wait3A_329] : memref<10112x128xf32, #tpu.memory_space<vmem_shared>> -> memref<10112x128xf32, #tpu.memory_space<vmem_shared>>
    tpu.wait_indirect_dma semaphore(%arg13 : memref<!tpu.dma_semaphore, #tpu.memory_space<semaphore_mem>>) src(%arg8 : memref<128x128xf32, #tpu.memory_space<vmem>>) dst(%dma_wait3A_330 : memref<10112x128xf32, #tpu.memory_space<vmem_shared>>)
    %dma_start3A_331 = arith.constant 12 : i32
    %dma_start3A_332 = arith.constant 0 : i32
    %dma_start3A_333 = tpu.memref_slice %arg6[%dma_start3A_331, %dma_start3A_332] : memref<40x128xi32, #tpu.memory_space<vmem>> -> memref<1x128xi32, #tpu.memory_space<vmem>>
    %dma_start3A_334 = tpu.memref_squeeze %dma_start3A_333 : memref<1x128xi32, #tpu.memory_space<vmem>> -> memref<128xi32, #tpu.memory_space<vmem>>
    %dma_start3A_335 = arith.constant 0 : i32
    %dma_start3A_336 = arith.constant 0 : i32
    %dma_start3A_337 = tpu.memref_slice %arg2[%dma_start3A_335, %dma_start3A_336] : memref<10000x128xf32, #tpu.memory_space<hbm>> -> memref<10000x128xf32, #tpu.memory_space<hbm>>
    tpu.enqueue_indirect_dma source(%dma_start3A_337 : memref<10000x128xf32, #tpu.memory_space<hbm>>) target(%arg8 : memref<128x128xf32, #tpu.memory_space<vmem>>) offsets(%dma_start3A_334 : memref<128xi32, #tpu.memory_space<vmem>>) semaphore(%arg11 : memref<!tpu.dma_semaphore, #tpu.memory_space<semaphore_mem>>)
    %dma_start3A_338 = arith.constant 11 : i32
    %dma_start3A_339 = arith.constant 0 : i32
    %dma_start3A_340 = tpu.memref_slice %arg7[%dma_start3A_338, %dma_start3A_339] : memref<40x128xi32, #tpu.memory_space<vmem>> -> memref<1x128xi32, #tpu.memory_space<vmem>>
    %dma_start3A_341 = tpu.memref_squeeze %dma_start3A_340 : memref<1x128xi32, #tpu.memory_space<vmem>> -> memref<128xi32, #tpu.memory_space<vmem>>
    %dma_start3A_342 = arith.constant 0 : i32
    %dma_start3A_343 = arith.constant 0 : i32
    %dma_start3A_344 = tpu.memref_slice %arg10[%dma_start3A_342, %dma_start3A_343] : memref<10112x128xf32, #tpu.memory_space<vmem_shared>> -> memref<10112x128xf32, #tpu.memory_space<vmem_shared>>
    tpu.enqueue_indirect_dma source(%arg9 : memref<128x128xf32, #tpu.memory_space<vmem>>) target(%dma_start3A_344 : memref<10112x128xf32, #tpu.memory_space<vmem_shared>>) offsets(%dma_start3A_341 : memref<128xi32, #tpu.memory_space<vmem>>) semaphore(%arg13 : memref<!tpu.dma_semaphore, #tpu.memory_space<semaphore_mem>>) {add = true}
    %dma_wait3A_345 = arith.constant 12 : i32
    %dma_wait3A_346 = arith.constant 0 : i32
    %dma_wait3A_347 = tpu.memref_slice %arg6[%dma_wait3A_345, %dma_wait3A_346] : memref<40x128xi32, #tpu.memory_space<vmem>> -> memref<1x128xi32, #tpu.memory_space<vmem>>
    %dma_wait3A_348 = tpu.memref_squeeze %dma_wait3A_347 : memref<1x128xi32, #tpu.memory_space<vmem>> -> memref<128xi32, #tpu.memory_space<vmem>>
    %dma_wait3A_349 = arith.constant 0 : i32
    %dma_wait3A_350 = arith.constant 0 : i32
    %dma_wait3A_351 = tpu.memref_slice %arg2[%dma_wait3A_349, %dma_wait3A_350] : memref<10000x128xf32, #tpu.memory_space<hbm>> -> memref<10000x128xf32, #tpu.memory_space<hbm>>
    tpu.wait_indirect_dma semaphore(%arg11 : memref<!tpu.dma_semaphore, #tpu.memory_space<semaphore_mem>>) src(%dma_wait3A_351 : memref<10000x128xf32, #tpu.memory_space<hbm>>) dst(%arg8 : memref<128x128xf32, #tpu.memory_space<vmem>>)
    %dma_wait3A_352 = arith.constant 11 : i32
    %dma_wait3A_353 = arith.constant 0 : i32
    %dma_wait3A_354 = tpu.memref_slice %arg7[%dma_wait3A_352, %dma_wait3A_353] : memref<40x128xi32, #tpu.memory_space<vmem>> -> memref<1x128xi32, #tpu.memory_space<vmem>>
    %dma_wait3A_355 = tpu.memref_squeeze %dma_wait3A_354 : memref<1x128xi32, #tpu.memory_space<vmem>> -> memref<128xi32, #tpu.memory_space<vmem>>
    %dma_wait3A_356 = arith.constant 0 : i32
    %dma_wait3A_357 = arith.constant 0 : i32
    %dma_wait3A_358 = tpu.memref_slice %arg10[%dma_wait3A_356, %dma_wait3A_357] : memref<10112x128xf32, #tpu.memory_space<vmem_shared>> -> memref<10112x128xf32, #tpu.memory_space<vmem_shared>>
    tpu.wait_indirect_dma semaphore(%arg13 : memref<!tpu.dma_semaphore, #tpu.memory_space<semaphore_mem>>) src(%arg9 : memref<128x128xf32, #tpu.memory_space<vmem>>) dst(%dma_wait3A_358 : memref<10112x128xf32, #tpu.memory_space<vmem_shared>>)
    %dma_start3A_359 = arith.constant 13 : i32
    %dma_start3A_360 = arith.constant 0 : i32
    %dma_start3A_361 = tpu.memref_slice %arg6[%dma_start3A_359, %dma_start3A_360] : memref<40x128xi32, #tpu.memory_space<vmem>> -> memref<1x128xi32, #tpu.memory_space<vmem>>
    %dma_start3A_362 = tpu.memref_squeeze %dma_start3A_361 : memref<1x128xi32, #tpu.memory_space<vmem>> -> memref<128xi32, #tpu.memory_space<vmem>>
    %dma_start3A_363 = arith.constant 0 : i32
    %dma_start3A_364 = arith.constant 0 : i32
    %dma_start3A_365 = tpu.memref_slice %arg2[%dma_start3A_363, %dma_start3A_364] : memref<10000x128xf32, #tpu.memory_space<hbm>> -> memref<10000x128xf32, #tpu.memory_space<hbm>>
    tpu.enqueue_indirect_dma source(%dma_start3A_365 : memref<10000x128xf32, #tpu.memory_space<hbm>>) target(%arg9 : memref<128x128xf32, #tpu.memory_space<vmem>>) offsets(%dma_start3A_362 : memref<128xi32, #tpu.memory_space<vmem>>) semaphore(%arg12 : memref<!tpu.dma_semaphore, #tpu.memory_space<semaphore_mem>>)
    %dma_start3A_366 = arith.constant 12 : i32
    %dma_start3A_367 = arith.constant 0 : i32
    %dma_start3A_368 = tpu.memref_slice %arg7[%dma_start3A_366, %dma_start3A_367] : memref<40x128xi32, #tpu.memory_space<vmem>> -> memref<1x128xi32, #tpu.memory_space<vmem>>
    %dma_start3A_369 = tpu.memref_squeeze %dma_start3A_368 : memref<1x128xi32, #tpu.memory_space<vmem>> -> memref<128xi32, #tpu.memory_space<vmem>>
    %dma_start3A_370 = arith.constant 0 : i32
    %dma_start3A_371 = arith.constant 0 : i32
    %dma_start3A_372 = tpu.memref_slice %arg10[%dma_start3A_370, %dma_start3A_371] : memref<10112x128xf32, #tpu.memory_space<vmem_shared>> -> memref<10112x128xf32, #tpu.memory_space<vmem_shared>>
    tpu.enqueue_indirect_dma source(%arg8 : memref<128x128xf32, #tpu.memory_space<vmem>>) target(%dma_start3A_372 : memref<10112x128xf32, #tpu.memory_space<vmem_shared>>) offsets(%dma_start3A_369 : memref<128xi32, #tpu.memory_space<vmem>>) semaphore(%arg13 : memref<!tpu.dma_semaphore, #tpu.memory_space<semaphore_mem>>) {add = true}
    %dma_wait3A_373 = arith.constant 13 : i32
    %dma_wait3A_374 = arith.constant 0 : i32
    %dma_wait3A_375 = tpu.memref_slice %arg6[%dma_wait3A_373, %dma_wait3A_374] : memref<40x128xi32, #tpu.memory_space<vmem>> -> memref<1x128xi32, #tpu.memory_space<vmem>>
    %dma_wait3A_376 = tpu.memref_squeeze %dma_wait3A_375 : memref<1x128xi32, #tpu.memory_space<vmem>> -> memref<128xi32, #tpu.memory_space<vmem>>
    %dma_wait3A_377 = arith.constant 0 : i32
    %dma_wait3A_378 = arith.constant 0 : i32
    %dma_wait3A_379 = tpu.memref_slice %arg2[%dma_wait3A_377, %dma_wait3A_378] : memref<10000x128xf32, #tpu.memory_space<hbm>> -> memref<10000x128xf32, #tpu.memory_space<hbm>>
    tpu.wait_indirect_dma semaphore(%arg12 : memref<!tpu.dma_semaphore, #tpu.memory_space<semaphore_mem>>) src(%dma_wait3A_379 : memref<10000x128xf32, #tpu.memory_space<hbm>>) dst(%arg9 : memref<128x128xf32, #tpu.memory_space<vmem>>)
    %dma_wait3A_380 = arith.constant 12 : i32
    %dma_wait3A_381 = arith.constant 0 : i32
    %dma_wait3A_382 = tpu.memref_slice %arg7[%dma_wait3A_380, %dma_wait3A_381] : memref<40x128xi32, #tpu.memory_space<vmem>> -> memref<1x128xi32, #tpu.memory_space<vmem>>
    %dma_wait3A_383 = tpu.memref_squeeze %dma_wait3A_382 : memref<1x128xi32, #tpu.memory_space<vmem>> -> memref<128xi32, #tpu.memory_space<vmem>>
    %dma_wait3A_384 = arith.constant 0 : i32
    %dma_wait3A_385 = arith.constant 0 : i32
    %dma_wait3A_386 = tpu.memref_slice %arg10[%dma_wait3A_384, %dma_wait3A_385] : memref<10112x128xf32, #tpu.memory_space<vmem_shared>> -> memref<10112x128xf32, #tpu.memory_space<vmem_shared>>
    tpu.wait_indirect_dma semaphore(%arg13 : memref<!tpu.dma_semaphore, #tpu.memory_space<semaphore_mem>>) src(%arg8 : memref<128x128xf32, #tpu.memory_space<vmem>>) dst(%dma_wait3A_386 : memref<10112x128xf32, #tpu.memory_space<vmem_shared>>)
    %dma_start3A_387 = arith.constant 14 : i32
    %dma_start3A_388 = arith.constant 0 : i32
    %dma_start3A_389 = tpu.memref_slice %arg6[%dma_start3A_387, %dma_start3A_388] : memref<40x128xi32, #tpu.memory_space<vmem>> -> memref<1x128xi32, #tpu.memory_space<vmem>>
    %dma_start3A_390 = tpu.memref_squeeze %dma_start3A_389 : memref<1x128xi32, #tpu.memory_space<vmem>> -> memref<128xi32, #tpu.memory_space<vmem>>
    %dma_start3A_391 = arith.constant 0 : i32
    %dma_start3A_392 = arith.constant 0 : i32
    %dma_start3A_393 = tpu.memref_slice %arg2[%dma_start3A_391, %dma_start3A_392] : memref<10000x128xf32, #tpu.memory_space<hbm>> -> memref<10000x128xf32, #tpu.memory_space<hbm>>
    tpu.enqueue_indirect_dma source(%dma_start3A_393 : memref<10000x128xf32, #tpu.memory_space<hbm>>) target(%arg8 : memref<128x128xf32, #tpu.memory_space<vmem>>) offsets(%dma_start3A_390 : memref<128xi32, #tpu.memory_space<vmem>>) semaphore(%arg11 : memref<!tpu.dma_semaphore, #tpu.memory_space<semaphore_mem>>)
    %dma_start3A_394 = arith.constant 13 : i32
    %dma_start3A_395 = arith.constant 0 : i32
    %dma_start3A_396 = tpu.memref_slice %arg7[%dma_start3A_394, %dma_start3A_395] : memref<40x128xi32, #tpu.memory_space<vmem>> -> memref<1x128xi32, #tpu.memory_space<vmem>>
    %dma_start3A_397 = tpu.memref_squeeze %dma_start3A_396 : memref<1x128xi32, #tpu.memory_space<vmem>> -> memref<128xi32, #tpu.memory_space<vmem>>
    %dma_start3A_398 = arith.constant 0 : i32
    %dma_start3A_399 = arith.constant 0 : i32
    %dma_start3A_400 = tpu.memref_slice %arg10[%dma_start3A_398, %dma_start3A_399] : memref<10112x128xf32, #tpu.memory_space<vmem_shared>> -> memref<10112x128xf32, #tpu.memory_space<vmem_shared>>
    tpu.enqueue_indirect_dma source(%arg9 : memref<128x128xf32, #tpu.memory_space<vmem>>) target(%dma_start3A_400 : memref<10112x128xf32, #tpu.memory_space<vmem_shared>>) offsets(%dma_start3A_397 : memref<128xi32, #tpu.memory_space<vmem>>) semaphore(%arg13 : memref<!tpu.dma_semaphore, #tpu.memory_space<semaphore_mem>>) {add = true}
    %dma_wait3A_401 = arith.constant 14 : i32
    %dma_wait3A_402 = arith.constant 0 : i32
    %dma_wait3A_403 = tpu.memref_slice %arg6[%dma_wait3A_401, %dma_wait3A_402] : memref<40x128xi32, #tpu.memory_space<vmem>> -> memref<1x128xi32, #tpu.memory_space<vmem>>
    %dma_wait3A_404 = tpu.memref_squeeze %dma_wait3A_403 : memref<1x128xi32, #tpu.memory_space<vmem>> -> memref<128xi32, #tpu.memory_space<vmem>>
    %dma_wait3A_405 = arith.constant 0 : i32
    %dma_wait3A_406 = arith.constant 0 : i32
    %dma_wait3A_407 = tpu.memref_slice %arg2[%dma_wait3A_405, %dma_wait3A_406] : memref<10000x128xf32, #tpu.memory_space<hbm>> -> memref<10000x128xf32, #tpu.memory_space<hbm>>
    tpu.wait_indirect_dma semaphore(%arg11 : memref<!tpu.dma_semaphore, #tpu.memory_space<semaphore_mem>>) src(%dma_wait3A_407 : memref<10000x128xf32, #tpu.memory_space<hbm>>) dst(%arg8 : memref<128x128xf32, #tpu.memory_space<vmem>>)
    %dma_wait3A_408 = arith.constant 13 : i32
    %dma_wait3A_409 = arith.constant 0 : i32
    %dma_wait3A_410 = tpu.memref_slice %arg7[%dma_wait3A_408, %dma_wait3A_409] : memref<40x128xi32, #tpu.memory_space<vmem>> -> memref<1x128xi32, #tpu.memory_space<vmem>>
    %dma_wait3A_411 = tpu.memref_squeeze %dma_wait3A_410 : memref<1x128xi32, #tpu.memory_space<vmem>> -> memref<128xi32, #tpu.memory_space<vmem>>
    %dma_wait3A_412 = arith.constant 0 : i32
    %dma_wait3A_413 = arith.constant 0 : i32
    %dma_wait3A_414 = tpu.memref_slice %arg10[%dma_wait3A_412, %dma_wait3A_413] : memref<10112x128xf32, #tpu.memory_space<vmem_shared>> -> memref<10112x128xf32, #tpu.memory_space<vmem_shared>>
    tpu.wait_indirect_dma semaphore(%arg13 : memref<!tpu.dma_semaphore, #tpu.memory_space<semaphore_mem>>) src(%arg9 : memref<128x128xf32, #tpu.memory_space<vmem>>) dst(%dma_wait3A_414 : memref<10112x128xf32, #tpu.memory_space<vmem_shared>>)
    %dma_start3A_415 = arith.constant 15 : i32
    %dma_start3A_416 = arith.constant 0 : i32
    %dma_start3A_417 = tpu.memref_slice %arg6[%dma_start3A_415, %dma_start3A_416] : memref<40x128xi32, #tpu.memory_space<vmem>> -> memref<1x128xi32, #tpu.memory_space<vmem>>
    %dma_start3A_418 = tpu.memref_squeeze %dma_start3A_417 : memref<1x128xi32, #tpu.memory_space<vmem>> -> memref<128xi32, #tpu.memory_space<vmem>>
    %dma_start3A_419 = arith.constant 0 : i32
    %dma_start3A_420 = arith.constant 0 : i32
    %dma_start3A_421 = tpu.memref_slice %arg2[%dma_start3A_419, %dma_start3A_420] : memref<10000x128xf32, #tpu.memory_space<hbm>> -> memref<10000x128xf32, #tpu.memory_space<hbm>>
    tpu.enqueue_indirect_dma source(%dma_start3A_421 : memref<10000x128xf32, #tpu.memory_space<hbm>>) target(%arg9 : memref<128x128xf32, #tpu.memory_space<vmem>>) offsets(%dma_start3A_418 : memref<128xi32, #tpu.memory_space<vmem>>) semaphore(%arg12 : memref<!tpu.dma_semaphore, #tpu.memory_space<semaphore_mem>>)
    %dma_start3A_422 = arith.constant 14 : i32
    %dma_start3A_423 = arith.constant 0 : i32
    %dma_start3A_424 = tpu.memref_slice %arg7[%dma_start3A_422, %dma_start3A_423] : memref<40x128xi32, #tpu.memory_space<vmem>> -> memref<1x128xi32, #tpu.memory_space<vmem>>
    %dma_start3A_425 = tpu.memref_squeeze %dma_start3A_424 : memref<1x128xi32, #tpu.memory_space<vmem>> -> memref<128xi32, #tpu.memory_space<vmem>>
    %dma_start3A_426 = arith.constant 0 : i32
    %dma_start3A_427 = arith.constant 0 : i32
    %dma_start3A_428 = tpu.memref_slice %arg10[%dma_start3A_426, %dma_start3A_427] : memref<10112x128xf32, #tpu.memory_space<vmem_shared>> -> memref<10112x128xf32, #tpu.memory_space<vmem_shared>>
    tpu.enqueue_indirect_dma source(%arg8 : memref<128x128xf32, #tpu.memory_space<vmem>>) target(%dma_start3A_428 : memref<10112x128xf32, #tpu.memory_space<vmem_shared>>) offsets(%dma_start3A_425 : memref<128xi32, #tpu.memory_space<vmem>>) semaphore(%arg13 : memref<!tpu.dma_semaphore, #tpu.memory_space<semaphore_mem>>) {add = true}
    %dma_wait3A_429 = arith.constant 15 : i32
    %dma_wait3A_430 = arith.constant 0 : i32
    %dma_wait3A_431 = tpu.memref_slice %arg6[%dma_wait3A_429, %dma_wait3A_430] : memref<40x128xi32, #tpu.memory_space<vmem>> -> memref<1x128xi32, #tpu.memory_space<vmem>>
    %dma_wait3A_432 = tpu.memref_squeeze %dma_wait3A_431 : memref<1x128xi32, #tpu.memory_space<vmem>> -> memref<128xi32, #tpu.memory_space<vmem>>
    %dma_wait3A_433 = arith.constant 0 : i32
    %dma_wait3A_434 = arith.constant 0 : i32
    %dma_wait3A_435 = tpu.memref_slice %arg2[%dma_wait3A_433, %dma_wait3A_434] : memref<10000x128xf32, #tpu.memory_space<hbm>> -> memref<10000x128xf32, #tpu.memory_space<hbm>>
    tpu.wait_indirect_dma semaphore(%arg12 : memref<!tpu.dma_semaphore, #tpu.memory_space<semaphore_mem>>) src(%dma_wait3A_435 : memref<10000x128xf32, #tpu.memory_space<hbm>>) dst(%arg9 : memref<128x128xf32, #tpu.memory_space<vmem>>)
    %dma_wait3A_436 = arith.constant 14 : i32
    %dma_wait3A_437 = arith.constant 0 : i32
    %dma_wait3A_438 = tpu.memref_slice %arg7[%dma_wait3A_436, %dma_wait3A_437] : memref<40x128xi32, #tpu.memory_space<vmem>> -> memref<1x128xi32, #tpu.memory_space<vmem>>
    %dma_wait3A_439 = tpu.memref_squeeze %dma_wait3A_438 : memref<1x128xi32, #tpu.memory_space<vmem>> -> memref<128xi32, #tpu.memory_space<vmem>>
    %dma_wait3A_440 = arith.constant 0 : i32
    %dma_wait3A_441 = arith.constant 0 : i32
    %dma_wait3A_442 = tpu.memref_slice %arg10[%dma_wait3A_440, %dma_wait3A_441] : memref<10112x128xf32, #tpu.memory_space<vmem_shared>> -> memref<10112x128xf32, #tpu.memory_space<vmem_shared>>
    tpu.wait_indirect_dma semaphore(%arg13 : memref<!tpu.dma_semaphore, #tpu.memory_space<semaphore_mem>>) src(%arg8 : memref<128x128xf32, #tpu.memory_space<vmem>>) dst(%dma_wait3A_442 : memref<10112x128xf32, #tpu.memory_space<vmem_shared>>)
    %dma_start3A_443 = arith.constant 16 : i32
    %dma_start3A_444 = arith.constant 0 : i32
    %dma_start3A_445 = tpu.memref_slice %arg6[%dma_start3A_443, %dma_start3A_444] : memref<40x128xi32, #tpu.memory_space<vmem>> -> memref<1x128xi32, #tpu.memory_space<vmem>>
    %dma_start3A_446 = tpu.memref_squeeze %dma_start3A_445 : memref<1x128xi32, #tpu.memory_space<vmem>> -> memref<128xi32, #tpu.memory_space<vmem>>
    %dma_start3A_447 = arith.constant 0 : i32
    %dma_start3A_448 = arith.constant 0 : i32
    %dma_start3A_449 = tpu.memref_slice %arg2[%dma_start3A_447, %dma_start3A_448] : memref<10000x128xf32, #tpu.memory_space<hbm>> -> memref<10000x128xf32, #tpu.memory_space<hbm>>
    tpu.enqueue_indirect_dma source(%dma_start3A_449 : memref<10000x128xf32, #tpu.memory_space<hbm>>) target(%arg8 : memref<128x128xf32, #tpu.memory_space<vmem>>) offsets(%dma_start3A_446 : memref<128xi32, #tpu.memory_space<vmem>>) semaphore(%arg11 : memref<!tpu.dma_semaphore, #tpu.memory_space<semaphore_mem>>)
    %dma_start3A_450 = arith.constant 15 : i32
    %dma_start3A_451 = arith.constant 0 : i32
    %dma_start3A_452 = tpu.memref_slice %arg7[%dma_start3A_450, %dma_start3A_451] : memref<40x128xi32, #tpu.memory_space<vmem>> -> memref<1x128xi32, #tpu.memory_space<vmem>>
    %dma_start3A_453 = tpu.memref_squeeze %dma_start3A_452 : memref<1x128xi32, #tpu.memory_space<vmem>> -> memref<128xi32, #tpu.memory_space<vmem>>
    %dma_start3A_454 = arith.constant 0 : i32
    %dma_start3A_455 = arith.constant 0 : i32
    %dma_start3A_456 = tpu.memref_slice %arg10[%dma_start3A_454, %dma_start3A_455] : memref<10112x128xf32, #tpu.memory_space<vmem_shared>> -> memref<10112x128xf32, #tpu.memory_space<vmem_shared>>
    tpu.enqueue_indirect_dma source(%arg9 : memref<128x128xf32, #tpu.memory_space<vmem>>) target(%dma_start3A_456 : memref<10112x128xf32, #tpu.memory_space<vmem_shared>>) offsets(%dma_start3A_453 : memref<128xi32, #tpu.memory_space<vmem>>) semaphore(%arg13 : memref<!tpu.dma_semaphore, #tpu.memory_space<semaphore_mem>>) {add = true}
    %dma_wait3A_457 = arith.constant 16 : i32
    %dma_wait3A_458 = arith.constant 0 : i32
    %dma_wait3A_459 = tpu.memref_slice %arg6[%dma_wait3A_457, %dma_wait3A_458] : memref<40x128xi32, #tpu.memory_space<vmem>> -> memref<1x128xi32, #tpu.memory_space<vmem>>
    %dma_wait3A_460 = tpu.memref_squeeze %dma_wait3A_459 : memref<1x128xi32, #tpu.memory_space<vmem>> -> memref<128xi32, #tpu.memory_space<vmem>>
    %dma_wait3A_461 = arith.constant 0 : i32
    %dma_wait3A_462 = arith.constant 0 : i32
    %dma_wait3A_463 = tpu.memref_slice %arg2[%dma_wait3A_461, %dma_wait3A_462] : memref<10000x128xf32, #tpu.memory_space<hbm>> -> memref<10000x128xf32, #tpu.memory_space<hbm>>
    tpu.wait_indirect_dma semaphore(%arg11 : memref<!tpu.dma_semaphore, #tpu.memory_space<semaphore_mem>>) src(%dma_wait3A_463 : memref<10000x128xf32, #tpu.memory_space<hbm>>) dst(%arg8 : memref<128x128xf32, #tpu.memory_space<vmem>>)
    %dma_wait3A_464 = arith.constant 15 : i32
    %dma_wait3A_465 = arith.constant 0 : i32
    %dma_wait3A_466 = tpu.memref_slice %arg7[%dma_wait3A_464, %dma_wait3A_465] : memref<40x128xi32, #tpu.memory_space<vmem>> -> memref<1x128xi32, #tpu.memory_space<vmem>>
    %dma_wait3A_467 = tpu.memref_squeeze %dma_wait3A_466 : memref<1x128xi32, #tpu.memory_space<vmem>> -> memref<128xi32, #tpu.memory_space<vmem>>
    %dma_wait3A_468 = arith.constant 0 : i32
    %dma_wait3A_469 = arith.constant 0 : i32
    %dma_wait3A_470 = tpu.memref_slice %arg10[%dma_wait3A_468, %dma_wait3A_469] : memref<10112x128xf32, #tpu.memory_space<vmem_shared>> -> memref<10112x128xf32, #tpu.memory_space<vmem_shared>>
    tpu.wait_indirect_dma semaphore(%arg13 : memref<!tpu.dma_semaphore, #tpu.memory_space<semaphore_mem>>) src(%arg9 : memref<128x128xf32, #tpu.memory_space<vmem>>) dst(%dma_wait3A_470 : memref<10112x128xf32, #tpu.memory_space<vmem_shared>>)
    %dma_start3A_471 = arith.constant 17 : i32
    %dma_start3A_472 = arith.constant 0 : i32
    %dma_start3A_473 = tpu.memref_slice %arg6[%dma_start3A_471, %dma_start3A_472] : memref<40x128xi32, #tpu.memory_space<vmem>> -> memref<1x128xi32, #tpu.memory_space<vmem>>
    %dma_start3A_474 = tpu.memref_squeeze %dma_start3A_473 : memref<1x128xi32, #tpu.memory_space<vmem>> -> memref<128xi32, #tpu.memory_space<vmem>>
    %dma_start3A_475 = arith.constant 0 : i32
    %dma_start3A_476 = arith.constant 0 : i32
    %dma_start3A_477 = tpu.memref_slice %arg2[%dma_start3A_475, %dma_start3A_476] : memref<10000x128xf32, #tpu.memory_space<hbm>> -> memref<10000x128xf32, #tpu.memory_space<hbm>>
    tpu.enqueue_indirect_dma source(%dma_start3A_477 : memref<10000x128xf32, #tpu.memory_space<hbm>>) target(%arg9 : memref<128x128xf32, #tpu.memory_space<vmem>>) offsets(%dma_start3A_474 : memref<128xi32, #tpu.memory_space<vmem>>) semaphore(%arg12 : memref<!tpu.dma_semaphore, #tpu.memory_space<semaphore_mem>>)
    %dma_start3A_478 = arith.constant 16 : i32
    %dma_start3A_479 = arith.constant 0 : i32
    %dma_start3A_480 = tpu.memref_slice %arg7[%dma_start3A_478, %dma_start3A_479] : memref<40x128xi32, #tpu.memory_space<vmem>> -> memref<1x128xi32, #tpu.memory_space<vmem>>
    %dma_start3A_481 = tpu.memref_squeeze %dma_start3A_480 : memref<1x128xi32, #tpu.memory_space<vmem>> -> memref<128xi32, #tpu.memory_space<vmem>>
    %dma_start3A_482 = arith.constant 0 : i32
    %dma_start3A_483 = arith.constant 0 : i32
    %dma_start3A_484 = tpu.memref_slice %arg10[%dma_start3A_482, %dma_start3A_483] : memref<10112x128xf32, #tpu.memory_space<vmem_shared>> -> memref<10112x128xf32, #tpu.memory_space<vmem_shared>>
    tpu.enqueue_indirect_dma source(%arg8 : memref<128x128xf32, #tpu.memory_space<vmem>>) target(%dma_start3A_484 : memref<10112x128xf32, #tpu.memory_space<vmem_shared>>) offsets(%dma_start3A_481 : memref<128xi32, #tpu.memory_space<vmem>>) semaphore(%arg13 : memref<!tpu.dma_semaphore, #tpu.memory_space<semaphore_mem>>) {add = true}
    %dma_wait3A_485 = arith.constant 17 : i32
    %dma_wait3A_486 = arith.constant 0 : i32
    %dma_wait3A_487 = tpu.memref_slice %arg6[%dma_wait3A_485, %dma_wait3A_486] : memref<40x128xi32, #tpu.memory_space<vmem>> -> memref<1x128xi32, #tpu.memory_space<vmem>>
    %dma_wait3A_488 = tpu.memref_squeeze %dma_wait3A_487 : memref<1x128xi32, #tpu.memory_space<vmem>> -> memref<128xi32, #tpu.memory_space<vmem>>
    %dma_wait3A_489 = arith.constant 0 : i32
    %dma_wait3A_490 = arith.constant 0 : i32
    %dma_wait3A_491 = tpu.memref_slice %arg2[%dma_wait3A_489, %dma_wait3A_490] : memref<10000x128xf32, #tpu.memory_space<hbm>> -> memref<10000x128xf32, #tpu.memory_space<hbm>>
    tpu.wait_indirect_dma semaphore(%arg12 : memref<!tpu.dma_semaphore, #tpu.memory_space<semaphore_mem>>) src(%dma_wait3A_491 : memref<10000x128xf32, #tpu.memory_space<hbm>>) dst(%arg9 : memref<128x128xf32, #tpu.memory_space<vmem>>)
    %dma_wait3A_492 = arith.constant 16 : i32
    %dma_wait3A_493 = arith.constant 0 : i32
    %dma_wait3A_494 = tpu.memref_slice %arg7[%dma_wait3A_492, %dma_wait3A_493] : memref<40x128xi32, #tpu.memory_space<vmem>> -> memref<1x128xi32, #tpu.memory_space<vmem>>
    %dma_wait3A_495 = tpu.memref_squeeze %dma_wait3A_494 : memref<1x128xi32, #tpu.memory_space<vmem>> -> memref<128xi32, #tpu.memory_space<vmem>>
    %dma_wait3A_496 = arith.constant 0 : i32
    %dma_wait3A_497 = arith.constant 0 : i32
    %dma_wait3A_498 = tpu.memref_slice %arg10[%dma_wait3A_496, %dma_wait3A_497] : memref<10112x128xf32, #tpu.memory_space<vmem_shared>> -> memref<10112x128xf32, #tpu.memory_space<vmem_shared>>
    tpu.wait_indirect_dma semaphore(%arg13 : memref<!tpu.dma_semaphore, #tpu.memory_space<semaphore_mem>>) src(%arg8 : memref<128x128xf32, #tpu.memory_space<vmem>>) dst(%dma_wait3A_498 : memref<10112x128xf32, #tpu.memory_space<vmem_shared>>)
    %dma_start3A_499 = arith.constant 18 : i32
    %dma_start3A_500 = arith.constant 0 : i32
    %dma_start3A_501 = tpu.memref_slice %arg6[%dma_start3A_499, %dma_start3A_500] : memref<40x128xi32, #tpu.memory_space<vmem>> -> memref<1x128xi32, #tpu.memory_space<vmem>>
    %dma_start3A_502 = tpu.memref_squeeze %dma_start3A_501 : memref<1x128xi32, #tpu.memory_space<vmem>> -> memref<128xi32, #tpu.memory_space<vmem>>
    %dma_start3A_503 = arith.constant 0 : i32
    %dma_start3A_504 = arith.constant 0 : i32
    %dma_start3A_505 = tpu.memref_slice %arg2[%dma_start3A_503, %dma_start3A_504] : memref<10000x128xf32, #tpu.memory_space<hbm>> -> memref<10000x128xf32, #tpu.memory_space<hbm>>
    tpu.enqueue_indirect_dma source(%dma_start3A_505 : memref<10000x128xf32, #tpu.memory_space<hbm>>) target(%arg8 : memref<128x128xf32, #tpu.memory_space<vmem>>) offsets(%dma_start3A_502 : memref<128xi32, #tpu.memory_space<vmem>>) semaphore(%arg11 : memref<!tpu.dma_semaphore, #tpu.memory_space<semaphore_mem>>)
    %dma_start3A_506 = arith.constant 17 : i32
    %dma_start3A_507 = arith.constant 0 : i32
    %dma_start3A_508 = tpu.memref_slice %arg7[%dma_start3A_506, %dma_start3A_507] : memref<40x128xi32, #tpu.memory_space<vmem>> -> memref<1x128xi32, #tpu.memory_space<vmem>>
    %dma_start3A_509 = tpu.memref_squeeze %dma_start3A_508 : memref<1x128xi32, #tpu.memory_space<vmem>> -> memref<128xi32, #tpu.memory_space<vmem>>
    %dma_start3A_510 = arith.constant 0 : i32
    %dma_start3A_511 = arith.constant 0 : i32
    %dma_start3A_512 = tpu.memref_slice %arg10[%dma_start3A_510, %dma_start3A_511] : memref<10112x128xf32, #tpu.memory_space<vmem_shared>> -> memref<10112x128xf32, #tpu.memory_space<vmem_shared>>
    tpu.enqueue_indirect_dma source(%arg9 : memref<128x128xf32, #tpu.memory_space<vmem>>) target(%dma_start3A_512 : memref<10112x128xf32, #tpu.memory_space<vmem_shared>>) offsets(%dma_start3A_509 : memref<128xi32, #tpu.memory_space<vmem>>) semaphore(%arg13 : memref<!tpu.dma_semaphore, #tpu.memory_space<semaphore_mem>>) {add = true}
    %dma_wait3A_513 = arith.constant 18 : i32
    %dma_wait3A_514 = arith.constant 0 : i32
    %dma_wait3A_515 = tpu.memref_slice %arg6[%dma_wait3A_513, %dma_wait3A_514] : memref<40x128xi32, #tpu.memory_space<vmem>> -> memref<1x128xi32, #tpu.memory_space<vmem>>
    %dma_wait3A_516 = tpu.memref_squeeze %dma_wait3A_515 : memref<1x128xi32, #tpu.memory_space<vmem>> -> memref<128xi32, #tpu.memory_space<vmem>>
    %dma_wait3A_517 = arith.constant 0 : i32
    %dma_wait3A_518 = arith.constant 0 : i32
    %dma_wait3A_519 = tpu.memref_slice %arg2[%dma_wait3A_517, %dma_wait3A_518] : memref<10000x128xf32, #tpu.memory_space<hbm>> -> memref<10000x128xf32, #tpu.memory_space<hbm>>
    tpu.wait_indirect_dma semaphore(%arg11 : memref<!tpu.dma_semaphore, #tpu.memory_space<semaphore_mem>>) src(%dma_wait3A_519 : memref<10000x128xf32, #tpu.memory_space<hbm>>) dst(%arg8 : memref<128x128xf32, #tpu.memory_space<vmem>>)
    %dma_wait3A_520 = arith.constant 17 : i32
    %dma_wait3A_521 = arith.constant 0 : i32
    %dma_wait3A_522 = tpu.memref_slice %arg7[%dma_wait3A_520, %dma_wait3A_521] : memref<40x128xi32, #tpu.memory_space<vmem>> -> memref<1x128xi32, #tpu.memory_space<vmem>>
    %dma_wait3A_523 = tpu.memref_squeeze %dma_wait3A_522 : memref<1x128xi32, #tpu.memory_space<vmem>> -> memref<128xi32, #tpu.memory_space<vmem>>
    %dma_wait3A_524 = arith.constant 0 : i32
    %dma_wait3A_525 = arith.constant 0 : i32
    %dma_wait3A_526 = tpu.memref_slice %arg10[%dma_wait3A_524, %dma_wait3A_525] : memref<10112x128xf32, #tpu.memory_space<vmem_shared>> -> memref<10112x128xf32, #tpu.memory_space<vmem_shared>>
    tpu.wait_indirect_dma semaphore(%arg13 : memref<!tpu.dma_semaphore, #tpu.memory_space<semaphore_mem>>) src(%arg9 : memref<128x128xf32, #tpu.memory_space<vmem>>) dst(%dma_wait3A_526 : memref<10112x128xf32, #tpu.memory_space<vmem_shared>>)
    %dma_start3A_527 = arith.constant 19 : i32
    %dma_start3A_528 = arith.constant 0 : i32
    %dma_start3A_529 = tpu.memref_slice %arg6[%dma_start3A_527, %dma_start3A_528] : memref<40x128xi32, #tpu.memory_space<vmem>> -> memref<1x128xi32, #tpu.memory_space<vmem>>
    %dma_start3A_530 = tpu.memref_squeeze %dma_start3A_529 : memref<1x128xi32, #tpu.memory_space<vmem>> -> memref<128xi32, #tpu.memory_space<vmem>>
    %dma_start3A_531 = arith.constant 0 : i32
    %dma_start3A_532 = arith.constant 0 : i32
    %dma_start3A_533 = tpu.memref_slice %arg2[%dma_start3A_531, %dma_start3A_532] : memref<10000x128xf32, #tpu.memory_space<hbm>> -> memref<10000x128xf32, #tpu.memory_space<hbm>>
    tpu.enqueue_indirect_dma source(%dma_start3A_533 : memref<10000x128xf32, #tpu.memory_space<hbm>>) target(%arg9 : memref<128x128xf32, #tpu.memory_space<vmem>>) offsets(%dma_start3A_530 : memref<128xi32, #tpu.memory_space<vmem>>) semaphore(%arg12 : memref<!tpu.dma_semaphore, #tpu.memory_space<semaphore_mem>>)
    %dma_start3A_534 = arith.constant 18 : i32
    %dma_start3A_535 = arith.constant 0 : i32
    %dma_start3A_536 = tpu.memref_slice %arg7[%dma_start3A_534, %dma_start3A_535] : memref<40x128xi32, #tpu.memory_space<vmem>> -> memref<1x128xi32, #tpu.memory_space<vmem>>
    %dma_start3A_537 = tpu.memref_squeeze %dma_start3A_536 : memref<1x128xi32, #tpu.memory_space<vmem>> -> memref<128xi32, #tpu.memory_space<vmem>>
    %dma_start3A_538 = arith.constant 0 : i32
    %dma_start3A_539 = arith.constant 0 : i32
    %dma_start3A_540 = tpu.memref_slice %arg10[%dma_start3A_538, %dma_start3A_539] : memref<10112x128xf32, #tpu.memory_space<vmem_shared>> -> memref<10112x128xf32, #tpu.memory_space<vmem_shared>>
    tpu.enqueue_indirect_dma source(%arg8 : memref<128x128xf32, #tpu.memory_space<vmem>>) target(%dma_start3A_540 : memref<10112x128xf32, #tpu.memory_space<vmem_shared>>) offsets(%dma_start3A_537 : memref<128xi32, #tpu.memory_space<vmem>>) semaphore(%arg13 : memref<!tpu.dma_semaphore, #tpu.memory_space<semaphore_mem>>) {add = true}
    %dma_wait3A_541 = arith.constant 19 : i32
    %dma_wait3A_542 = arith.constant 0 : i32
    %dma_wait3A_543 = tpu.memref_slice %arg6[%dma_wait3A_541, %dma_wait3A_542] : memref<40x128xi32, #tpu.memory_space<vmem>> -> memref<1x128xi32, #tpu.memory_space<vmem>>
    %dma_wait3A_544 = tpu.memref_squeeze %dma_wait3A_543 : memref<1x128xi32, #tpu.memory_space<vmem>> -> memref<128xi32, #tpu.memory_space<vmem>>
    %dma_wait3A_545 = arith.constant 0 : i32
    %dma_wait3A_546 = arith.constant 0 : i32
    %dma_wait3A_547 = tpu.memref_slice %arg2[%dma_wait3A_545, %dma_wait3A_546] : memref<10000x128xf32, #tpu.memory_space<hbm>> -> memref<10000x128xf32, #tpu.memory_space<hbm>>
    tpu.wait_indirect_dma semaphore(%arg12 : memref<!tpu.dma_semaphore, #tpu.memory_space<semaphore_mem>>) src(%dma_wait3A_547 : memref<10000x128xf32, #tpu.memory_space<hbm>>) dst(%arg9 : memref<128x128xf32, #tpu.memory_space<vmem>>)
    %dma_wait3A_548 = arith.constant 18 : i32
    %dma_wait3A_549 = arith.constant 0 : i32
    %dma_wait3A_550 = tpu.memref_slice %arg7[%dma_wait3A_548, %dma_wait3A_549] : memref<40x128xi32, #tpu.memory_space<vmem>> -> memref<1x128xi32, #tpu.memory_space<vmem>>
    %dma_wait3A_551 = tpu.memref_squeeze %dma_wait3A_550 : memref<1x128xi32, #tpu.memory_space<vmem>> -> memref<128xi32, #tpu.memory_space<vmem>>
    %dma_wait3A_552 = arith.constant 0 : i32
    %dma_wait3A_553 = arith.constant 0 : i32
    %dma_wait3A_554 = tpu.memref_slice %arg10[%dma_wait3A_552, %dma_wait3A_553] : memref<10112x128xf32, #tpu.memory_space<vmem_shared>> -> memref<10112x128xf32, #tpu.memory_space<vmem_shared>>
    tpu.wait_indirect_dma semaphore(%arg13 : memref<!tpu.dma_semaphore, #tpu.memory_space<semaphore_mem>>) src(%arg8 : memref<128x128xf32, #tpu.memory_space<vmem>>) dst(%dma_wait3A_554 : memref<10112x128xf32, #tpu.memory_space<vmem_shared>>)
    %dma_start3A_555 = arith.constant 20 : i32
    %dma_start3A_556 = arith.constant 0 : i32
    %dma_start3A_557 = tpu.memref_slice %arg6[%dma_start3A_555, %dma_start3A_556] : memref<40x128xi32, #tpu.memory_space<vmem>> -> memref<1x128xi32, #tpu.memory_space<vmem>>
    %dma_start3A_558 = tpu.memref_squeeze %dma_start3A_557 : memref<1x128xi32, #tpu.memory_space<vmem>> -> memref<128xi32, #tpu.memory_space<vmem>>
    %dma_start3A_559 = arith.constant 0 : i32
    %dma_start3A_560 = arith.constant 0 : i32
    %dma_start3A_561 = tpu.memref_slice %arg2[%dma_start3A_559, %dma_start3A_560] : memref<10000x128xf32, #tpu.memory_space<hbm>> -> memref<10000x128xf32, #tpu.memory_space<hbm>>
    tpu.enqueue_indirect_dma source(%dma_start3A_561 : memref<10000x128xf32, #tpu.memory_space<hbm>>) target(%arg8 : memref<128x128xf32, #tpu.memory_space<vmem>>) offsets(%dma_start3A_558 : memref<128xi32, #tpu.memory_space<vmem>>) semaphore(%arg11 : memref<!tpu.dma_semaphore, #tpu.memory_space<semaphore_mem>>)
    %dma_start3A_562 = arith.constant 19 : i32
    %dma_start3A_563 = arith.constant 0 : i32
    %dma_start3A_564 = tpu.memref_slice %arg7[%dma_start3A_562, %dma_start3A_563] : memref<40x128xi32, #tpu.memory_space<vmem>> -> memref<1x128xi32, #tpu.memory_space<vmem>>
    %dma_start3A_565 = tpu.memref_squeeze %dma_start3A_564 : memref<1x128xi32, #tpu.memory_space<vmem>> -> memref<128xi32, #tpu.memory_space<vmem>>
    %dma_start3A_566 = arith.constant 0 : i32
    %dma_start3A_567 = arith.constant 0 : i32
    %dma_start3A_568 = tpu.memref_slice %arg10[%dma_start3A_566, %dma_start3A_567] : memref<10112x128xf32, #tpu.memory_space<vmem_shared>> -> memref<10112x128xf32, #tpu.memory_space<vmem_shared>>
    tpu.enqueue_indirect_dma source(%arg9 : memref<128x128xf32, #tpu.memory_space<vmem>>) target(%dma_start3A_568 : memref<10112x128xf32, #tpu.memory_space<vmem_shared>>) offsets(%dma_start3A_565 : memref<128xi32, #tpu.memory_space<vmem>>) semaphore(%arg13 : memref<!tpu.dma_semaphore, #tpu.memory_space<semaphore_mem>>) {add = true}
    %dma_wait3A_569 = arith.constant 20 : i32
    %dma_wait3A_570 = arith.constant 0 : i32
    %dma_wait3A_571 = tpu.memref_slice %arg6[%dma_wait3A_569, %dma_wait3A_570] : memref<40x128xi32, #tpu.memory_space<vmem>> -> memref<1x128xi32, #tpu.memory_space<vmem>>
    %dma_wait3A_572 = tpu.memref_squeeze %dma_wait3A_571 : memref<1x128xi32, #tpu.memory_space<vmem>> -> memref<128xi32, #tpu.memory_space<vmem>>
    %dma_wait3A_573 = arith.constant 0 : i32
    %dma_wait3A_574 = arith.constant 0 : i32
    %dma_wait3A_575 = tpu.memref_slice %arg2[%dma_wait3A_573, %dma_wait3A_574] : memref<10000x128xf32, #tpu.memory_space<hbm>> -> memref<10000x128xf32, #tpu.memory_space<hbm>>
    tpu.wait_indirect_dma semaphore(%arg11 : memref<!tpu.dma_semaphore, #tpu.memory_space<semaphore_mem>>) src(%dma_wait3A_575 : memref<10000x128xf32, #tpu.memory_space<hbm>>) dst(%arg8 : memref<128x128xf32, #tpu.memory_space<vmem>>)
    %dma_wait3A_576 = arith.constant 19 : i32
    %dma_wait3A_577 = arith.constant 0 : i32
    %dma_wait3A_578 = tpu.memref_slice %arg7[%dma_wait3A_576, %dma_wait3A_577] : memref<40x128xi32, #tpu.memory_space<vmem>> -> memref<1x128xi32, #tpu.memory_space<vmem>>
    %dma_wait3A_579 = tpu.memref_squeeze %dma_wait3A_578 : memref<1x128xi32, #tpu.memory_space<vmem>> -> memref<128xi32, #tpu.memory_space<vmem>>
    %dma_wait3A_580 = arith.constant 0 : i32
    %dma_wait3A_581 = arith.constant 0 : i32
    %dma_wait3A_582 = tpu.memref_slice %arg10[%dma_wait3A_580, %dma_wait3A_581] : memref<10112x128xf32, #tpu.memory_space<vmem_shared>> -> memref<10112x128xf32, #tpu.memory_space<vmem_shared>>
    tpu.wait_indirect_dma semaphore(%arg13 : memref<!tpu.dma_semaphore, #tpu.memory_space<semaphore_mem>>) src(%arg9 : memref<128x128xf32, #tpu.memory_space<vmem>>) dst(%dma_wait3A_582 : memref<10112x128xf32, #tpu.memory_space<vmem_shared>>)
    %dma_start3A_583 = arith.constant 21 : i32
    %dma_start3A_584 = arith.constant 0 : i32
    %dma_start3A_585 = tpu.memref_slice %arg6[%dma_start3A_583, %dma_start3A_584] : memref<40x128xi32, #tpu.memory_space<vmem>> -> memref<1x128xi32, #tpu.memory_space<vmem>>
    %dma_start3A_586 = tpu.memref_squeeze %dma_start3A_585 : memref<1x128xi32, #tpu.memory_space<vmem>> -> memref<128xi32, #tpu.memory_space<vmem>>
    %dma_start3A_587 = arith.constant 0 : i32
    %dma_start3A_588 = arith.constant 0 : i32
    %dma_start3A_589 = tpu.memref_slice %arg2[%dma_start3A_587, %dma_start3A_588] : memref<10000x128xf32, #tpu.memory_space<hbm>> -> memref<10000x128xf32, #tpu.memory_space<hbm>>
    tpu.enqueue_indirect_dma source(%dma_start3A_589 : memref<10000x128xf32, #tpu.memory_space<hbm>>) target(%arg9 : memref<128x128xf32, #tpu.memory_space<vmem>>) offsets(%dma_start3A_586 : memref<128xi32, #tpu.memory_space<vmem>>) semaphore(%arg12 : memref<!tpu.dma_semaphore, #tpu.memory_space<semaphore_mem>>)
    %dma_start3A_590 = arith.constant 20 : i32
    %dma_start3A_591 = arith.constant 0 : i32
    %dma_start3A_592 = tpu.memref_slice %arg7[%dma_start3A_590, %dma_start3A_591] : memref<40x128xi32, #tpu.memory_space<vmem>> -> memref<1x128xi32, #tpu.memory_space<vmem>>
    %dma_start3A_593 = tpu.memref_squeeze %dma_start3A_592 : memref<1x128xi32, #tpu.memory_space<vmem>> -> memref<128xi32, #tpu.memory_space<vmem>>
    %dma_start3A_594 = arith.constant 0 : i32
    %dma_start3A_595 = arith.constant 0 : i32
    %dma_start3A_596 = tpu.memref_slice %arg10[%dma_start3A_594, %dma_start3A_595] : memref<10112x128xf32, #tpu.memory_space<vmem_shared>> -> memref<10112x128xf32, #tpu.memory_space<vmem_shared>>
    tpu.enqueue_indirect_dma source(%arg8 : memref<128x128xf32, #tpu.memory_space<vmem>>) target(%dma_start3A_596 : memref<10112x128xf32, #tpu.memory_space<vmem_shared>>) offsets(%dma_start3A_593 : memref<128xi32, #tpu.memory_space<vmem>>) semaphore(%arg13 : memref<!tpu.dma_semaphore, #tpu.memory_space<semaphore_mem>>) {add = true}
    %dma_wait3A_597 = arith.constant 21 : i32
    %dma_wait3A_598 = arith.constant 0 : i32
    %dma_wait3A_599 = tpu.memref_slice %arg6[%dma_wait3A_597, %dma_wait3A_598] : memref<40x128xi32, #tpu.memory_space<vmem>> -> memref<1x128xi32, #tpu.memory_space<vmem>>
    %dma_wait3A_600 = tpu.memref_squeeze %dma_wait3A_599 : memref<1x128xi32, #tpu.memory_space<vmem>> -> memref<128xi32, #tpu.memory_space<vmem>>
    %dma_wait3A_601 = arith.constant 0 : i32
    %dma_wait3A_602 = arith.constant 0 : i32
    %dma_wait3A_603 = tpu.memref_slice %arg2[%dma_wait3A_601, %dma_wait3A_602] : memref<10000x128xf32, #tpu.memory_space<hbm>> -> memref<10000x128xf32, #tpu.memory_space<hbm>>
    tpu.wait_indirect_dma semaphore(%arg12 : memref<!tpu.dma_semaphore, #tpu.memory_space<semaphore_mem>>) src(%dma_wait3A_603 : memref<10000x128xf32, #tpu.memory_space<hbm>>) dst(%arg9 : memref<128x128xf32, #tpu.memory_space<vmem>>)
    %dma_wait3A_604 = arith.constant 20 : i32
    %dma_wait3A_605 = arith.constant 0 : i32
    %dma_wait3A_606 = tpu.memref_slice %arg7[%dma_wait3A_604, %dma_wait3A_605] : memref<40x128xi32, #tpu.memory_space<vmem>> -> memref<1x128xi32, #tpu.memory_space<vmem>>
    %dma_wait3A_607 = tpu.memref_squeeze %dma_wait3A_606 : memref<1x128xi32, #tpu.memory_space<vmem>> -> memref<128xi32, #tpu.memory_space<vmem>>
    %dma_wait3A_608 = arith.constant 0 : i32
    %dma_wait3A_609 = arith.constant 0 : i32
    %dma_wait3A_610 = tpu.memref_slice %arg10[%dma_wait3A_608, %dma_wait3A_609] : memref<10112x128xf32, #tpu.memory_space<vmem_shared>> -> memref<10112x128xf32, #tpu.memory_space<vmem_shared>>
    tpu.wait_indirect_dma semaphore(%arg13 : memref<!tpu.dma_semaphore, #tpu.memory_space<semaphore_mem>>) src(%arg8 : memref<128x128xf32, #tpu.memory_space<vmem>>) dst(%dma_wait3A_610 : memref<10112x128xf32, #tpu.memory_space<vmem_shared>>)
    %dma_start3A_611 = arith.constant 22 : i32
    %dma_start3A_612 = arith.constant 0 : i32
    %dma_start3A_613 = tpu.memref_slice %arg6[%dma_start3A_611, %dma_start3A_612] : memref<40x128xi32, #tpu.memory_space<vmem>> -> memref<1x128xi32, #tpu.memory_space<vmem>>
    %dma_start3A_614 = tpu.memref_squeeze %dma_start3A_613 : memref<1x128xi32, #tpu.memory_space<vmem>> -> memref<128xi32, #tpu.memory_space<vmem>>
    %dma_start3A_615 = arith.constant 0 : i32
    %dma_start3A_616 = arith.constant 0 : i32
    %dma_start3A_617 = tpu.memref_slice %arg2[%dma_start3A_615, %dma_start3A_616] : memref<10000x128xf32, #tpu.memory_space<hbm>> -> memref<10000x128xf32, #tpu.memory_space<hbm>>
    tpu.enqueue_indirect_dma source(%dma_start3A_617 : memref<10000x128xf32, #tpu.memory_space<hbm>>) target(%arg8 : memref<128x128xf32, #tpu.memory_space<vmem>>) offsets(%dma_start3A_614 : memref<128xi32, #tpu.memory_space<vmem>>) semaphore(%arg11 : memref<!tpu.dma_semaphore, #tpu.memory_space<semaphore_mem>>)
    %dma_start3A_618 = arith.constant 21 : i32
    %dma_start3A_619 = arith.constant 0 : i32
    %dma_start3A_620 = tpu.memref_slice %arg7[%dma_start3A_618, %dma_start3A_619] : memref<40x128xi32, #tpu.memory_space<vmem>> -> memref<1x128xi32, #tpu.memory_space<vmem>>
    %dma_start3A_621 = tpu.memref_squeeze %dma_start3A_620 : memref<1x128xi32, #tpu.memory_space<vmem>> -> memref<128xi32, #tpu.memory_space<vmem>>
    %dma_start3A_622 = arith.constant 0 : i32
    %dma_start3A_623 = arith.constant 0 : i32
    %dma_start3A_624 = tpu.memref_slice %arg10[%dma_start3A_622, %dma_start3A_623] : memref<10112x128xf32, #tpu.memory_space<vmem_shared>> -> memref<10112x128xf32, #tpu.memory_space<vmem_shared>>
    tpu.enqueue_indirect_dma source(%arg9 : memref<128x128xf32, #tpu.memory_space<vmem>>) target(%dma_start3A_624 : memref<10112x128xf32, #tpu.memory_space<vmem_shared>>) offsets(%dma_start3A_621 : memref<128xi32, #tpu.memory_space<vmem>>) semaphore(%arg13 : memref<!tpu.dma_semaphore, #tpu.memory_space<semaphore_mem>>) {add = true}
    %dma_wait3A_625 = arith.constant 22 : i32
    %dma_wait3A_626 = arith.constant 0 : i32
    %dma_wait3A_627 = tpu.memref_slice %arg6[%dma_wait3A_625, %dma_wait3A_626] : memref<40x128xi32, #tpu.memory_space<vmem>> -> memref<1x128xi32, #tpu.memory_space<vmem>>
    %dma_wait3A_628 = tpu.memref_squeeze %dma_wait3A_627 : memref<1x128xi32, #tpu.memory_space<vmem>> -> memref<128xi32, #tpu.memory_space<vmem>>
    %dma_wait3A_629 = arith.constant 0 : i32
    %dma_wait3A_630 = arith.constant 0 : i32
    %dma_wait3A_631 = tpu.memref_slice %arg2[%dma_wait3A_629, %dma_wait3A_630] : memref<10000x128xf32, #tpu.memory_space<hbm>> -> memref<10000x128xf32, #tpu.memory_space<hbm>>
    tpu.wait_indirect_dma semaphore(%arg11 : memref<!tpu.dma_semaphore, #tpu.memory_space<semaphore_mem>>) src(%dma_wait3A_631 : memref<10000x128xf32, #tpu.memory_space<hbm>>) dst(%arg8 : memref<128x128xf32, #tpu.memory_space<vmem>>)
    %dma_wait3A_632 = arith.constant 21 : i32
    %dma_wait3A_633 = arith.constant 0 : i32
    %dma_wait3A_634 = tpu.memref_slice %arg7[%dma_wait3A_632, %dma_wait3A_633] : memref<40x128xi32, #tpu.memory_space<vmem>> -> memref<1x128xi32, #tpu.memory_space<vmem>>
    %dma_wait3A_635 = tpu.memref_squeeze %dma_wait3A_634 : memref<1x128xi32, #tpu.memory_space<vmem>> -> memref<128xi32, #tpu.memory_space<vmem>>
    %dma_wait3A_636 = arith.constant 0 : i32
    %dma_wait3A_637 = arith.constant 0 : i32
    %dma_wait3A_638 = tpu.memref_slice %arg10[%dma_wait3A_636, %dma_wait3A_637] : memref<10112x128xf32, #tpu.memory_space<vmem_shared>> -> memref<10112x128xf32, #tpu.memory_space<vmem_shared>>
    tpu.wait_indirect_dma semaphore(%arg13 : memref<!tpu.dma_semaphore, #tpu.memory_space<semaphore_mem>>) src(%arg9 : memref<128x128xf32, #tpu.memory_space<vmem>>) dst(%dma_wait3A_638 : memref<10112x128xf32, #tpu.memory_space<vmem_shared>>)
    %dma_start3A_639 = arith.constant 23 : i32
    %dma_start3A_640 = arith.constant 0 : i32
    %dma_start3A_641 = tpu.memref_slice %arg6[%dma_start3A_639, %dma_start3A_640] : memref<40x128xi32, #tpu.memory_space<vmem>> -> memref<1x128xi32, #tpu.memory_space<vmem>>
    %dma_start3A_642 = tpu.memref_squeeze %dma_start3A_641 : memref<1x128xi32, #tpu.memory_space<vmem>> -> memref<128xi32, #tpu.memory_space<vmem>>
    %dma_start3A_643 = arith.constant 0 : i32
    %dma_start3A_644 = arith.constant 0 : i32
    %dma_start3A_645 = tpu.memref_slice %arg2[%dma_start3A_643, %dma_start3A_644] : memref<10000x128xf32, #tpu.memory_space<hbm>> -> memref<10000x128xf32, #tpu.memory_space<hbm>>
    tpu.enqueue_indirect_dma source(%dma_start3A_645 : memref<10000x128xf32, #tpu.memory_space<hbm>>) target(%arg9 : memref<128x128xf32, #tpu.memory_space<vmem>>) offsets(%dma_start3A_642 : memref<128xi32, #tpu.memory_space<vmem>>) semaphore(%arg12 : memref<!tpu.dma_semaphore, #tpu.memory_space<semaphore_mem>>)
    %dma_start3A_646 = arith.constant 22 : i32
    %dma_start3A_647 = arith.constant 0 : i32
    %dma_start3A_648 = tpu.memref_slice %arg7[%dma_start3A_646, %dma_start3A_647] : memref<40x128xi32, #tpu.memory_space<vmem>> -> memref<1x128xi32, #tpu.memory_space<vmem>>
    %dma_start3A_649 = tpu.memref_squeeze %dma_start3A_648 : memref<1x128xi32, #tpu.memory_space<vmem>> -> memref<128xi32, #tpu.memory_space<vmem>>
    %dma_start3A_650 = arith.constant 0 : i32
    %dma_start3A_651 = arith.constant 0 : i32
    %dma_start3A_652 = tpu.memref_slice %arg10[%dma_start3A_650, %dma_start3A_651] : memref<10112x128xf32, #tpu.memory_space<vmem_shared>> -> memref<10112x128xf32, #tpu.memory_space<vmem_shared>>
    tpu.enqueue_indirect_dma source(%arg8 : memref<128x128xf32, #tpu.memory_space<vmem>>) target(%dma_start3A_652 : memref<10112x128xf32, #tpu.memory_space<vmem_shared>>) offsets(%dma_start3A_649 : memref<128xi32, #tpu.memory_space<vmem>>) semaphore(%arg13 : memref<!tpu.dma_semaphore, #tpu.memory_space<semaphore_mem>>) {add = true}
    %dma_wait3A_653 = arith.constant 23 : i32
    %dma_wait3A_654 = arith.constant 0 : i32
    %dma_wait3A_655 = tpu.memref_slice %arg6[%dma_wait3A_653, %dma_wait3A_654] : memref<40x128xi32, #tpu.memory_space<vmem>> -> memref<1x128xi32, #tpu.memory_space<vmem>>
    %dma_wait3A_656 = tpu.memref_squeeze %dma_wait3A_655 : memref<1x128xi32, #tpu.memory_space<vmem>> -> memref<128xi32, #tpu.memory_space<vmem>>
    %dma_wait3A_657 = arith.constant 0 : i32
    %dma_wait3A_658 = arith.constant 0 : i32
    %dma_wait3A_659 = tpu.memref_slice %arg2[%dma_wait3A_657, %dma_wait3A_658] : memref<10000x128xf32, #tpu.memory_space<hbm>> -> memref<10000x128xf32, #tpu.memory_space<hbm>>
    tpu.wait_indirect_dma semaphore(%arg12 : memref<!tpu.dma_semaphore, #tpu.memory_space<semaphore_mem>>) src(%dma_wait3A_659 : memref<10000x128xf32, #tpu.memory_space<hbm>>) dst(%arg9 : memref<128x128xf32, #tpu.memory_space<vmem>>)
    %dma_wait3A_660 = arith.constant 22 : i32
    %dma_wait3A_661 = arith.constant 0 : i32
    %dma_wait3A_662 = tpu.memref_slice %arg7[%dma_wait3A_660, %dma_wait3A_661] : memref<40x128xi32, #tpu.memory_space<vmem>> -> memref<1x128xi32, #tpu.memory_space<vmem>>
    %dma_wait3A_663 = tpu.memref_squeeze %dma_wait3A_662 : memref<1x128xi32, #tpu.memory_space<vmem>> -> memref<128xi32, #tpu.memory_space<vmem>>
    %dma_wait3A_664 = arith.constant 0 : i32
    %dma_wait3A_665 = arith.constant 0 : i32
    %dma_wait3A_666 = tpu.memref_slice %arg10[%dma_wait3A_664, %dma_wait3A_665] : memref<10112x128xf32, #tpu.memory_space<vmem_shared>> -> memref<10112x128xf32, #tpu.memory_space<vmem_shared>>
    tpu.wait_indirect_dma semaphore(%arg13 : memref<!tpu.dma_semaphore, #tpu.memory_space<semaphore_mem>>) src(%arg8 : memref<128x128xf32, #tpu.memory_space<vmem>>) dst(%dma_wait3A_666 : memref<10112x128xf32, #tpu.memory_space<vmem_shared>>)
    %dma_start3A_667 = arith.constant 24 : i32
    %dma_start3A_668 = arith.constant 0 : i32
    %dma_start3A_669 = tpu.memref_slice %arg6[%dma_start3A_667, %dma_start3A_668] : memref<40x128xi32, #tpu.memory_space<vmem>> -> memref<1x128xi32, #tpu.memory_space<vmem>>
    %dma_start3A_670 = tpu.memref_squeeze %dma_start3A_669 : memref<1x128xi32, #tpu.memory_space<vmem>> -> memref<128xi32, #tpu.memory_space<vmem>>
    %dma_start3A_671 = arith.constant 0 : i32
    %dma_start3A_672 = arith.constant 0 : i32
    %dma_start3A_673 = tpu.memref_slice %arg2[%dma_start3A_671, %dma_start3A_672] : memref<10000x128xf32, #tpu.memory_space<hbm>> -> memref<10000x128xf32, #tpu.memory_space<hbm>>
    tpu.enqueue_indirect_dma source(%dma_start3A_673 : memref<10000x128xf32, #tpu.memory_space<hbm>>) target(%arg8 : memref<128x128xf32, #tpu.memory_space<vmem>>) offsets(%dma_start3A_670 : memref<128xi32, #tpu.memory_space<vmem>>) semaphore(%arg11 : memref<!tpu.dma_semaphore, #tpu.memory_space<semaphore_mem>>)
    %dma_start3A_674 = arith.constant 23 : i32
    %dma_start3A_675 = arith.constant 0 : i32
    %dma_start3A_676 = tpu.memref_slice %arg7[%dma_start3A_674, %dma_start3A_675] : memref<40x128xi32, #tpu.memory_space<vmem>> -> memref<1x128xi32, #tpu.memory_space<vmem>>
    %dma_start3A_677 = tpu.memref_squeeze %dma_start3A_676 : memref<1x128xi32, #tpu.memory_space<vmem>> -> memref<128xi32, #tpu.memory_space<vmem>>
    %dma_start3A_678 = arith.constant 0 : i32
    %dma_start3A_679 = arith.constant 0 : i32
    %dma_start3A_680 = tpu.memref_slice %arg10[%dma_start3A_678, %dma_start3A_679] : memref<10112x128xf32, #tpu.memory_space<vmem_shared>> -> memref<10112x128xf32, #tpu.memory_space<vmem_shared>>
    tpu.enqueue_indirect_dma source(%arg9 : memref<128x128xf32, #tpu.memory_space<vmem>>) target(%dma_start3A_680 : memref<10112x128xf32, #tpu.memory_space<vmem_shared>>) offsets(%dma_start3A_677 : memref<128xi32, #tpu.memory_space<vmem>>) semaphore(%arg13 : memref<!tpu.dma_semaphore, #tpu.memory_space<semaphore_mem>>) {add = true}
    %dma_wait3A_681 = arith.constant 24 : i32
    %dma_wait3A_682 = arith.constant 0 : i32
    %dma_wait3A_683 = tpu.memref_slice %arg6[%dma_wait3A_681, %dma_wait3A_682] : memref<40x128xi32, #tpu.memory_space<vmem>> -> memref<1x128xi32, #tpu.memory_space<vmem>>
    %dma_wait3A_684 = tpu.memref_squeeze %dma_wait3A_683 : memref<1x128xi32, #tpu.memory_space<vmem>> -> memref<128xi32, #tpu.memory_space<vmem>>
    %dma_wait3A_685 = arith.constant 0 : i32
    %dma_wait3A_686 = arith.constant 0 : i32
    %dma_wait3A_687 = tpu.memref_slice %arg2[%dma_wait3A_685, %dma_wait3A_686] : memref<10000x128xf32, #tpu.memory_space<hbm>> -> memref<10000x128xf32, #tpu.memory_space<hbm>>
    tpu.wait_indirect_dma semaphore(%arg11 : memref<!tpu.dma_semaphore, #tpu.memory_space<semaphore_mem>>) src(%dma_wait3A_687 : memref<10000x128xf32, #tpu.memory_space<hbm>>) dst(%arg8 : memref<128x128xf32, #tpu.memory_space<vmem>>)
    %dma_wait3A_688 = arith.constant 23 : i32
    %dma_wait3A_689 = arith.constant 0 : i32
    %dma_wait3A_690 = tpu.memref_slice %arg7[%dma_wait3A_688, %dma_wait3A_689] : memref<40x128xi32, #tpu.memory_space<vmem>> -> memref<1x128xi32, #tpu.memory_space<vmem>>
    %dma_wait3A_691 = tpu.memref_squeeze %dma_wait3A_690 : memref<1x128xi32, #tpu.memory_space<vmem>> -> memref<128xi32, #tpu.memory_space<vmem>>
    %dma_wait3A_692 = arith.constant 0 : i32
    %dma_wait3A_693 = arith.constant 0 : i32
    %dma_wait3A_694 = tpu.memref_slice %arg10[%dma_wait3A_692, %dma_wait3A_693] : memref<10112x128xf32, #tpu.memory_space<vmem_shared>> -> memref<10112x128xf32, #tpu.memory_space<vmem_shared>>
    tpu.wait_indirect_dma semaphore(%arg13 : memref<!tpu.dma_semaphore, #tpu.memory_space<semaphore_mem>>) src(%arg9 : memref<128x128xf32, #tpu.memory_space<vmem>>) dst(%dma_wait3A_694 : memref<10112x128xf32, #tpu.memory_space<vmem_shared>>)
    %dma_start3A_695 = arith.constant 25 : i32
    %dma_start3A_696 = arith.constant 0 : i32
    %dma_start3A_697 = tpu.memref_slice %arg6[%dma_start3A_695, %dma_start3A_696] : memref<40x128xi32, #tpu.memory_space<vmem>> -> memref<1x128xi32, #tpu.memory_space<vmem>>
    %dma_start3A_698 = tpu.memref_squeeze %dma_start3A_697 : memref<1x128xi32, #tpu.memory_space<vmem>> -> memref<128xi32, #tpu.memory_space<vmem>>
    %dma_start3A_699 = arith.constant 0 : i32
    %dma_start3A_700 = arith.constant 0 : i32
    %dma_start3A_701 = tpu.memref_slice %arg2[%dma_start3A_699, %dma_start3A_700] : memref<10000x128xf32, #tpu.memory_space<hbm>> -> memref<10000x128xf32, #tpu.memory_space<hbm>>
    tpu.enqueue_indirect_dma source(%dma_start3A_701 : memref<10000x128xf32, #tpu.memory_space<hbm>>) target(%arg9 : memref<128x128xf32, #tpu.memory_space<vmem>>) offsets(%dma_start3A_698 : memref<128xi32, #tpu.memory_space<vmem>>) semaphore(%arg12 : memref<!tpu.dma_semaphore, #tpu.memory_space<semaphore_mem>>)
    %dma_start3A_702 = arith.constant 24 : i32
    %dma_start3A_703 = arith.constant 0 : i32
    %dma_start3A_704 = tpu.memref_slice %arg7[%dma_start3A_702, %dma_start3A_703] : memref<40x128xi32, #tpu.memory_space<vmem>> -> memref<1x128xi32, #tpu.memory_space<vmem>>
    %dma_start3A_705 = tpu.memref_squeeze %dma_start3A_704 : memref<1x128xi32, #tpu.memory_space<vmem>> -> memref<128xi32, #tpu.memory_space<vmem>>
    %dma_start3A_706 = arith.constant 0 : i32
    %dma_start3A_707 = arith.constant 0 : i32
    %dma_start3A_708 = tpu.memref_slice %arg10[%dma_start3A_706, %dma_start3A_707] : memref<10112x128xf32, #tpu.memory_space<vmem_shared>> -> memref<10112x128xf32, #tpu.memory_space<vmem_shared>>
    tpu.enqueue_indirect_dma source(%arg8 : memref<128x128xf32, #tpu.memory_space<vmem>>) target(%dma_start3A_708 : memref<10112x128xf32, #tpu.memory_space<vmem_shared>>) offsets(%dma_start3A_705 : memref<128xi32, #tpu.memory_space<vmem>>) semaphore(%arg13 : memref<!tpu.dma_semaphore, #tpu.memory_space<semaphore_mem>>) {add = true}
    %dma_wait3A_709 = arith.constant 25 : i32
    %dma_wait3A_710 = arith.constant 0 : i32
    %dma_wait3A_711 = tpu.memref_slice %arg6[%dma_wait3A_709, %dma_wait3A_710] : memref<40x128xi32, #tpu.memory_space<vmem>> -> memref<1x128xi32, #tpu.memory_space<vmem>>
    %dma_wait3A_712 = tpu.memref_squeeze %dma_wait3A_711 : memref<1x128xi32, #tpu.memory_space<vmem>> -> memref<128xi32, #tpu.memory_space<vmem>>
    %dma_wait3A_713 = arith.constant 0 : i32
    %dma_wait3A_714 = arith.constant 0 : i32
    %dma_wait3A_715 = tpu.memref_slice %arg2[%dma_wait3A_713, %dma_wait3A_714] : memref<10000x128xf32, #tpu.memory_space<hbm>> -> memref<10000x128xf32, #tpu.memory_space<hbm>>
    tpu.wait_indirect_dma semaphore(%arg12 : memref<!tpu.dma_semaphore, #tpu.memory_space<semaphore_mem>>) src(%dma_wait3A_715 : memref<10000x128xf32, #tpu.memory_space<hbm>>) dst(%arg9 : memref<128x128xf32, #tpu.memory_space<vmem>>)
    %dma_wait3A_716 = arith.constant 24 : i32
    %dma_wait3A_717 = arith.constant 0 : i32
    %dma_wait3A_718 = tpu.memref_slice %arg7[%dma_wait3A_716, %dma_wait3A_717] : memref<40x128xi32, #tpu.memory_space<vmem>> -> memref<1x128xi32, #tpu.memory_space<vmem>>
    %dma_wait3A_719 = tpu.memref_squeeze %dma_wait3A_718 : memref<1x128xi32, #tpu.memory_space<vmem>> -> memref<128xi32, #tpu.memory_space<vmem>>
    %dma_wait3A_720 = arith.constant 0 : i32
    %dma_wait3A_721 = arith.constant 0 : i32
    %dma_wait3A_722 = tpu.memref_slice %arg10[%dma_wait3A_720, %dma_wait3A_721] : memref<10112x128xf32, #tpu.memory_space<vmem_shared>> -> memref<10112x128xf32, #tpu.memory_space<vmem_shared>>
    tpu.wait_indirect_dma semaphore(%arg13 : memref<!tpu.dma_semaphore, #tpu.memory_space<semaphore_mem>>) src(%arg8 : memref<128x128xf32, #tpu.memory_space<vmem>>) dst(%dma_wait3A_722 : memref<10112x128xf32, #tpu.memory_space<vmem_shared>>)
    %dma_start3A_723 = arith.constant 26 : i32
    %dma_start3A_724 = arith.constant 0 : i32
    %dma_start3A_725 = tpu.memref_slice %arg6[%dma_start3A_723, %dma_start3A_724] : memref<40x128xi32, #tpu.memory_space<vmem>> -> memref<1x128xi32, #tpu.memory_space<vmem>>
    %dma_start3A_726 = tpu.memref_squeeze %dma_start3A_725 : memref<1x128xi32, #tpu.memory_space<vmem>> -> memref<128xi32, #tpu.memory_space<vmem>>
    %dma_start3A_727 = arith.constant 0 : i32
    %dma_start3A_728 = arith.constant 0 : i32
    %dma_start3A_729 = tpu.memref_slice %arg2[%dma_start3A_727, %dma_start3A_728] : memref<10000x128xf32, #tpu.memory_space<hbm>> -> memref<10000x128xf32, #tpu.memory_space<hbm>>
    tpu.enqueue_indirect_dma source(%dma_start3A_729 : memref<10000x128xf32, #tpu.memory_space<hbm>>) target(%arg8 : memref<128x128xf32, #tpu.memory_space<vmem>>) offsets(%dma_start3A_726 : memref<128xi32, #tpu.memory_space<vmem>>) semaphore(%arg11 : memref<!tpu.dma_semaphore, #tpu.memory_space<semaphore_mem>>)
    %dma_start3A_730 = arith.constant 25 : i32
    %dma_start3A_731 = arith.constant 0 : i32
    %dma_start3A_732 = tpu.memref_slice %arg7[%dma_start3A_730, %dma_start3A_731] : memref<40x128xi32, #tpu.memory_space<vmem>> -> memref<1x128xi32, #tpu.memory_space<vmem>>
    %dma_start3A_733 = tpu.memref_squeeze %dma_start3A_732 : memref<1x128xi32, #tpu.memory_space<vmem>> -> memref<128xi32, #tpu.memory_space<vmem>>
    %dma_start3A_734 = arith.constant 0 : i32
    %dma_start3A_735 = arith.constant 0 : i32
    %dma_start3A_736 = tpu.memref_slice %arg10[%dma_start3A_734, %dma_start3A_735] : memref<10112x128xf32, #tpu.memory_space<vmem_shared>> -> memref<10112x128xf32, #tpu.memory_space<vmem_shared>>
    tpu.enqueue_indirect_dma source(%arg9 : memref<128x128xf32, #tpu.memory_space<vmem>>) target(%dma_start3A_736 : memref<10112x128xf32, #tpu.memory_space<vmem_shared>>) offsets(%dma_start3A_733 : memref<128xi32, #tpu.memory_space<vmem>>) semaphore(%arg13 : memref<!tpu.dma_semaphore, #tpu.memory_space<semaphore_mem>>) {add = true}
    %dma_wait3A_737 = arith.constant 26 : i32
    %dma_wait3A_738 = arith.constant 0 : i32
    %dma_wait3A_739 = tpu.memref_slice %arg6[%dma_wait3A_737, %dma_wait3A_738] : memref<40x128xi32, #tpu.memory_space<vmem>> -> memref<1x128xi32, #tpu.memory_space<vmem>>
    %dma_wait3A_740 = tpu.memref_squeeze %dma_wait3A_739 : memref<1x128xi32, #tpu.memory_space<vmem>> -> memref<128xi32, #tpu.memory_space<vmem>>
    %dma_wait3A_741 = arith.constant 0 : i32
    %dma_wait3A_742 = arith.constant 0 : i32
    %dma_wait3A_743 = tpu.memref_slice %arg2[%dma_wait3A_741, %dma_wait3A_742] : memref<10000x128xf32, #tpu.memory_space<hbm>> -> memref<10000x128xf32, #tpu.memory_space<hbm>>
    tpu.wait_indirect_dma semaphore(%arg11 : memref<!tpu.dma_semaphore, #tpu.memory_space<semaphore_mem>>) src(%dma_wait3A_743 : memref<10000x128xf32, #tpu.memory_space<hbm>>) dst(%arg8 : memref<128x128xf32, #tpu.memory_space<vmem>>)
    %dma_wait3A_744 = arith.constant 25 : i32
    %dma_wait3A_745 = arith.constant 0 : i32
    %dma_wait3A_746 = tpu.memref_slice %arg7[%dma_wait3A_744, %dma_wait3A_745] : memref<40x128xi32, #tpu.memory_space<vmem>> -> memref<1x128xi32, #tpu.memory_space<vmem>>
    %dma_wait3A_747 = tpu.memref_squeeze %dma_wait3A_746 : memref<1x128xi32, #tpu.memory_space<vmem>> -> memref<128xi32, #tpu.memory_space<vmem>>
    %dma_wait3A_748 = arith.constant 0 : i32
    %dma_wait3A_749 = arith.constant 0 : i32
    %dma_wait3A_750 = tpu.memref_slice %arg10[%dma_wait3A_748, %dma_wait3A_749] : memref<10112x128xf32, #tpu.memory_space<vmem_shared>> -> memref<10112x128xf32, #tpu.memory_space<vmem_shared>>
    tpu.wait_indirect_dma semaphore(%arg13 : memref<!tpu.dma_semaphore, #tpu.memory_space<semaphore_mem>>) src(%arg9 : memref<128x128xf32, #tpu.memory_space<vmem>>) dst(%dma_wait3A_750 : memref<10112x128xf32, #tpu.memory_space<vmem_shared>>)
    %dma_start3A_751 = arith.constant 27 : i32
    %dma_start3A_752 = arith.constant 0 : i32
    %dma_start3A_753 = tpu.memref_slice %arg6[%dma_start3A_751, %dma_start3A_752] : memref<40x128xi32, #tpu.memory_space<vmem>> -> memref<1x128xi32, #tpu.memory_space<vmem>>
    %dma_start3A_754 = tpu.memref_squeeze %dma_start3A_753 : memref<1x128xi32, #tpu.memory_space<vmem>> -> memref<128xi32, #tpu.memory_space<vmem>>
    %dma_start3A_755 = arith.constant 0 : i32
    %dma_start3A_756 = arith.constant 0 : i32
    %dma_start3A_757 = tpu.memref_slice %arg2[%dma_start3A_755, %dma_start3A_756] : memref<10000x128xf32, #tpu.memory_space<hbm>> -> memref<10000x128xf32, #tpu.memory_space<hbm>>
    tpu.enqueue_indirect_dma source(%dma_start3A_757 : memref<10000x128xf32, #tpu.memory_space<hbm>>) target(%arg9 : memref<128x128xf32, #tpu.memory_space<vmem>>) offsets(%dma_start3A_754 : memref<128xi32, #tpu.memory_space<vmem>>) semaphore(%arg12 : memref<!tpu.dma_semaphore, #tpu.memory_space<semaphore_mem>>)
    %dma_start3A_758 = arith.constant 26 : i32
    %dma_start3A_759 = arith.constant 0 : i32
    %dma_start3A_760 = tpu.memref_slice %arg7[%dma_start3A_758, %dma_start3A_759] : memref<40x128xi32, #tpu.memory_space<vmem>> -> memref<1x128xi32, #tpu.memory_space<vmem>>
    %dma_start3A_761 = tpu.memref_squeeze %dma_start3A_760 : memref<1x128xi32, #tpu.memory_space<vmem>> -> memref<128xi32, #tpu.memory_space<vmem>>
    %dma_start3A_762 = arith.constant 0 : i32
    %dma_start3A_763 = arith.constant 0 : i32
    %dma_start3A_764 = tpu.memref_slice %arg10[%dma_start3A_762, %dma_start3A_763] : memref<10112x128xf32, #tpu.memory_space<vmem_shared>> -> memref<10112x128xf32, #tpu.memory_space<vmem_shared>>
    tpu.enqueue_indirect_dma source(%arg8 : memref<128x128xf32, #tpu.memory_space<vmem>>) target(%dma_start3A_764 : memref<10112x128xf32, #tpu.memory_space<vmem_shared>>) offsets(%dma_start3A_761 : memref<128xi32, #tpu.memory_space<vmem>>) semaphore(%arg13 : memref<!tpu.dma_semaphore, #tpu.memory_space<semaphore_mem>>) {add = true}
    %dma_wait3A_765 = arith.constant 27 : i32
    %dma_wait3A_766 = arith.constant 0 : i32
    %dma_wait3A_767 = tpu.memref_slice %arg6[%dma_wait3A_765, %dma_wait3A_766] : memref<40x128xi32, #tpu.memory_space<vmem>> -> memref<1x128xi32, #tpu.memory_space<vmem>>
    %dma_wait3A_768 = tpu.memref_squeeze %dma_wait3A_767 : memref<1x128xi32, #tpu.memory_space<vmem>> -> memref<128xi32, #tpu.memory_space<vmem>>
    %dma_wait3A_769 = arith.constant 0 : i32
    %dma_wait3A_770 = arith.constant 0 : i32
    %dma_wait3A_771 = tpu.memref_slice %arg2[%dma_wait3A_769, %dma_wait3A_770] : memref<10000x128xf32, #tpu.memory_space<hbm>> -> memref<10000x128xf32, #tpu.memory_space<hbm>>
    tpu.wait_indirect_dma semaphore(%arg12 : memref<!tpu.dma_semaphore, #tpu.memory_space<semaphore_mem>>) src(%dma_wait3A_771 : memref<10000x128xf32, #tpu.memory_space<hbm>>) dst(%arg9 : memref<128x128xf32, #tpu.memory_space<vmem>>)
    %dma_wait3A_772 = arith.constant 26 : i32
    %dma_wait3A_773 = arith.constant 0 : i32
    %dma_wait3A_774 = tpu.memref_slice %arg7[%dma_wait3A_772, %dma_wait3A_773] : memref<40x128xi32, #tpu.memory_space<vmem>> -> memref<1x128xi32, #tpu.memory_space<vmem>>
    %dma_wait3A_775 = tpu.memref_squeeze %dma_wait3A_774 : memref<1x128xi32, #tpu.memory_space<vmem>> -> memref<128xi32, #tpu.memory_space<vmem>>
    %dma_wait3A_776 = arith.constant 0 : i32
    %dma_wait3A_777 = arith.constant 0 : i32
    %dma_wait3A_778 = tpu.memref_slice %arg10[%dma_wait3A_776, %dma_wait3A_777] : memref<10112x128xf32, #tpu.memory_space<vmem_shared>> -> memref<10112x128xf32, #tpu.memory_space<vmem_shared>>
    tpu.wait_indirect_dma semaphore(%arg13 : memref<!tpu.dma_semaphore, #tpu.memory_space<semaphore_mem>>) src(%arg8 : memref<128x128xf32, #tpu.memory_space<vmem>>) dst(%dma_wait3A_778 : memref<10112x128xf32, #tpu.memory_space<vmem_shared>>)
    %dma_start3A_779 = arith.constant 28 : i32
    %dma_start3A_780 = arith.constant 0 : i32
    %dma_start3A_781 = tpu.memref_slice %arg6[%dma_start3A_779, %dma_start3A_780] : memref<40x128xi32, #tpu.memory_space<vmem>> -> memref<1x128xi32, #tpu.memory_space<vmem>>
    %dma_start3A_782 = tpu.memref_squeeze %dma_start3A_781 : memref<1x128xi32, #tpu.memory_space<vmem>> -> memref<128xi32, #tpu.memory_space<vmem>>
    %dma_start3A_783 = arith.constant 0 : i32
    %dma_start3A_784 = arith.constant 0 : i32
    %dma_start3A_785 = tpu.memref_slice %arg2[%dma_start3A_783, %dma_start3A_784] : memref<10000x128xf32, #tpu.memory_space<hbm>> -> memref<10000x128xf32, #tpu.memory_space<hbm>>
    tpu.enqueue_indirect_dma source(%dma_start3A_785 : memref<10000x128xf32, #tpu.memory_space<hbm>>) target(%arg8 : memref<128x128xf32, #tpu.memory_space<vmem>>) offsets(%dma_start3A_782 : memref<128xi32, #tpu.memory_space<vmem>>) semaphore(%arg11 : memref<!tpu.dma_semaphore, #tpu.memory_space<semaphore_mem>>)
    %dma_start3A_786 = arith.constant 27 : i32
    %dma_start3A_787 = arith.constant 0 : i32
    %dma_start3A_788 = tpu.memref_slice %arg7[%dma_start3A_786, %dma_start3A_787] : memref<40x128xi32, #tpu.memory_space<vmem>> -> memref<1x128xi32, #tpu.memory_space<vmem>>
    %dma_start3A_789 = tpu.memref_squeeze %dma_start3A_788 : memref<1x128xi32, #tpu.memory_space<vmem>> -> memref<128xi32, #tpu.memory_space<vmem>>
    %dma_start3A_790 = arith.constant 0 : i32
    %dma_start3A_791 = arith.constant 0 : i32
    %dma_start3A_792 = tpu.memref_slice %arg10[%dma_start3A_790, %dma_start3A_791] : memref<10112x128xf32, #tpu.memory_space<vmem_shared>> -> memref<10112x128xf32, #tpu.memory_space<vmem_shared>>
    tpu.enqueue_indirect_dma source(%arg9 : memref<128x128xf32, #tpu.memory_space<vmem>>) target(%dma_start3A_792 : memref<10112x128xf32, #tpu.memory_space<vmem_shared>>) offsets(%dma_start3A_789 : memref<128xi32, #tpu.memory_space<vmem>>) semaphore(%arg13 : memref<!tpu.dma_semaphore, #tpu.memory_space<semaphore_mem>>) {add = true}
    %dma_wait3A_793 = arith.constant 28 : i32
    %dma_wait3A_794 = arith.constant 0 : i32
    %dma_wait3A_795 = tpu.memref_slice %arg6[%dma_wait3A_793, %dma_wait3A_794] : memref<40x128xi32, #tpu.memory_space<vmem>> -> memref<1x128xi32, #tpu.memory_space<vmem>>
    %dma_wait3A_796 = tpu.memref_squeeze %dma_wait3A_795 : memref<1x128xi32, #tpu.memory_space<vmem>> -> memref<128xi32, #tpu.memory_space<vmem>>
    %dma_wait3A_797 = arith.constant 0 : i32
    %dma_wait3A_798 = arith.constant 0 : i32
    %dma_wait3A_799 = tpu.memref_slice %arg2[%dma_wait3A_797, %dma_wait3A_798] : memref<10000x128xf32, #tpu.memory_space<hbm>> -> memref<10000x128xf32, #tpu.memory_space<hbm>>
    tpu.wait_indirect_dma semaphore(%arg11 : memref<!tpu.dma_semaphore, #tpu.memory_space<semaphore_mem>>) src(%dma_wait3A_799 : memref<10000x128xf32, #tpu.memory_space<hbm>>) dst(%arg8 : memref<128x128xf32, #tpu.memory_space<vmem>>)
    %dma_wait3A_800 = arith.constant 27 : i32
    %dma_wait3A_801 = arith.constant 0 : i32
    %dma_wait3A_802 = tpu.memref_slice %arg7[%dma_wait3A_800, %dma_wait3A_801] : memref<40x128xi32, #tpu.memory_space<vmem>> -> memref<1x128xi32, #tpu.memory_space<vmem>>
    %dma_wait3A_803 = tpu.memref_squeeze %dma_wait3A_802 : memref<1x128xi32, #tpu.memory_space<vmem>> -> memref<128xi32, #tpu.memory_space<vmem>>
    %dma_wait3A_804 = arith.constant 0 : i32
    %dma_wait3A_805 = arith.constant 0 : i32
    %dma_wait3A_806 = tpu.memref_slice %arg10[%dma_wait3A_804, %dma_wait3A_805] : memref<10112x128xf32, #tpu.memory_space<vmem_shared>> -> memref<10112x128xf32, #tpu.memory_space<vmem_shared>>
    tpu.wait_indirect_dma semaphore(%arg13 : memref<!tpu.dma_semaphore, #tpu.memory_space<semaphore_mem>>) src(%arg9 : memref<128x128xf32, #tpu.memory_space<vmem>>) dst(%dma_wait3A_806 : memref<10112x128xf32, #tpu.memory_space<vmem_shared>>)
    %dma_start3A_807 = arith.constant 29 : i32
    %dma_start3A_808 = arith.constant 0 : i32
    %dma_start3A_809 = tpu.memref_slice %arg6[%dma_start3A_807, %dma_start3A_808] : memref<40x128xi32, #tpu.memory_space<vmem>> -> memref<1x128xi32, #tpu.memory_space<vmem>>
    %dma_start3A_810 = tpu.memref_squeeze %dma_start3A_809 : memref<1x128xi32, #tpu.memory_space<vmem>> -> memref<128xi32, #tpu.memory_space<vmem>>
    %dma_start3A_811 = arith.constant 0 : i32
    %dma_start3A_812 = arith.constant 0 : i32
    %dma_start3A_813 = tpu.memref_slice %arg2[%dma_start3A_811, %dma_start3A_812] : memref<10000x128xf32, #tpu.memory_space<hbm>> -> memref<10000x128xf32, #tpu.memory_space<hbm>>
    tpu.enqueue_indirect_dma source(%dma_start3A_813 : memref<10000x128xf32, #tpu.memory_space<hbm>>) target(%arg9 : memref<128x128xf32, #tpu.memory_space<vmem>>) offsets(%dma_start3A_810 : memref<128xi32, #tpu.memory_space<vmem>>) semaphore(%arg12 : memref<!tpu.dma_semaphore, #tpu.memory_space<semaphore_mem>>)
    %dma_start3A_814 = arith.constant 28 : i32
    %dma_start3A_815 = arith.constant 0 : i32
    %dma_start3A_816 = tpu.memref_slice %arg7[%dma_start3A_814, %dma_start3A_815] : memref<40x128xi32, #tpu.memory_space<vmem>> -> memref<1x128xi32, #tpu.memory_space<vmem>>
    %dma_start3A_817 = tpu.memref_squeeze %dma_start3A_816 : memref<1x128xi32, #tpu.memory_space<vmem>> -> memref<128xi32, #tpu.memory_space<vmem>>
    %dma_start3A_818 = arith.constant 0 : i32
    %dma_start3A_819 = arith.constant 0 : i32
    %dma_start3A_820 = tpu.memref_slice %arg10[%dma_start3A_818, %dma_start3A_819] : memref<10112x128xf32, #tpu.memory_space<vmem_shared>> -> memref<10112x128xf32, #tpu.memory_space<vmem_shared>>
    tpu.enqueue_indirect_dma source(%arg8 : memref<128x128xf32, #tpu.memory_space<vmem>>) target(%dma_start3A_820 : memref<10112x128xf32, #tpu.memory_space<vmem_shared>>) offsets(%dma_start3A_817 : memref<128xi32, #tpu.memory_space<vmem>>) semaphore(%arg13 : memref<!tpu.dma_semaphore, #tpu.memory_space<semaphore_mem>>) {add = true}
    %dma_wait3A_821 = arith.constant 29 : i32
    %dma_wait3A_822 = arith.constant 0 : i32
    %dma_wait3A_823 = tpu.memref_slice %arg6[%dma_wait3A_821, %dma_wait3A_822] : memref<40x128xi32, #tpu.memory_space<vmem>> -> memref<1x128xi32, #tpu.memory_space<vmem>>
    %dma_wait3A_824 = tpu.memref_squeeze %dma_wait3A_823 : memref<1x128xi32, #tpu.memory_space<vmem>> -> memref<128xi32, #tpu.memory_space<vmem>>
    %dma_wait3A_825 = arith.constant 0 : i32
    %dma_wait3A_826 = arith.constant 0 : i32
    %dma_wait3A_827 = tpu.memref_slice %arg2[%dma_wait3A_825, %dma_wait3A_826] : memref<10000x128xf32, #tpu.memory_space<hbm>> -> memref<10000x128xf32, #tpu.memory_space<hbm>>
    tpu.wait_indirect_dma semaphore(%arg12 : memref<!tpu.dma_semaphore, #tpu.memory_space<semaphore_mem>>) src(%dma_wait3A_827 : memref<10000x128xf32, #tpu.memory_space<hbm>>) dst(%arg9 : memref<128x128xf32, #tpu.memory_space<vmem>>)
    %dma_wait3A_828 = arith.constant 28 : i32
    %dma_wait3A_829 = arith.constant 0 : i32
    %dma_wait3A_830 = tpu.memref_slice %arg7[%dma_wait3A_828, %dma_wait3A_829] : memref<40x128xi32, #tpu.memory_space<vmem>> -> memref<1x128xi32, #tpu.memory_space<vmem>>
    %dma_wait3A_831 = tpu.memref_squeeze %dma_wait3A_830 : memref<1x128xi32, #tpu.memory_space<vmem>> -> memref<128xi32, #tpu.memory_space<vmem>>
    %dma_wait3A_832 = arith.constant 0 : i32
    %dma_wait3A_833 = arith.constant 0 : i32
    %dma_wait3A_834 = tpu.memref_slice %arg10[%dma_wait3A_832, %dma_wait3A_833] : memref<10112x128xf32, #tpu.memory_space<vmem_shared>> -> memref<10112x128xf32, #tpu.memory_space<vmem_shared>>
    tpu.wait_indirect_dma semaphore(%arg13 : memref<!tpu.dma_semaphore, #tpu.memory_space<semaphore_mem>>) src(%arg8 : memref<128x128xf32, #tpu.memory_space<vmem>>) dst(%dma_wait3A_834 : memref<10112x128xf32, #tpu.memory_space<vmem_shared>>)
    %dma_start3A_835 = arith.constant 30 : i32
    %dma_start3A_836 = arith.constant 0 : i32
    %dma_start3A_837 = tpu.memref_slice %arg6[%dma_start3A_835, %dma_start3A_836] : memref<40x128xi32, #tpu.memory_space<vmem>> -> memref<1x128xi32, #tpu.memory_space<vmem>>
    %dma_start3A_838 = tpu.memref_squeeze %dma_start3A_837 : memref<1x128xi32, #tpu.memory_space<vmem>> -> memref<128xi32, #tpu.memory_space<vmem>>
    %dma_start3A_839 = arith.constant 0 : i32
    %dma_start3A_840 = arith.constant 0 : i32
    %dma_start3A_841 = tpu.memref_slice %arg2[%dma_start3A_839, %dma_start3A_840] : memref<10000x128xf32, #tpu.memory_space<hbm>> -> memref<10000x128xf32, #tpu.memory_space<hbm>>
    tpu.enqueue_indirect_dma source(%dma_start3A_841 : memref<10000x128xf32, #tpu.memory_space<hbm>>) target(%arg8 : memref<128x128xf32, #tpu.memory_space<vmem>>) offsets(%dma_start3A_838 : memref<128xi32, #tpu.memory_space<vmem>>) semaphore(%arg11 : memref<!tpu.dma_semaphore, #tpu.memory_space<semaphore_mem>>)
    %dma_start3A_842 = arith.constant 29 : i32
    %dma_start3A_843 = arith.constant 0 : i32
    %dma_start3A_844 = tpu.memref_slice %arg7[%dma_start3A_842, %dma_start3A_843] : memref<40x128xi32, #tpu.memory_space<vmem>> -> memref<1x128xi32, #tpu.memory_space<vmem>>
    %dma_start3A_845 = tpu.memref_squeeze %dma_start3A_844 : memref<1x128xi32, #tpu.memory_space<vmem>> -> memref<128xi32, #tpu.memory_space<vmem>>
    %dma_start3A_846 = arith.constant 0 : i32
    %dma_start3A_847 = arith.constant 0 : i32
    %dma_start3A_848 = tpu.memref_slice %arg10[%dma_start3A_846, %dma_start3A_847] : memref<10112x128xf32, #tpu.memory_space<vmem_shared>> -> memref<10112x128xf32, #tpu.memory_space<vmem_shared>>
    tpu.enqueue_indirect_dma source(%arg9 : memref<128x128xf32, #tpu.memory_space<vmem>>) target(%dma_start3A_848 : memref<10112x128xf32, #tpu.memory_space<vmem_shared>>) offsets(%dma_start3A_845 : memref<128xi32, #tpu.memory_space<vmem>>) semaphore(%arg13 : memref<!tpu.dma_semaphore, #tpu.memory_space<semaphore_mem>>) {add = true}
    %dma_wait3A_849 = arith.constant 30 : i32
    %dma_wait3A_850 = arith.constant 0 : i32
    %dma_wait3A_851 = tpu.memref_slice %arg6[%dma_wait3A_849, %dma_wait3A_850] : memref<40x128xi32, #tpu.memory_space<vmem>> -> memref<1x128xi32, #tpu.memory_space<vmem>>
    %dma_wait3A_852 = tpu.memref_squeeze %dma_wait3A_851 : memref<1x128xi32, #tpu.memory_space<vmem>> -> memref<128xi32, #tpu.memory_space<vmem>>
    %dma_wait3A_853 = arith.constant 0 : i32
    %dma_wait3A_854 = arith.constant 0 : i32
    %dma_wait3A_855 = tpu.memref_slice %arg2[%dma_wait3A_853, %dma_wait3A_854] : memref<10000x128xf32, #tpu.memory_space<hbm>> -> memref<10000x128xf32, #tpu.memory_space<hbm>>
    tpu.wait_indirect_dma semaphore(%arg11 : memref<!tpu.dma_semaphore, #tpu.memory_space<semaphore_mem>>) src(%dma_wait3A_855 : memref<10000x128xf32, #tpu.memory_space<hbm>>) dst(%arg8 : memref<128x128xf32, #tpu.memory_space<vmem>>)
    %dma_wait3A_856 = arith.constant 29 : i32
    %dma_wait3A_857 = arith.constant 0 : i32
    %dma_wait3A_858 = tpu.memref_slice %arg7[%dma_wait3A_856, %dma_wait3A_857] : memref<40x128xi32, #tpu.memory_space<vmem>> -> memref<1x128xi32, #tpu.memory_space<vmem>>
    %dma_wait3A_859 = tpu.memref_squeeze %dma_wait3A_858 : memref<1x128xi32, #tpu.memory_space<vmem>> -> memref<128xi32, #tpu.memory_space<vmem>>
    %dma_wait3A_860 = arith.constant 0 : i32
    %dma_wait3A_861 = arith.constant 0 : i32
    %dma_wait3A_862 = tpu.memref_slice %arg10[%dma_wait3A_860, %dma_wait3A_861] : memref<10112x128xf32, #tpu.memory_space<vmem_shared>> -> memref<10112x128xf32, #tpu.memory_space<vmem_shared>>
    tpu.wait_indirect_dma semaphore(%arg13 : memref<!tpu.dma_semaphore, #tpu.memory_space<semaphore_mem>>) src(%arg9 : memref<128x128xf32, #tpu.memory_space<vmem>>) dst(%dma_wait3A_862 : memref<10112x128xf32, #tpu.memory_space<vmem_shared>>)
    %dma_start3A_863 = arith.constant 31 : i32
    %dma_start3A_864 = arith.constant 0 : i32
    %dma_start3A_865 = tpu.memref_slice %arg6[%dma_start3A_863, %dma_start3A_864] : memref<40x128xi32, #tpu.memory_space<vmem>> -> memref<1x128xi32, #tpu.memory_space<vmem>>
    %dma_start3A_866 = tpu.memref_squeeze %dma_start3A_865 : memref<1x128xi32, #tpu.memory_space<vmem>> -> memref<128xi32, #tpu.memory_space<vmem>>
    %dma_start3A_867 = arith.constant 0 : i32
    %dma_start3A_868 = arith.constant 0 : i32
    %dma_start3A_869 = tpu.memref_slice %arg2[%dma_start3A_867, %dma_start3A_868] : memref<10000x128xf32, #tpu.memory_space<hbm>> -> memref<10000x128xf32, #tpu.memory_space<hbm>>
    tpu.enqueue_indirect_dma source(%dma_start3A_869 : memref<10000x128xf32, #tpu.memory_space<hbm>>) target(%arg9 : memref<128x128xf32, #tpu.memory_space<vmem>>) offsets(%dma_start3A_866 : memref<128xi32, #tpu.memory_space<vmem>>) semaphore(%arg12 : memref<!tpu.dma_semaphore, #tpu.memory_space<semaphore_mem>>)
    %dma_start3A_870 = arith.constant 30 : i32
    %dma_start3A_871 = arith.constant 0 : i32
    %dma_start3A_872 = tpu.memref_slice %arg7[%dma_start3A_870, %dma_start3A_871] : memref<40x128xi32, #tpu.memory_space<vmem>> -> memref<1x128xi32, #tpu.memory_space<vmem>>
    %dma_start3A_873 = tpu.memref_squeeze %dma_start3A_872 : memref<1x128xi32, #tpu.memory_space<vmem>> -> memref<128xi32, #tpu.memory_space<vmem>>
    %dma_start3A_874 = arith.constant 0 : i32
    %dma_start3A_875 = arith.constant 0 : i32
    %dma_start3A_876 = tpu.memref_slice %arg10[%dma_start3A_874, %dma_start3A_875] : memref<10112x128xf32, #tpu.memory_space<vmem_shared>> -> memref<10112x128xf32, #tpu.memory_space<vmem_shared>>
    tpu.enqueue_indirect_dma source(%arg8 : memref<128x128xf32, #tpu.memory_space<vmem>>) target(%dma_start3A_876 : memref<10112x128xf32, #tpu.memory_space<vmem_shared>>) offsets(%dma_start3A_873 : memref<128xi32, #tpu.memory_space<vmem>>) semaphore(%arg13 : memref<!tpu.dma_semaphore, #tpu.memory_space<semaphore_mem>>) {add = true}
    %dma_wait3A_877 = arith.constant 31 : i32
    %dma_wait3A_878 = arith.constant 0 : i32
    %dma_wait3A_879 = tpu.memref_slice %arg6[%dma_wait3A_877, %dma_wait3A_878] : memref<40x128xi32, #tpu.memory_space<vmem>> -> memref<1x128xi32, #tpu.memory_space<vmem>>
    %dma_wait3A_880 = tpu.memref_squeeze %dma_wait3A_879 : memref<1x128xi32, #tpu.memory_space<vmem>> -> memref<128xi32, #tpu.memory_space<vmem>>
    %dma_wait3A_881 = arith.constant 0 : i32
    %dma_wait3A_882 = arith.constant 0 : i32
    %dma_wait3A_883 = tpu.memref_slice %arg2[%dma_wait3A_881, %dma_wait3A_882] : memref<10000x128xf32, #tpu.memory_space<hbm>> -> memref<10000x128xf32, #tpu.memory_space<hbm>>
    tpu.wait_indirect_dma semaphore(%arg12 : memref<!tpu.dma_semaphore, #tpu.memory_space<semaphore_mem>>) src(%dma_wait3A_883 : memref<10000x128xf32, #tpu.memory_space<hbm>>) dst(%arg9 : memref<128x128xf32, #tpu.memory_space<vmem>>)
    %dma_wait3A_884 = arith.constant 30 : i32
    %dma_wait3A_885 = arith.constant 0 : i32
    %dma_wait3A_886 = tpu.memref_slice %arg7[%dma_wait3A_884, %dma_wait3A_885] : memref<40x128xi32, #tpu.memory_space<vmem>> -> memref<1x128xi32, #tpu.memory_space<vmem>>
    %dma_wait3A_887 = tpu.memref_squeeze %dma_wait3A_886 : memref<1x128xi32, #tpu.memory_space<vmem>> -> memref<128xi32, #tpu.memory_space<vmem>>
    %dma_wait3A_888 = arith.constant 0 : i32
    %dma_wait3A_889 = arith.constant 0 : i32
    %dma_wait3A_890 = tpu.memref_slice %arg10[%dma_wait3A_888, %dma_wait3A_889] : memref<10112x128xf32, #tpu.memory_space<vmem_shared>> -> memref<10112x128xf32, #tpu.memory_space<vmem_shared>>
    tpu.wait_indirect_dma semaphore(%arg13 : memref<!tpu.dma_semaphore, #tpu.memory_space<semaphore_mem>>) src(%arg8 : memref<128x128xf32, #tpu.memory_space<vmem>>) dst(%dma_wait3A_890 : memref<10112x128xf32, #tpu.memory_space<vmem_shared>>)
    %dma_start3A_891 = arith.constant 32 : i32
    %dma_start3A_892 = arith.constant 0 : i32
    %dma_start3A_893 = tpu.memref_slice %arg6[%dma_start3A_891, %dma_start3A_892] : memref<40x128xi32, #tpu.memory_space<vmem>> -> memref<1x128xi32, #tpu.memory_space<vmem>>
    %dma_start3A_894 = tpu.memref_squeeze %dma_start3A_893 : memref<1x128xi32, #tpu.memory_space<vmem>> -> memref<128xi32, #tpu.memory_space<vmem>>
    %dma_start3A_895 = arith.constant 0 : i32
    %dma_start3A_896 = arith.constant 0 : i32
    %dma_start3A_897 = tpu.memref_slice %arg2[%dma_start3A_895, %dma_start3A_896] : memref<10000x128xf32, #tpu.memory_space<hbm>> -> memref<10000x128xf32, #tpu.memory_space<hbm>>
    tpu.enqueue_indirect_dma source(%dma_start3A_897 : memref<10000x128xf32, #tpu.memory_space<hbm>>) target(%arg8 : memref<128x128xf32, #tpu.memory_space<vmem>>) offsets(%dma_start3A_894 : memref<128xi32, #tpu.memory_space<vmem>>) semaphore(%arg11 : memref<!tpu.dma_semaphore, #tpu.memory_space<semaphore_mem>>)
    %dma_start3A_898 = arith.constant 31 : i32
    %dma_start3A_899 = arith.constant 0 : i32
    %dma_start3A_900 = tpu.memref_slice %arg7[%dma_start3A_898, %dma_start3A_899] : memref<40x128xi32, #tpu.memory_space<vmem>> -> memref<1x128xi32, #tpu.memory_space<vmem>>
    %dma_start3A_901 = tpu.memref_squeeze %dma_start3A_900 : memref<1x128xi32, #tpu.memory_space<vmem>> -> memref<128xi32, #tpu.memory_space<vmem>>
    %dma_start3A_902 = arith.constant 0 : i32
    %dma_start3A_903 = arith.constant 0 : i32
    %dma_start3A_904 = tpu.memref_slice %arg10[%dma_start3A_902, %dma_start3A_903] : memref<10112x128xf32, #tpu.memory_space<vmem_shared>> -> memref<10112x128xf32, #tpu.memory_space<vmem_shared>>
    tpu.enqueue_indirect_dma source(%arg9 : memref<128x128xf32, #tpu.memory_space<vmem>>) target(%dma_start3A_904 : memref<10112x128xf32, #tpu.memory_space<vmem_shared>>) offsets(%dma_start3A_901 : memref<128xi32, #tpu.memory_space<vmem>>) semaphore(%arg13 : memref<!tpu.dma_semaphore, #tpu.memory_space<semaphore_mem>>) {add = true}
    %dma_wait3A_905 = arith.constant 32 : i32
    %dma_wait3A_906 = arith.constant 0 : i32
    %dma_wait3A_907 = tpu.memref_slice %arg6[%dma_wait3A_905, %dma_wait3A_906] : memref<40x128xi32, #tpu.memory_space<vmem>> -> memref<1x128xi32, #tpu.memory_space<vmem>>
    %dma_wait3A_908 = tpu.memref_squeeze %dma_wait3A_907 : memref<1x128xi32, #tpu.memory_space<vmem>> -> memref<128xi32, #tpu.memory_space<vmem>>
    %dma_wait3A_909 = arith.constant 0 : i32
    %dma_wait3A_910 = arith.constant 0 : i32
    %dma_wait3A_911 = tpu.memref_slice %arg2[%dma_wait3A_909, %dma_wait3A_910] : memref<10000x128xf32, #tpu.memory_space<hbm>> -> memref<10000x128xf32, #tpu.memory_space<hbm>>
    tpu.wait_indirect_dma semaphore(%arg11 : memref<!tpu.dma_semaphore, #tpu.memory_space<semaphore_mem>>) src(%dma_wait3A_911 : memref<10000x128xf32, #tpu.memory_space<hbm>>) dst(%arg8 : memref<128x128xf32, #tpu.memory_space<vmem>>)
    %dma_wait3A_912 = arith.constant 31 : i32
    %dma_wait3A_913 = arith.constant 0 : i32
    %dma_wait3A_914 = tpu.memref_slice %arg7[%dma_wait3A_912, %dma_wait3A_913] : memref<40x128xi32, #tpu.memory_space<vmem>> -> memref<1x128xi32, #tpu.memory_space<vmem>>
    %dma_wait3A_915 = tpu.memref_squeeze %dma_wait3A_914 : memref<1x128xi32, #tpu.memory_space<vmem>> -> memref<128xi32, #tpu.memory_space<vmem>>
    %dma_wait3A_916 = arith.constant 0 : i32
    %dma_wait3A_917 = arith.constant 0 : i32
    %dma_wait3A_918 = tpu.memref_slice %arg10[%dma_wait3A_916, %dma_wait3A_917] : memref<10112x128xf32, #tpu.memory_space<vmem_shared>> -> memref<10112x128xf32, #tpu.memory_space<vmem_shared>>
    tpu.wait_indirect_dma semaphore(%arg13 : memref<!tpu.dma_semaphore, #tpu.memory_space<semaphore_mem>>) src(%arg9 : memref<128x128xf32, #tpu.memory_space<vmem>>) dst(%dma_wait3A_918 : memref<10112x128xf32, #tpu.memory_space<vmem_shared>>)
    %dma_start3A_919 = arith.constant 33 : i32
    %dma_start3A_920 = arith.constant 0 : i32
    %dma_start3A_921 = tpu.memref_slice %arg6[%dma_start3A_919, %dma_start3A_920] : memref<40x128xi32, #tpu.memory_space<vmem>> -> memref<1x128xi32, #tpu.memory_space<vmem>>
    %dma_start3A_922 = tpu.memref_squeeze %dma_start3A_921 : memref<1x128xi32, #tpu.memory_space<vmem>> -> memref<128xi32, #tpu.memory_space<vmem>>
    %dma_start3A_923 = arith.constant 0 : i32
    %dma_start3A_924 = arith.constant 0 : i32
    %dma_start3A_925 = tpu.memref_slice %arg2[%dma_start3A_923, %dma_start3A_924] : memref<10000x128xf32, #tpu.memory_space<hbm>> -> memref<10000x128xf32, #tpu.memory_space<hbm>>
    tpu.enqueue_indirect_dma source(%dma_start3A_925 : memref<10000x128xf32, #tpu.memory_space<hbm>>) target(%arg9 : memref<128x128xf32, #tpu.memory_space<vmem>>) offsets(%dma_start3A_922 : memref<128xi32, #tpu.memory_space<vmem>>) semaphore(%arg12 : memref<!tpu.dma_semaphore, #tpu.memory_space<semaphore_mem>>)
    %dma_start3A_926 = arith.constant 32 : i32
    %dma_start3A_927 = arith.constant 0 : i32
    %dma_start3A_928 = tpu.memref_slice %arg7[%dma_start3A_926, %dma_start3A_927] : memref<40x128xi32, #tpu.memory_space<vmem>> -> memref<1x128xi32, #tpu.memory_space<vmem>>
    %dma_start3A_929 = tpu.memref_squeeze %dma_start3A_928 : memref<1x128xi32, #tpu.memory_space<vmem>> -> memref<128xi32, #tpu.memory_space<vmem>>
    %dma_start3A_930 = arith.constant 0 : i32
    %dma_start3A_931 = arith.constant 0 : i32
    %dma_start3A_932 = tpu.memref_slice %arg10[%dma_start3A_930, %dma_start3A_931] : memref<10112x128xf32, #tpu.memory_space<vmem_shared>> -> memref<10112x128xf32, #tpu.memory_space<vmem_shared>>
    tpu.enqueue_indirect_dma source(%arg8 : memref<128x128xf32, #tpu.memory_space<vmem>>) target(%dma_start3A_932 : memref<10112x128xf32, #tpu.memory_space<vmem_shared>>) offsets(%dma_start3A_929 : memref<128xi32, #tpu.memory_space<vmem>>) semaphore(%arg13 : memref<!tpu.dma_semaphore, #tpu.memory_space<semaphore_mem>>) {add = true}
    %dma_wait3A_933 = arith.constant 33 : i32
    %dma_wait3A_934 = arith.constant 0 : i32
    %dma_wait3A_935 = tpu.memref_slice %arg6[%dma_wait3A_933, %dma_wait3A_934] : memref<40x128xi32, #tpu.memory_space<vmem>> -> memref<1x128xi32, #tpu.memory_space<vmem>>
    %dma_wait3A_936 = tpu.memref_squeeze %dma_wait3A_935 : memref<1x128xi32, #tpu.memory_space<vmem>> -> memref<128xi32, #tpu.memory_space<vmem>>
    %dma_wait3A_937 = arith.constant 0 : i32
    %dma_wait3A_938 = arith.constant 0 : i32
    %dma_wait3A_939 = tpu.memref_slice %arg2[%dma_wait3A_937, %dma_wait3A_938] : memref<10000x128xf32, #tpu.memory_space<hbm>> -> memref<10000x128xf32, #tpu.memory_space<hbm>>
    tpu.wait_indirect_dma semaphore(%arg12 : memref<!tpu.dma_semaphore, #tpu.memory_space<semaphore_mem>>) src(%dma_wait3A_939 : memref<10000x128xf32, #tpu.memory_space<hbm>>) dst(%arg9 : memref<128x128xf32, #tpu.memory_space<vmem>>)
    %dma_wait3A_940 = arith.constant 32 : i32
    %dma_wait3A_941 = arith.constant 0 : i32
    %dma_wait3A_942 = tpu.memref_slice %arg7[%dma_wait3A_940, %dma_wait3A_941] : memref<40x128xi32, #tpu.memory_space<vmem>> -> memref<1x128xi32, #tpu.memory_space<vmem>>
    %dma_wait3A_943 = tpu.memref_squeeze %dma_wait3A_942 : memref<1x128xi32, #tpu.memory_space<vmem>> -> memref<128xi32, #tpu.memory_space<vmem>>
    %dma_wait3A_944 = arith.constant 0 : i32
    %dma_wait3A_945 = arith.constant 0 : i32
    %dma_wait3A_946 = tpu.memref_slice %arg10[%dma_wait3A_944, %dma_wait3A_945] : memref<10112x128xf32, #tpu.memory_space<vmem_shared>> -> memref<10112x128xf32, #tpu.memory_space<vmem_shared>>
    tpu.wait_indirect_dma semaphore(%arg13 : memref<!tpu.dma_semaphore, #tpu.memory_space<semaphore_mem>>) src(%arg8 : memref<128x128xf32, #tpu.memory_space<vmem>>) dst(%dma_wait3A_946 : memref<10112x128xf32, #tpu.memory_space<vmem_shared>>)
    %dma_start3A_947 = arith.constant 34 : i32
    %dma_start3A_948 = arith.constant 0 : i32
    %dma_start3A_949 = tpu.memref_slice %arg6[%dma_start3A_947, %dma_start3A_948] : memref<40x128xi32, #tpu.memory_space<vmem>> -> memref<1x128xi32, #tpu.memory_space<vmem>>
    %dma_start3A_950 = tpu.memref_squeeze %dma_start3A_949 : memref<1x128xi32, #tpu.memory_space<vmem>> -> memref<128xi32, #tpu.memory_space<vmem>>
    %dma_start3A_951 = arith.constant 0 : i32
    %dma_start3A_952 = arith.constant 0 : i32
    %dma_start3A_953 = tpu.memref_slice %arg2[%dma_start3A_951, %dma_start3A_952] : memref<10000x128xf32, #tpu.memory_space<hbm>> -> memref<10000x128xf32, #tpu.memory_space<hbm>>
    tpu.enqueue_indirect_dma source(%dma_start3A_953 : memref<10000x128xf32, #tpu.memory_space<hbm>>) target(%arg8 : memref<128x128xf32, #tpu.memory_space<vmem>>) offsets(%dma_start3A_950 : memref<128xi32, #tpu.memory_space<vmem>>) semaphore(%arg11 : memref<!tpu.dma_semaphore, #tpu.memory_space<semaphore_mem>>)
    %dma_start3A_954 = arith.constant 33 : i32
    %dma_start3A_955 = arith.constant 0 : i32
    %dma_start3A_956 = tpu.memref_slice %arg7[%dma_start3A_954, %dma_start3A_955] : memref<40x128xi32, #tpu.memory_space<vmem>> -> memref<1x128xi32, #tpu.memory_space<vmem>>
    %dma_start3A_957 = tpu.memref_squeeze %dma_start3A_956 : memref<1x128xi32, #tpu.memory_space<vmem>> -> memref<128xi32, #tpu.memory_space<vmem>>
    %dma_start3A_958 = arith.constant 0 : i32
    %dma_start3A_959 = arith.constant 0 : i32
    %dma_start3A_960 = tpu.memref_slice %arg10[%dma_start3A_958, %dma_start3A_959] : memref<10112x128xf32, #tpu.memory_space<vmem_shared>> -> memref<10112x128xf32, #tpu.memory_space<vmem_shared>>
    tpu.enqueue_indirect_dma source(%arg9 : memref<128x128xf32, #tpu.memory_space<vmem>>) target(%dma_start3A_960 : memref<10112x128xf32, #tpu.memory_space<vmem_shared>>) offsets(%dma_start3A_957 : memref<128xi32, #tpu.memory_space<vmem>>) semaphore(%arg13 : memref<!tpu.dma_semaphore, #tpu.memory_space<semaphore_mem>>) {add = true}
    %dma_wait3A_961 = arith.constant 34 : i32
    %dma_wait3A_962 = arith.constant 0 : i32
    %dma_wait3A_963 = tpu.memref_slice %arg6[%dma_wait3A_961, %dma_wait3A_962] : memref<40x128xi32, #tpu.memory_space<vmem>> -> memref<1x128xi32, #tpu.memory_space<vmem>>
    %dma_wait3A_964 = tpu.memref_squeeze %dma_wait3A_963 : memref<1x128xi32, #tpu.memory_space<vmem>> -> memref<128xi32, #tpu.memory_space<vmem>>
    %dma_wait3A_965 = arith.constant 0 : i32
    %dma_wait3A_966 = arith.constant 0 : i32
    %dma_wait3A_967 = tpu.memref_slice %arg2[%dma_wait3A_965, %dma_wait3A_966] : memref<10000x128xf32, #tpu.memory_space<hbm>> -> memref<10000x128xf32, #tpu.memory_space<hbm>>
    tpu.wait_indirect_dma semaphore(%arg11 : memref<!tpu.dma_semaphore, #tpu.memory_space<semaphore_mem>>) src(%dma_wait3A_967 : memref<10000x128xf32, #tpu.memory_space<hbm>>) dst(%arg8 : memref<128x128xf32, #tpu.memory_space<vmem>>)
    %dma_wait3A_968 = arith.constant 33 : i32
    %dma_wait3A_969 = arith.constant 0 : i32
    %dma_wait3A_970 = tpu.memref_slice %arg7[%dma_wait3A_968, %dma_wait3A_969] : memref<40x128xi32, #tpu.memory_space<vmem>> -> memref<1x128xi32, #tpu.memory_space<vmem>>
    %dma_wait3A_971 = tpu.memref_squeeze %dma_wait3A_970 : memref<1x128xi32, #tpu.memory_space<vmem>> -> memref<128xi32, #tpu.memory_space<vmem>>
    %dma_wait3A_972 = arith.constant 0 : i32
    %dma_wait3A_973 = arith.constant 0 : i32
    %dma_wait3A_974 = tpu.memref_slice %arg10[%dma_wait3A_972, %dma_wait3A_973] : memref<10112x128xf32, #tpu.memory_space<vmem_shared>> -> memref<10112x128xf32, #tpu.memory_space<vmem_shared>>
    tpu.wait_indirect_dma semaphore(%arg13 : memref<!tpu.dma_semaphore, #tpu.memory_space<semaphore_mem>>) src(%arg9 : memref<128x128xf32, #tpu.memory_space<vmem>>) dst(%dma_wait3A_974 : memref<10112x128xf32, #tpu.memory_space<vmem_shared>>)
    %dma_start3A_975 = arith.constant 35 : i32
    %dma_start3A_976 = arith.constant 0 : i32
    %dma_start3A_977 = tpu.memref_slice %arg6[%dma_start3A_975, %dma_start3A_976] : memref<40x128xi32, #tpu.memory_space<vmem>> -> memref<1x128xi32, #tpu.memory_space<vmem>>
    %dma_start3A_978 = tpu.memref_squeeze %dma_start3A_977 : memref<1x128xi32, #tpu.memory_space<vmem>> -> memref<128xi32, #tpu.memory_space<vmem>>
    %dma_start3A_979 = arith.constant 0 : i32
    %dma_start3A_980 = arith.constant 0 : i32
    %dma_start3A_981 = tpu.memref_slice %arg2[%dma_start3A_979, %dma_start3A_980] : memref<10000x128xf32, #tpu.memory_space<hbm>> -> memref<10000x128xf32, #tpu.memory_space<hbm>>
    tpu.enqueue_indirect_dma source(%dma_start3A_981 : memref<10000x128xf32, #tpu.memory_space<hbm>>) target(%arg9 : memref<128x128xf32, #tpu.memory_space<vmem>>) offsets(%dma_start3A_978 : memref<128xi32, #tpu.memory_space<vmem>>) semaphore(%arg12 : memref<!tpu.dma_semaphore, #tpu.memory_space<semaphore_mem>>)
    %dma_start3A_982 = arith.constant 34 : i32
    %dma_start3A_983 = arith.constant 0 : i32
    %dma_start3A_984 = tpu.memref_slice %arg7[%dma_start3A_982, %dma_start3A_983] : memref<40x128xi32, #tpu.memory_space<vmem>> -> memref<1x128xi32, #tpu.memory_space<vmem>>
    %dma_start3A_985 = tpu.memref_squeeze %dma_start3A_984 : memref<1x128xi32, #tpu.memory_space<vmem>> -> memref<128xi32, #tpu.memory_space<vmem>>
    %dma_start3A_986 = arith.constant 0 : i32
    %dma_start3A_987 = arith.constant 0 : i32
    %dma_start3A_988 = tpu.memref_slice %arg10[%dma_start3A_986, %dma_start3A_987] : memref<10112x128xf32, #tpu.memory_space<vmem_shared>> -> memref<10112x128xf32, #tpu.memory_space<vmem_shared>>
    tpu.enqueue_indirect_dma source(%arg8 : memref<128x128xf32, #tpu.memory_space<vmem>>) target(%dma_start3A_988 : memref<10112x128xf32, #tpu.memory_space<vmem_shared>>) offsets(%dma_start3A_985 : memref<128xi32, #tpu.memory_space<vmem>>) semaphore(%arg13 : memref<!tpu.dma_semaphore, #tpu.memory_space<semaphore_mem>>) {add = true}
    %dma_wait3A_989 = arith.constant 35 : i32
    %dma_wait3A_990 = arith.constant 0 : i32
    %dma_wait3A_991 = tpu.memref_slice %arg6[%dma_wait3A_989, %dma_wait3A_990] : memref<40x128xi32, #tpu.memory_space<vmem>> -> memref<1x128xi32, #tpu.memory_space<vmem>>
    %dma_wait3A_992 = tpu.memref_squeeze %dma_wait3A_991 : memref<1x128xi32, #tpu.memory_space<vmem>> -> memref<128xi32, #tpu.memory_space<vmem>>
    %dma_wait3A_993 = arith.constant 0 : i32
    %dma_wait3A_994 = arith.constant 0 : i32
    %dma_wait3A_995 = tpu.memref_slice %arg2[%dma_wait3A_993, %dma_wait3A_994] : memref<10000x128xf32, #tpu.memory_space<hbm>> -> memref<10000x128xf32, #tpu.memory_space<hbm>>
    tpu.wait_indirect_dma semaphore(%arg12 : memref<!tpu.dma_semaphore, #tpu.memory_space<semaphore_mem>>) src(%dma_wait3A_995 : memref<10000x128xf32, #tpu.memory_space<hbm>>) dst(%arg9 : memref<128x128xf32, #tpu.memory_space<vmem>>)
    %dma_wait3A_996 = arith.constant 34 : i32
    %dma_wait3A_997 = arith.constant 0 : i32
    %dma_wait3A_998 = tpu.memref_slice %arg7[%dma_wait3A_996, %dma_wait3A_997] : memref<40x128xi32, #tpu.memory_space<vmem>> -> memref<1x128xi32, #tpu.memory_space<vmem>>
    %dma_wait3A_999 = tpu.memref_squeeze %dma_wait3A_998 : memref<1x128xi32, #tpu.memory_space<vmem>> -> memref<128xi32, #tpu.memory_space<vmem>>
    %dma_wait3A_1000 = arith.constant 0 : i32
    %dma_wait3A_1001 = arith.constant 0 : i32
    %dma_wait3A_1002 = tpu.memref_slice %arg10[%dma_wait3A_1000, %dma_wait3A_1001] : memref<10112x128xf32, #tpu.memory_space<vmem_shared>> -> memref<10112x128xf32, #tpu.memory_space<vmem_shared>>
    tpu.wait_indirect_dma semaphore(%arg13 : memref<!tpu.dma_semaphore, #tpu.memory_space<semaphore_mem>>) src(%arg8 : memref<128x128xf32, #tpu.memory_space<vmem>>) dst(%dma_wait3A_1002 : memref<10112x128xf32, #tpu.memory_space<vmem_shared>>)
    %dma_start3A_1003 = arith.constant 36 : i32
    %dma_start3A_1004 = arith.constant 0 : i32
    %dma_start3A_1005 = tpu.memref_slice %arg6[%dma_start3A_1003, %dma_start3A_1004] : memref<40x128xi32, #tpu.memory_space<vmem>> -> memref<1x128xi32, #tpu.memory_space<vmem>>
    %dma_start3A_1006 = tpu.memref_squeeze %dma_start3A_1005 : memref<1x128xi32, #tpu.memory_space<vmem>> -> memref<128xi32, #tpu.memory_space<vmem>>
    %dma_start3A_1007 = arith.constant 0 : i32
    %dma_start3A_1008 = arith.constant 0 : i32
    %dma_start3A_1009 = tpu.memref_slice %arg2[%dma_start3A_1007, %dma_start3A_1008] : memref<10000x128xf32, #tpu.memory_space<hbm>> -> memref<10000x128xf32, #tpu.memory_space<hbm>>
    tpu.enqueue_indirect_dma source(%dma_start3A_1009 : memref<10000x128xf32, #tpu.memory_space<hbm>>) target(%arg8 : memref<128x128xf32, #tpu.memory_space<vmem>>) offsets(%dma_start3A_1006 : memref<128xi32, #tpu.memory_space<vmem>>) semaphore(%arg11 : memref<!tpu.dma_semaphore, #tpu.memory_space<semaphore_mem>>)
    %dma_start3A_1010 = arith.constant 35 : i32
    %dma_start3A_1011 = arith.constant 0 : i32
    %dma_start3A_1012 = tpu.memref_slice %arg7[%dma_start3A_1010, %dma_start3A_1011] : memref<40x128xi32, #tpu.memory_space<vmem>> -> memref<1x128xi32, #tpu.memory_space<vmem>>
    %dma_start3A_1013 = tpu.memref_squeeze %dma_start3A_1012 : memref<1x128xi32, #tpu.memory_space<vmem>> -> memref<128xi32, #tpu.memory_space<vmem>>
    %dma_start3A_1014 = arith.constant 0 : i32
    %dma_start3A_1015 = arith.constant 0 : i32
    %dma_start3A_1016 = tpu.memref_slice %arg10[%dma_start3A_1014, %dma_start3A_1015] : memref<10112x128xf32, #tpu.memory_space<vmem_shared>> -> memref<10112x128xf32, #tpu.memory_space<vmem_shared>>
    tpu.enqueue_indirect_dma source(%arg9 : memref<128x128xf32, #tpu.memory_space<vmem>>) target(%dma_start3A_1016 : memref<10112x128xf32, #tpu.memory_space<vmem_shared>>) offsets(%dma_start3A_1013 : memref<128xi32, #tpu.memory_space<vmem>>) semaphore(%arg13 : memref<!tpu.dma_semaphore, #tpu.memory_space<semaphore_mem>>) {add = true}
    %dma_wait3A_1017 = arith.constant 36 : i32
    %dma_wait3A_1018 = arith.constant 0 : i32
    %dma_wait3A_1019 = tpu.memref_slice %arg6[%dma_wait3A_1017, %dma_wait3A_1018] : memref<40x128xi32, #tpu.memory_space<vmem>> -> memref<1x128xi32, #tpu.memory_space<vmem>>
    %dma_wait3A_1020 = tpu.memref_squeeze %dma_wait3A_1019 : memref<1x128xi32, #tpu.memory_space<vmem>> -> memref<128xi32, #tpu.memory_space<vmem>>
    %dma_wait3A_1021 = arith.constant 0 : i32
    %dma_wait3A_1022 = arith.constant 0 : i32
    %dma_wait3A_1023 = tpu.memref_slice %arg2[%dma_wait3A_1021, %dma_wait3A_1022] : memref<10000x128xf32, #tpu.memory_space<hbm>> -> memref<10000x128xf32, #tpu.memory_space<hbm>>
    tpu.wait_indirect_dma semaphore(%arg11 : memref<!tpu.dma_semaphore, #tpu.memory_space<semaphore_mem>>) src(%dma_wait3A_1023 : memref<10000x128xf32, #tpu.memory_space<hbm>>) dst(%arg8 : memref<128x128xf32, #tpu.memory_space<vmem>>)
    %dma_wait3A_1024 = arith.constant 35 : i32
    %dma_wait3A_1025 = arith.constant 0 : i32
    %dma_wait3A_1026 = tpu.memref_slice %arg7[%dma_wait3A_1024, %dma_wait3A_1025] : memref<40x128xi32, #tpu.memory_space<vmem>> -> memref<1x128xi32, #tpu.memory_space<vmem>>
    %dma_wait3A_1027 = tpu.memref_squeeze %dma_wait3A_1026 : memref<1x128xi32, #tpu.memory_space<vmem>> -> memref<128xi32, #tpu.memory_space<vmem>>
    %dma_wait3A_1028 = arith.constant 0 : i32
    %dma_wait3A_1029 = arith.constant 0 : i32
    %dma_wait3A_1030 = tpu.memref_slice %arg10[%dma_wait3A_1028, %dma_wait3A_1029] : memref<10112x128xf32, #tpu.memory_space<vmem_shared>> -> memref<10112x128xf32, #tpu.memory_space<vmem_shared>>
    tpu.wait_indirect_dma semaphore(%arg13 : memref<!tpu.dma_semaphore, #tpu.memory_space<semaphore_mem>>) src(%arg9 : memref<128x128xf32, #tpu.memory_space<vmem>>) dst(%dma_wait3A_1030 : memref<10112x128xf32, #tpu.memory_space<vmem_shared>>)
    %dma_start3A_1031 = arith.constant 37 : i32
    %dma_start3A_1032 = arith.constant 0 : i32
    %dma_start3A_1033 = tpu.memref_slice %arg6[%dma_start3A_1031, %dma_start3A_1032] : memref<40x128xi32, #tpu.memory_space<vmem>> -> memref<1x128xi32, #tpu.memory_space<vmem>>
    %dma_start3A_1034 = tpu.memref_squeeze %dma_start3A_1033 : memref<1x128xi32, #tpu.memory_space<vmem>> -> memref<128xi32, #tpu.memory_space<vmem>>
    %dma_start3A_1035 = arith.constant 0 : i32
    %dma_start3A_1036 = arith.constant 0 : i32
    %dma_start3A_1037 = tpu.memref_slice %arg2[%dma_start3A_1035, %dma_start3A_1036] : memref<10000x128xf32, #tpu.memory_space<hbm>> -> memref<10000x128xf32, #tpu.memory_space<hbm>>
    tpu.enqueue_indirect_dma source(%dma_start3A_1037 : memref<10000x128xf32, #tpu.memory_space<hbm>>) target(%arg9 : memref<128x128xf32, #tpu.memory_space<vmem>>) offsets(%dma_start3A_1034 : memref<128xi32, #tpu.memory_space<vmem>>) semaphore(%arg12 : memref<!tpu.dma_semaphore, #tpu.memory_space<semaphore_mem>>)
    %dma_start3A_1038 = arith.constant 36 : i32
    %dma_start3A_1039 = arith.constant 0 : i32
    %dma_start3A_1040 = tpu.memref_slice %arg7[%dma_start3A_1038, %dma_start3A_1039] : memref<40x128xi32, #tpu.memory_space<vmem>> -> memref<1x128xi32, #tpu.memory_space<vmem>>
    %dma_start3A_1041 = tpu.memref_squeeze %dma_start3A_1040 : memref<1x128xi32, #tpu.memory_space<vmem>> -> memref<128xi32, #tpu.memory_space<vmem>>
    %dma_start3A_1042 = arith.constant 0 : i32
    %dma_start3A_1043 = arith.constant 0 : i32
    %dma_start3A_1044 = tpu.memref_slice %arg10[%dma_start3A_1042, %dma_start3A_1043] : memref<10112x128xf32, #tpu.memory_space<vmem_shared>> -> memref<10112x128xf32, #tpu.memory_space<vmem_shared>>
    tpu.enqueue_indirect_dma source(%arg8 : memref<128x128xf32, #tpu.memory_space<vmem>>) target(%dma_start3A_1044 : memref<10112x128xf32, #tpu.memory_space<vmem_shared>>) offsets(%dma_start3A_1041 : memref<128xi32, #tpu.memory_space<vmem>>) semaphore(%arg13 : memref<!tpu.dma_semaphore, #tpu.memory_space<semaphore_mem>>) {add = true}
    %dma_wait3A_1045 = arith.constant 37 : i32
    %dma_wait3A_1046 = arith.constant 0 : i32
    %dma_wait3A_1047 = tpu.memref_slice %arg6[%dma_wait3A_1045, %dma_wait3A_1046] : memref<40x128xi32, #tpu.memory_space<vmem>> -> memref<1x128xi32, #tpu.memory_space<vmem>>
    %dma_wait3A_1048 = tpu.memref_squeeze %dma_wait3A_1047 : memref<1x128xi32, #tpu.memory_space<vmem>> -> memref<128xi32, #tpu.memory_space<vmem>>
    %dma_wait3A_1049 = arith.constant 0 : i32
    %dma_wait3A_1050 = arith.constant 0 : i32
    %dma_wait3A_1051 = tpu.memref_slice %arg2[%dma_wait3A_1049, %dma_wait3A_1050] : memref<10000x128xf32, #tpu.memory_space<hbm>> -> memref<10000x128xf32, #tpu.memory_space<hbm>>
    tpu.wait_indirect_dma semaphore(%arg12 : memref<!tpu.dma_semaphore, #tpu.memory_space<semaphore_mem>>) src(%dma_wait3A_1051 : memref<10000x128xf32, #tpu.memory_space<hbm>>) dst(%arg9 : memref<128x128xf32, #tpu.memory_space<vmem>>)
    %dma_wait3A_1052 = arith.constant 36 : i32
    %dma_wait3A_1053 = arith.constant 0 : i32
    %dma_wait3A_1054 = tpu.memref_slice %arg7[%dma_wait3A_1052, %dma_wait3A_1053] : memref<40x128xi32, #tpu.memory_space<vmem>> -> memref<1x128xi32, #tpu.memory_space<vmem>>
    %dma_wait3A_1055 = tpu.memref_squeeze %dma_wait3A_1054 : memref<1x128xi32, #tpu.memory_space<vmem>> -> memref<128xi32, #tpu.memory_space<vmem>>
    %dma_wait3A_1056 = arith.constant 0 : i32
    %dma_wait3A_1057 = arith.constant 0 : i32
    %dma_wait3A_1058 = tpu.memref_slice %arg10[%dma_wait3A_1056, %dma_wait3A_1057] : memref<10112x128xf32, #tpu.memory_space<vmem_shared>> -> memref<10112x128xf32, #tpu.memory_space<vmem_shared>>
    tpu.wait_indirect_dma semaphore(%arg13 : memref<!tpu.dma_semaphore, #tpu.memory_space<semaphore_mem>>) src(%arg8 : memref<128x128xf32, #tpu.memory_space<vmem>>) dst(%dma_wait3A_1058 : memref<10112x128xf32, #tpu.memory_space<vmem_shared>>)
    %dma_start3A_1059 = arith.constant 38 : i32
    %dma_start3A_1060 = arith.constant 0 : i32
    %dma_start3A_1061 = tpu.memref_slice %arg6[%dma_start3A_1059, %dma_start3A_1060] : memref<40x128xi32, #tpu.memory_space<vmem>> -> memref<1x128xi32, #tpu.memory_space<vmem>>
    %dma_start3A_1062 = tpu.memref_squeeze %dma_start3A_1061 : memref<1x128xi32, #tpu.memory_space<vmem>> -> memref<128xi32, #tpu.memory_space<vmem>>
    %dma_start3A_1063 = arith.constant 0 : i32
    %dma_start3A_1064 = arith.constant 0 : i32
    %dma_start3A_1065 = tpu.memref_slice %arg2[%dma_start3A_1063, %dma_start3A_1064] : memref<10000x128xf32, #tpu.memory_space<hbm>> -> memref<10000x128xf32, #tpu.memory_space<hbm>>
    tpu.enqueue_indirect_dma source(%dma_start3A_1065 : memref<10000x128xf32, #tpu.memory_space<hbm>>) target(%arg8 : memref<128x128xf32, #tpu.memory_space<vmem>>) offsets(%dma_start3A_1062 : memref<128xi32, #tpu.memory_space<vmem>>) semaphore(%arg11 : memref<!tpu.dma_semaphore, #tpu.memory_space<semaphore_mem>>)
    %dma_start3A_1066 = arith.constant 37 : i32
    %dma_start3A_1067 = arith.constant 0 : i32
    %dma_start3A_1068 = tpu.memref_slice %arg7[%dma_start3A_1066, %dma_start3A_1067] : memref<40x128xi32, #tpu.memory_space<vmem>> -> memref<1x128xi32, #tpu.memory_space<vmem>>
    %dma_start3A_1069 = tpu.memref_squeeze %dma_start3A_1068 : memref<1x128xi32, #tpu.memory_space<vmem>> -> memref<128xi32, #tpu.memory_space<vmem>>
    %dma_start3A_1070 = arith.constant 0 : i32
    %dma_start3A_1071 = arith.constant 0 : i32
    %dma_start3A_1072 = tpu.memref_slice %arg10[%dma_start3A_1070, %dma_start3A_1071] : memref<10112x128xf32, #tpu.memory_space<vmem_shared>> -> memref<10112x128xf32, #tpu.memory_space<vmem_shared>>
    tpu.enqueue_indirect_dma source(%arg9 : memref<128x128xf32, #tpu.memory_space<vmem>>) target(%dma_start3A_1072 : memref<10112x128xf32, #tpu.memory_space<vmem_shared>>) offsets(%dma_start3A_1069 : memref<128xi32, #tpu.memory_space<vmem>>) semaphore(%arg13 : memref<!tpu.dma_semaphore, #tpu.memory_space<semaphore_mem>>) {add = true}
    %dma_wait3A_1073 = arith.constant 38 : i32
    %dma_wait3A_1074 = arith.constant 0 : i32
    %dma_wait3A_1075 = tpu.memref_slice %arg6[%dma_wait3A_1073, %dma_wait3A_1074] : memref<40x128xi32, #tpu.memory_space<vmem>> -> memref<1x128xi32, #tpu.memory_space<vmem>>
    %dma_wait3A_1076 = tpu.memref_squeeze %dma_wait3A_1075 : memref<1x128xi32, #tpu.memory_space<vmem>> -> memref<128xi32, #tpu.memory_space<vmem>>
    %dma_wait3A_1077 = arith.constant 0 : i32
    %dma_wait3A_1078 = arith.constant 0 : i32
    %dma_wait3A_1079 = tpu.memref_slice %arg2[%dma_wait3A_1077, %dma_wait3A_1078] : memref<10000x128xf32, #tpu.memory_space<hbm>> -> memref<10000x128xf32, #tpu.memory_space<hbm>>
    tpu.wait_indirect_dma semaphore(%arg11 : memref<!tpu.dma_semaphore, #tpu.memory_space<semaphore_mem>>) src(%dma_wait3A_1079 : memref<10000x128xf32, #tpu.memory_space<hbm>>) dst(%arg8 : memref<128x128xf32, #tpu.memory_space<vmem>>)
    %dma_wait3A_1080 = arith.constant 37 : i32
    %dma_wait3A_1081 = arith.constant 0 : i32
    %dma_wait3A_1082 = tpu.memref_slice %arg7[%dma_wait3A_1080, %dma_wait3A_1081] : memref<40x128xi32, #tpu.memory_space<vmem>> -> memref<1x128xi32, #tpu.memory_space<vmem>>
    %dma_wait3A_1083 = tpu.memref_squeeze %dma_wait3A_1082 : memref<1x128xi32, #tpu.memory_space<vmem>> -> memref<128xi32, #tpu.memory_space<vmem>>
    %dma_wait3A_1084 = arith.constant 0 : i32
    %dma_wait3A_1085 = arith.constant 0 : i32
    %dma_wait3A_1086 = tpu.memref_slice %arg10[%dma_wait3A_1084, %dma_wait3A_1085] : memref<10112x128xf32, #tpu.memory_space<vmem_shared>> -> memref<10112x128xf32, #tpu.memory_space<vmem_shared>>
    tpu.wait_indirect_dma semaphore(%arg13 : memref<!tpu.dma_semaphore, #tpu.memory_space<semaphore_mem>>) src(%arg9 : memref<128x128xf32, #tpu.memory_space<vmem>>) dst(%dma_wait3A_1086 : memref<10112x128xf32, #tpu.memory_space<vmem_shared>>)
    %dma_start3A_1087 = arith.constant 39 : i32
    %dma_start3A_1088 = arith.constant 0 : i32
    %dma_start3A_1089 = tpu.memref_slice %arg6[%dma_start3A_1087, %dma_start3A_1088] : memref<40x128xi32, #tpu.memory_space<vmem>> -> memref<1x128xi32, #tpu.memory_space<vmem>>
    %dma_start3A_1090 = tpu.memref_squeeze %dma_start3A_1089 : memref<1x128xi32, #tpu.memory_space<vmem>> -> memref<128xi32, #tpu.memory_space<vmem>>
    %dma_start3A_1091 = arith.constant 0 : i32
    %dma_start3A_1092 = arith.constant 0 : i32
    %dma_start3A_1093 = tpu.memref_slice %arg2[%dma_start3A_1091, %dma_start3A_1092] : memref<10000x128xf32, #tpu.memory_space<hbm>> -> memref<10000x128xf32, #tpu.memory_space<hbm>>
    tpu.enqueue_indirect_dma source(%dma_start3A_1093 : memref<10000x128xf32, #tpu.memory_space<hbm>>) target(%arg9 : memref<128x128xf32, #tpu.memory_space<vmem>>) offsets(%dma_start3A_1090 : memref<128xi32, #tpu.memory_space<vmem>>) semaphore(%arg12 : memref<!tpu.dma_semaphore, #tpu.memory_space<semaphore_mem>>)
    %dma_start3A_1094 = arith.constant 38 : i32
    %dma_start3A_1095 = arith.constant 0 : i32
    %dma_start3A_1096 = tpu.memref_slice %arg7[%dma_start3A_1094, %dma_start3A_1095] : memref<40x128xi32, #tpu.memory_space<vmem>> -> memref<1x128xi32, #tpu.memory_space<vmem>>
    %dma_start3A_1097 = tpu.memref_squeeze %dma_start3A_1096 : memref<1x128xi32, #tpu.memory_space<vmem>> -> memref<128xi32, #tpu.memory_space<vmem>>
    %dma_start3A_1098 = arith.constant 0 : i32
    %dma_start3A_1099 = arith.constant 0 : i32
    %dma_start3A_1100 = tpu.memref_slice %arg10[%dma_start3A_1098, %dma_start3A_1099] : memref<10112x128xf32, #tpu.memory_space<vmem_shared>> -> memref<10112x128xf32, #tpu.memory_space<vmem_shared>>
    tpu.enqueue_indirect_dma source(%arg8 : memref<128x128xf32, #tpu.memory_space<vmem>>) target(%dma_start3A_1100 : memref<10112x128xf32, #tpu.memory_space<vmem_shared>>) offsets(%dma_start3A_1097 : memref<128xi32, #tpu.memory_space<vmem>>) semaphore(%arg13 : memref<!tpu.dma_semaphore, #tpu.memory_space<semaphore_mem>>) {add = true}
    %dma_wait3A_1101 = arith.constant 39 : i32
    %dma_wait3A_1102 = arith.constant 0 : i32
    %dma_wait3A_1103 = tpu.memref_slice %arg6[%dma_wait3A_1101, %dma_wait3A_1102] : memref<40x128xi32, #tpu.memory_space<vmem>> -> memref<1x128xi32, #tpu.memory_space<vmem>>
    %dma_wait3A_1104 = tpu.memref_squeeze %dma_wait3A_1103 : memref<1x128xi32, #tpu.memory_space<vmem>> -> memref<128xi32, #tpu.memory_space<vmem>>
    %dma_wait3A_1105 = arith.constant 0 : i32
    %dma_wait3A_1106 = arith.constant 0 : i32
    %dma_wait3A_1107 = tpu.memref_slice %arg2[%dma_wait3A_1105, %dma_wait3A_1106] : memref<10000x128xf32, #tpu.memory_space<hbm>> -> memref<10000x128xf32, #tpu.memory_space<hbm>>
    tpu.wait_indirect_dma semaphore(%arg12 : memref<!tpu.dma_semaphore, #tpu.memory_space<semaphore_mem>>) src(%dma_wait3A_1107 : memref<10000x128xf32, #tpu.memory_space<hbm>>) dst(%arg9 : memref<128x128xf32, #tpu.memory_space<vmem>>)
    %dma_wait3A_1108 = arith.constant 38 : i32
    %dma_wait3A_1109 = arith.constant 0 : i32
    %dma_wait3A_1110 = tpu.memref_slice %arg7[%dma_wait3A_1108, %dma_wait3A_1109] : memref<40x128xi32, #tpu.memory_space<vmem>> -> memref<1x128xi32, #tpu.memory_space<vmem>>
    %dma_wait3A_1111 = tpu.memref_squeeze %dma_wait3A_1110 : memref<1x128xi32, #tpu.memory_space<vmem>> -> memref<128xi32, #tpu.memory_space<vmem>>
    %dma_wait3A_1112 = arith.constant 0 : i32
    %dma_wait3A_1113 = arith.constant 0 : i32
    %dma_wait3A_1114 = tpu.memref_slice %arg10[%dma_wait3A_1112, %dma_wait3A_1113] : memref<10112x128xf32, #tpu.memory_space<vmem_shared>> -> memref<10112x128xf32, #tpu.memory_space<vmem_shared>>
    tpu.wait_indirect_dma semaphore(%arg13 : memref<!tpu.dma_semaphore, #tpu.memory_space<semaphore_mem>>) src(%arg8 : memref<128x128xf32, #tpu.memory_space<vmem>>) dst(%dma_wait3A_1114 : memref<10112x128xf32, #tpu.memory_space<vmem_shared>>)
    %dma_start3A_1115 = arith.constant 39 : i32
    %dma_start3A_1116 = arith.constant 0 : i32
    %dma_start3A_1117 = tpu.memref_slice %arg7[%dma_start3A_1115, %dma_start3A_1116] : memref<40x128xi32, #tpu.memory_space<vmem>> -> memref<1x128xi32, #tpu.memory_space<vmem>>
    %dma_start3A_1118 = tpu.memref_squeeze %dma_start3A_1117 : memref<1x128xi32, #tpu.memory_space<vmem>> -> memref<128xi32, #tpu.memory_space<vmem>>
    %dma_start3A_1119 = arith.constant 0 : i32
    %dma_start3A_1120 = arith.constant 0 : i32
    %dma_start3A_1121 = tpu.memref_slice %arg10[%dma_start3A_1119, %dma_start3A_1120] : memref<10112x128xf32, #tpu.memory_space<vmem_shared>> -> memref<10112x128xf32, #tpu.memory_space<vmem_shared>>
    tpu.enqueue_indirect_dma source(%arg9 : memref<128x128xf32, #tpu.memory_space<vmem>>) target(%dma_start3A_1121 : memref<10112x128xf32, #tpu.memory_space<vmem_shared>>) offsets(%dma_start3A_1118 : memref<128xi32, #tpu.memory_space<vmem>>) semaphore(%arg13 : memref<!tpu.dma_semaphore, #tpu.memory_space<semaphore_mem>>) {add = true}
    %dma_wait3A_1122 = arith.constant 39 : i32
    %dma_wait3A_1123 = arith.constant 0 : i32
    %dma_wait3A_1124 = tpu.memref_slice %arg7[%dma_wait3A_1122, %dma_wait3A_1123] : memref<40x128xi32, #tpu.memory_space<vmem>> -> memref<1x128xi32, #tpu.memory_space<vmem>>
    %dma_wait3A_1125 = tpu.memref_squeeze %dma_wait3A_1124 : memref<1x128xi32, #tpu.memory_space<vmem>> -> memref<128xi32, #tpu.memory_space<vmem>>
    %dma_wait3A_1126 = arith.constant 0 : i32
    %dma_wait3A_1127 = arith.constant 0 : i32
    %dma_wait3A_1128 = tpu.memref_slice %arg10[%dma_wait3A_1126, %dma_wait3A_1127] : memref<10112x128xf32, #tpu.memory_space<vmem_shared>> -> memref<10112x128xf32, #tpu.memory_space<vmem_shared>>
    tpu.wait_indirect_dma semaphore(%arg13 : memref<!tpu.dma_semaphore, #tpu.memory_space<semaphore_mem>>) src(%arg9 : memref<128x128xf32, #tpu.memory_space<vmem>>) dst(%dma_wait3A_1128 : memref<10112x128xf32, #tpu.memory_space<vmem_shared>>)
    %mul3A_1129 = arith.constant 80 : i32
    %mul3A_1130 = arith.muli %add3A, %mul3A_1129 : i32
    %add3A_1131 = arith.constant 40 : i32
    %add3A_1132 = arith.addi %mul3A_1130, %add3A_1131 : i32
    "tpu.region"() ({
      %run_scoped3A = tpu.sem_alloc : memref<!tpu.dma_semaphore, #tpu.memory_space<semaphore_mem>>
      %dma_start3A_2263 = arith.constant 0 : i32
      %dma_start3A_2264 = tpu.memref_slice %arg3[%add3A_1132, %dma_start3A_2263] : memref<5120x128xi32, #tpu.memory_space<hbm>> -> memref<40x128xi32, #tpu.memory_space<hbm>>
      %dma_start3A_2265 = arith.constant 0 : i32
      %dma_start3A_2266 = tpu.memref_slice %arg3[%add3A_1132, %dma_start3A_2265] : memref<5120x128xi32, #tpu.memory_space<hbm>> -> memref<40x128xi32, #tpu.memory_space<hbm>>
      tpu.enqueue_dma source(%dma_start3A_2266 : memref<40x128xi32, #tpu.memory_space<hbm>>) target(%arg6 : memref<40x128xi32, #tpu.memory_space<vmem>>) target_semaphore(%run_scoped3A : memref<!tpu.dma_semaphore, #tpu.memory_space<semaphore_mem>>)
      %dma_wait3A_2267 = arith.constant 0 : i32
      %dma_wait3A_2268 = tpu.memref_slice %arg3[%add3A_1132, %dma_wait3A_2267] : memref<5120x128xi32, #tpu.memory_space<hbm>> -> memref<40x128xi32, #tpu.memory_space<hbm>>
      %dma_wait3A_2269 = arith.constant 0 : i32
      %dma_wait3A_2270 = tpu.memref_slice %arg3[%add3A_1132, %dma_wait3A_2269] : memref<5120x128xi32, #tpu.memory_space<hbm>> -> memref<40x128xi32, #tpu.memory_space<hbm>>
      tpu.wait_dma2 semaphore(%run_scoped3A : memref<!tpu.dma_semaphore, #tpu.memory_space<semaphore_mem>>) src(%dma_wait3A_2270 : memref<40x128xi32, #tpu.memory_space<hbm>>) dst(%arg6 : memref<40x128xi32, #tpu.memory_space<vmem>>)
      tpu.yield
    }) : () -> ()
    %add3A_1133 = arith.constant 2560 : i32
    %add3A_1134 = arith.addi %add3A_1133, %add3A_1132 : i32
    "tpu.region"() ({
      %run_scoped3A = tpu.sem_alloc : memref<!tpu.dma_semaphore, #tpu.memory_space<semaphore_mem>>
      %dma_start3A_2263 = arith.constant 0 : i32
      %dma_start3A_2264 = tpu.memref_slice %arg3[%add3A_1134, %dma_start3A_2263] : memref<5120x128xi32, #tpu.memory_space<hbm>> -> memref<40x128xi32, #tpu.memory_space<hbm>>
      %dma_start3A_2265 = arith.constant 0 : i32
      %dma_start3A_2266 = tpu.memref_slice %arg3[%add3A_1134, %dma_start3A_2265] : memref<5120x128xi32, #tpu.memory_space<hbm>> -> memref<40x128xi32, #tpu.memory_space<hbm>>
      tpu.enqueue_dma source(%dma_start3A_2266 : memref<40x128xi32, #tpu.memory_space<hbm>>) target(%arg7 : memref<40x128xi32, #tpu.memory_space<vmem>>) target_semaphore(%run_scoped3A : memref<!tpu.dma_semaphore, #tpu.memory_space<semaphore_mem>>)
      %dma_wait3A_2267 = arith.constant 0 : i32
      %dma_wait3A_2268 = tpu.memref_slice %arg3[%add3A_1134, %dma_wait3A_2267] : memref<5120x128xi32, #tpu.memory_space<hbm>> -> memref<40x128xi32, #tpu.memory_space<hbm>>
      %dma_wait3A_2269 = arith.constant 0 : i32
      %dma_wait3A_2270 = tpu.memref_slice %arg3[%add3A_1134, %dma_wait3A_2269] : memref<5120x128xi32, #tpu.memory_space<hbm>> -> memref<40x128xi32, #tpu.memory_space<hbm>>
      tpu.wait_dma2 semaphore(%run_scoped3A : memref<!tpu.dma_semaphore, #tpu.memory_space<semaphore_mem>>) src(%dma_wait3A_2270 : memref<40x128xi32, #tpu.memory_space<hbm>>) dst(%arg7 : memref<40x128xi32, #tpu.memory_space<vmem>>)
      tpu.yield
    }) : () -> ()
    %dma_start3A_1135 = arith.constant 0 : i32
    %dma_start3A_1136 = arith.constant 0 : i32
    %dma_start3A_1137 = tpu.memref_slice %arg6[%dma_start3A_1135, %dma_start3A_1136] : memref<40x128xi32, #tpu.memory_space<vmem>> -> memref<1x128xi32, #tpu.memory_space<vmem>>
    %dma_start3A_1138 = tpu.memref_squeeze %dma_start3A_1137 : memref<1x128xi32, #tpu.memory_space<vmem>> -> memref<128xi32, #tpu.memory_space<vmem>>
    %dma_start3A_1139 = arith.constant 0 : i32
    %dma_start3A_1140 = arith.constant 0 : i32
    %dma_start3A_1141 = tpu.memref_slice %arg2[%dma_start3A_1139, %dma_start3A_1140] : memref<10000x128xf32, #tpu.memory_space<hbm>> -> memref<10000x128xf32, #tpu.memory_space<hbm>>
    tpu.enqueue_indirect_dma source(%dma_start3A_1141 : memref<10000x128xf32, #tpu.memory_space<hbm>>) target(%arg8 : memref<128x128xf32, #tpu.memory_space<vmem>>) offsets(%dma_start3A_1138 : memref<128xi32, #tpu.memory_space<vmem>>) semaphore(%arg11 : memref<!tpu.dma_semaphore, #tpu.memory_space<semaphore_mem>>)
    %dma_start3A_1142 = arith.constant 1 : i32
    %dma_start3A_1143 = arith.constant 0 : i32
    %dma_start3A_1144 = tpu.memref_slice %arg6[%dma_start3A_1142, %dma_start3A_1143] : memref<40x128xi32, #tpu.memory_space<vmem>> -> memref<1x128xi32, #tpu.memory_space<vmem>>
    %dma_start3A_1145 = tpu.memref_squeeze %dma_start3A_1144 : memref<1x128xi32, #tpu.memory_space<vmem>> -> memref<128xi32, #tpu.memory_space<vmem>>
    %dma_start3A_1146 = arith.constant 0 : i32
    %dma_start3A_1147 = arith.constant 0 : i32
    %dma_start3A_1148 = tpu.memref_slice %arg2[%dma_start3A_1146, %dma_start3A_1147] : memref<10000x128xf32, #tpu.memory_space<hbm>> -> memref<10000x128xf32, #tpu.memory_space<hbm>>
    tpu.enqueue_indirect_dma source(%dma_start3A_1148 : memref<10000x128xf32, #tpu.memory_space<hbm>>) target(%arg9 : memref<128x128xf32, #tpu.memory_space<vmem>>) offsets(%dma_start3A_1145 : memref<128xi32, #tpu.memory_space<vmem>>) semaphore(%arg12 : memref<!tpu.dma_semaphore, #tpu.memory_space<semaphore_mem>>)
    %dma_wait3A_1149 = arith.constant 0 : i32
    %dma_wait3A_1150 = arith.constant 0 : i32
    %dma_wait3A_1151 = tpu.memref_slice %arg6[%dma_wait3A_1149, %dma_wait3A_1150] : memref<40x128xi32, #tpu.memory_space<vmem>> -> memref<1x128xi32, #tpu.memory_space<vmem>>
    %dma_wait3A_1152 = tpu.memref_squeeze %dma_wait3A_1151 : memref<1x128xi32, #tpu.memory_space<vmem>> -> memref<128xi32, #tpu.memory_space<vmem>>
    %dma_wait3A_1153 = arith.constant 0 : i32
    %dma_wait3A_1154 = arith.constant 0 : i32
    %dma_wait3A_1155 = tpu.memref_slice %arg2[%dma_wait3A_1153, %dma_wait3A_1154] : memref<10000x128xf32, #tpu.memory_space<hbm>> -> memref<10000x128xf32, #tpu.memory_space<hbm>>
    tpu.wait_indirect_dma semaphore(%arg11 : memref<!tpu.dma_semaphore, #tpu.memory_space<semaphore_mem>>) src(%dma_wait3A_1155 : memref<10000x128xf32, #tpu.memory_space<hbm>>) dst(%arg8 : memref<128x128xf32, #tpu.memory_space<vmem>>)
    %dma_start3A_1156 = arith.constant 0 : i32
    %dma_start3A_1157 = arith.constant 0 : i32
    %dma_start3A_1158 = tpu.memref_slice %arg7[%dma_start3A_1156, %dma_start3A_1157] : memref<40x128xi32, #tpu.memory_space<vmem>> -> memref<1x128xi32, #tpu.memory_space<vmem>>
    %dma_start3A_1159 = tpu.memref_squeeze %dma_start3A_1158 : memref<1x128xi32, #tpu.memory_space<vmem>> -> memref<128xi32, #tpu.memory_space<vmem>>
    %dma_start3A_1160 = arith.constant 0 : i32
    %dma_start3A_1161 = arith.constant 0 : i32
    %dma_start3A_1162 = tpu.memref_slice %arg10[%dma_start3A_1160, %dma_start3A_1161] : memref<10112x128xf32, #tpu.memory_space<vmem_shared>> -> memref<10112x128xf32, #tpu.memory_space<vmem_shared>>
    tpu.enqueue_indirect_dma source(%arg8 : memref<128x128xf32, #tpu.memory_space<vmem>>) target(%dma_start3A_1162 : memref<10112x128xf32, #tpu.memory_space<vmem_shared>>) offsets(%dma_start3A_1159 : memref<128xi32, #tpu.memory_space<vmem>>) semaphore(%arg13 : memref<!tpu.dma_semaphore, #tpu.memory_space<semaphore_mem>>) {add = true}
    %dma_wait3A_1163 = arith.constant 1 : i32
    %dma_wait3A_1164 = arith.constant 0 : i32
    %dma_wait3A_1165 = tpu.memref_slice %arg6[%dma_wait3A_1163, %dma_wait3A_1164] : memref<40x128xi32, #tpu.memory_space<vmem>> -> memref<1x128xi32, #tpu.memory_space<vmem>>
    %dma_wait3A_1166 = tpu.memref_squeeze %dma_wait3A_1165 : memref<1x128xi32, #tpu.memory_space<vmem>> -> memref<128xi32, #tpu.memory_space<vmem>>
    %dma_wait3A_1167 = arith.constant 0 : i32
    %dma_wait3A_1168 = arith.constant 0 : i32
    %dma_wait3A_1169 = tpu.memref_slice %arg2[%dma_wait3A_1167, %dma_wait3A_1168] : memref<10000x128xf32, #tpu.memory_space<hbm>> -> memref<10000x128xf32, #tpu.memory_space<hbm>>
    tpu.wait_indirect_dma semaphore(%arg12 : memref<!tpu.dma_semaphore, #tpu.memory_space<semaphore_mem>>) src(%dma_wait3A_1169 : memref<10000x128xf32, #tpu.memory_space<hbm>>) dst(%arg9 : memref<128x128xf32, #tpu.memory_space<vmem>>)
    %dma_wait3A_1170 = arith.constant 0 : i32
    %dma_wait3A_1171 = arith.constant 0 : i32
    %dma_wait3A_1172 = tpu.memref_slice %arg7[%dma_wait3A_1170, %dma_wait3A_1171] : memref<40x128xi32, #tpu.memory_space<vmem>> -> memref<1x128xi32, #tpu.memory_space<vmem>>
    %dma_wait3A_1173 = tpu.memref_squeeze %dma_wait3A_1172 : memref<1x128xi32, #tpu.memory_space<vmem>> -> memref<128xi32, #tpu.memory_space<vmem>>
    %dma_wait3A_1174 = arith.constant 0 : i32
    %dma_wait3A_1175 = arith.constant 0 : i32
    %dma_wait3A_1176 = tpu.memref_slice %arg10[%dma_wait3A_1174, %dma_wait3A_1175] : memref<10112x128xf32, #tpu.memory_space<vmem_shared>> -> memref<10112x128xf32, #tpu.memory_space<vmem_shared>>
    tpu.wait_indirect_dma semaphore(%arg13 : memref<!tpu.dma_semaphore, #tpu.memory_space<semaphore_mem>>) src(%arg8 : memref<128x128xf32, #tpu.memory_space<vmem>>) dst(%dma_wait3A_1176 : memref<10112x128xf32, #tpu.memory_space<vmem_shared>>)
    %dma_start3A_1177 = arith.constant 2 : i32
    %dma_start3A_1178 = arith.constant 0 : i32
    %dma_start3A_1179 = tpu.memref_slice %arg6[%dma_start3A_1177, %dma_start3A_1178] : memref<40x128xi32, #tpu.memory_space<vmem>> -> memref<1x128xi32, #tpu.memory_space<vmem>>
    %dma_start3A_1180 = tpu.memref_squeeze %dma_start3A_1179 : memref<1x128xi32, #tpu.memory_space<vmem>> -> memref<128xi32, #tpu.memory_space<vmem>>
    %dma_start3A_1181 = arith.constant 0 : i32
    %dma_start3A_1182 = arith.constant 0 : i32
    %dma_start3A_1183 = tpu.memref_slice %arg2[%dma_start3A_1181, %dma_start3A_1182] : memref<10000x128xf32, #tpu.memory_space<hbm>> -> memref<10000x128xf32, #tpu.memory_space<hbm>>
    tpu.enqueue_indirect_dma source(%dma_start3A_1183 : memref<10000x128xf32, #tpu.memory_space<hbm>>) target(%arg8 : memref<128x128xf32, #tpu.memory_space<vmem>>) offsets(%dma_start3A_1180 : memref<128xi32, #tpu.memory_space<vmem>>) semaphore(%arg11 : memref<!tpu.dma_semaphore, #tpu.memory_space<semaphore_mem>>)
    %dma_start3A_1184 = arith.constant 1 : i32
    %dma_start3A_1185 = arith.constant 0 : i32
    %dma_start3A_1186 = tpu.memref_slice %arg7[%dma_start3A_1184, %dma_start3A_1185] : memref<40x128xi32, #tpu.memory_space<vmem>> -> memref<1x128xi32, #tpu.memory_space<vmem>>
    %dma_start3A_1187 = tpu.memref_squeeze %dma_start3A_1186 : memref<1x128xi32, #tpu.memory_space<vmem>> -> memref<128xi32, #tpu.memory_space<vmem>>
    %dma_start3A_1188 = arith.constant 0 : i32
    %dma_start3A_1189 = arith.constant 0 : i32
    %dma_start3A_1190 = tpu.memref_slice %arg10[%dma_start3A_1188, %dma_start3A_1189] : memref<10112x128xf32, #tpu.memory_space<vmem_shared>> -> memref<10112x128xf32, #tpu.memory_space<vmem_shared>>
    tpu.enqueue_indirect_dma source(%arg9 : memref<128x128xf32, #tpu.memory_space<vmem>>) target(%dma_start3A_1190 : memref<10112x128xf32, #tpu.memory_space<vmem_shared>>) offsets(%dma_start3A_1187 : memref<128xi32, #tpu.memory_space<vmem>>) semaphore(%arg13 : memref<!tpu.dma_semaphore, #tpu.memory_space<semaphore_mem>>) {add = true}
    %dma_wait3A_1191 = arith.constant 2 : i32
    %dma_wait3A_1192 = arith.constant 0 : i32
    %dma_wait3A_1193 = tpu.memref_slice %arg6[%dma_wait3A_1191, %dma_wait3A_1192] : memref<40x128xi32, #tpu.memory_space<vmem>> -> memref<1x128xi32, #tpu.memory_space<vmem>>
    %dma_wait3A_1194 = tpu.memref_squeeze %dma_wait3A_1193 : memref<1x128xi32, #tpu.memory_space<vmem>> -> memref<128xi32, #tpu.memory_space<vmem>>
    %dma_wait3A_1195 = arith.constant 0 : i32
    %dma_wait3A_1196 = arith.constant 0 : i32
    %dma_wait3A_1197 = tpu.memref_slice %arg2[%dma_wait3A_1195, %dma_wait3A_1196] : memref<10000x128xf32, #tpu.memory_space<hbm>> -> memref<10000x128xf32, #tpu.memory_space<hbm>>
    tpu.wait_indirect_dma semaphore(%arg11 : memref<!tpu.dma_semaphore, #tpu.memory_space<semaphore_mem>>) src(%dma_wait3A_1197 : memref<10000x128xf32, #tpu.memory_space<hbm>>) dst(%arg8 : memref<128x128xf32, #tpu.memory_space<vmem>>)
    %dma_wait3A_1198 = arith.constant 1 : i32
    %dma_wait3A_1199 = arith.constant 0 : i32
    %dma_wait3A_1200 = tpu.memref_slice %arg7[%dma_wait3A_1198, %dma_wait3A_1199] : memref<40x128xi32, #tpu.memory_space<vmem>> -> memref<1x128xi32, #tpu.memory_space<vmem>>
    %dma_wait3A_1201 = tpu.memref_squeeze %dma_wait3A_1200 : memref<1x128xi32, #tpu.memory_space<vmem>> -> memref<128xi32, #tpu.memory_space<vmem>>
    %dma_wait3A_1202 = arith.constant 0 : i32
    %dma_wait3A_1203 = arith.constant 0 : i32
    %dma_wait3A_1204 = tpu.memref_slice %arg10[%dma_wait3A_1202, %dma_wait3A_1203] : memref<10112x128xf32, #tpu.memory_space<vmem_shared>> -> memref<10112x128xf32, #tpu.memory_space<vmem_shared>>
    tpu.wait_indirect_dma semaphore(%arg13 : memref<!tpu.dma_semaphore, #tpu.memory_space<semaphore_mem>>) src(%arg9 : memref<128x128xf32, #tpu.memory_space<vmem>>) dst(%dma_wait3A_1204 : memref<10112x128xf32, #tpu.memory_space<vmem_shared>>)
    %dma_start3A_1205 = arith.constant 3 : i32
    %dma_start3A_1206 = arith.constant 0 : i32
    %dma_start3A_1207 = tpu.memref_slice %arg6[%dma_start3A_1205, %dma_start3A_1206] : memref<40x128xi32, #tpu.memory_space<vmem>> -> memref<1x128xi32, #tpu.memory_space<vmem>>
    %dma_start3A_1208 = tpu.memref_squeeze %dma_start3A_1207 : memref<1x128xi32, #tpu.memory_space<vmem>> -> memref<128xi32, #tpu.memory_space<vmem>>
    %dma_start3A_1209 = arith.constant 0 : i32
    %dma_start3A_1210 = arith.constant 0 : i32
    %dma_start3A_1211 = tpu.memref_slice %arg2[%dma_start3A_1209, %dma_start3A_1210] : memref<10000x128xf32, #tpu.memory_space<hbm>> -> memref<10000x128xf32, #tpu.memory_space<hbm>>
    tpu.enqueue_indirect_dma source(%dma_start3A_1211 : memref<10000x128xf32, #tpu.memory_space<hbm>>) target(%arg9 : memref<128x128xf32, #tpu.memory_space<vmem>>) offsets(%dma_start3A_1208 : memref<128xi32, #tpu.memory_space<vmem>>) semaphore(%arg12 : memref<!tpu.dma_semaphore, #tpu.memory_space<semaphore_mem>>)
    %dma_start3A_1212 = arith.constant 2 : i32
    %dma_start3A_1213 = arith.constant 0 : i32
    %dma_start3A_1214 = tpu.memref_slice %arg7[%dma_start3A_1212, %dma_start3A_1213] : memref<40x128xi32, #tpu.memory_space<vmem>> -> memref<1x128xi32, #tpu.memory_space<vmem>>
    %dma_start3A_1215 = tpu.memref_squeeze %dma_start3A_1214 : memref<1x128xi32, #tpu.memory_space<vmem>> -> memref<128xi32, #tpu.memory_space<vmem>>
    %dma_start3A_1216 = arith.constant 0 : i32
    %dma_start3A_1217 = arith.constant 0 : i32
    %dma_start3A_1218 = tpu.memref_slice %arg10[%dma_start3A_1216, %dma_start3A_1217] : memref<10112x128xf32, #tpu.memory_space<vmem_shared>> -> memref<10112x128xf32, #tpu.memory_space<vmem_shared>>
    tpu.enqueue_indirect_dma source(%arg8 : memref<128x128xf32, #tpu.memory_space<vmem>>) target(%dma_start3A_1218 : memref<10112x128xf32, #tpu.memory_space<vmem_shared>>) offsets(%dma_start3A_1215 : memref<128xi32, #tpu.memory_space<vmem>>) semaphore(%arg13 : memref<!tpu.dma_semaphore, #tpu.memory_space<semaphore_mem>>) {add = true}
    %dma_wait3A_1219 = arith.constant 3 : i32
    %dma_wait3A_1220 = arith.constant 0 : i32
    %dma_wait3A_1221 = tpu.memref_slice %arg6[%dma_wait3A_1219, %dma_wait3A_1220] : memref<40x128xi32, #tpu.memory_space<vmem>> -> memref<1x128xi32, #tpu.memory_space<vmem>>
    %dma_wait3A_1222 = tpu.memref_squeeze %dma_wait3A_1221 : memref<1x128xi32, #tpu.memory_space<vmem>> -> memref<128xi32, #tpu.memory_space<vmem>>
    %dma_wait3A_1223 = arith.constant 0 : i32
    %dma_wait3A_1224 = arith.constant 0 : i32
    %dma_wait3A_1225 = tpu.memref_slice %arg2[%dma_wait3A_1223, %dma_wait3A_1224] : memref<10000x128xf32, #tpu.memory_space<hbm>> -> memref<10000x128xf32, #tpu.memory_space<hbm>>
    tpu.wait_indirect_dma semaphore(%arg12 : memref<!tpu.dma_semaphore, #tpu.memory_space<semaphore_mem>>) src(%dma_wait3A_1225 : memref<10000x128xf32, #tpu.memory_space<hbm>>) dst(%arg9 : memref<128x128xf32, #tpu.memory_space<vmem>>)
    %dma_wait3A_1226 = arith.constant 2 : i32
    %dma_wait3A_1227 = arith.constant 0 : i32
    %dma_wait3A_1228 = tpu.memref_slice %arg7[%dma_wait3A_1226, %dma_wait3A_1227] : memref<40x128xi32, #tpu.memory_space<vmem>> -> memref<1x128xi32, #tpu.memory_space<vmem>>
    %dma_wait3A_1229 = tpu.memref_squeeze %dma_wait3A_1228 : memref<1x128xi32, #tpu.memory_space<vmem>> -> memref<128xi32, #tpu.memory_space<vmem>>
    %dma_wait3A_1230 = arith.constant 0 : i32
    %dma_wait3A_1231 = arith.constant 0 : i32
    %dma_wait3A_1232 = tpu.memref_slice %arg10[%dma_wait3A_1230, %dma_wait3A_1231] : memref<10112x128xf32, #tpu.memory_space<vmem_shared>> -> memref<10112x128xf32, #tpu.memory_space<vmem_shared>>
    tpu.wait_indirect_dma semaphore(%arg13 : memref<!tpu.dma_semaphore, #tpu.memory_space<semaphore_mem>>) src(%arg8 : memref<128x128xf32, #tpu.memory_space<vmem>>) dst(%dma_wait3A_1232 : memref<10112x128xf32, #tpu.memory_space<vmem_shared>>)
    %dma_start3A_1233 = arith.constant 4 : i32
    %dma_start3A_1234 = arith.constant 0 : i32
    %dma_start3A_1235 = tpu.memref_slice %arg6[%dma_start3A_1233, %dma_start3A_1234] : memref<40x128xi32, #tpu.memory_space<vmem>> -> memref<1x128xi32, #tpu.memory_space<vmem>>
    %dma_start3A_1236 = tpu.memref_squeeze %dma_start3A_1235 : memref<1x128xi32, #tpu.memory_space<vmem>> -> memref<128xi32, #tpu.memory_space<vmem>>
    %dma_start3A_1237 = arith.constant 0 : i32
    %dma_start3A_1238 = arith.constant 0 : i32
    %dma_start3A_1239 = tpu.memref_slice %arg2[%dma_start3A_1237, %dma_start3A_1238] : memref<10000x128xf32, #tpu.memory_space<hbm>> -> memref<10000x128xf32, #tpu.memory_space<hbm>>
    tpu.enqueue_indirect_dma source(%dma_start3A_1239 : memref<10000x128xf32, #tpu.memory_space<hbm>>) target(%arg8 : memref<128x128xf32, #tpu.memory_space<vmem>>) offsets(%dma_start3A_1236 : memref<128xi32, #tpu.memory_space<vmem>>) semaphore(%arg11 : memref<!tpu.dma_semaphore, #tpu.memory_space<semaphore_mem>>)
    %dma_start3A_1240 = arith.constant 3 : i32
    %dma_start3A_1241 = arith.constant 0 : i32
    %dma_start3A_1242 = tpu.memref_slice %arg7[%dma_start3A_1240, %dma_start3A_1241] : memref<40x128xi32, #tpu.memory_space<vmem>> -> memref<1x128xi32, #tpu.memory_space<vmem>>
    %dma_start3A_1243 = tpu.memref_squeeze %dma_start3A_1242 : memref<1x128xi32, #tpu.memory_space<vmem>> -> memref<128xi32, #tpu.memory_space<vmem>>
    %dma_start3A_1244 = arith.constant 0 : i32
    %dma_start3A_1245 = arith.constant 0 : i32
    %dma_start3A_1246 = tpu.memref_slice %arg10[%dma_start3A_1244, %dma_start3A_1245] : memref<10112x128xf32, #tpu.memory_space<vmem_shared>> -> memref<10112x128xf32, #tpu.memory_space<vmem_shared>>
    tpu.enqueue_indirect_dma source(%arg9 : memref<128x128xf32, #tpu.memory_space<vmem>>) target(%dma_start3A_1246 : memref<10112x128xf32, #tpu.memory_space<vmem_shared>>) offsets(%dma_start3A_1243 : memref<128xi32, #tpu.memory_space<vmem>>) semaphore(%arg13 : memref<!tpu.dma_semaphore, #tpu.memory_space<semaphore_mem>>) {add = true}
    %dma_wait3A_1247 = arith.constant 4 : i32
    %dma_wait3A_1248 = arith.constant 0 : i32
    %dma_wait3A_1249 = tpu.memref_slice %arg6[%dma_wait3A_1247, %dma_wait3A_1248] : memref<40x128xi32, #tpu.memory_space<vmem>> -> memref<1x128xi32, #tpu.memory_space<vmem>>
    %dma_wait3A_1250 = tpu.memref_squeeze %dma_wait3A_1249 : memref<1x128xi32, #tpu.memory_space<vmem>> -> memref<128xi32, #tpu.memory_space<vmem>>
    %dma_wait3A_1251 = arith.constant 0 : i32
    %dma_wait3A_1252 = arith.constant 0 : i32
    %dma_wait3A_1253 = tpu.memref_slice %arg2[%dma_wait3A_1251, %dma_wait3A_1252] : memref<10000x128xf32, #tpu.memory_space<hbm>> -> memref<10000x128xf32, #tpu.memory_space<hbm>>
    tpu.wait_indirect_dma semaphore(%arg11 : memref<!tpu.dma_semaphore, #tpu.memory_space<semaphore_mem>>) src(%dma_wait3A_1253 : memref<10000x128xf32, #tpu.memory_space<hbm>>) dst(%arg8 : memref<128x128xf32, #tpu.memory_space<vmem>>)
    %dma_wait3A_1254 = arith.constant 3 : i32
    %dma_wait3A_1255 = arith.constant 0 : i32
    %dma_wait3A_1256 = tpu.memref_slice %arg7[%dma_wait3A_1254, %dma_wait3A_1255] : memref<40x128xi32, #tpu.memory_space<vmem>> -> memref<1x128xi32, #tpu.memory_space<vmem>>
    %dma_wait3A_1257 = tpu.memref_squeeze %dma_wait3A_1256 : memref<1x128xi32, #tpu.memory_space<vmem>> -> memref<128xi32, #tpu.memory_space<vmem>>
    %dma_wait3A_1258 = arith.constant 0 : i32
    %dma_wait3A_1259 = arith.constant 0 : i32
    %dma_wait3A_1260 = tpu.memref_slice %arg10[%dma_wait3A_1258, %dma_wait3A_1259] : memref<10112x128xf32, #tpu.memory_space<vmem_shared>> -> memref<10112x128xf32, #tpu.memory_space<vmem_shared>>
    tpu.wait_indirect_dma semaphore(%arg13 : memref<!tpu.dma_semaphore, #tpu.memory_space<semaphore_mem>>) src(%arg9 : memref<128x128xf32, #tpu.memory_space<vmem>>) dst(%dma_wait3A_1260 : memref<10112x128xf32, #tpu.memory_space<vmem_shared>>)
    %dma_start3A_1261 = arith.constant 5 : i32
    %dma_start3A_1262 = arith.constant 0 : i32
    %dma_start3A_1263 = tpu.memref_slice %arg6[%dma_start3A_1261, %dma_start3A_1262] : memref<40x128xi32, #tpu.memory_space<vmem>> -> memref<1x128xi32, #tpu.memory_space<vmem>>
    %dma_start3A_1264 = tpu.memref_squeeze %dma_start3A_1263 : memref<1x128xi32, #tpu.memory_space<vmem>> -> memref<128xi32, #tpu.memory_space<vmem>>
    %dma_start3A_1265 = arith.constant 0 : i32
    %dma_start3A_1266 = arith.constant 0 : i32
    %dma_start3A_1267 = tpu.memref_slice %arg2[%dma_start3A_1265, %dma_start3A_1266] : memref<10000x128xf32, #tpu.memory_space<hbm>> -> memref<10000x128xf32, #tpu.memory_space<hbm>>
    tpu.enqueue_indirect_dma source(%dma_start3A_1267 : memref<10000x128xf32, #tpu.memory_space<hbm>>) target(%arg9 : memref<128x128xf32, #tpu.memory_space<vmem>>) offsets(%dma_start3A_1264 : memref<128xi32, #tpu.memory_space<vmem>>) semaphore(%arg12 : memref<!tpu.dma_semaphore, #tpu.memory_space<semaphore_mem>>)
    %dma_start3A_1268 = arith.constant 4 : i32
    %dma_start3A_1269 = arith.constant 0 : i32
    %dma_start3A_1270 = tpu.memref_slice %arg7[%dma_start3A_1268, %dma_start3A_1269] : memref<40x128xi32, #tpu.memory_space<vmem>> -> memref<1x128xi32, #tpu.memory_space<vmem>>
    %dma_start3A_1271 = tpu.memref_squeeze %dma_start3A_1270 : memref<1x128xi32, #tpu.memory_space<vmem>> -> memref<128xi32, #tpu.memory_space<vmem>>
    %dma_start3A_1272 = arith.constant 0 : i32
    %dma_start3A_1273 = arith.constant 0 : i32
    %dma_start3A_1274 = tpu.memref_slice %arg10[%dma_start3A_1272, %dma_start3A_1273] : memref<10112x128xf32, #tpu.memory_space<vmem_shared>> -> memref<10112x128xf32, #tpu.memory_space<vmem_shared>>
    tpu.enqueue_indirect_dma source(%arg8 : memref<128x128xf32, #tpu.memory_space<vmem>>) target(%dma_start3A_1274 : memref<10112x128xf32, #tpu.memory_space<vmem_shared>>) offsets(%dma_start3A_1271 : memref<128xi32, #tpu.memory_space<vmem>>) semaphore(%arg13 : memref<!tpu.dma_semaphore, #tpu.memory_space<semaphore_mem>>) {add = true}
    %dma_wait3A_1275 = arith.constant 5 : i32
    %dma_wait3A_1276 = arith.constant 0 : i32
    %dma_wait3A_1277 = tpu.memref_slice %arg6[%dma_wait3A_1275, %dma_wait3A_1276] : memref<40x128xi32, #tpu.memory_space<vmem>> -> memref<1x128xi32, #tpu.memory_space<vmem>>
    %dma_wait3A_1278 = tpu.memref_squeeze %dma_wait3A_1277 : memref<1x128xi32, #tpu.memory_space<vmem>> -> memref<128xi32, #tpu.memory_space<vmem>>
    %dma_wait3A_1279 = arith.constant 0 : i32
    %dma_wait3A_1280 = arith.constant 0 : i32
    %dma_wait3A_1281 = tpu.memref_slice %arg2[%dma_wait3A_1279, %dma_wait3A_1280] : memref<10000x128xf32, #tpu.memory_space<hbm>> -> memref<10000x128xf32, #tpu.memory_space<hbm>>
    tpu.wait_indirect_dma semaphore(%arg12 : memref<!tpu.dma_semaphore, #tpu.memory_space<semaphore_mem>>) src(%dma_wait3A_1281 : memref<10000x128xf32, #tpu.memory_space<hbm>>) dst(%arg9 : memref<128x128xf32, #tpu.memory_space<vmem>>)
    %dma_wait3A_1282 = arith.constant 4 : i32
    %dma_wait3A_1283 = arith.constant 0 : i32
    %dma_wait3A_1284 = tpu.memref_slice %arg7[%dma_wait3A_1282, %dma_wait3A_1283] : memref<40x128xi32, #tpu.memory_space<vmem>> -> memref<1x128xi32, #tpu.memory_space<vmem>>
    %dma_wait3A_1285 = tpu.memref_squeeze %dma_wait3A_1284 : memref<1x128xi32, #tpu.memory_space<vmem>> -> memref<128xi32, #tpu.memory_space<vmem>>
    %dma_wait3A_1286 = arith.constant 0 : i32
    %dma_wait3A_1287 = arith.constant 0 : i32
    %dma_wait3A_1288 = tpu.memref_slice %arg10[%dma_wait3A_1286, %dma_wait3A_1287] : memref<10112x128xf32, #tpu.memory_space<vmem_shared>> -> memref<10112x128xf32, #tpu.memory_space<vmem_shared>>
    tpu.wait_indirect_dma semaphore(%arg13 : memref<!tpu.dma_semaphore, #tpu.memory_space<semaphore_mem>>) src(%arg8 : memref<128x128xf32, #tpu.memory_space<vmem>>) dst(%dma_wait3A_1288 : memref<10112x128xf32, #tpu.memory_space<vmem_shared>>)
    %dma_start3A_1289 = arith.constant 6 : i32
    %dma_start3A_1290 = arith.constant 0 : i32
    %dma_start3A_1291 = tpu.memref_slice %arg6[%dma_start3A_1289, %dma_start3A_1290] : memref<40x128xi32, #tpu.memory_space<vmem>> -> memref<1x128xi32, #tpu.memory_space<vmem>>
    %dma_start3A_1292 = tpu.memref_squeeze %dma_start3A_1291 : memref<1x128xi32, #tpu.memory_space<vmem>> -> memref<128xi32, #tpu.memory_space<vmem>>
    %dma_start3A_1293 = arith.constant 0 : i32
    %dma_start3A_1294 = arith.constant 0 : i32
    %dma_start3A_1295 = tpu.memref_slice %arg2[%dma_start3A_1293, %dma_start3A_1294] : memref<10000x128xf32, #tpu.memory_space<hbm>> -> memref<10000x128xf32, #tpu.memory_space<hbm>>
    tpu.enqueue_indirect_dma source(%dma_start3A_1295 : memref<10000x128xf32, #tpu.memory_space<hbm>>) target(%arg8 : memref<128x128xf32, #tpu.memory_space<vmem>>) offsets(%dma_start3A_1292 : memref<128xi32, #tpu.memory_space<vmem>>) semaphore(%arg11 : memref<!tpu.dma_semaphore, #tpu.memory_space<semaphore_mem>>)
    %dma_start3A_1296 = arith.constant 5 : i32
    %dma_start3A_1297 = arith.constant 0 : i32
    %dma_start3A_1298 = tpu.memref_slice %arg7[%dma_start3A_1296, %dma_start3A_1297] : memref<40x128xi32, #tpu.memory_space<vmem>> -> memref<1x128xi32, #tpu.memory_space<vmem>>
    %dma_start3A_1299 = tpu.memref_squeeze %dma_start3A_1298 : memref<1x128xi32, #tpu.memory_space<vmem>> -> memref<128xi32, #tpu.memory_space<vmem>>
    %dma_start3A_1300 = arith.constant 0 : i32
    %dma_start3A_1301 = arith.constant 0 : i32
    %dma_start3A_1302 = tpu.memref_slice %arg10[%dma_start3A_1300, %dma_start3A_1301] : memref<10112x128xf32, #tpu.memory_space<vmem_shared>> -> memref<10112x128xf32, #tpu.memory_space<vmem_shared>>
    tpu.enqueue_indirect_dma source(%arg9 : memref<128x128xf32, #tpu.memory_space<vmem>>) target(%dma_start3A_1302 : memref<10112x128xf32, #tpu.memory_space<vmem_shared>>) offsets(%dma_start3A_1299 : memref<128xi32, #tpu.memory_space<vmem>>) semaphore(%arg13 : memref<!tpu.dma_semaphore, #tpu.memory_space<semaphore_mem>>) {add = true}
    %dma_wait3A_1303 = arith.constant 6 : i32
    %dma_wait3A_1304 = arith.constant 0 : i32
    %dma_wait3A_1305 = tpu.memref_slice %arg6[%dma_wait3A_1303, %dma_wait3A_1304] : memref<40x128xi32, #tpu.memory_space<vmem>> -> memref<1x128xi32, #tpu.memory_space<vmem>>
    %dma_wait3A_1306 = tpu.memref_squeeze %dma_wait3A_1305 : memref<1x128xi32, #tpu.memory_space<vmem>> -> memref<128xi32, #tpu.memory_space<vmem>>
    %dma_wait3A_1307 = arith.constant 0 : i32
    %dma_wait3A_1308 = arith.constant 0 : i32
    %dma_wait3A_1309 = tpu.memref_slice %arg2[%dma_wait3A_1307, %dma_wait3A_1308] : memref<10000x128xf32, #tpu.memory_space<hbm>> -> memref<10000x128xf32, #tpu.memory_space<hbm>>
    tpu.wait_indirect_dma semaphore(%arg11 : memref<!tpu.dma_semaphore, #tpu.memory_space<semaphore_mem>>) src(%dma_wait3A_1309 : memref<10000x128xf32, #tpu.memory_space<hbm>>) dst(%arg8 : memref<128x128xf32, #tpu.memory_space<vmem>>)
    %dma_wait3A_1310 = arith.constant 5 : i32
    %dma_wait3A_1311 = arith.constant 0 : i32
    %dma_wait3A_1312 = tpu.memref_slice %arg7[%dma_wait3A_1310, %dma_wait3A_1311] : memref<40x128xi32, #tpu.memory_space<vmem>> -> memref<1x128xi32, #tpu.memory_space<vmem>>
    %dma_wait3A_1313 = tpu.memref_squeeze %dma_wait3A_1312 : memref<1x128xi32, #tpu.memory_space<vmem>> -> memref<128xi32, #tpu.memory_space<vmem>>
    %dma_wait3A_1314 = arith.constant 0 : i32
    %dma_wait3A_1315 = arith.constant 0 : i32
    %dma_wait3A_1316 = tpu.memref_slice %arg10[%dma_wait3A_1314, %dma_wait3A_1315] : memref<10112x128xf32, #tpu.memory_space<vmem_shared>> -> memref<10112x128xf32, #tpu.memory_space<vmem_shared>>
    tpu.wait_indirect_dma semaphore(%arg13 : memref<!tpu.dma_semaphore, #tpu.memory_space<semaphore_mem>>) src(%arg9 : memref<128x128xf32, #tpu.memory_space<vmem>>) dst(%dma_wait3A_1316 : memref<10112x128xf32, #tpu.memory_space<vmem_shared>>)
    %dma_start3A_1317 = arith.constant 7 : i32
    %dma_start3A_1318 = arith.constant 0 : i32
    %dma_start3A_1319 = tpu.memref_slice %arg6[%dma_start3A_1317, %dma_start3A_1318] : memref<40x128xi32, #tpu.memory_space<vmem>> -> memref<1x128xi32, #tpu.memory_space<vmem>>
    %dma_start3A_1320 = tpu.memref_squeeze %dma_start3A_1319 : memref<1x128xi32, #tpu.memory_space<vmem>> -> memref<128xi32, #tpu.memory_space<vmem>>
    %dma_start3A_1321 = arith.constant 0 : i32
    %dma_start3A_1322 = arith.constant 0 : i32
    %dma_start3A_1323 = tpu.memref_slice %arg2[%dma_start3A_1321, %dma_start3A_1322] : memref<10000x128xf32, #tpu.memory_space<hbm>> -> memref<10000x128xf32, #tpu.memory_space<hbm>>
    tpu.enqueue_indirect_dma source(%dma_start3A_1323 : memref<10000x128xf32, #tpu.memory_space<hbm>>) target(%arg9 : memref<128x128xf32, #tpu.memory_space<vmem>>) offsets(%dma_start3A_1320 : memref<128xi32, #tpu.memory_space<vmem>>) semaphore(%arg12 : memref<!tpu.dma_semaphore, #tpu.memory_space<semaphore_mem>>)
    %dma_start3A_1324 = arith.constant 6 : i32
    %dma_start3A_1325 = arith.constant 0 : i32
    %dma_start3A_1326 = tpu.memref_slice %arg7[%dma_start3A_1324, %dma_start3A_1325] : memref<40x128xi32, #tpu.memory_space<vmem>> -> memref<1x128xi32, #tpu.memory_space<vmem>>
    %dma_start3A_1327 = tpu.memref_squeeze %dma_start3A_1326 : memref<1x128xi32, #tpu.memory_space<vmem>> -> memref<128xi32, #tpu.memory_space<vmem>>
    %dma_start3A_1328 = arith.constant 0 : i32
    %dma_start3A_1329 = arith.constant 0 : i32
    %dma_start3A_1330 = tpu.memref_slice %arg10[%dma_start3A_1328, %dma_start3A_1329] : memref<10112x128xf32, #tpu.memory_space<vmem_shared>> -> memref<10112x128xf32, #tpu.memory_space<vmem_shared>>
    tpu.enqueue_indirect_dma source(%arg8 : memref<128x128xf32, #tpu.memory_space<vmem>>) target(%dma_start3A_1330 : memref<10112x128xf32, #tpu.memory_space<vmem_shared>>) offsets(%dma_start3A_1327 : memref<128xi32, #tpu.memory_space<vmem>>) semaphore(%arg13 : memref<!tpu.dma_semaphore, #tpu.memory_space<semaphore_mem>>) {add = true}
    %dma_wait3A_1331 = arith.constant 7 : i32
    %dma_wait3A_1332 = arith.constant 0 : i32
    %dma_wait3A_1333 = tpu.memref_slice %arg6[%dma_wait3A_1331, %dma_wait3A_1332] : memref<40x128xi32, #tpu.memory_space<vmem>> -> memref<1x128xi32, #tpu.memory_space<vmem>>
    %dma_wait3A_1334 = tpu.memref_squeeze %dma_wait3A_1333 : memref<1x128xi32, #tpu.memory_space<vmem>> -> memref<128xi32, #tpu.memory_space<vmem>>
    %dma_wait3A_1335 = arith.constant 0 : i32
    %dma_wait3A_1336 = arith.constant 0 : i32
    %dma_wait3A_1337 = tpu.memref_slice %arg2[%dma_wait3A_1335, %dma_wait3A_1336] : memref<10000x128xf32, #tpu.memory_space<hbm>> -> memref<10000x128xf32, #tpu.memory_space<hbm>>
    tpu.wait_indirect_dma semaphore(%arg12 : memref<!tpu.dma_semaphore, #tpu.memory_space<semaphore_mem>>) src(%dma_wait3A_1337 : memref<10000x128xf32, #tpu.memory_space<hbm>>) dst(%arg9 : memref<128x128xf32, #tpu.memory_space<vmem>>)
    %dma_wait3A_1338 = arith.constant 6 : i32
    %dma_wait3A_1339 = arith.constant 0 : i32
    %dma_wait3A_1340 = tpu.memref_slice %arg7[%dma_wait3A_1338, %dma_wait3A_1339] : memref<40x128xi32, #tpu.memory_space<vmem>> -> memref<1x128xi32, #tpu.memory_space<vmem>>
    %dma_wait3A_1341 = tpu.memref_squeeze %dma_wait3A_1340 : memref<1x128xi32, #tpu.memory_space<vmem>> -> memref<128xi32, #tpu.memory_space<vmem>>
    %dma_wait3A_1342 = arith.constant 0 : i32
    %dma_wait3A_1343 = arith.constant 0 : i32
    %dma_wait3A_1344 = tpu.memref_slice %arg10[%dma_wait3A_1342, %dma_wait3A_1343] : memref<10112x128xf32, #tpu.memory_space<vmem_shared>> -> memref<10112x128xf32, #tpu.memory_space<vmem_shared>>
    tpu.wait_indirect_dma semaphore(%arg13 : memref<!tpu.dma_semaphore, #tpu.memory_space<semaphore_mem>>) src(%arg8 : memref<128x128xf32, #tpu.memory_space<vmem>>) dst(%dma_wait3A_1344 : memref<10112x128xf32, #tpu.memory_space<vmem_shared>>)
    %dma_start3A_1345 = arith.constant 8 : i32
    %dma_start3A_1346 = arith.constant 0 : i32
    %dma_start3A_1347 = tpu.memref_slice %arg6[%dma_start3A_1345, %dma_start3A_1346] : memref<40x128xi32, #tpu.memory_space<vmem>> -> memref<1x128xi32, #tpu.memory_space<vmem>>
    %dma_start3A_1348 = tpu.memref_squeeze %dma_start3A_1347 : memref<1x128xi32, #tpu.memory_space<vmem>> -> memref<128xi32, #tpu.memory_space<vmem>>
    %dma_start3A_1349 = arith.constant 0 : i32
    %dma_start3A_1350 = arith.constant 0 : i32
    %dma_start3A_1351 = tpu.memref_slice %arg2[%dma_start3A_1349, %dma_start3A_1350] : memref<10000x128xf32, #tpu.memory_space<hbm>> -> memref<10000x128xf32, #tpu.memory_space<hbm>>
    tpu.enqueue_indirect_dma source(%dma_start3A_1351 : memref<10000x128xf32, #tpu.memory_space<hbm>>) target(%arg8 : memref<128x128xf32, #tpu.memory_space<vmem>>) offsets(%dma_start3A_1348 : memref<128xi32, #tpu.memory_space<vmem>>) semaphore(%arg11 : memref<!tpu.dma_semaphore, #tpu.memory_space<semaphore_mem>>)
    %dma_start3A_1352 = arith.constant 7 : i32
    %dma_start3A_1353 = arith.constant 0 : i32
    %dma_start3A_1354 = tpu.memref_slice %arg7[%dma_start3A_1352, %dma_start3A_1353] : memref<40x128xi32, #tpu.memory_space<vmem>> -> memref<1x128xi32, #tpu.memory_space<vmem>>
    %dma_start3A_1355 = tpu.memref_squeeze %dma_start3A_1354 : memref<1x128xi32, #tpu.memory_space<vmem>> -> memref<128xi32, #tpu.memory_space<vmem>>
    %dma_start3A_1356 = arith.constant 0 : i32
    %dma_start3A_1357 = arith.constant 0 : i32
    %dma_start3A_1358 = tpu.memref_slice %arg10[%dma_start3A_1356, %dma_start3A_1357] : memref<10112x128xf32, #tpu.memory_space<vmem_shared>> -> memref<10112x128xf32, #tpu.memory_space<vmem_shared>>
    tpu.enqueue_indirect_dma source(%arg9 : memref<128x128xf32, #tpu.memory_space<vmem>>) target(%dma_start3A_1358 : memref<10112x128xf32, #tpu.memory_space<vmem_shared>>) offsets(%dma_start3A_1355 : memref<128xi32, #tpu.memory_space<vmem>>) semaphore(%arg13 : memref<!tpu.dma_semaphore, #tpu.memory_space<semaphore_mem>>) {add = true}
    %dma_wait3A_1359 = arith.constant 8 : i32
    %dma_wait3A_1360 = arith.constant 0 : i32
    %dma_wait3A_1361 = tpu.memref_slice %arg6[%dma_wait3A_1359, %dma_wait3A_1360] : memref<40x128xi32, #tpu.memory_space<vmem>> -> memref<1x128xi32, #tpu.memory_space<vmem>>
    %dma_wait3A_1362 = tpu.memref_squeeze %dma_wait3A_1361 : memref<1x128xi32, #tpu.memory_space<vmem>> -> memref<128xi32, #tpu.memory_space<vmem>>
    %dma_wait3A_1363 = arith.constant 0 : i32
    %dma_wait3A_1364 = arith.constant 0 : i32
    %dma_wait3A_1365 = tpu.memref_slice %arg2[%dma_wait3A_1363, %dma_wait3A_1364] : memref<10000x128xf32, #tpu.memory_space<hbm>> -> memref<10000x128xf32, #tpu.memory_space<hbm>>
    tpu.wait_indirect_dma semaphore(%arg11 : memref<!tpu.dma_semaphore, #tpu.memory_space<semaphore_mem>>) src(%dma_wait3A_1365 : memref<10000x128xf32, #tpu.memory_space<hbm>>) dst(%arg8 : memref<128x128xf32, #tpu.memory_space<vmem>>)
    %dma_wait3A_1366 = arith.constant 7 : i32
    %dma_wait3A_1367 = arith.constant 0 : i32
    %dma_wait3A_1368 = tpu.memref_slice %arg7[%dma_wait3A_1366, %dma_wait3A_1367] : memref<40x128xi32, #tpu.memory_space<vmem>> -> memref<1x128xi32, #tpu.memory_space<vmem>>
    %dma_wait3A_1369 = tpu.memref_squeeze %dma_wait3A_1368 : memref<1x128xi32, #tpu.memory_space<vmem>> -> memref<128xi32, #tpu.memory_space<vmem>>
    %dma_wait3A_1370 = arith.constant 0 : i32
    %dma_wait3A_1371 = arith.constant 0 : i32
    %dma_wait3A_1372 = tpu.memref_slice %arg10[%dma_wait3A_1370, %dma_wait3A_1371] : memref<10112x128xf32, #tpu.memory_space<vmem_shared>> -> memref<10112x128xf32, #tpu.memory_space<vmem_shared>>
    tpu.wait_indirect_dma semaphore(%arg13 : memref<!tpu.dma_semaphore, #tpu.memory_space<semaphore_mem>>) src(%arg9 : memref<128x128xf32, #tpu.memory_space<vmem>>) dst(%dma_wait3A_1372 : memref<10112x128xf32, #tpu.memory_space<vmem_shared>>)
    %dma_start3A_1373 = arith.constant 9 : i32
    %dma_start3A_1374 = arith.constant 0 : i32
    %dma_start3A_1375 = tpu.memref_slice %arg6[%dma_start3A_1373, %dma_start3A_1374] : memref<40x128xi32, #tpu.memory_space<vmem>> -> memref<1x128xi32, #tpu.memory_space<vmem>>
    %dma_start3A_1376 = tpu.memref_squeeze %dma_start3A_1375 : memref<1x128xi32, #tpu.memory_space<vmem>> -> memref<128xi32, #tpu.memory_space<vmem>>
    %dma_start3A_1377 = arith.constant 0 : i32
    %dma_start3A_1378 = arith.constant 0 : i32
    %dma_start3A_1379 = tpu.memref_slice %arg2[%dma_start3A_1377, %dma_start3A_1378] : memref<10000x128xf32, #tpu.memory_space<hbm>> -> memref<10000x128xf32, #tpu.memory_space<hbm>>
    tpu.enqueue_indirect_dma source(%dma_start3A_1379 : memref<10000x128xf32, #tpu.memory_space<hbm>>) target(%arg9 : memref<128x128xf32, #tpu.memory_space<vmem>>) offsets(%dma_start3A_1376 : memref<128xi32, #tpu.memory_space<vmem>>) semaphore(%arg12 : memref<!tpu.dma_semaphore, #tpu.memory_space<semaphore_mem>>)
    %dma_start3A_1380 = arith.constant 8 : i32
    %dma_start3A_1381 = arith.constant 0 : i32
    %dma_start3A_1382 = tpu.memref_slice %arg7[%dma_start3A_1380, %dma_start3A_1381] : memref<40x128xi32, #tpu.memory_space<vmem>> -> memref<1x128xi32, #tpu.memory_space<vmem>>
    %dma_start3A_1383 = tpu.memref_squeeze %dma_start3A_1382 : memref<1x128xi32, #tpu.memory_space<vmem>> -> memref<128xi32, #tpu.memory_space<vmem>>
    %dma_start3A_1384 = arith.constant 0 : i32
    %dma_start3A_1385 = arith.constant 0 : i32
    %dma_start3A_1386 = tpu.memref_slice %arg10[%dma_start3A_1384, %dma_start3A_1385] : memref<10112x128xf32, #tpu.memory_space<vmem_shared>> -> memref<10112x128xf32, #tpu.memory_space<vmem_shared>>
    tpu.enqueue_indirect_dma source(%arg8 : memref<128x128xf32, #tpu.memory_space<vmem>>) target(%dma_start3A_1386 : memref<10112x128xf32, #tpu.memory_space<vmem_shared>>) offsets(%dma_start3A_1383 : memref<128xi32, #tpu.memory_space<vmem>>) semaphore(%arg13 : memref<!tpu.dma_semaphore, #tpu.memory_space<semaphore_mem>>) {add = true}
    %dma_wait3A_1387 = arith.constant 9 : i32
    %dma_wait3A_1388 = arith.constant 0 : i32
    %dma_wait3A_1389 = tpu.memref_slice %arg6[%dma_wait3A_1387, %dma_wait3A_1388] : memref<40x128xi32, #tpu.memory_space<vmem>> -> memref<1x128xi32, #tpu.memory_space<vmem>>
    %dma_wait3A_1390 = tpu.memref_squeeze %dma_wait3A_1389 : memref<1x128xi32, #tpu.memory_space<vmem>> -> memref<128xi32, #tpu.memory_space<vmem>>
    %dma_wait3A_1391 = arith.constant 0 : i32
    %dma_wait3A_1392 = arith.constant 0 : i32
    %dma_wait3A_1393 = tpu.memref_slice %arg2[%dma_wait3A_1391, %dma_wait3A_1392] : memref<10000x128xf32, #tpu.memory_space<hbm>> -> memref<10000x128xf32, #tpu.memory_space<hbm>>
    tpu.wait_indirect_dma semaphore(%arg12 : memref<!tpu.dma_semaphore, #tpu.memory_space<semaphore_mem>>) src(%dma_wait3A_1393 : memref<10000x128xf32, #tpu.memory_space<hbm>>) dst(%arg9 : memref<128x128xf32, #tpu.memory_space<vmem>>)
    %dma_wait3A_1394 = arith.constant 8 : i32
    %dma_wait3A_1395 = arith.constant 0 : i32
    %dma_wait3A_1396 = tpu.memref_slice %arg7[%dma_wait3A_1394, %dma_wait3A_1395] : memref<40x128xi32, #tpu.memory_space<vmem>> -> memref<1x128xi32, #tpu.memory_space<vmem>>
    %dma_wait3A_1397 = tpu.memref_squeeze %dma_wait3A_1396 : memref<1x128xi32, #tpu.memory_space<vmem>> -> memref<128xi32, #tpu.memory_space<vmem>>
    %dma_wait3A_1398 = arith.constant 0 : i32
    %dma_wait3A_1399 = arith.constant 0 : i32
    %dma_wait3A_1400 = tpu.memref_slice %arg10[%dma_wait3A_1398, %dma_wait3A_1399] : memref<10112x128xf32, #tpu.memory_space<vmem_shared>> -> memref<10112x128xf32, #tpu.memory_space<vmem_shared>>
    tpu.wait_indirect_dma semaphore(%arg13 : memref<!tpu.dma_semaphore, #tpu.memory_space<semaphore_mem>>) src(%arg8 : memref<128x128xf32, #tpu.memory_space<vmem>>) dst(%dma_wait3A_1400 : memref<10112x128xf32, #tpu.memory_space<vmem_shared>>)
    %dma_start3A_1401 = arith.constant 10 : i32
    %dma_start3A_1402 = arith.constant 0 : i32
    %dma_start3A_1403 = tpu.memref_slice %arg6[%dma_start3A_1401, %dma_start3A_1402] : memref<40x128xi32, #tpu.memory_space<vmem>> -> memref<1x128xi32, #tpu.memory_space<vmem>>
    %dma_start3A_1404 = tpu.memref_squeeze %dma_start3A_1403 : memref<1x128xi32, #tpu.memory_space<vmem>> -> memref<128xi32, #tpu.memory_space<vmem>>
    %dma_start3A_1405 = arith.constant 0 : i32
    %dma_start3A_1406 = arith.constant 0 : i32
    %dma_start3A_1407 = tpu.memref_slice %arg2[%dma_start3A_1405, %dma_start3A_1406] : memref<10000x128xf32, #tpu.memory_space<hbm>> -> memref<10000x128xf32, #tpu.memory_space<hbm>>
    tpu.enqueue_indirect_dma source(%dma_start3A_1407 : memref<10000x128xf32, #tpu.memory_space<hbm>>) target(%arg8 : memref<128x128xf32, #tpu.memory_space<vmem>>) offsets(%dma_start3A_1404 : memref<128xi32, #tpu.memory_space<vmem>>) semaphore(%arg11 : memref<!tpu.dma_semaphore, #tpu.memory_space<semaphore_mem>>)
    %dma_start3A_1408 = arith.constant 9 : i32
    %dma_start3A_1409 = arith.constant 0 : i32
    %dma_start3A_1410 = tpu.memref_slice %arg7[%dma_start3A_1408, %dma_start3A_1409] : memref<40x128xi32, #tpu.memory_space<vmem>> -> memref<1x128xi32, #tpu.memory_space<vmem>>
    %dma_start3A_1411 = tpu.memref_squeeze %dma_start3A_1410 : memref<1x128xi32, #tpu.memory_space<vmem>> -> memref<128xi32, #tpu.memory_space<vmem>>
    %dma_start3A_1412 = arith.constant 0 : i32
    %dma_start3A_1413 = arith.constant 0 : i32
    %dma_start3A_1414 = tpu.memref_slice %arg10[%dma_start3A_1412, %dma_start3A_1413] : memref<10112x128xf32, #tpu.memory_space<vmem_shared>> -> memref<10112x128xf32, #tpu.memory_space<vmem_shared>>
    tpu.enqueue_indirect_dma source(%arg9 : memref<128x128xf32, #tpu.memory_space<vmem>>) target(%dma_start3A_1414 : memref<10112x128xf32, #tpu.memory_space<vmem_shared>>) offsets(%dma_start3A_1411 : memref<128xi32, #tpu.memory_space<vmem>>) semaphore(%arg13 : memref<!tpu.dma_semaphore, #tpu.memory_space<semaphore_mem>>) {add = true}
    %dma_wait3A_1415 = arith.constant 10 : i32
    %dma_wait3A_1416 = arith.constant 0 : i32
    %dma_wait3A_1417 = tpu.memref_slice %arg6[%dma_wait3A_1415, %dma_wait3A_1416] : memref<40x128xi32, #tpu.memory_space<vmem>> -> memref<1x128xi32, #tpu.memory_space<vmem>>
    %dma_wait3A_1418 = tpu.memref_squeeze %dma_wait3A_1417 : memref<1x128xi32, #tpu.memory_space<vmem>> -> memref<128xi32, #tpu.memory_space<vmem>>
    %dma_wait3A_1419 = arith.constant 0 : i32
    %dma_wait3A_1420 = arith.constant 0 : i32
    %dma_wait3A_1421 = tpu.memref_slice %arg2[%dma_wait3A_1419, %dma_wait3A_1420] : memref<10000x128xf32, #tpu.memory_space<hbm>> -> memref<10000x128xf32, #tpu.memory_space<hbm>>
    tpu.wait_indirect_dma semaphore(%arg11 : memref<!tpu.dma_semaphore, #tpu.memory_space<semaphore_mem>>) src(%dma_wait3A_1421 : memref<10000x128xf32, #tpu.memory_space<hbm>>) dst(%arg8 : memref<128x128xf32, #tpu.memory_space<vmem>>)
    %dma_wait3A_1422 = arith.constant 9 : i32
    %dma_wait3A_1423 = arith.constant 0 : i32
    %dma_wait3A_1424 = tpu.memref_slice %arg7[%dma_wait3A_1422, %dma_wait3A_1423] : memref<40x128xi32, #tpu.memory_space<vmem>> -> memref<1x128xi32, #tpu.memory_space<vmem>>
    %dma_wait3A_1425 = tpu.memref_squeeze %dma_wait3A_1424 : memref<1x128xi32, #tpu.memory_space<vmem>> -> memref<128xi32, #tpu.memory_space<vmem>>
    %dma_wait3A_1426 = arith.constant 0 : i32
    %dma_wait3A_1427 = arith.constant 0 : i32
    %dma_wait3A_1428 = tpu.memref_slice %arg10[%dma_wait3A_1426, %dma_wait3A_1427] : memref<10112x128xf32, #tpu.memory_space<vmem_shared>> -> memref<10112x128xf32, #tpu.memory_space<vmem_shared>>
    tpu.wait_indirect_dma semaphore(%arg13 : memref<!tpu.dma_semaphore, #tpu.memory_space<semaphore_mem>>) src(%arg9 : memref<128x128xf32, #tpu.memory_space<vmem>>) dst(%dma_wait3A_1428 : memref<10112x128xf32, #tpu.memory_space<vmem_shared>>)
    %dma_start3A_1429 = arith.constant 11 : i32
    %dma_start3A_1430 = arith.constant 0 : i32
    %dma_start3A_1431 = tpu.memref_slice %arg6[%dma_start3A_1429, %dma_start3A_1430] : memref<40x128xi32, #tpu.memory_space<vmem>> -> memref<1x128xi32, #tpu.memory_space<vmem>>
    %dma_start3A_1432 = tpu.memref_squeeze %dma_start3A_1431 : memref<1x128xi32, #tpu.memory_space<vmem>> -> memref<128xi32, #tpu.memory_space<vmem>>
    %dma_start3A_1433 = arith.constant 0 : i32
    %dma_start3A_1434 = arith.constant 0 : i32
    %dma_start3A_1435 = tpu.memref_slice %arg2[%dma_start3A_1433, %dma_start3A_1434] : memref<10000x128xf32, #tpu.memory_space<hbm>> -> memref<10000x128xf32, #tpu.memory_space<hbm>>
    tpu.enqueue_indirect_dma source(%dma_start3A_1435 : memref<10000x128xf32, #tpu.memory_space<hbm>>) target(%arg9 : memref<128x128xf32, #tpu.memory_space<vmem>>) offsets(%dma_start3A_1432 : memref<128xi32, #tpu.memory_space<vmem>>) semaphore(%arg12 : memref<!tpu.dma_semaphore, #tpu.memory_space<semaphore_mem>>)
    %dma_start3A_1436 = arith.constant 10 : i32
    %dma_start3A_1437 = arith.constant 0 : i32
    %dma_start3A_1438 = tpu.memref_slice %arg7[%dma_start3A_1436, %dma_start3A_1437] : memref<40x128xi32, #tpu.memory_space<vmem>> -> memref<1x128xi32, #tpu.memory_space<vmem>>
    %dma_start3A_1439 = tpu.memref_squeeze %dma_start3A_1438 : memref<1x128xi32, #tpu.memory_space<vmem>> -> memref<128xi32, #tpu.memory_space<vmem>>
    %dma_start3A_1440 = arith.constant 0 : i32
    %dma_start3A_1441 = arith.constant 0 : i32
    %dma_start3A_1442 = tpu.memref_slice %arg10[%dma_start3A_1440, %dma_start3A_1441] : memref<10112x128xf32, #tpu.memory_space<vmem_shared>> -> memref<10112x128xf32, #tpu.memory_space<vmem_shared>>
    tpu.enqueue_indirect_dma source(%arg8 : memref<128x128xf32, #tpu.memory_space<vmem>>) target(%dma_start3A_1442 : memref<10112x128xf32, #tpu.memory_space<vmem_shared>>) offsets(%dma_start3A_1439 : memref<128xi32, #tpu.memory_space<vmem>>) semaphore(%arg13 : memref<!tpu.dma_semaphore, #tpu.memory_space<semaphore_mem>>) {add = true}
    %dma_wait3A_1443 = arith.constant 11 : i32
    %dma_wait3A_1444 = arith.constant 0 : i32
    %dma_wait3A_1445 = tpu.memref_slice %arg6[%dma_wait3A_1443, %dma_wait3A_1444] : memref<40x128xi32, #tpu.memory_space<vmem>> -> memref<1x128xi32, #tpu.memory_space<vmem>>
    %dma_wait3A_1446 = tpu.memref_squeeze %dma_wait3A_1445 : memref<1x128xi32, #tpu.memory_space<vmem>> -> memref<128xi32, #tpu.memory_space<vmem>>
    %dma_wait3A_1447 = arith.constant 0 : i32
    %dma_wait3A_1448 = arith.constant 0 : i32
    %dma_wait3A_1449 = tpu.memref_slice %arg2[%dma_wait3A_1447, %dma_wait3A_1448] : memref<10000x128xf32, #tpu.memory_space<hbm>> -> memref<10000x128xf32, #tpu.memory_space<hbm>>
    tpu.wait_indirect_dma semaphore(%arg12 : memref<!tpu.dma_semaphore, #tpu.memory_space<semaphore_mem>>) src(%dma_wait3A_1449 : memref<10000x128xf32, #tpu.memory_space<hbm>>) dst(%arg9 : memref<128x128xf32, #tpu.memory_space<vmem>>)
    %dma_wait3A_1450 = arith.constant 10 : i32
    %dma_wait3A_1451 = arith.constant 0 : i32
    %dma_wait3A_1452 = tpu.memref_slice %arg7[%dma_wait3A_1450, %dma_wait3A_1451] : memref<40x128xi32, #tpu.memory_space<vmem>> -> memref<1x128xi32, #tpu.memory_space<vmem>>
    %dma_wait3A_1453 = tpu.memref_squeeze %dma_wait3A_1452 : memref<1x128xi32, #tpu.memory_space<vmem>> -> memref<128xi32, #tpu.memory_space<vmem>>
    %dma_wait3A_1454 = arith.constant 0 : i32
    %dma_wait3A_1455 = arith.constant 0 : i32
    %dma_wait3A_1456 = tpu.memref_slice %arg10[%dma_wait3A_1454, %dma_wait3A_1455] : memref<10112x128xf32, #tpu.memory_space<vmem_shared>> -> memref<10112x128xf32, #tpu.memory_space<vmem_shared>>
    tpu.wait_indirect_dma semaphore(%arg13 : memref<!tpu.dma_semaphore, #tpu.memory_space<semaphore_mem>>) src(%arg8 : memref<128x128xf32, #tpu.memory_space<vmem>>) dst(%dma_wait3A_1456 : memref<10112x128xf32, #tpu.memory_space<vmem_shared>>)
    %dma_start3A_1457 = arith.constant 12 : i32
    %dma_start3A_1458 = arith.constant 0 : i32
    %dma_start3A_1459 = tpu.memref_slice %arg6[%dma_start3A_1457, %dma_start3A_1458] : memref<40x128xi32, #tpu.memory_space<vmem>> -> memref<1x128xi32, #tpu.memory_space<vmem>>
    %dma_start3A_1460 = tpu.memref_squeeze %dma_start3A_1459 : memref<1x128xi32, #tpu.memory_space<vmem>> -> memref<128xi32, #tpu.memory_space<vmem>>
    %dma_start3A_1461 = arith.constant 0 : i32
    %dma_start3A_1462 = arith.constant 0 : i32
    %dma_start3A_1463 = tpu.memref_slice %arg2[%dma_start3A_1461, %dma_start3A_1462] : memref<10000x128xf32, #tpu.memory_space<hbm>> -> memref<10000x128xf32, #tpu.memory_space<hbm>>
    tpu.enqueue_indirect_dma source(%dma_start3A_1463 : memref<10000x128xf32, #tpu.memory_space<hbm>>) target(%arg8 : memref<128x128xf32, #tpu.memory_space<vmem>>) offsets(%dma_start3A_1460 : memref<128xi32, #tpu.memory_space<vmem>>) semaphore(%arg11 : memref<!tpu.dma_semaphore, #tpu.memory_space<semaphore_mem>>)
    %dma_start3A_1464 = arith.constant 11 : i32
    %dma_start3A_1465 = arith.constant 0 : i32
    %dma_start3A_1466 = tpu.memref_slice %arg7[%dma_start3A_1464, %dma_start3A_1465] : memref<40x128xi32, #tpu.memory_space<vmem>> -> memref<1x128xi32, #tpu.memory_space<vmem>>
    %dma_start3A_1467 = tpu.memref_squeeze %dma_start3A_1466 : memref<1x128xi32, #tpu.memory_space<vmem>> -> memref<128xi32, #tpu.memory_space<vmem>>
    %dma_start3A_1468 = arith.constant 0 : i32
    %dma_start3A_1469 = arith.constant 0 : i32
    %dma_start3A_1470 = tpu.memref_slice %arg10[%dma_start3A_1468, %dma_start3A_1469] : memref<10112x128xf32, #tpu.memory_space<vmem_shared>> -> memref<10112x128xf32, #tpu.memory_space<vmem_shared>>
    tpu.enqueue_indirect_dma source(%arg9 : memref<128x128xf32, #tpu.memory_space<vmem>>) target(%dma_start3A_1470 : memref<10112x128xf32, #tpu.memory_space<vmem_shared>>) offsets(%dma_start3A_1467 : memref<128xi32, #tpu.memory_space<vmem>>) semaphore(%arg13 : memref<!tpu.dma_semaphore, #tpu.memory_space<semaphore_mem>>) {add = true}
    %dma_wait3A_1471 = arith.constant 12 : i32
    %dma_wait3A_1472 = arith.constant 0 : i32
    %dma_wait3A_1473 = tpu.memref_slice %arg6[%dma_wait3A_1471, %dma_wait3A_1472] : memref<40x128xi32, #tpu.memory_space<vmem>> -> memref<1x128xi32, #tpu.memory_space<vmem>>
    %dma_wait3A_1474 = tpu.memref_squeeze %dma_wait3A_1473 : memref<1x128xi32, #tpu.memory_space<vmem>> -> memref<128xi32, #tpu.memory_space<vmem>>
    %dma_wait3A_1475 = arith.constant 0 : i32
    %dma_wait3A_1476 = arith.constant 0 : i32
    %dma_wait3A_1477 = tpu.memref_slice %arg2[%dma_wait3A_1475, %dma_wait3A_1476] : memref<10000x128xf32, #tpu.memory_space<hbm>> -> memref<10000x128xf32, #tpu.memory_space<hbm>>
    tpu.wait_indirect_dma semaphore(%arg11 : memref<!tpu.dma_semaphore, #tpu.memory_space<semaphore_mem>>) src(%dma_wait3A_1477 : memref<10000x128xf32, #tpu.memory_space<hbm>>) dst(%arg8 : memref<128x128xf32, #tpu.memory_space<vmem>>)
    %dma_wait3A_1478 = arith.constant 11 : i32
    %dma_wait3A_1479 = arith.constant 0 : i32
    %dma_wait3A_1480 = tpu.memref_slice %arg7[%dma_wait3A_1478, %dma_wait3A_1479] : memref<40x128xi32, #tpu.memory_space<vmem>> -> memref<1x128xi32, #tpu.memory_space<vmem>>
    %dma_wait3A_1481 = tpu.memref_squeeze %dma_wait3A_1480 : memref<1x128xi32, #tpu.memory_space<vmem>> -> memref<128xi32, #tpu.memory_space<vmem>>
    %dma_wait3A_1482 = arith.constant 0 : i32
    %dma_wait3A_1483 = arith.constant 0 : i32
    %dma_wait3A_1484 = tpu.memref_slice %arg10[%dma_wait3A_1482, %dma_wait3A_1483] : memref<10112x128xf32, #tpu.memory_space<vmem_shared>> -> memref<10112x128xf32, #tpu.memory_space<vmem_shared>>
    tpu.wait_indirect_dma semaphore(%arg13 : memref<!tpu.dma_semaphore, #tpu.memory_space<semaphore_mem>>) src(%arg9 : memref<128x128xf32, #tpu.memory_space<vmem>>) dst(%dma_wait3A_1484 : memref<10112x128xf32, #tpu.memory_space<vmem_shared>>)
    %dma_start3A_1485 = arith.constant 13 : i32
    %dma_start3A_1486 = arith.constant 0 : i32
    %dma_start3A_1487 = tpu.memref_slice %arg6[%dma_start3A_1485, %dma_start3A_1486] : memref<40x128xi32, #tpu.memory_space<vmem>> -> memref<1x128xi32, #tpu.memory_space<vmem>>
    %dma_start3A_1488 = tpu.memref_squeeze %dma_start3A_1487 : memref<1x128xi32, #tpu.memory_space<vmem>> -> memref<128xi32, #tpu.memory_space<vmem>>
    %dma_start3A_1489 = arith.constant 0 : i32
    %dma_start3A_1490 = arith.constant 0 : i32
    %dma_start3A_1491 = tpu.memref_slice %arg2[%dma_start3A_1489, %dma_start3A_1490] : memref<10000x128xf32, #tpu.memory_space<hbm>> -> memref<10000x128xf32, #tpu.memory_space<hbm>>
    tpu.enqueue_indirect_dma source(%dma_start3A_1491 : memref<10000x128xf32, #tpu.memory_space<hbm>>) target(%arg9 : memref<128x128xf32, #tpu.memory_space<vmem>>) offsets(%dma_start3A_1488 : memref<128xi32, #tpu.memory_space<vmem>>) semaphore(%arg12 : memref<!tpu.dma_semaphore, #tpu.memory_space<semaphore_mem>>)
    %dma_start3A_1492 = arith.constant 12 : i32
    %dma_start3A_1493 = arith.constant 0 : i32
    %dma_start3A_1494 = tpu.memref_slice %arg7[%dma_start3A_1492, %dma_start3A_1493] : memref<40x128xi32, #tpu.memory_space<vmem>> -> memref<1x128xi32, #tpu.memory_space<vmem>>
    %dma_start3A_1495 = tpu.memref_squeeze %dma_start3A_1494 : memref<1x128xi32, #tpu.memory_space<vmem>> -> memref<128xi32, #tpu.memory_space<vmem>>
    %dma_start3A_1496 = arith.constant 0 : i32
    %dma_start3A_1497 = arith.constant 0 : i32
    %dma_start3A_1498 = tpu.memref_slice %arg10[%dma_start3A_1496, %dma_start3A_1497] : memref<10112x128xf32, #tpu.memory_space<vmem_shared>> -> memref<10112x128xf32, #tpu.memory_space<vmem_shared>>
    tpu.enqueue_indirect_dma source(%arg8 : memref<128x128xf32, #tpu.memory_space<vmem>>) target(%dma_start3A_1498 : memref<10112x128xf32, #tpu.memory_space<vmem_shared>>) offsets(%dma_start3A_1495 : memref<128xi32, #tpu.memory_space<vmem>>) semaphore(%arg13 : memref<!tpu.dma_semaphore, #tpu.memory_space<semaphore_mem>>) {add = true}
    %dma_wait3A_1499 = arith.constant 13 : i32
    %dma_wait3A_1500 = arith.constant 0 : i32
    %dma_wait3A_1501 = tpu.memref_slice %arg6[%dma_wait3A_1499, %dma_wait3A_1500] : memref<40x128xi32, #tpu.memory_space<vmem>> -> memref<1x128xi32, #tpu.memory_space<vmem>>
    %dma_wait3A_1502 = tpu.memref_squeeze %dma_wait3A_1501 : memref<1x128xi32, #tpu.memory_space<vmem>> -> memref<128xi32, #tpu.memory_space<vmem>>
    %dma_wait3A_1503 = arith.constant 0 : i32
    %dma_wait3A_1504 = arith.constant 0 : i32
    %dma_wait3A_1505 = tpu.memref_slice %arg2[%dma_wait3A_1503, %dma_wait3A_1504] : memref<10000x128xf32, #tpu.memory_space<hbm>> -> memref<10000x128xf32, #tpu.memory_space<hbm>>
    tpu.wait_indirect_dma semaphore(%arg12 : memref<!tpu.dma_semaphore, #tpu.memory_space<semaphore_mem>>) src(%dma_wait3A_1505 : memref<10000x128xf32, #tpu.memory_space<hbm>>) dst(%arg9 : memref<128x128xf32, #tpu.memory_space<vmem>>)
    %dma_wait3A_1506 = arith.constant 12 : i32
    %dma_wait3A_1507 = arith.constant 0 : i32
    %dma_wait3A_1508 = tpu.memref_slice %arg7[%dma_wait3A_1506, %dma_wait3A_1507] : memref<40x128xi32, #tpu.memory_space<vmem>> -> memref<1x128xi32, #tpu.memory_space<vmem>>
    %dma_wait3A_1509 = tpu.memref_squeeze %dma_wait3A_1508 : memref<1x128xi32, #tpu.memory_space<vmem>> -> memref<128xi32, #tpu.memory_space<vmem>>
    %dma_wait3A_1510 = arith.constant 0 : i32
    %dma_wait3A_1511 = arith.constant 0 : i32
    %dma_wait3A_1512 = tpu.memref_slice %arg10[%dma_wait3A_1510, %dma_wait3A_1511] : memref<10112x128xf32, #tpu.memory_space<vmem_shared>> -> memref<10112x128xf32, #tpu.memory_space<vmem_shared>>
    tpu.wait_indirect_dma semaphore(%arg13 : memref<!tpu.dma_semaphore, #tpu.memory_space<semaphore_mem>>) src(%arg8 : memref<128x128xf32, #tpu.memory_space<vmem>>) dst(%dma_wait3A_1512 : memref<10112x128xf32, #tpu.memory_space<vmem_shared>>)
    %dma_start3A_1513 = arith.constant 14 : i32
    %dma_start3A_1514 = arith.constant 0 : i32
    %dma_start3A_1515 = tpu.memref_slice %arg6[%dma_start3A_1513, %dma_start3A_1514] : memref<40x128xi32, #tpu.memory_space<vmem>> -> memref<1x128xi32, #tpu.memory_space<vmem>>
    %dma_start3A_1516 = tpu.memref_squeeze %dma_start3A_1515 : memref<1x128xi32, #tpu.memory_space<vmem>> -> memref<128xi32, #tpu.memory_space<vmem>>
    %dma_start3A_1517 = arith.constant 0 : i32
    %dma_start3A_1518 = arith.constant 0 : i32
    %dma_start3A_1519 = tpu.memref_slice %arg2[%dma_start3A_1517, %dma_start3A_1518] : memref<10000x128xf32, #tpu.memory_space<hbm>> -> memref<10000x128xf32, #tpu.memory_space<hbm>>
    tpu.enqueue_indirect_dma source(%dma_start3A_1519 : memref<10000x128xf32, #tpu.memory_space<hbm>>) target(%arg8 : memref<128x128xf32, #tpu.memory_space<vmem>>) offsets(%dma_start3A_1516 : memref<128xi32, #tpu.memory_space<vmem>>) semaphore(%arg11 : memref<!tpu.dma_semaphore, #tpu.memory_space<semaphore_mem>>)
    %dma_start3A_1520 = arith.constant 13 : i32
    %dma_start3A_1521 = arith.constant 0 : i32
    %dma_start3A_1522 = tpu.memref_slice %arg7[%dma_start3A_1520, %dma_start3A_1521] : memref<40x128xi32, #tpu.memory_space<vmem>> -> memref<1x128xi32, #tpu.memory_space<vmem>>
    %dma_start3A_1523 = tpu.memref_squeeze %dma_start3A_1522 : memref<1x128xi32, #tpu.memory_space<vmem>> -> memref<128xi32, #tpu.memory_space<vmem>>
    %dma_start3A_1524 = arith.constant 0 : i32
    %dma_start3A_1525 = arith.constant 0 : i32
    %dma_start3A_1526 = tpu.memref_slice %arg10[%dma_start3A_1524, %dma_start3A_1525] : memref<10112x128xf32, #tpu.memory_space<vmem_shared>> -> memref<10112x128xf32, #tpu.memory_space<vmem_shared>>
    tpu.enqueue_indirect_dma source(%arg9 : memref<128x128xf32, #tpu.memory_space<vmem>>) target(%dma_start3A_1526 : memref<10112x128xf32, #tpu.memory_space<vmem_shared>>) offsets(%dma_start3A_1523 : memref<128xi32, #tpu.memory_space<vmem>>) semaphore(%arg13 : memref<!tpu.dma_semaphore, #tpu.memory_space<semaphore_mem>>) {add = true}
    %dma_wait3A_1527 = arith.constant 14 : i32
    %dma_wait3A_1528 = arith.constant 0 : i32
    %dma_wait3A_1529 = tpu.memref_slice %arg6[%dma_wait3A_1527, %dma_wait3A_1528] : memref<40x128xi32, #tpu.memory_space<vmem>> -> memref<1x128xi32, #tpu.memory_space<vmem>>
    %dma_wait3A_1530 = tpu.memref_squeeze %dma_wait3A_1529 : memref<1x128xi32, #tpu.memory_space<vmem>> -> memref<128xi32, #tpu.memory_space<vmem>>
    %dma_wait3A_1531 = arith.constant 0 : i32
    %dma_wait3A_1532 = arith.constant 0 : i32
    %dma_wait3A_1533 = tpu.memref_slice %arg2[%dma_wait3A_1531, %dma_wait3A_1532] : memref<10000x128xf32, #tpu.memory_space<hbm>> -> memref<10000x128xf32, #tpu.memory_space<hbm>>
    tpu.wait_indirect_dma semaphore(%arg11 : memref<!tpu.dma_semaphore, #tpu.memory_space<semaphore_mem>>) src(%dma_wait3A_1533 : memref<10000x128xf32, #tpu.memory_space<hbm>>) dst(%arg8 : memref<128x128xf32, #tpu.memory_space<vmem>>)
    %dma_wait3A_1534 = arith.constant 13 : i32
    %dma_wait3A_1535 = arith.constant 0 : i32
    %dma_wait3A_1536 = tpu.memref_slice %arg7[%dma_wait3A_1534, %dma_wait3A_1535] : memref<40x128xi32, #tpu.memory_space<vmem>> -> memref<1x128xi32, #tpu.memory_space<vmem>>
    %dma_wait3A_1537 = tpu.memref_squeeze %dma_wait3A_1536 : memref<1x128xi32, #tpu.memory_space<vmem>> -> memref<128xi32, #tpu.memory_space<vmem>>
    %dma_wait3A_1538 = arith.constant 0 : i32
    %dma_wait3A_1539 = arith.constant 0 : i32
    %dma_wait3A_1540 = tpu.memref_slice %arg10[%dma_wait3A_1538, %dma_wait3A_1539] : memref<10112x128xf32, #tpu.memory_space<vmem_shared>> -> memref<10112x128xf32, #tpu.memory_space<vmem_shared>>
    tpu.wait_indirect_dma semaphore(%arg13 : memref<!tpu.dma_semaphore, #tpu.memory_space<semaphore_mem>>) src(%arg9 : memref<128x128xf32, #tpu.memory_space<vmem>>) dst(%dma_wait3A_1540 : memref<10112x128xf32, #tpu.memory_space<vmem_shared>>)
    %dma_start3A_1541 = arith.constant 15 : i32
    %dma_start3A_1542 = arith.constant 0 : i32
    %dma_start3A_1543 = tpu.memref_slice %arg6[%dma_start3A_1541, %dma_start3A_1542] : memref<40x128xi32, #tpu.memory_space<vmem>> -> memref<1x128xi32, #tpu.memory_space<vmem>>
    %dma_start3A_1544 = tpu.memref_squeeze %dma_start3A_1543 : memref<1x128xi32, #tpu.memory_space<vmem>> -> memref<128xi32, #tpu.memory_space<vmem>>
    %dma_start3A_1545 = arith.constant 0 : i32
    %dma_start3A_1546 = arith.constant 0 : i32
    %dma_start3A_1547 = tpu.memref_slice %arg2[%dma_start3A_1545, %dma_start3A_1546] : memref<10000x128xf32, #tpu.memory_space<hbm>> -> memref<10000x128xf32, #tpu.memory_space<hbm>>
    tpu.enqueue_indirect_dma source(%dma_start3A_1547 : memref<10000x128xf32, #tpu.memory_space<hbm>>) target(%arg9 : memref<128x128xf32, #tpu.memory_space<vmem>>) offsets(%dma_start3A_1544 : memref<128xi32, #tpu.memory_space<vmem>>) semaphore(%arg12 : memref<!tpu.dma_semaphore, #tpu.memory_space<semaphore_mem>>)
    %dma_start3A_1548 = arith.constant 14 : i32
    %dma_start3A_1549 = arith.constant 0 : i32
    %dma_start3A_1550 = tpu.memref_slice %arg7[%dma_start3A_1548, %dma_start3A_1549] : memref<40x128xi32, #tpu.memory_space<vmem>> -> memref<1x128xi32, #tpu.memory_space<vmem>>
    %dma_start3A_1551 = tpu.memref_squeeze %dma_start3A_1550 : memref<1x128xi32, #tpu.memory_space<vmem>> -> memref<128xi32, #tpu.memory_space<vmem>>
    %dma_start3A_1552 = arith.constant 0 : i32
    %dma_start3A_1553 = arith.constant 0 : i32
    %dma_start3A_1554 = tpu.memref_slice %arg10[%dma_start3A_1552, %dma_start3A_1553] : memref<10112x128xf32, #tpu.memory_space<vmem_shared>> -> memref<10112x128xf32, #tpu.memory_space<vmem_shared>>
    tpu.enqueue_indirect_dma source(%arg8 : memref<128x128xf32, #tpu.memory_space<vmem>>) target(%dma_start3A_1554 : memref<10112x128xf32, #tpu.memory_space<vmem_shared>>) offsets(%dma_start3A_1551 : memref<128xi32, #tpu.memory_space<vmem>>) semaphore(%arg13 : memref<!tpu.dma_semaphore, #tpu.memory_space<semaphore_mem>>) {add = true}
    %dma_wait3A_1555 = arith.constant 15 : i32
    %dma_wait3A_1556 = arith.constant 0 : i32
    %dma_wait3A_1557 = tpu.memref_slice %arg6[%dma_wait3A_1555, %dma_wait3A_1556] : memref<40x128xi32, #tpu.memory_space<vmem>> -> memref<1x128xi32, #tpu.memory_space<vmem>>
    %dma_wait3A_1558 = tpu.memref_squeeze %dma_wait3A_1557 : memref<1x128xi32, #tpu.memory_space<vmem>> -> memref<128xi32, #tpu.memory_space<vmem>>
    %dma_wait3A_1559 = arith.constant 0 : i32
    %dma_wait3A_1560 = arith.constant 0 : i32
    %dma_wait3A_1561 = tpu.memref_slice %arg2[%dma_wait3A_1559, %dma_wait3A_1560] : memref<10000x128xf32, #tpu.memory_space<hbm>> -> memref<10000x128xf32, #tpu.memory_space<hbm>>
    tpu.wait_indirect_dma semaphore(%arg12 : memref<!tpu.dma_semaphore, #tpu.memory_space<semaphore_mem>>) src(%dma_wait3A_1561 : memref<10000x128xf32, #tpu.memory_space<hbm>>) dst(%arg9 : memref<128x128xf32, #tpu.memory_space<vmem>>)
    %dma_wait3A_1562 = arith.constant 14 : i32
    %dma_wait3A_1563 = arith.constant 0 : i32
    %dma_wait3A_1564 = tpu.memref_slice %arg7[%dma_wait3A_1562, %dma_wait3A_1563] : memref<40x128xi32, #tpu.memory_space<vmem>> -> memref<1x128xi32, #tpu.memory_space<vmem>>
    %dma_wait3A_1565 = tpu.memref_squeeze %dma_wait3A_1564 : memref<1x128xi32, #tpu.memory_space<vmem>> -> memref<128xi32, #tpu.memory_space<vmem>>
    %dma_wait3A_1566 = arith.constant 0 : i32
    %dma_wait3A_1567 = arith.constant 0 : i32
    %dma_wait3A_1568 = tpu.memref_slice %arg10[%dma_wait3A_1566, %dma_wait3A_1567] : memref<10112x128xf32, #tpu.memory_space<vmem_shared>> -> memref<10112x128xf32, #tpu.memory_space<vmem_shared>>
    tpu.wait_indirect_dma semaphore(%arg13 : memref<!tpu.dma_semaphore, #tpu.memory_space<semaphore_mem>>) src(%arg8 : memref<128x128xf32, #tpu.memory_space<vmem>>) dst(%dma_wait3A_1568 : memref<10112x128xf32, #tpu.memory_space<vmem_shared>>)
    %dma_start3A_1569 = arith.constant 16 : i32
    %dma_start3A_1570 = arith.constant 0 : i32
    %dma_start3A_1571 = tpu.memref_slice %arg6[%dma_start3A_1569, %dma_start3A_1570] : memref<40x128xi32, #tpu.memory_space<vmem>> -> memref<1x128xi32, #tpu.memory_space<vmem>>
    %dma_start3A_1572 = tpu.memref_squeeze %dma_start3A_1571 : memref<1x128xi32, #tpu.memory_space<vmem>> -> memref<128xi32, #tpu.memory_space<vmem>>
    %dma_start3A_1573 = arith.constant 0 : i32
    %dma_start3A_1574 = arith.constant 0 : i32
    %dma_start3A_1575 = tpu.memref_slice %arg2[%dma_start3A_1573, %dma_start3A_1574] : memref<10000x128xf32, #tpu.memory_space<hbm>> -> memref<10000x128xf32, #tpu.memory_space<hbm>>
    tpu.enqueue_indirect_dma source(%dma_start3A_1575 : memref<10000x128xf32, #tpu.memory_space<hbm>>) target(%arg8 : memref<128x128xf32, #tpu.memory_space<vmem>>) offsets(%dma_start3A_1572 : memref<128xi32, #tpu.memory_space<vmem>>) semaphore(%arg11 : memref<!tpu.dma_semaphore, #tpu.memory_space<semaphore_mem>>)
    %dma_start3A_1576 = arith.constant 15 : i32
    %dma_start3A_1577 = arith.constant 0 : i32
    %dma_start3A_1578 = tpu.memref_slice %arg7[%dma_start3A_1576, %dma_start3A_1577] : memref<40x128xi32, #tpu.memory_space<vmem>> -> memref<1x128xi32, #tpu.memory_space<vmem>>
    %dma_start3A_1579 = tpu.memref_squeeze %dma_start3A_1578 : memref<1x128xi32, #tpu.memory_space<vmem>> -> memref<128xi32, #tpu.memory_space<vmem>>
    %dma_start3A_1580 = arith.constant 0 : i32
    %dma_start3A_1581 = arith.constant 0 : i32
    %dma_start3A_1582 = tpu.memref_slice %arg10[%dma_start3A_1580, %dma_start3A_1581] : memref<10112x128xf32, #tpu.memory_space<vmem_shared>> -> memref<10112x128xf32, #tpu.memory_space<vmem_shared>>
    tpu.enqueue_indirect_dma source(%arg9 : memref<128x128xf32, #tpu.memory_space<vmem>>) target(%dma_start3A_1582 : memref<10112x128xf32, #tpu.memory_space<vmem_shared>>) offsets(%dma_start3A_1579 : memref<128xi32, #tpu.memory_space<vmem>>) semaphore(%arg13 : memref<!tpu.dma_semaphore, #tpu.memory_space<semaphore_mem>>) {add = true}
    %dma_wait3A_1583 = arith.constant 16 : i32
    %dma_wait3A_1584 = arith.constant 0 : i32
    %dma_wait3A_1585 = tpu.memref_slice %arg6[%dma_wait3A_1583, %dma_wait3A_1584] : memref<40x128xi32, #tpu.memory_space<vmem>> -> memref<1x128xi32, #tpu.memory_space<vmem>>
    %dma_wait3A_1586 = tpu.memref_squeeze %dma_wait3A_1585 : memref<1x128xi32, #tpu.memory_space<vmem>> -> memref<128xi32, #tpu.memory_space<vmem>>
    %dma_wait3A_1587 = arith.constant 0 : i32
    %dma_wait3A_1588 = arith.constant 0 : i32
    %dma_wait3A_1589 = tpu.memref_slice %arg2[%dma_wait3A_1587, %dma_wait3A_1588] : memref<10000x128xf32, #tpu.memory_space<hbm>> -> memref<10000x128xf32, #tpu.memory_space<hbm>>
    tpu.wait_indirect_dma semaphore(%arg11 : memref<!tpu.dma_semaphore, #tpu.memory_space<semaphore_mem>>) src(%dma_wait3A_1589 : memref<10000x128xf32, #tpu.memory_space<hbm>>) dst(%arg8 : memref<128x128xf32, #tpu.memory_space<vmem>>)
    %dma_wait3A_1590 = arith.constant 15 : i32
    %dma_wait3A_1591 = arith.constant 0 : i32
    %dma_wait3A_1592 = tpu.memref_slice %arg7[%dma_wait3A_1590, %dma_wait3A_1591] : memref<40x128xi32, #tpu.memory_space<vmem>> -> memref<1x128xi32, #tpu.memory_space<vmem>>
    %dma_wait3A_1593 = tpu.memref_squeeze %dma_wait3A_1592 : memref<1x128xi32, #tpu.memory_space<vmem>> -> memref<128xi32, #tpu.memory_space<vmem>>
    %dma_wait3A_1594 = arith.constant 0 : i32
    %dma_wait3A_1595 = arith.constant 0 : i32
    %dma_wait3A_1596 = tpu.memref_slice %arg10[%dma_wait3A_1594, %dma_wait3A_1595] : memref<10112x128xf32, #tpu.memory_space<vmem_shared>> -> memref<10112x128xf32, #tpu.memory_space<vmem_shared>>
    tpu.wait_indirect_dma semaphore(%arg13 : memref<!tpu.dma_semaphore, #tpu.memory_space<semaphore_mem>>) src(%arg9 : memref<128x128xf32, #tpu.memory_space<vmem>>) dst(%dma_wait3A_1596 : memref<10112x128xf32, #tpu.memory_space<vmem_shared>>)
    %dma_start3A_1597 = arith.constant 17 : i32
    %dma_start3A_1598 = arith.constant 0 : i32
    %dma_start3A_1599 = tpu.memref_slice %arg6[%dma_start3A_1597, %dma_start3A_1598] : memref<40x128xi32, #tpu.memory_space<vmem>> -> memref<1x128xi32, #tpu.memory_space<vmem>>
    %dma_start3A_1600 = tpu.memref_squeeze %dma_start3A_1599 : memref<1x128xi32, #tpu.memory_space<vmem>> -> memref<128xi32, #tpu.memory_space<vmem>>
    %dma_start3A_1601 = arith.constant 0 : i32
    %dma_start3A_1602 = arith.constant 0 : i32
    %dma_start3A_1603 = tpu.memref_slice %arg2[%dma_start3A_1601, %dma_start3A_1602] : memref<10000x128xf32, #tpu.memory_space<hbm>> -> memref<10000x128xf32, #tpu.memory_space<hbm>>
    tpu.enqueue_indirect_dma source(%dma_start3A_1603 : memref<10000x128xf32, #tpu.memory_space<hbm>>) target(%arg9 : memref<128x128xf32, #tpu.memory_space<vmem>>) offsets(%dma_start3A_1600 : memref<128xi32, #tpu.memory_space<vmem>>) semaphore(%arg12 : memref<!tpu.dma_semaphore, #tpu.memory_space<semaphore_mem>>)
    %dma_start3A_1604 = arith.constant 16 : i32
    %dma_start3A_1605 = arith.constant 0 : i32
    %dma_start3A_1606 = tpu.memref_slice %arg7[%dma_start3A_1604, %dma_start3A_1605] : memref<40x128xi32, #tpu.memory_space<vmem>> -> memref<1x128xi32, #tpu.memory_space<vmem>>
    %dma_start3A_1607 = tpu.memref_squeeze %dma_start3A_1606 : memref<1x128xi32, #tpu.memory_space<vmem>> -> memref<128xi32, #tpu.memory_space<vmem>>
    %dma_start3A_1608 = arith.constant 0 : i32
    %dma_start3A_1609 = arith.constant 0 : i32
    %dma_start3A_1610 = tpu.memref_slice %arg10[%dma_start3A_1608, %dma_start3A_1609] : memref<10112x128xf32, #tpu.memory_space<vmem_shared>> -> memref<10112x128xf32, #tpu.memory_space<vmem_shared>>
    tpu.enqueue_indirect_dma source(%arg8 : memref<128x128xf32, #tpu.memory_space<vmem>>) target(%dma_start3A_1610 : memref<10112x128xf32, #tpu.memory_space<vmem_shared>>) offsets(%dma_start3A_1607 : memref<128xi32, #tpu.memory_space<vmem>>) semaphore(%arg13 : memref<!tpu.dma_semaphore, #tpu.memory_space<semaphore_mem>>) {add = true}
    %dma_wait3A_1611 = arith.constant 17 : i32
    %dma_wait3A_1612 = arith.constant 0 : i32
    %dma_wait3A_1613 = tpu.memref_slice %arg6[%dma_wait3A_1611, %dma_wait3A_1612] : memref<40x128xi32, #tpu.memory_space<vmem>> -> memref<1x128xi32, #tpu.memory_space<vmem>>
    %dma_wait3A_1614 = tpu.memref_squeeze %dma_wait3A_1613 : memref<1x128xi32, #tpu.memory_space<vmem>> -> memref<128xi32, #tpu.memory_space<vmem>>
    %dma_wait3A_1615 = arith.constant 0 : i32
    %dma_wait3A_1616 = arith.constant 0 : i32
    %dma_wait3A_1617 = tpu.memref_slice %arg2[%dma_wait3A_1615, %dma_wait3A_1616] : memref<10000x128xf32, #tpu.memory_space<hbm>> -> memref<10000x128xf32, #tpu.memory_space<hbm>>
    tpu.wait_indirect_dma semaphore(%arg12 : memref<!tpu.dma_semaphore, #tpu.memory_space<semaphore_mem>>) src(%dma_wait3A_1617 : memref<10000x128xf32, #tpu.memory_space<hbm>>) dst(%arg9 : memref<128x128xf32, #tpu.memory_space<vmem>>)
    %dma_wait3A_1618 = arith.constant 16 : i32
    %dma_wait3A_1619 = arith.constant 0 : i32
    %dma_wait3A_1620 = tpu.memref_slice %arg7[%dma_wait3A_1618, %dma_wait3A_1619] : memref<40x128xi32, #tpu.memory_space<vmem>> -> memref<1x128xi32, #tpu.memory_space<vmem>>
    %dma_wait3A_1621 = tpu.memref_squeeze %dma_wait3A_1620 : memref<1x128xi32, #tpu.memory_space<vmem>> -> memref<128xi32, #tpu.memory_space<vmem>>
    %dma_wait3A_1622 = arith.constant 0 : i32
    %dma_wait3A_1623 = arith.constant 0 : i32
    %dma_wait3A_1624 = tpu.memref_slice %arg10[%dma_wait3A_1622, %dma_wait3A_1623] : memref<10112x128xf32, #tpu.memory_space<vmem_shared>> -> memref<10112x128xf32, #tpu.memory_space<vmem_shared>>
    tpu.wait_indirect_dma semaphore(%arg13 : memref<!tpu.dma_semaphore, #tpu.memory_space<semaphore_mem>>) src(%arg8 : memref<128x128xf32, #tpu.memory_space<vmem>>) dst(%dma_wait3A_1624 : memref<10112x128xf32, #tpu.memory_space<vmem_shared>>)
    %dma_start3A_1625 = arith.constant 18 : i32
    %dma_start3A_1626 = arith.constant 0 : i32
    %dma_start3A_1627 = tpu.memref_slice %arg6[%dma_start3A_1625, %dma_start3A_1626] : memref<40x128xi32, #tpu.memory_space<vmem>> -> memref<1x128xi32, #tpu.memory_space<vmem>>
    %dma_start3A_1628 = tpu.memref_squeeze %dma_start3A_1627 : memref<1x128xi32, #tpu.memory_space<vmem>> -> memref<128xi32, #tpu.memory_space<vmem>>
    %dma_start3A_1629 = arith.constant 0 : i32
    %dma_start3A_1630 = arith.constant 0 : i32
    %dma_start3A_1631 = tpu.memref_slice %arg2[%dma_start3A_1629, %dma_start3A_1630] : memref<10000x128xf32, #tpu.memory_space<hbm>> -> memref<10000x128xf32, #tpu.memory_space<hbm>>
    tpu.enqueue_indirect_dma source(%dma_start3A_1631 : memref<10000x128xf32, #tpu.memory_space<hbm>>) target(%arg8 : memref<128x128xf32, #tpu.memory_space<vmem>>) offsets(%dma_start3A_1628 : memref<128xi32, #tpu.memory_space<vmem>>) semaphore(%arg11 : memref<!tpu.dma_semaphore, #tpu.memory_space<semaphore_mem>>)
    %dma_start3A_1632 = arith.constant 17 : i32
    %dma_start3A_1633 = arith.constant 0 : i32
    %dma_start3A_1634 = tpu.memref_slice %arg7[%dma_start3A_1632, %dma_start3A_1633] : memref<40x128xi32, #tpu.memory_space<vmem>> -> memref<1x128xi32, #tpu.memory_space<vmem>>
    %dma_start3A_1635 = tpu.memref_squeeze %dma_start3A_1634 : memref<1x128xi32, #tpu.memory_space<vmem>> -> memref<128xi32, #tpu.memory_space<vmem>>
    %dma_start3A_1636 = arith.constant 0 : i32
    %dma_start3A_1637 = arith.constant 0 : i32
    %dma_start3A_1638 = tpu.memref_slice %arg10[%dma_start3A_1636, %dma_start3A_1637] : memref<10112x128xf32, #tpu.memory_space<vmem_shared>> -> memref<10112x128xf32, #tpu.memory_space<vmem_shared>>
    tpu.enqueue_indirect_dma source(%arg9 : memref<128x128xf32, #tpu.memory_space<vmem>>) target(%dma_start3A_1638 : memref<10112x128xf32, #tpu.memory_space<vmem_shared>>) offsets(%dma_start3A_1635 : memref<128xi32, #tpu.memory_space<vmem>>) semaphore(%arg13 : memref<!tpu.dma_semaphore, #tpu.memory_space<semaphore_mem>>) {add = true}
    %dma_wait3A_1639 = arith.constant 18 : i32
    %dma_wait3A_1640 = arith.constant 0 : i32
    %dma_wait3A_1641 = tpu.memref_slice %arg6[%dma_wait3A_1639, %dma_wait3A_1640] : memref<40x128xi32, #tpu.memory_space<vmem>> -> memref<1x128xi32, #tpu.memory_space<vmem>>
    %dma_wait3A_1642 = tpu.memref_squeeze %dma_wait3A_1641 : memref<1x128xi32, #tpu.memory_space<vmem>> -> memref<128xi32, #tpu.memory_space<vmem>>
    %dma_wait3A_1643 = arith.constant 0 : i32
    %dma_wait3A_1644 = arith.constant 0 : i32
    %dma_wait3A_1645 = tpu.memref_slice %arg2[%dma_wait3A_1643, %dma_wait3A_1644] : memref<10000x128xf32, #tpu.memory_space<hbm>> -> memref<10000x128xf32, #tpu.memory_space<hbm>>
    tpu.wait_indirect_dma semaphore(%arg11 : memref<!tpu.dma_semaphore, #tpu.memory_space<semaphore_mem>>) src(%dma_wait3A_1645 : memref<10000x128xf32, #tpu.memory_space<hbm>>) dst(%arg8 : memref<128x128xf32, #tpu.memory_space<vmem>>)
    %dma_wait3A_1646 = arith.constant 17 : i32
    %dma_wait3A_1647 = arith.constant 0 : i32
    %dma_wait3A_1648 = tpu.memref_slice %arg7[%dma_wait3A_1646, %dma_wait3A_1647] : memref<40x128xi32, #tpu.memory_space<vmem>> -> memref<1x128xi32, #tpu.memory_space<vmem>>
    %dma_wait3A_1649 = tpu.memref_squeeze %dma_wait3A_1648 : memref<1x128xi32, #tpu.memory_space<vmem>> -> memref<128xi32, #tpu.memory_space<vmem>>
    %dma_wait3A_1650 = arith.constant 0 : i32
    %dma_wait3A_1651 = arith.constant 0 : i32
    %dma_wait3A_1652 = tpu.memref_slice %arg10[%dma_wait3A_1650, %dma_wait3A_1651] : memref<10112x128xf32, #tpu.memory_space<vmem_shared>> -> memref<10112x128xf32, #tpu.memory_space<vmem_shared>>
    tpu.wait_indirect_dma semaphore(%arg13 : memref<!tpu.dma_semaphore, #tpu.memory_space<semaphore_mem>>) src(%arg9 : memref<128x128xf32, #tpu.memory_space<vmem>>) dst(%dma_wait3A_1652 : memref<10112x128xf32, #tpu.memory_space<vmem_shared>>)
    %dma_start3A_1653 = arith.constant 19 : i32
    %dma_start3A_1654 = arith.constant 0 : i32
    %dma_start3A_1655 = tpu.memref_slice %arg6[%dma_start3A_1653, %dma_start3A_1654] : memref<40x128xi32, #tpu.memory_space<vmem>> -> memref<1x128xi32, #tpu.memory_space<vmem>>
    %dma_start3A_1656 = tpu.memref_squeeze %dma_start3A_1655 : memref<1x128xi32, #tpu.memory_space<vmem>> -> memref<128xi32, #tpu.memory_space<vmem>>
    %dma_start3A_1657 = arith.constant 0 : i32
    %dma_start3A_1658 = arith.constant 0 : i32
    %dma_start3A_1659 = tpu.memref_slice %arg2[%dma_start3A_1657, %dma_start3A_1658] : memref<10000x128xf32, #tpu.memory_space<hbm>> -> memref<10000x128xf32, #tpu.memory_space<hbm>>
    tpu.enqueue_indirect_dma source(%dma_start3A_1659 : memref<10000x128xf32, #tpu.memory_space<hbm>>) target(%arg9 : memref<128x128xf32, #tpu.memory_space<vmem>>) offsets(%dma_start3A_1656 : memref<128xi32, #tpu.memory_space<vmem>>) semaphore(%arg12 : memref<!tpu.dma_semaphore, #tpu.memory_space<semaphore_mem>>)
    %dma_start3A_1660 = arith.constant 18 : i32
    %dma_start3A_1661 = arith.constant 0 : i32
    %dma_start3A_1662 = tpu.memref_slice %arg7[%dma_start3A_1660, %dma_start3A_1661] : memref<40x128xi32, #tpu.memory_space<vmem>> -> memref<1x128xi32, #tpu.memory_space<vmem>>
    %dma_start3A_1663 = tpu.memref_squeeze %dma_start3A_1662 : memref<1x128xi32, #tpu.memory_space<vmem>> -> memref<128xi32, #tpu.memory_space<vmem>>
    %dma_start3A_1664 = arith.constant 0 : i32
    %dma_start3A_1665 = arith.constant 0 : i32
    %dma_start3A_1666 = tpu.memref_slice %arg10[%dma_start3A_1664, %dma_start3A_1665] : memref<10112x128xf32, #tpu.memory_space<vmem_shared>> -> memref<10112x128xf32, #tpu.memory_space<vmem_shared>>
    tpu.enqueue_indirect_dma source(%arg8 : memref<128x128xf32, #tpu.memory_space<vmem>>) target(%dma_start3A_1666 : memref<10112x128xf32, #tpu.memory_space<vmem_shared>>) offsets(%dma_start3A_1663 : memref<128xi32, #tpu.memory_space<vmem>>) semaphore(%arg13 : memref<!tpu.dma_semaphore, #tpu.memory_space<semaphore_mem>>) {add = true}
    %dma_wait3A_1667 = arith.constant 19 : i32
    %dma_wait3A_1668 = arith.constant 0 : i32
    %dma_wait3A_1669 = tpu.memref_slice %arg6[%dma_wait3A_1667, %dma_wait3A_1668] : memref<40x128xi32, #tpu.memory_space<vmem>> -> memref<1x128xi32, #tpu.memory_space<vmem>>
    %dma_wait3A_1670 = tpu.memref_squeeze %dma_wait3A_1669 : memref<1x128xi32, #tpu.memory_space<vmem>> -> memref<128xi32, #tpu.memory_space<vmem>>
    %dma_wait3A_1671 = arith.constant 0 : i32
    %dma_wait3A_1672 = arith.constant 0 : i32
    %dma_wait3A_1673 = tpu.memref_slice %arg2[%dma_wait3A_1671, %dma_wait3A_1672] : memref<10000x128xf32, #tpu.memory_space<hbm>> -> memref<10000x128xf32, #tpu.memory_space<hbm>>
    tpu.wait_indirect_dma semaphore(%arg12 : memref<!tpu.dma_semaphore, #tpu.memory_space<semaphore_mem>>) src(%dma_wait3A_1673 : memref<10000x128xf32, #tpu.memory_space<hbm>>) dst(%arg9 : memref<128x128xf32, #tpu.memory_space<vmem>>)
    %dma_wait3A_1674 = arith.constant 18 : i32
    %dma_wait3A_1675 = arith.constant 0 : i32
    %dma_wait3A_1676 = tpu.memref_slice %arg7[%dma_wait3A_1674, %dma_wait3A_1675] : memref<40x128xi32, #tpu.memory_space<vmem>> -> memref<1x128xi32, #tpu.memory_space<vmem>>
    %dma_wait3A_1677 = tpu.memref_squeeze %dma_wait3A_1676 : memref<1x128xi32, #tpu.memory_space<vmem>> -> memref<128xi32, #tpu.memory_space<vmem>>
    %dma_wait3A_1678 = arith.constant 0 : i32
    %dma_wait3A_1679 = arith.constant 0 : i32
    %dma_wait3A_1680 = tpu.memref_slice %arg10[%dma_wait3A_1678, %dma_wait3A_1679] : memref<10112x128xf32, #tpu.memory_space<vmem_shared>> -> memref<10112x128xf32, #tpu.memory_space<vmem_shared>>
    tpu.wait_indirect_dma semaphore(%arg13 : memref<!tpu.dma_semaphore, #tpu.memory_space<semaphore_mem>>) src(%arg8 : memref<128x128xf32, #tpu.memory_space<vmem>>) dst(%dma_wait3A_1680 : memref<10112x128xf32, #tpu.memory_space<vmem_shared>>)
    %dma_start3A_1681 = arith.constant 20 : i32
    %dma_start3A_1682 = arith.constant 0 : i32
    %dma_start3A_1683 = tpu.memref_slice %arg6[%dma_start3A_1681, %dma_start3A_1682] : memref<40x128xi32, #tpu.memory_space<vmem>> -> memref<1x128xi32, #tpu.memory_space<vmem>>
    %dma_start3A_1684 = tpu.memref_squeeze %dma_start3A_1683 : memref<1x128xi32, #tpu.memory_space<vmem>> -> memref<128xi32, #tpu.memory_space<vmem>>
    %dma_start3A_1685 = arith.constant 0 : i32
    %dma_start3A_1686 = arith.constant 0 : i32
    %dma_start3A_1687 = tpu.memref_slice %arg2[%dma_start3A_1685, %dma_start3A_1686] : memref<10000x128xf32, #tpu.memory_space<hbm>> -> memref<10000x128xf32, #tpu.memory_space<hbm>>
    tpu.enqueue_indirect_dma source(%dma_start3A_1687 : memref<10000x128xf32, #tpu.memory_space<hbm>>) target(%arg8 : memref<128x128xf32, #tpu.memory_space<vmem>>) offsets(%dma_start3A_1684 : memref<128xi32, #tpu.memory_space<vmem>>) semaphore(%arg11 : memref<!tpu.dma_semaphore, #tpu.memory_space<semaphore_mem>>)
    %dma_start3A_1688 = arith.constant 19 : i32
    %dma_start3A_1689 = arith.constant 0 : i32
    %dma_start3A_1690 = tpu.memref_slice %arg7[%dma_start3A_1688, %dma_start3A_1689] : memref<40x128xi32, #tpu.memory_space<vmem>> -> memref<1x128xi32, #tpu.memory_space<vmem>>
    %dma_start3A_1691 = tpu.memref_squeeze %dma_start3A_1690 : memref<1x128xi32, #tpu.memory_space<vmem>> -> memref<128xi32, #tpu.memory_space<vmem>>
    %dma_start3A_1692 = arith.constant 0 : i32
    %dma_start3A_1693 = arith.constant 0 : i32
    %dma_start3A_1694 = tpu.memref_slice %arg10[%dma_start3A_1692, %dma_start3A_1693] : memref<10112x128xf32, #tpu.memory_space<vmem_shared>> -> memref<10112x128xf32, #tpu.memory_space<vmem_shared>>
    tpu.enqueue_indirect_dma source(%arg9 : memref<128x128xf32, #tpu.memory_space<vmem>>) target(%dma_start3A_1694 : memref<10112x128xf32, #tpu.memory_space<vmem_shared>>) offsets(%dma_start3A_1691 : memref<128xi32, #tpu.memory_space<vmem>>) semaphore(%arg13 : memref<!tpu.dma_semaphore, #tpu.memory_space<semaphore_mem>>) {add = true}
    %dma_wait3A_1695 = arith.constant 20 : i32
    %dma_wait3A_1696 = arith.constant 0 : i32
    %dma_wait3A_1697 = tpu.memref_slice %arg6[%dma_wait3A_1695, %dma_wait3A_1696] : memref<40x128xi32, #tpu.memory_space<vmem>> -> memref<1x128xi32, #tpu.memory_space<vmem>>
    %dma_wait3A_1698 = tpu.memref_squeeze %dma_wait3A_1697 : memref<1x128xi32, #tpu.memory_space<vmem>> -> memref<128xi32, #tpu.memory_space<vmem>>
    %dma_wait3A_1699 = arith.constant 0 : i32
    %dma_wait3A_1700 = arith.constant 0 : i32
    %dma_wait3A_1701 = tpu.memref_slice %arg2[%dma_wait3A_1699, %dma_wait3A_1700] : memref<10000x128xf32, #tpu.memory_space<hbm>> -> memref<10000x128xf32, #tpu.memory_space<hbm>>
    tpu.wait_indirect_dma semaphore(%arg11 : memref<!tpu.dma_semaphore, #tpu.memory_space<semaphore_mem>>) src(%dma_wait3A_1701 : memref<10000x128xf32, #tpu.memory_space<hbm>>) dst(%arg8 : memref<128x128xf32, #tpu.memory_space<vmem>>)
    %dma_wait3A_1702 = arith.constant 19 : i32
    %dma_wait3A_1703 = arith.constant 0 : i32
    %dma_wait3A_1704 = tpu.memref_slice %arg7[%dma_wait3A_1702, %dma_wait3A_1703] : memref<40x128xi32, #tpu.memory_space<vmem>> -> memref<1x128xi32, #tpu.memory_space<vmem>>
    %dma_wait3A_1705 = tpu.memref_squeeze %dma_wait3A_1704 : memref<1x128xi32, #tpu.memory_space<vmem>> -> memref<128xi32, #tpu.memory_space<vmem>>
    %dma_wait3A_1706 = arith.constant 0 : i32
    %dma_wait3A_1707 = arith.constant 0 : i32
    %dma_wait3A_1708 = tpu.memref_slice %arg10[%dma_wait3A_1706, %dma_wait3A_1707] : memref<10112x128xf32, #tpu.memory_space<vmem_shared>> -> memref<10112x128xf32, #tpu.memory_space<vmem_shared>>
    tpu.wait_indirect_dma semaphore(%arg13 : memref<!tpu.dma_semaphore, #tpu.memory_space<semaphore_mem>>) src(%arg9 : memref<128x128xf32, #tpu.memory_space<vmem>>) dst(%dma_wait3A_1708 : memref<10112x128xf32, #tpu.memory_space<vmem_shared>>)
    %dma_start3A_1709 = arith.constant 21 : i32
    %dma_start3A_1710 = arith.constant 0 : i32
    %dma_start3A_1711 = tpu.memref_slice %arg6[%dma_start3A_1709, %dma_start3A_1710] : memref<40x128xi32, #tpu.memory_space<vmem>> -> memref<1x128xi32, #tpu.memory_space<vmem>>
    %dma_start3A_1712 = tpu.memref_squeeze %dma_start3A_1711 : memref<1x128xi32, #tpu.memory_space<vmem>> -> memref<128xi32, #tpu.memory_space<vmem>>
    %dma_start3A_1713 = arith.constant 0 : i32
    %dma_start3A_1714 = arith.constant 0 : i32
    %dma_start3A_1715 = tpu.memref_slice %arg2[%dma_start3A_1713, %dma_start3A_1714] : memref<10000x128xf32, #tpu.memory_space<hbm>> -> memref<10000x128xf32, #tpu.memory_space<hbm>>
    tpu.enqueue_indirect_dma source(%dma_start3A_1715 : memref<10000x128xf32, #tpu.memory_space<hbm>>) target(%arg9 : memref<128x128xf32, #tpu.memory_space<vmem>>) offsets(%dma_start3A_1712 : memref<128xi32, #tpu.memory_space<vmem>>) semaphore(%arg12 : memref<!tpu.dma_semaphore, #tpu.memory_space<semaphore_mem>>)
    %dma_start3A_1716 = arith.constant 20 : i32
    %dma_start3A_1717 = arith.constant 0 : i32
    %dma_start3A_1718 = tpu.memref_slice %arg7[%dma_start3A_1716, %dma_start3A_1717] : memref<40x128xi32, #tpu.memory_space<vmem>> -> memref<1x128xi32, #tpu.memory_space<vmem>>
    %dma_start3A_1719 = tpu.memref_squeeze %dma_start3A_1718 : memref<1x128xi32, #tpu.memory_space<vmem>> -> memref<128xi32, #tpu.memory_space<vmem>>
    %dma_start3A_1720 = arith.constant 0 : i32
    %dma_start3A_1721 = arith.constant 0 : i32
    %dma_start3A_1722 = tpu.memref_slice %arg10[%dma_start3A_1720, %dma_start3A_1721] : memref<10112x128xf32, #tpu.memory_space<vmem_shared>> -> memref<10112x128xf32, #tpu.memory_space<vmem_shared>>
    tpu.enqueue_indirect_dma source(%arg8 : memref<128x128xf32, #tpu.memory_space<vmem>>) target(%dma_start3A_1722 : memref<10112x128xf32, #tpu.memory_space<vmem_shared>>) offsets(%dma_start3A_1719 : memref<128xi32, #tpu.memory_space<vmem>>) semaphore(%arg13 : memref<!tpu.dma_semaphore, #tpu.memory_space<semaphore_mem>>) {add = true}
    %dma_wait3A_1723 = arith.constant 21 : i32
    %dma_wait3A_1724 = arith.constant 0 : i32
    %dma_wait3A_1725 = tpu.memref_slice %arg6[%dma_wait3A_1723, %dma_wait3A_1724] : memref<40x128xi32, #tpu.memory_space<vmem>> -> memref<1x128xi32, #tpu.memory_space<vmem>>
    %dma_wait3A_1726 = tpu.memref_squeeze %dma_wait3A_1725 : memref<1x128xi32, #tpu.memory_space<vmem>> -> memref<128xi32, #tpu.memory_space<vmem>>
    %dma_wait3A_1727 = arith.constant 0 : i32
    %dma_wait3A_1728 = arith.constant 0 : i32
    %dma_wait3A_1729 = tpu.memref_slice %arg2[%dma_wait3A_1727, %dma_wait3A_1728] : memref<10000x128xf32, #tpu.memory_space<hbm>> -> memref<10000x128xf32, #tpu.memory_space<hbm>>
    tpu.wait_indirect_dma semaphore(%arg12 : memref<!tpu.dma_semaphore, #tpu.memory_space<semaphore_mem>>) src(%dma_wait3A_1729 : memref<10000x128xf32, #tpu.memory_space<hbm>>) dst(%arg9 : memref<128x128xf32, #tpu.memory_space<vmem>>)
    %dma_wait3A_1730 = arith.constant 20 : i32
    %dma_wait3A_1731 = arith.constant 0 : i32
    %dma_wait3A_1732 = tpu.memref_slice %arg7[%dma_wait3A_1730, %dma_wait3A_1731] : memref<40x128xi32, #tpu.memory_space<vmem>> -> memref<1x128xi32, #tpu.memory_space<vmem>>
    %dma_wait3A_1733 = tpu.memref_squeeze %dma_wait3A_1732 : memref<1x128xi32, #tpu.memory_space<vmem>> -> memref<128xi32, #tpu.memory_space<vmem>>
    %dma_wait3A_1734 = arith.constant 0 : i32
    %dma_wait3A_1735 = arith.constant 0 : i32
    %dma_wait3A_1736 = tpu.memref_slice %arg10[%dma_wait3A_1734, %dma_wait3A_1735] : memref<10112x128xf32, #tpu.memory_space<vmem_shared>> -> memref<10112x128xf32, #tpu.memory_space<vmem_shared>>
    tpu.wait_indirect_dma semaphore(%arg13 : memref<!tpu.dma_semaphore, #tpu.memory_space<semaphore_mem>>) src(%arg8 : memref<128x128xf32, #tpu.memory_space<vmem>>) dst(%dma_wait3A_1736 : memref<10112x128xf32, #tpu.memory_space<vmem_shared>>)
    %dma_start3A_1737 = arith.constant 22 : i32
    %dma_start3A_1738 = arith.constant 0 : i32
    %dma_start3A_1739 = tpu.memref_slice %arg6[%dma_start3A_1737, %dma_start3A_1738] : memref<40x128xi32, #tpu.memory_space<vmem>> -> memref<1x128xi32, #tpu.memory_space<vmem>>
    %dma_start3A_1740 = tpu.memref_squeeze %dma_start3A_1739 : memref<1x128xi32, #tpu.memory_space<vmem>> -> memref<128xi32, #tpu.memory_space<vmem>>
    %dma_start3A_1741 = arith.constant 0 : i32
    %dma_start3A_1742 = arith.constant 0 : i32
    %dma_start3A_1743 = tpu.memref_slice %arg2[%dma_start3A_1741, %dma_start3A_1742] : memref<10000x128xf32, #tpu.memory_space<hbm>> -> memref<10000x128xf32, #tpu.memory_space<hbm>>
    tpu.enqueue_indirect_dma source(%dma_start3A_1743 : memref<10000x128xf32, #tpu.memory_space<hbm>>) target(%arg8 : memref<128x128xf32, #tpu.memory_space<vmem>>) offsets(%dma_start3A_1740 : memref<128xi32, #tpu.memory_space<vmem>>) semaphore(%arg11 : memref<!tpu.dma_semaphore, #tpu.memory_space<semaphore_mem>>)
    %dma_start3A_1744 = arith.constant 21 : i32
    %dma_start3A_1745 = arith.constant 0 : i32
    %dma_start3A_1746 = tpu.memref_slice %arg7[%dma_start3A_1744, %dma_start3A_1745] : memref<40x128xi32, #tpu.memory_space<vmem>> -> memref<1x128xi32, #tpu.memory_space<vmem>>
    %dma_start3A_1747 = tpu.memref_squeeze %dma_start3A_1746 : memref<1x128xi32, #tpu.memory_space<vmem>> -> memref<128xi32, #tpu.memory_space<vmem>>
    %dma_start3A_1748 = arith.constant 0 : i32
    %dma_start3A_1749 = arith.constant 0 : i32
    %dma_start3A_1750 = tpu.memref_slice %arg10[%dma_start3A_1748, %dma_start3A_1749] : memref<10112x128xf32, #tpu.memory_space<vmem_shared>> -> memref<10112x128xf32, #tpu.memory_space<vmem_shared>>
    tpu.enqueue_indirect_dma source(%arg9 : memref<128x128xf32, #tpu.memory_space<vmem>>) target(%dma_start3A_1750 : memref<10112x128xf32, #tpu.memory_space<vmem_shared>>) offsets(%dma_start3A_1747 : memref<128xi32, #tpu.memory_space<vmem>>) semaphore(%arg13 : memref<!tpu.dma_semaphore, #tpu.memory_space<semaphore_mem>>) {add = true}
    %dma_wait3A_1751 = arith.constant 22 : i32
    %dma_wait3A_1752 = arith.constant 0 : i32
    %dma_wait3A_1753 = tpu.memref_slice %arg6[%dma_wait3A_1751, %dma_wait3A_1752] : memref<40x128xi32, #tpu.memory_space<vmem>> -> memref<1x128xi32, #tpu.memory_space<vmem>>
    %dma_wait3A_1754 = tpu.memref_squeeze %dma_wait3A_1753 : memref<1x128xi32, #tpu.memory_space<vmem>> -> memref<128xi32, #tpu.memory_space<vmem>>
    %dma_wait3A_1755 = arith.constant 0 : i32
    %dma_wait3A_1756 = arith.constant 0 : i32
    %dma_wait3A_1757 = tpu.memref_slice %arg2[%dma_wait3A_1755, %dma_wait3A_1756] : memref<10000x128xf32, #tpu.memory_space<hbm>> -> memref<10000x128xf32, #tpu.memory_space<hbm>>
    tpu.wait_indirect_dma semaphore(%arg11 : memref<!tpu.dma_semaphore, #tpu.memory_space<semaphore_mem>>) src(%dma_wait3A_1757 : memref<10000x128xf32, #tpu.memory_space<hbm>>) dst(%arg8 : memref<128x128xf32, #tpu.memory_space<vmem>>)
    %dma_wait3A_1758 = arith.constant 21 : i32
    %dma_wait3A_1759 = arith.constant 0 : i32
    %dma_wait3A_1760 = tpu.memref_slice %arg7[%dma_wait3A_1758, %dma_wait3A_1759] : memref<40x128xi32, #tpu.memory_space<vmem>> -> memref<1x128xi32, #tpu.memory_space<vmem>>
    %dma_wait3A_1761 = tpu.memref_squeeze %dma_wait3A_1760 : memref<1x128xi32, #tpu.memory_space<vmem>> -> memref<128xi32, #tpu.memory_space<vmem>>
    %dma_wait3A_1762 = arith.constant 0 : i32
    %dma_wait3A_1763 = arith.constant 0 : i32
    %dma_wait3A_1764 = tpu.memref_slice %arg10[%dma_wait3A_1762, %dma_wait3A_1763] : memref<10112x128xf32, #tpu.memory_space<vmem_shared>> -> memref<10112x128xf32, #tpu.memory_space<vmem_shared>>
    tpu.wait_indirect_dma semaphore(%arg13 : memref<!tpu.dma_semaphore, #tpu.memory_space<semaphore_mem>>) src(%arg9 : memref<128x128xf32, #tpu.memory_space<vmem>>) dst(%dma_wait3A_1764 : memref<10112x128xf32, #tpu.memory_space<vmem_shared>>)
    %dma_start3A_1765 = arith.constant 23 : i32
    %dma_start3A_1766 = arith.constant 0 : i32
    %dma_start3A_1767 = tpu.memref_slice %arg6[%dma_start3A_1765, %dma_start3A_1766] : memref<40x128xi32, #tpu.memory_space<vmem>> -> memref<1x128xi32, #tpu.memory_space<vmem>>
    %dma_start3A_1768 = tpu.memref_squeeze %dma_start3A_1767 : memref<1x128xi32, #tpu.memory_space<vmem>> -> memref<128xi32, #tpu.memory_space<vmem>>
    %dma_start3A_1769 = arith.constant 0 : i32
    %dma_start3A_1770 = arith.constant 0 : i32
    %dma_start3A_1771 = tpu.memref_slice %arg2[%dma_start3A_1769, %dma_start3A_1770] : memref<10000x128xf32, #tpu.memory_space<hbm>> -> memref<10000x128xf32, #tpu.memory_space<hbm>>
    tpu.enqueue_indirect_dma source(%dma_start3A_1771 : memref<10000x128xf32, #tpu.memory_space<hbm>>) target(%arg9 : memref<128x128xf32, #tpu.memory_space<vmem>>) offsets(%dma_start3A_1768 : memref<128xi32, #tpu.memory_space<vmem>>) semaphore(%arg12 : memref<!tpu.dma_semaphore, #tpu.memory_space<semaphore_mem>>)
    %dma_start3A_1772 = arith.constant 22 : i32
    %dma_start3A_1773 = arith.constant 0 : i32
    %dma_start3A_1774 = tpu.memref_slice %arg7[%dma_start3A_1772, %dma_start3A_1773] : memref<40x128xi32, #tpu.memory_space<vmem>> -> memref<1x128xi32, #tpu.memory_space<vmem>>
    %dma_start3A_1775 = tpu.memref_squeeze %dma_start3A_1774 : memref<1x128xi32, #tpu.memory_space<vmem>> -> memref<128xi32, #tpu.memory_space<vmem>>
    %dma_start3A_1776 = arith.constant 0 : i32
    %dma_start3A_1777 = arith.constant 0 : i32
    %dma_start3A_1778 = tpu.memref_slice %arg10[%dma_start3A_1776, %dma_start3A_1777] : memref<10112x128xf32, #tpu.memory_space<vmem_shared>> -> memref<10112x128xf32, #tpu.memory_space<vmem_shared>>
    tpu.enqueue_indirect_dma source(%arg8 : memref<128x128xf32, #tpu.memory_space<vmem>>) target(%dma_start3A_1778 : memref<10112x128xf32, #tpu.memory_space<vmem_shared>>) offsets(%dma_start3A_1775 : memref<128xi32, #tpu.memory_space<vmem>>) semaphore(%arg13 : memref<!tpu.dma_semaphore, #tpu.memory_space<semaphore_mem>>) {add = true}
    %dma_wait3A_1779 = arith.constant 23 : i32
    %dma_wait3A_1780 = arith.constant 0 : i32
    %dma_wait3A_1781 = tpu.memref_slice %arg6[%dma_wait3A_1779, %dma_wait3A_1780] : memref<40x128xi32, #tpu.memory_space<vmem>> -> memref<1x128xi32, #tpu.memory_space<vmem>>
    %dma_wait3A_1782 = tpu.memref_squeeze %dma_wait3A_1781 : memref<1x128xi32, #tpu.memory_space<vmem>> -> memref<128xi32, #tpu.memory_space<vmem>>
    %dma_wait3A_1783 = arith.constant 0 : i32
    %dma_wait3A_1784 = arith.constant 0 : i32
    %dma_wait3A_1785 = tpu.memref_slice %arg2[%dma_wait3A_1783, %dma_wait3A_1784] : memref<10000x128xf32, #tpu.memory_space<hbm>> -> memref<10000x128xf32, #tpu.memory_space<hbm>>
    tpu.wait_indirect_dma semaphore(%arg12 : memref<!tpu.dma_semaphore, #tpu.memory_space<semaphore_mem>>) src(%dma_wait3A_1785 : memref<10000x128xf32, #tpu.memory_space<hbm>>) dst(%arg9 : memref<128x128xf32, #tpu.memory_space<vmem>>)
    %dma_wait3A_1786 = arith.constant 22 : i32
    %dma_wait3A_1787 = arith.constant 0 : i32
    %dma_wait3A_1788 = tpu.memref_slice %arg7[%dma_wait3A_1786, %dma_wait3A_1787] : memref<40x128xi32, #tpu.memory_space<vmem>> -> memref<1x128xi32, #tpu.memory_space<vmem>>
    %dma_wait3A_1789 = tpu.memref_squeeze %dma_wait3A_1788 : memref<1x128xi32, #tpu.memory_space<vmem>> -> memref<128xi32, #tpu.memory_space<vmem>>
    %dma_wait3A_1790 = arith.constant 0 : i32
    %dma_wait3A_1791 = arith.constant 0 : i32
    %dma_wait3A_1792 = tpu.memref_slice %arg10[%dma_wait3A_1790, %dma_wait3A_1791] : memref<10112x128xf32, #tpu.memory_space<vmem_shared>> -> memref<10112x128xf32, #tpu.memory_space<vmem_shared>>
    tpu.wait_indirect_dma semaphore(%arg13 : memref<!tpu.dma_semaphore, #tpu.memory_space<semaphore_mem>>) src(%arg8 : memref<128x128xf32, #tpu.memory_space<vmem>>) dst(%dma_wait3A_1792 : memref<10112x128xf32, #tpu.memory_space<vmem_shared>>)
    %dma_start3A_1793 = arith.constant 24 : i32
    %dma_start3A_1794 = arith.constant 0 : i32
    %dma_start3A_1795 = tpu.memref_slice %arg6[%dma_start3A_1793, %dma_start3A_1794] : memref<40x128xi32, #tpu.memory_space<vmem>> -> memref<1x128xi32, #tpu.memory_space<vmem>>
    %dma_start3A_1796 = tpu.memref_squeeze %dma_start3A_1795 : memref<1x128xi32, #tpu.memory_space<vmem>> -> memref<128xi32, #tpu.memory_space<vmem>>
    %dma_start3A_1797 = arith.constant 0 : i32
    %dma_start3A_1798 = arith.constant 0 : i32
    %dma_start3A_1799 = tpu.memref_slice %arg2[%dma_start3A_1797, %dma_start3A_1798] : memref<10000x128xf32, #tpu.memory_space<hbm>> -> memref<10000x128xf32, #tpu.memory_space<hbm>>
    tpu.enqueue_indirect_dma source(%dma_start3A_1799 : memref<10000x128xf32, #tpu.memory_space<hbm>>) target(%arg8 : memref<128x128xf32, #tpu.memory_space<vmem>>) offsets(%dma_start3A_1796 : memref<128xi32, #tpu.memory_space<vmem>>) semaphore(%arg11 : memref<!tpu.dma_semaphore, #tpu.memory_space<semaphore_mem>>)
    %dma_start3A_1800 = arith.constant 23 : i32
    %dma_start3A_1801 = arith.constant 0 : i32
    %dma_start3A_1802 = tpu.memref_slice %arg7[%dma_start3A_1800, %dma_start3A_1801] : memref<40x128xi32, #tpu.memory_space<vmem>> -> memref<1x128xi32, #tpu.memory_space<vmem>>
    %dma_start3A_1803 = tpu.memref_squeeze %dma_start3A_1802 : memref<1x128xi32, #tpu.memory_space<vmem>> -> memref<128xi32, #tpu.memory_space<vmem>>
    %dma_start3A_1804 = arith.constant 0 : i32
    %dma_start3A_1805 = arith.constant 0 : i32
    %dma_start3A_1806 = tpu.memref_slice %arg10[%dma_start3A_1804, %dma_start3A_1805] : memref<10112x128xf32, #tpu.memory_space<vmem_shared>> -> memref<10112x128xf32, #tpu.memory_space<vmem_shared>>
    tpu.enqueue_indirect_dma source(%arg9 : memref<128x128xf32, #tpu.memory_space<vmem>>) target(%dma_start3A_1806 : memref<10112x128xf32, #tpu.memory_space<vmem_shared>>) offsets(%dma_start3A_1803 : memref<128xi32, #tpu.memory_space<vmem>>) semaphore(%arg13 : memref<!tpu.dma_semaphore, #tpu.memory_space<semaphore_mem>>) {add = true}
    %dma_wait3A_1807 = arith.constant 24 : i32
    %dma_wait3A_1808 = arith.constant 0 : i32
    %dma_wait3A_1809 = tpu.memref_slice %arg6[%dma_wait3A_1807, %dma_wait3A_1808] : memref<40x128xi32, #tpu.memory_space<vmem>> -> memref<1x128xi32, #tpu.memory_space<vmem>>
    %dma_wait3A_1810 = tpu.memref_squeeze %dma_wait3A_1809 : memref<1x128xi32, #tpu.memory_space<vmem>> -> memref<128xi32, #tpu.memory_space<vmem>>
    %dma_wait3A_1811 = arith.constant 0 : i32
    %dma_wait3A_1812 = arith.constant 0 : i32
    %dma_wait3A_1813 = tpu.memref_slice %arg2[%dma_wait3A_1811, %dma_wait3A_1812] : memref<10000x128xf32, #tpu.memory_space<hbm>> -> memref<10000x128xf32, #tpu.memory_space<hbm>>
    tpu.wait_indirect_dma semaphore(%arg11 : memref<!tpu.dma_semaphore, #tpu.memory_space<semaphore_mem>>) src(%dma_wait3A_1813 : memref<10000x128xf32, #tpu.memory_space<hbm>>) dst(%arg8 : memref<128x128xf32, #tpu.memory_space<vmem>>)
    %dma_wait3A_1814 = arith.constant 23 : i32
    %dma_wait3A_1815 = arith.constant 0 : i32
    %dma_wait3A_1816 = tpu.memref_slice %arg7[%dma_wait3A_1814, %dma_wait3A_1815] : memref<40x128xi32, #tpu.memory_space<vmem>> -> memref<1x128xi32, #tpu.memory_space<vmem>>
    %dma_wait3A_1817 = tpu.memref_squeeze %dma_wait3A_1816 : memref<1x128xi32, #tpu.memory_space<vmem>> -> memref<128xi32, #tpu.memory_space<vmem>>
    %dma_wait3A_1818 = arith.constant 0 : i32
    %dma_wait3A_1819 = arith.constant 0 : i32
    %dma_wait3A_1820 = tpu.memref_slice %arg10[%dma_wait3A_1818, %dma_wait3A_1819] : memref<10112x128xf32, #tpu.memory_space<vmem_shared>> -> memref<10112x128xf32, #tpu.memory_space<vmem_shared>>
    tpu.wait_indirect_dma semaphore(%arg13 : memref<!tpu.dma_semaphore, #tpu.memory_space<semaphore_mem>>) src(%arg9 : memref<128x128xf32, #tpu.memory_space<vmem>>) dst(%dma_wait3A_1820 : memref<10112x128xf32, #tpu.memory_space<vmem_shared>>)
    %dma_start3A_1821 = arith.constant 25 : i32
    %dma_start3A_1822 = arith.constant 0 : i32
    %dma_start3A_1823 = tpu.memref_slice %arg6[%dma_start3A_1821, %dma_start3A_1822] : memref<40x128xi32, #tpu.memory_space<vmem>> -> memref<1x128xi32, #tpu.memory_space<vmem>>
    %dma_start3A_1824 = tpu.memref_squeeze %dma_start3A_1823 : memref<1x128xi32, #tpu.memory_space<vmem>> -> memref<128xi32, #tpu.memory_space<vmem>>
    %dma_start3A_1825 = arith.constant 0 : i32
    %dma_start3A_1826 = arith.constant 0 : i32
    %dma_start3A_1827 = tpu.memref_slice %arg2[%dma_start3A_1825, %dma_start3A_1826] : memref<10000x128xf32, #tpu.memory_space<hbm>> -> memref<10000x128xf32, #tpu.memory_space<hbm>>
    tpu.enqueue_indirect_dma source(%dma_start3A_1827 : memref<10000x128xf32, #tpu.memory_space<hbm>>) target(%arg9 : memref<128x128xf32, #tpu.memory_space<vmem>>) offsets(%dma_start3A_1824 : memref<128xi32, #tpu.memory_space<vmem>>) semaphore(%arg12 : memref<!tpu.dma_semaphore, #tpu.memory_space<semaphore_mem>>)
    %dma_start3A_1828 = arith.constant 24 : i32
    %dma_start3A_1829 = arith.constant 0 : i32
    %dma_start3A_1830 = tpu.memref_slice %arg7[%dma_start3A_1828, %dma_start3A_1829] : memref<40x128xi32, #tpu.memory_space<vmem>> -> memref<1x128xi32, #tpu.memory_space<vmem>>
    %dma_start3A_1831 = tpu.memref_squeeze %dma_start3A_1830 : memref<1x128xi32, #tpu.memory_space<vmem>> -> memref<128xi32, #tpu.memory_space<vmem>>
    %dma_start3A_1832 = arith.constant 0 : i32
    %dma_start3A_1833 = arith.constant 0 : i32
    %dma_start3A_1834 = tpu.memref_slice %arg10[%dma_start3A_1832, %dma_start3A_1833] : memref<10112x128xf32, #tpu.memory_space<vmem_shared>> -> memref<10112x128xf32, #tpu.memory_space<vmem_shared>>
    tpu.enqueue_indirect_dma source(%arg8 : memref<128x128xf32, #tpu.memory_space<vmem>>) target(%dma_start3A_1834 : memref<10112x128xf32, #tpu.memory_space<vmem_shared>>) offsets(%dma_start3A_1831 : memref<128xi32, #tpu.memory_space<vmem>>) semaphore(%arg13 : memref<!tpu.dma_semaphore, #tpu.memory_space<semaphore_mem>>) {add = true}
    %dma_wait3A_1835 = arith.constant 25 : i32
    %dma_wait3A_1836 = arith.constant 0 : i32
    %dma_wait3A_1837 = tpu.memref_slice %arg6[%dma_wait3A_1835, %dma_wait3A_1836] : memref<40x128xi32, #tpu.memory_space<vmem>> -> memref<1x128xi32, #tpu.memory_space<vmem>>
    %dma_wait3A_1838 = tpu.memref_squeeze %dma_wait3A_1837 : memref<1x128xi32, #tpu.memory_space<vmem>> -> memref<128xi32, #tpu.memory_space<vmem>>
    %dma_wait3A_1839 = arith.constant 0 : i32
    %dma_wait3A_1840 = arith.constant 0 : i32
    %dma_wait3A_1841 = tpu.memref_slice %arg2[%dma_wait3A_1839, %dma_wait3A_1840] : memref<10000x128xf32, #tpu.memory_space<hbm>> -> memref<10000x128xf32, #tpu.memory_space<hbm>>
    tpu.wait_indirect_dma semaphore(%arg12 : memref<!tpu.dma_semaphore, #tpu.memory_space<semaphore_mem>>) src(%dma_wait3A_1841 : memref<10000x128xf32, #tpu.memory_space<hbm>>) dst(%arg9 : memref<128x128xf32, #tpu.memory_space<vmem>>)
    %dma_wait3A_1842 = arith.constant 24 : i32
    %dma_wait3A_1843 = arith.constant 0 : i32
    %dma_wait3A_1844 = tpu.memref_slice %arg7[%dma_wait3A_1842, %dma_wait3A_1843] : memref<40x128xi32, #tpu.memory_space<vmem>> -> memref<1x128xi32, #tpu.memory_space<vmem>>
    %dma_wait3A_1845 = tpu.memref_squeeze %dma_wait3A_1844 : memref<1x128xi32, #tpu.memory_space<vmem>> -> memref<128xi32, #tpu.memory_space<vmem>>
    %dma_wait3A_1846 = arith.constant 0 : i32
    %dma_wait3A_1847 = arith.constant 0 : i32
    %dma_wait3A_1848 = tpu.memref_slice %arg10[%dma_wait3A_1846, %dma_wait3A_1847] : memref<10112x128xf32, #tpu.memory_space<vmem_shared>> -> memref<10112x128xf32, #tpu.memory_space<vmem_shared>>
    tpu.wait_indirect_dma semaphore(%arg13 : memref<!tpu.dma_semaphore, #tpu.memory_space<semaphore_mem>>) src(%arg8 : memref<128x128xf32, #tpu.memory_space<vmem>>) dst(%dma_wait3A_1848 : memref<10112x128xf32, #tpu.memory_space<vmem_shared>>)
    %dma_start3A_1849 = arith.constant 26 : i32
    %dma_start3A_1850 = arith.constant 0 : i32
    %dma_start3A_1851 = tpu.memref_slice %arg6[%dma_start3A_1849, %dma_start3A_1850] : memref<40x128xi32, #tpu.memory_space<vmem>> -> memref<1x128xi32, #tpu.memory_space<vmem>>
    %dma_start3A_1852 = tpu.memref_squeeze %dma_start3A_1851 : memref<1x128xi32, #tpu.memory_space<vmem>> -> memref<128xi32, #tpu.memory_space<vmem>>
    %dma_start3A_1853 = arith.constant 0 : i32
    %dma_start3A_1854 = arith.constant 0 : i32
    %dma_start3A_1855 = tpu.memref_slice %arg2[%dma_start3A_1853, %dma_start3A_1854] : memref<10000x128xf32, #tpu.memory_space<hbm>> -> memref<10000x128xf32, #tpu.memory_space<hbm>>
    tpu.enqueue_indirect_dma source(%dma_start3A_1855 : memref<10000x128xf32, #tpu.memory_space<hbm>>) target(%arg8 : memref<128x128xf32, #tpu.memory_space<vmem>>) offsets(%dma_start3A_1852 : memref<128xi32, #tpu.memory_space<vmem>>) semaphore(%arg11 : memref<!tpu.dma_semaphore, #tpu.memory_space<semaphore_mem>>)
    %dma_start3A_1856 = arith.constant 25 : i32
    %dma_start3A_1857 = arith.constant 0 : i32
    %dma_start3A_1858 = tpu.memref_slice %arg7[%dma_start3A_1856, %dma_start3A_1857] : memref<40x128xi32, #tpu.memory_space<vmem>> -> memref<1x128xi32, #tpu.memory_space<vmem>>
    %dma_start3A_1859 = tpu.memref_squeeze %dma_start3A_1858 : memref<1x128xi32, #tpu.memory_space<vmem>> -> memref<128xi32, #tpu.memory_space<vmem>>
    %dma_start3A_1860 = arith.constant 0 : i32
    %dma_start3A_1861 = arith.constant 0 : i32
    %dma_start3A_1862 = tpu.memref_slice %arg10[%dma_start3A_1860, %dma_start3A_1861] : memref<10112x128xf32, #tpu.memory_space<vmem_shared>> -> memref<10112x128xf32, #tpu.memory_space<vmem_shared>>
    tpu.enqueue_indirect_dma source(%arg9 : memref<128x128xf32, #tpu.memory_space<vmem>>) target(%dma_start3A_1862 : memref<10112x128xf32, #tpu.memory_space<vmem_shared>>) offsets(%dma_start3A_1859 : memref<128xi32, #tpu.memory_space<vmem>>) semaphore(%arg13 : memref<!tpu.dma_semaphore, #tpu.memory_space<semaphore_mem>>) {add = true}
    %dma_wait3A_1863 = arith.constant 26 : i32
    %dma_wait3A_1864 = arith.constant 0 : i32
    %dma_wait3A_1865 = tpu.memref_slice %arg6[%dma_wait3A_1863, %dma_wait3A_1864] : memref<40x128xi32, #tpu.memory_space<vmem>> -> memref<1x128xi32, #tpu.memory_space<vmem>>
    %dma_wait3A_1866 = tpu.memref_squeeze %dma_wait3A_1865 : memref<1x128xi32, #tpu.memory_space<vmem>> -> memref<128xi32, #tpu.memory_space<vmem>>
    %dma_wait3A_1867 = arith.constant 0 : i32
    %dma_wait3A_1868 = arith.constant 0 : i32
    %dma_wait3A_1869 = tpu.memref_slice %arg2[%dma_wait3A_1867, %dma_wait3A_1868] : memref<10000x128xf32, #tpu.memory_space<hbm>> -> memref<10000x128xf32, #tpu.memory_space<hbm>>
    tpu.wait_indirect_dma semaphore(%arg11 : memref<!tpu.dma_semaphore, #tpu.memory_space<semaphore_mem>>) src(%dma_wait3A_1869 : memref<10000x128xf32, #tpu.memory_space<hbm>>) dst(%arg8 : memref<128x128xf32, #tpu.memory_space<vmem>>)
    %dma_wait3A_1870 = arith.constant 25 : i32
    %dma_wait3A_1871 = arith.constant 0 : i32
    %dma_wait3A_1872 = tpu.memref_slice %arg7[%dma_wait3A_1870, %dma_wait3A_1871] : memref<40x128xi32, #tpu.memory_space<vmem>> -> memref<1x128xi32, #tpu.memory_space<vmem>>
    %dma_wait3A_1873 = tpu.memref_squeeze %dma_wait3A_1872 : memref<1x128xi32, #tpu.memory_space<vmem>> -> memref<128xi32, #tpu.memory_space<vmem>>
    %dma_wait3A_1874 = arith.constant 0 : i32
    %dma_wait3A_1875 = arith.constant 0 : i32
    %dma_wait3A_1876 = tpu.memref_slice %arg10[%dma_wait3A_1874, %dma_wait3A_1875] : memref<10112x128xf32, #tpu.memory_space<vmem_shared>> -> memref<10112x128xf32, #tpu.memory_space<vmem_shared>>
    tpu.wait_indirect_dma semaphore(%arg13 : memref<!tpu.dma_semaphore, #tpu.memory_space<semaphore_mem>>) src(%arg9 : memref<128x128xf32, #tpu.memory_space<vmem>>) dst(%dma_wait3A_1876 : memref<10112x128xf32, #tpu.memory_space<vmem_shared>>)
    %dma_start3A_1877 = arith.constant 27 : i32
    %dma_start3A_1878 = arith.constant 0 : i32
    %dma_start3A_1879 = tpu.memref_slice %arg6[%dma_start3A_1877, %dma_start3A_1878] : memref<40x128xi32, #tpu.memory_space<vmem>> -> memref<1x128xi32, #tpu.memory_space<vmem>>
    %dma_start3A_1880 = tpu.memref_squeeze %dma_start3A_1879 : memref<1x128xi32, #tpu.memory_space<vmem>> -> memref<128xi32, #tpu.memory_space<vmem>>
    %dma_start3A_1881 = arith.constant 0 : i32
    %dma_start3A_1882 = arith.constant 0 : i32
    %dma_start3A_1883 = tpu.memref_slice %arg2[%dma_start3A_1881, %dma_start3A_1882] : memref<10000x128xf32, #tpu.memory_space<hbm>> -> memref<10000x128xf32, #tpu.memory_space<hbm>>
    tpu.enqueue_indirect_dma source(%dma_start3A_1883 : memref<10000x128xf32, #tpu.memory_space<hbm>>) target(%arg9 : memref<128x128xf32, #tpu.memory_space<vmem>>) offsets(%dma_start3A_1880 : memref<128xi32, #tpu.memory_space<vmem>>) semaphore(%arg12 : memref<!tpu.dma_semaphore, #tpu.memory_space<semaphore_mem>>)
    %dma_start3A_1884 = arith.constant 26 : i32
    %dma_start3A_1885 = arith.constant 0 : i32
    %dma_start3A_1886 = tpu.memref_slice %arg7[%dma_start3A_1884, %dma_start3A_1885] : memref<40x128xi32, #tpu.memory_space<vmem>> -> memref<1x128xi32, #tpu.memory_space<vmem>>
    %dma_start3A_1887 = tpu.memref_squeeze %dma_start3A_1886 : memref<1x128xi32, #tpu.memory_space<vmem>> -> memref<128xi32, #tpu.memory_space<vmem>>
    %dma_start3A_1888 = arith.constant 0 : i32
    %dma_start3A_1889 = arith.constant 0 : i32
    %dma_start3A_1890 = tpu.memref_slice %arg10[%dma_start3A_1888, %dma_start3A_1889] : memref<10112x128xf32, #tpu.memory_space<vmem_shared>> -> memref<10112x128xf32, #tpu.memory_space<vmem_shared>>
    tpu.enqueue_indirect_dma source(%arg8 : memref<128x128xf32, #tpu.memory_space<vmem>>) target(%dma_start3A_1890 : memref<10112x128xf32, #tpu.memory_space<vmem_shared>>) offsets(%dma_start3A_1887 : memref<128xi32, #tpu.memory_space<vmem>>) semaphore(%arg13 : memref<!tpu.dma_semaphore, #tpu.memory_space<semaphore_mem>>) {add = true}
    %dma_wait3A_1891 = arith.constant 27 : i32
    %dma_wait3A_1892 = arith.constant 0 : i32
    %dma_wait3A_1893 = tpu.memref_slice %arg6[%dma_wait3A_1891, %dma_wait3A_1892] : memref<40x128xi32, #tpu.memory_space<vmem>> -> memref<1x128xi32, #tpu.memory_space<vmem>>
    %dma_wait3A_1894 = tpu.memref_squeeze %dma_wait3A_1893 : memref<1x128xi32, #tpu.memory_space<vmem>> -> memref<128xi32, #tpu.memory_space<vmem>>
    %dma_wait3A_1895 = arith.constant 0 : i32
    %dma_wait3A_1896 = arith.constant 0 : i32
    %dma_wait3A_1897 = tpu.memref_slice %arg2[%dma_wait3A_1895, %dma_wait3A_1896] : memref<10000x128xf32, #tpu.memory_space<hbm>> -> memref<10000x128xf32, #tpu.memory_space<hbm>>
    tpu.wait_indirect_dma semaphore(%arg12 : memref<!tpu.dma_semaphore, #tpu.memory_space<semaphore_mem>>) src(%dma_wait3A_1897 : memref<10000x128xf32, #tpu.memory_space<hbm>>) dst(%arg9 : memref<128x128xf32, #tpu.memory_space<vmem>>)
    %dma_wait3A_1898 = arith.constant 26 : i32
    %dma_wait3A_1899 = arith.constant 0 : i32
    %dma_wait3A_1900 = tpu.memref_slice %arg7[%dma_wait3A_1898, %dma_wait3A_1899] : memref<40x128xi32, #tpu.memory_space<vmem>> -> memref<1x128xi32, #tpu.memory_space<vmem>>
    %dma_wait3A_1901 = tpu.memref_squeeze %dma_wait3A_1900 : memref<1x128xi32, #tpu.memory_space<vmem>> -> memref<128xi32, #tpu.memory_space<vmem>>
    %dma_wait3A_1902 = arith.constant 0 : i32
    %dma_wait3A_1903 = arith.constant 0 : i32
    %dma_wait3A_1904 = tpu.memref_slice %arg10[%dma_wait3A_1902, %dma_wait3A_1903] : memref<10112x128xf32, #tpu.memory_space<vmem_shared>> -> memref<10112x128xf32, #tpu.memory_space<vmem_shared>>
    tpu.wait_indirect_dma semaphore(%arg13 : memref<!tpu.dma_semaphore, #tpu.memory_space<semaphore_mem>>) src(%arg8 : memref<128x128xf32, #tpu.memory_space<vmem>>) dst(%dma_wait3A_1904 : memref<10112x128xf32, #tpu.memory_space<vmem_shared>>)
    %dma_start3A_1905 = arith.constant 28 : i32
    %dma_start3A_1906 = arith.constant 0 : i32
    %dma_start3A_1907 = tpu.memref_slice %arg6[%dma_start3A_1905, %dma_start3A_1906] : memref<40x128xi32, #tpu.memory_space<vmem>> -> memref<1x128xi32, #tpu.memory_space<vmem>>
    %dma_start3A_1908 = tpu.memref_squeeze %dma_start3A_1907 : memref<1x128xi32, #tpu.memory_space<vmem>> -> memref<128xi32, #tpu.memory_space<vmem>>
    %dma_start3A_1909 = arith.constant 0 : i32
    %dma_start3A_1910 = arith.constant 0 : i32
    %dma_start3A_1911 = tpu.memref_slice %arg2[%dma_start3A_1909, %dma_start3A_1910] : memref<10000x128xf32, #tpu.memory_space<hbm>> -> memref<10000x128xf32, #tpu.memory_space<hbm>>
    tpu.enqueue_indirect_dma source(%dma_start3A_1911 : memref<10000x128xf32, #tpu.memory_space<hbm>>) target(%arg8 : memref<128x128xf32, #tpu.memory_space<vmem>>) offsets(%dma_start3A_1908 : memref<128xi32, #tpu.memory_space<vmem>>) semaphore(%arg11 : memref<!tpu.dma_semaphore, #tpu.memory_space<semaphore_mem>>)
    %dma_start3A_1912 = arith.constant 27 : i32
    %dma_start3A_1913 = arith.constant 0 : i32
    %dma_start3A_1914 = tpu.memref_slice %arg7[%dma_start3A_1912, %dma_start3A_1913] : memref<40x128xi32, #tpu.memory_space<vmem>> -> memref<1x128xi32, #tpu.memory_space<vmem>>
    %dma_start3A_1915 = tpu.memref_squeeze %dma_start3A_1914 : memref<1x128xi32, #tpu.memory_space<vmem>> -> memref<128xi32, #tpu.memory_space<vmem>>
    %dma_start3A_1916 = arith.constant 0 : i32
    %dma_start3A_1917 = arith.constant 0 : i32
    %dma_start3A_1918 = tpu.memref_slice %arg10[%dma_start3A_1916, %dma_start3A_1917] : memref<10112x128xf32, #tpu.memory_space<vmem_shared>> -> memref<10112x128xf32, #tpu.memory_space<vmem_shared>>
    tpu.enqueue_indirect_dma source(%arg9 : memref<128x128xf32, #tpu.memory_space<vmem>>) target(%dma_start3A_1918 : memref<10112x128xf32, #tpu.memory_space<vmem_shared>>) offsets(%dma_start3A_1915 : memref<128xi32, #tpu.memory_space<vmem>>) semaphore(%arg13 : memref<!tpu.dma_semaphore, #tpu.memory_space<semaphore_mem>>) {add = true}
    %dma_wait3A_1919 = arith.constant 28 : i32
    %dma_wait3A_1920 = arith.constant 0 : i32
    %dma_wait3A_1921 = tpu.memref_slice %arg6[%dma_wait3A_1919, %dma_wait3A_1920] : memref<40x128xi32, #tpu.memory_space<vmem>> -> memref<1x128xi32, #tpu.memory_space<vmem>>
    %dma_wait3A_1922 = tpu.memref_squeeze %dma_wait3A_1921 : memref<1x128xi32, #tpu.memory_space<vmem>> -> memref<128xi32, #tpu.memory_space<vmem>>
    %dma_wait3A_1923 = arith.constant 0 : i32
    %dma_wait3A_1924 = arith.constant 0 : i32
    %dma_wait3A_1925 = tpu.memref_slice %arg2[%dma_wait3A_1923, %dma_wait3A_1924] : memref<10000x128xf32, #tpu.memory_space<hbm>> -> memref<10000x128xf32, #tpu.memory_space<hbm>>
    tpu.wait_indirect_dma semaphore(%arg11 : memref<!tpu.dma_semaphore, #tpu.memory_space<semaphore_mem>>) src(%dma_wait3A_1925 : memref<10000x128xf32, #tpu.memory_space<hbm>>) dst(%arg8 : memref<128x128xf32, #tpu.memory_space<vmem>>)
    %dma_wait3A_1926 = arith.constant 27 : i32
    %dma_wait3A_1927 = arith.constant 0 : i32
    %dma_wait3A_1928 = tpu.memref_slice %arg7[%dma_wait3A_1926, %dma_wait3A_1927] : memref<40x128xi32, #tpu.memory_space<vmem>> -> memref<1x128xi32, #tpu.memory_space<vmem>>
    %dma_wait3A_1929 = tpu.memref_squeeze %dma_wait3A_1928 : memref<1x128xi32, #tpu.memory_space<vmem>> -> memref<128xi32, #tpu.memory_space<vmem>>
    %dma_wait3A_1930 = arith.constant 0 : i32
    %dma_wait3A_1931 = arith.constant 0 : i32
    %dma_wait3A_1932 = tpu.memref_slice %arg10[%dma_wait3A_1930, %dma_wait3A_1931] : memref<10112x128xf32, #tpu.memory_space<vmem_shared>> -> memref<10112x128xf32, #tpu.memory_space<vmem_shared>>
    tpu.wait_indirect_dma semaphore(%arg13 : memref<!tpu.dma_semaphore, #tpu.memory_space<semaphore_mem>>) src(%arg9 : memref<128x128xf32, #tpu.memory_space<vmem>>) dst(%dma_wait3A_1932 : memref<10112x128xf32, #tpu.memory_space<vmem_shared>>)
    %dma_start3A_1933 = arith.constant 29 : i32
    %dma_start3A_1934 = arith.constant 0 : i32
    %dma_start3A_1935 = tpu.memref_slice %arg6[%dma_start3A_1933, %dma_start3A_1934] : memref<40x128xi32, #tpu.memory_space<vmem>> -> memref<1x128xi32, #tpu.memory_space<vmem>>
    %dma_start3A_1936 = tpu.memref_squeeze %dma_start3A_1935 : memref<1x128xi32, #tpu.memory_space<vmem>> -> memref<128xi32, #tpu.memory_space<vmem>>
    %dma_start3A_1937 = arith.constant 0 : i32
    %dma_start3A_1938 = arith.constant 0 : i32
    %dma_start3A_1939 = tpu.memref_slice %arg2[%dma_start3A_1937, %dma_start3A_1938] : memref<10000x128xf32, #tpu.memory_space<hbm>> -> memref<10000x128xf32, #tpu.memory_space<hbm>>
    tpu.enqueue_indirect_dma source(%dma_start3A_1939 : memref<10000x128xf32, #tpu.memory_space<hbm>>) target(%arg9 : memref<128x128xf32, #tpu.memory_space<vmem>>) offsets(%dma_start3A_1936 : memref<128xi32, #tpu.memory_space<vmem>>) semaphore(%arg12 : memref<!tpu.dma_semaphore, #tpu.memory_space<semaphore_mem>>)
    %dma_start3A_1940 = arith.constant 28 : i32
    %dma_start3A_1941 = arith.constant 0 : i32
    %dma_start3A_1942 = tpu.memref_slice %arg7[%dma_start3A_1940, %dma_start3A_1941] : memref<40x128xi32, #tpu.memory_space<vmem>> -> memref<1x128xi32, #tpu.memory_space<vmem>>
    %dma_start3A_1943 = tpu.memref_squeeze %dma_start3A_1942 : memref<1x128xi32, #tpu.memory_space<vmem>> -> memref<128xi32, #tpu.memory_space<vmem>>
    %dma_start3A_1944 = arith.constant 0 : i32
    %dma_start3A_1945 = arith.constant 0 : i32
    %dma_start3A_1946 = tpu.memref_slice %arg10[%dma_start3A_1944, %dma_start3A_1945] : memref<10112x128xf32, #tpu.memory_space<vmem_shared>> -> memref<10112x128xf32, #tpu.memory_space<vmem_shared>>
    tpu.enqueue_indirect_dma source(%arg8 : memref<128x128xf32, #tpu.memory_space<vmem>>) target(%dma_start3A_1946 : memref<10112x128xf32, #tpu.memory_space<vmem_shared>>) offsets(%dma_start3A_1943 : memref<128xi32, #tpu.memory_space<vmem>>) semaphore(%arg13 : memref<!tpu.dma_semaphore, #tpu.memory_space<semaphore_mem>>) {add = true}
    %dma_wait3A_1947 = arith.constant 29 : i32
    %dma_wait3A_1948 = arith.constant 0 : i32
    %dma_wait3A_1949 = tpu.memref_slice %arg6[%dma_wait3A_1947, %dma_wait3A_1948] : memref<40x128xi32, #tpu.memory_space<vmem>> -> memref<1x128xi32, #tpu.memory_space<vmem>>
    %dma_wait3A_1950 = tpu.memref_squeeze %dma_wait3A_1949 : memref<1x128xi32, #tpu.memory_space<vmem>> -> memref<128xi32, #tpu.memory_space<vmem>>
    %dma_wait3A_1951 = arith.constant 0 : i32
    %dma_wait3A_1952 = arith.constant 0 : i32
    %dma_wait3A_1953 = tpu.memref_slice %arg2[%dma_wait3A_1951, %dma_wait3A_1952] : memref<10000x128xf32, #tpu.memory_space<hbm>> -> memref<10000x128xf32, #tpu.memory_space<hbm>>
    tpu.wait_indirect_dma semaphore(%arg12 : memref<!tpu.dma_semaphore, #tpu.memory_space<semaphore_mem>>) src(%dma_wait3A_1953 : memref<10000x128xf32, #tpu.memory_space<hbm>>) dst(%arg9 : memref<128x128xf32, #tpu.memory_space<vmem>>)
    %dma_wait3A_1954 = arith.constant 28 : i32
    %dma_wait3A_1955 = arith.constant 0 : i32
    %dma_wait3A_1956 = tpu.memref_slice %arg7[%dma_wait3A_1954, %dma_wait3A_1955] : memref<40x128xi32, #tpu.memory_space<vmem>> -> memref<1x128xi32, #tpu.memory_space<vmem>>
    %dma_wait3A_1957 = tpu.memref_squeeze %dma_wait3A_1956 : memref<1x128xi32, #tpu.memory_space<vmem>> -> memref<128xi32, #tpu.memory_space<vmem>>
    %dma_wait3A_1958 = arith.constant 0 : i32
    %dma_wait3A_1959 = arith.constant 0 : i32
    %dma_wait3A_1960 = tpu.memref_slice %arg10[%dma_wait3A_1958, %dma_wait3A_1959] : memref<10112x128xf32, #tpu.memory_space<vmem_shared>> -> memref<10112x128xf32, #tpu.memory_space<vmem_shared>>
    tpu.wait_indirect_dma semaphore(%arg13 : memref<!tpu.dma_semaphore, #tpu.memory_space<semaphore_mem>>) src(%arg8 : memref<128x128xf32, #tpu.memory_space<vmem>>) dst(%dma_wait3A_1960 : memref<10112x128xf32, #tpu.memory_space<vmem_shared>>)
    %dma_start3A_1961 = arith.constant 30 : i32
    %dma_start3A_1962 = arith.constant 0 : i32
    %dma_start3A_1963 = tpu.memref_slice %arg6[%dma_start3A_1961, %dma_start3A_1962] : memref<40x128xi32, #tpu.memory_space<vmem>> -> memref<1x128xi32, #tpu.memory_space<vmem>>
    %dma_start3A_1964 = tpu.memref_squeeze %dma_start3A_1963 : memref<1x128xi32, #tpu.memory_space<vmem>> -> memref<128xi32, #tpu.memory_space<vmem>>
    %dma_start3A_1965 = arith.constant 0 : i32
    %dma_start3A_1966 = arith.constant 0 : i32
    %dma_start3A_1967 = tpu.memref_slice %arg2[%dma_start3A_1965, %dma_start3A_1966] : memref<10000x128xf32, #tpu.memory_space<hbm>> -> memref<10000x128xf32, #tpu.memory_space<hbm>>
    tpu.enqueue_indirect_dma source(%dma_start3A_1967 : memref<10000x128xf32, #tpu.memory_space<hbm>>) target(%arg8 : memref<128x128xf32, #tpu.memory_space<vmem>>) offsets(%dma_start3A_1964 : memref<128xi32, #tpu.memory_space<vmem>>) semaphore(%arg11 : memref<!tpu.dma_semaphore, #tpu.memory_space<semaphore_mem>>)
    %dma_start3A_1968 = arith.constant 29 : i32
    %dma_start3A_1969 = arith.constant 0 : i32
    %dma_start3A_1970 = tpu.memref_slice %arg7[%dma_start3A_1968, %dma_start3A_1969] : memref<40x128xi32, #tpu.memory_space<vmem>> -> memref<1x128xi32, #tpu.memory_space<vmem>>
    %dma_start3A_1971 = tpu.memref_squeeze %dma_start3A_1970 : memref<1x128xi32, #tpu.memory_space<vmem>> -> memref<128xi32, #tpu.memory_space<vmem>>
    %dma_start3A_1972 = arith.constant 0 : i32
    %dma_start3A_1973 = arith.constant 0 : i32
    %dma_start3A_1974 = tpu.memref_slice %arg10[%dma_start3A_1972, %dma_start3A_1973] : memref<10112x128xf32, #tpu.memory_space<vmem_shared>> -> memref<10112x128xf32, #tpu.memory_space<vmem_shared>>
    tpu.enqueue_indirect_dma source(%arg9 : memref<128x128xf32, #tpu.memory_space<vmem>>) target(%dma_start3A_1974 : memref<10112x128xf32, #tpu.memory_space<vmem_shared>>) offsets(%dma_start3A_1971 : memref<128xi32, #tpu.memory_space<vmem>>) semaphore(%arg13 : memref<!tpu.dma_semaphore, #tpu.memory_space<semaphore_mem>>) {add = true}
    %dma_wait3A_1975 = arith.constant 30 : i32
    %dma_wait3A_1976 = arith.constant 0 : i32
    %dma_wait3A_1977 = tpu.memref_slice %arg6[%dma_wait3A_1975, %dma_wait3A_1976] : memref<40x128xi32, #tpu.memory_space<vmem>> -> memref<1x128xi32, #tpu.memory_space<vmem>>
    %dma_wait3A_1978 = tpu.memref_squeeze %dma_wait3A_1977 : memref<1x128xi32, #tpu.memory_space<vmem>> -> memref<128xi32, #tpu.memory_space<vmem>>
    %dma_wait3A_1979 = arith.constant 0 : i32
    %dma_wait3A_1980 = arith.constant 0 : i32
    %dma_wait3A_1981 = tpu.memref_slice %arg2[%dma_wait3A_1979, %dma_wait3A_1980] : memref<10000x128xf32, #tpu.memory_space<hbm>> -> memref<10000x128xf32, #tpu.memory_space<hbm>>
    tpu.wait_indirect_dma semaphore(%arg11 : memref<!tpu.dma_semaphore, #tpu.memory_space<semaphore_mem>>) src(%dma_wait3A_1981 : memref<10000x128xf32, #tpu.memory_space<hbm>>) dst(%arg8 : memref<128x128xf32, #tpu.memory_space<vmem>>)
    %dma_wait3A_1982 = arith.constant 29 : i32
    %dma_wait3A_1983 = arith.constant 0 : i32
    %dma_wait3A_1984 = tpu.memref_slice %arg7[%dma_wait3A_1982, %dma_wait3A_1983] : memref<40x128xi32, #tpu.memory_space<vmem>> -> memref<1x128xi32, #tpu.memory_space<vmem>>
    %dma_wait3A_1985 = tpu.memref_squeeze %dma_wait3A_1984 : memref<1x128xi32, #tpu.memory_space<vmem>> -> memref<128xi32, #tpu.memory_space<vmem>>
    %dma_wait3A_1986 = arith.constant 0 : i32
    %dma_wait3A_1987 = arith.constant 0 : i32
    %dma_wait3A_1988 = tpu.memref_slice %arg10[%dma_wait3A_1986, %dma_wait3A_1987] : memref<10112x128xf32, #tpu.memory_space<vmem_shared>> -> memref<10112x128xf32, #tpu.memory_space<vmem_shared>>
    tpu.wait_indirect_dma semaphore(%arg13 : memref<!tpu.dma_semaphore, #tpu.memory_space<semaphore_mem>>) src(%arg9 : memref<128x128xf32, #tpu.memory_space<vmem>>) dst(%dma_wait3A_1988 : memref<10112x128xf32, #tpu.memory_space<vmem_shared>>)
    %dma_start3A_1989 = arith.constant 31 : i32
    %dma_start3A_1990 = arith.constant 0 : i32
    %dma_start3A_1991 = tpu.memref_slice %arg6[%dma_start3A_1989, %dma_start3A_1990] : memref<40x128xi32, #tpu.memory_space<vmem>> -> memref<1x128xi32, #tpu.memory_space<vmem>>
    %dma_start3A_1992 = tpu.memref_squeeze %dma_start3A_1991 : memref<1x128xi32, #tpu.memory_space<vmem>> -> memref<128xi32, #tpu.memory_space<vmem>>
    %dma_start3A_1993 = arith.constant 0 : i32
    %dma_start3A_1994 = arith.constant 0 : i32
    %dma_start3A_1995 = tpu.memref_slice %arg2[%dma_start3A_1993, %dma_start3A_1994] : memref<10000x128xf32, #tpu.memory_space<hbm>> -> memref<10000x128xf32, #tpu.memory_space<hbm>>
    tpu.enqueue_indirect_dma source(%dma_start3A_1995 : memref<10000x128xf32, #tpu.memory_space<hbm>>) target(%arg9 : memref<128x128xf32, #tpu.memory_space<vmem>>) offsets(%dma_start3A_1992 : memref<128xi32, #tpu.memory_space<vmem>>) semaphore(%arg12 : memref<!tpu.dma_semaphore, #tpu.memory_space<semaphore_mem>>)
    %dma_start3A_1996 = arith.constant 30 : i32
    %dma_start3A_1997 = arith.constant 0 : i32
    %dma_start3A_1998 = tpu.memref_slice %arg7[%dma_start3A_1996, %dma_start3A_1997] : memref<40x128xi32, #tpu.memory_space<vmem>> -> memref<1x128xi32, #tpu.memory_space<vmem>>
    %dma_start3A_1999 = tpu.memref_squeeze %dma_start3A_1998 : memref<1x128xi32, #tpu.memory_space<vmem>> -> memref<128xi32, #tpu.memory_space<vmem>>
    %dma_start3A_2000 = arith.constant 0 : i32
    %dma_start3A_2001 = arith.constant 0 : i32
    %dma_start3A_2002 = tpu.memref_slice %arg10[%dma_start3A_2000, %dma_start3A_2001] : memref<10112x128xf32, #tpu.memory_space<vmem_shared>> -> memref<10112x128xf32, #tpu.memory_space<vmem_shared>>
    tpu.enqueue_indirect_dma source(%arg8 : memref<128x128xf32, #tpu.memory_space<vmem>>) target(%dma_start3A_2002 : memref<10112x128xf32, #tpu.memory_space<vmem_shared>>) offsets(%dma_start3A_1999 : memref<128xi32, #tpu.memory_space<vmem>>) semaphore(%arg13 : memref<!tpu.dma_semaphore, #tpu.memory_space<semaphore_mem>>) {add = true}
    %dma_wait3A_2003 = arith.constant 31 : i32
    %dma_wait3A_2004 = arith.constant 0 : i32
    %dma_wait3A_2005 = tpu.memref_slice %arg6[%dma_wait3A_2003, %dma_wait3A_2004] : memref<40x128xi32, #tpu.memory_space<vmem>> -> memref<1x128xi32, #tpu.memory_space<vmem>>
    %dma_wait3A_2006 = tpu.memref_squeeze %dma_wait3A_2005 : memref<1x128xi32, #tpu.memory_space<vmem>> -> memref<128xi32, #tpu.memory_space<vmem>>
    %dma_wait3A_2007 = arith.constant 0 : i32
    %dma_wait3A_2008 = arith.constant 0 : i32
    %dma_wait3A_2009 = tpu.memref_slice %arg2[%dma_wait3A_2007, %dma_wait3A_2008] : memref<10000x128xf32, #tpu.memory_space<hbm>> -> memref<10000x128xf32, #tpu.memory_space<hbm>>
    tpu.wait_indirect_dma semaphore(%arg12 : memref<!tpu.dma_semaphore, #tpu.memory_space<semaphore_mem>>) src(%dma_wait3A_2009 : memref<10000x128xf32, #tpu.memory_space<hbm>>) dst(%arg9 : memref<128x128xf32, #tpu.memory_space<vmem>>)
    %dma_wait3A_2010 = arith.constant 30 : i32
    %dma_wait3A_2011 = arith.constant 0 : i32
    %dma_wait3A_2012 = tpu.memref_slice %arg7[%dma_wait3A_2010, %dma_wait3A_2011] : memref<40x128xi32, #tpu.memory_space<vmem>> -> memref<1x128xi32, #tpu.memory_space<vmem>>
    %dma_wait3A_2013 = tpu.memref_squeeze %dma_wait3A_2012 : memref<1x128xi32, #tpu.memory_space<vmem>> -> memref<128xi32, #tpu.memory_space<vmem>>
    %dma_wait3A_2014 = arith.constant 0 : i32
    %dma_wait3A_2015 = arith.constant 0 : i32
    %dma_wait3A_2016 = tpu.memref_slice %arg10[%dma_wait3A_2014, %dma_wait3A_2015] : memref<10112x128xf32, #tpu.memory_space<vmem_shared>> -> memref<10112x128xf32, #tpu.memory_space<vmem_shared>>
    tpu.wait_indirect_dma semaphore(%arg13 : memref<!tpu.dma_semaphore, #tpu.memory_space<semaphore_mem>>) src(%arg8 : memref<128x128xf32, #tpu.memory_space<vmem>>) dst(%dma_wait3A_2016 : memref<10112x128xf32, #tpu.memory_space<vmem_shared>>)
    %dma_start3A_2017 = arith.constant 32 : i32
    %dma_start3A_2018 = arith.constant 0 : i32
    %dma_start3A_2019 = tpu.memref_slice %arg6[%dma_start3A_2017, %dma_start3A_2018] : memref<40x128xi32, #tpu.memory_space<vmem>> -> memref<1x128xi32, #tpu.memory_space<vmem>>
    %dma_start3A_2020 = tpu.memref_squeeze %dma_start3A_2019 : memref<1x128xi32, #tpu.memory_space<vmem>> -> memref<128xi32, #tpu.memory_space<vmem>>
    %dma_start3A_2021 = arith.constant 0 : i32
    %dma_start3A_2022 = arith.constant 0 : i32
    %dma_start3A_2023 = tpu.memref_slice %arg2[%dma_start3A_2021, %dma_start3A_2022] : memref<10000x128xf32, #tpu.memory_space<hbm>> -> memref<10000x128xf32, #tpu.memory_space<hbm>>
    tpu.enqueue_indirect_dma source(%dma_start3A_2023 : memref<10000x128xf32, #tpu.memory_space<hbm>>) target(%arg8 : memref<128x128xf32, #tpu.memory_space<vmem>>) offsets(%dma_start3A_2020 : memref<128xi32, #tpu.memory_space<vmem>>) semaphore(%arg11 : memref<!tpu.dma_semaphore, #tpu.memory_space<semaphore_mem>>)
    %dma_start3A_2024 = arith.constant 31 : i32
    %dma_start3A_2025 = arith.constant 0 : i32
    %dma_start3A_2026 = tpu.memref_slice %arg7[%dma_start3A_2024, %dma_start3A_2025] : memref<40x128xi32, #tpu.memory_space<vmem>> -> memref<1x128xi32, #tpu.memory_space<vmem>>
    %dma_start3A_2027 = tpu.memref_squeeze %dma_start3A_2026 : memref<1x128xi32, #tpu.memory_space<vmem>> -> memref<128xi32, #tpu.memory_space<vmem>>
    %dma_start3A_2028 = arith.constant 0 : i32
    %dma_start3A_2029 = arith.constant 0 : i32
    %dma_start3A_2030 = tpu.memref_slice %arg10[%dma_start3A_2028, %dma_start3A_2029] : memref<10112x128xf32, #tpu.memory_space<vmem_shared>> -> memref<10112x128xf32, #tpu.memory_space<vmem_shared>>
    tpu.enqueue_indirect_dma source(%arg9 : memref<128x128xf32, #tpu.memory_space<vmem>>) target(%dma_start3A_2030 : memref<10112x128xf32, #tpu.memory_space<vmem_shared>>) offsets(%dma_start3A_2027 : memref<128xi32, #tpu.memory_space<vmem>>) semaphore(%arg13 : memref<!tpu.dma_semaphore, #tpu.memory_space<semaphore_mem>>) {add = true}
    %dma_wait3A_2031 = arith.constant 32 : i32
    %dma_wait3A_2032 = arith.constant 0 : i32
    %dma_wait3A_2033 = tpu.memref_slice %arg6[%dma_wait3A_2031, %dma_wait3A_2032] : memref<40x128xi32, #tpu.memory_space<vmem>> -> memref<1x128xi32, #tpu.memory_space<vmem>>
    %dma_wait3A_2034 = tpu.memref_squeeze %dma_wait3A_2033 : memref<1x128xi32, #tpu.memory_space<vmem>> -> memref<128xi32, #tpu.memory_space<vmem>>
    %dma_wait3A_2035 = arith.constant 0 : i32
    %dma_wait3A_2036 = arith.constant 0 : i32
    %dma_wait3A_2037 = tpu.memref_slice %arg2[%dma_wait3A_2035, %dma_wait3A_2036] : memref<10000x128xf32, #tpu.memory_space<hbm>> -> memref<10000x128xf32, #tpu.memory_space<hbm>>
    tpu.wait_indirect_dma semaphore(%arg11 : memref<!tpu.dma_semaphore, #tpu.memory_space<semaphore_mem>>) src(%dma_wait3A_2037 : memref<10000x128xf32, #tpu.memory_space<hbm>>) dst(%arg8 : memref<128x128xf32, #tpu.memory_space<vmem>>)
    %dma_wait3A_2038 = arith.constant 31 : i32
    %dma_wait3A_2039 = arith.constant 0 : i32
    %dma_wait3A_2040 = tpu.memref_slice %arg7[%dma_wait3A_2038, %dma_wait3A_2039] : memref<40x128xi32, #tpu.memory_space<vmem>> -> memref<1x128xi32, #tpu.memory_space<vmem>>
    %dma_wait3A_2041 = tpu.memref_squeeze %dma_wait3A_2040 : memref<1x128xi32, #tpu.memory_space<vmem>> -> memref<128xi32, #tpu.memory_space<vmem>>
    %dma_wait3A_2042 = arith.constant 0 : i32
    %dma_wait3A_2043 = arith.constant 0 : i32
    %dma_wait3A_2044 = tpu.memref_slice %arg10[%dma_wait3A_2042, %dma_wait3A_2043] : memref<10112x128xf32, #tpu.memory_space<vmem_shared>> -> memref<10112x128xf32, #tpu.memory_space<vmem_shared>>
    tpu.wait_indirect_dma semaphore(%arg13 : memref<!tpu.dma_semaphore, #tpu.memory_space<semaphore_mem>>) src(%arg9 : memref<128x128xf32, #tpu.memory_space<vmem>>) dst(%dma_wait3A_2044 : memref<10112x128xf32, #tpu.memory_space<vmem_shared>>)
    %dma_start3A_2045 = arith.constant 33 : i32
    %dma_start3A_2046 = arith.constant 0 : i32
    %dma_start3A_2047 = tpu.memref_slice %arg6[%dma_start3A_2045, %dma_start3A_2046] : memref<40x128xi32, #tpu.memory_space<vmem>> -> memref<1x128xi32, #tpu.memory_space<vmem>>
    %dma_start3A_2048 = tpu.memref_squeeze %dma_start3A_2047 : memref<1x128xi32, #tpu.memory_space<vmem>> -> memref<128xi32, #tpu.memory_space<vmem>>
    %dma_start3A_2049 = arith.constant 0 : i32
    %dma_start3A_2050 = arith.constant 0 : i32
    %dma_start3A_2051 = tpu.memref_slice %arg2[%dma_start3A_2049, %dma_start3A_2050] : memref<10000x128xf32, #tpu.memory_space<hbm>> -> memref<10000x128xf32, #tpu.memory_space<hbm>>
    tpu.enqueue_indirect_dma source(%dma_start3A_2051 : memref<10000x128xf32, #tpu.memory_space<hbm>>) target(%arg9 : memref<128x128xf32, #tpu.memory_space<vmem>>) offsets(%dma_start3A_2048 : memref<128xi32, #tpu.memory_space<vmem>>) semaphore(%arg12 : memref<!tpu.dma_semaphore, #tpu.memory_space<semaphore_mem>>)
    %dma_start3A_2052 = arith.constant 32 : i32
    %dma_start3A_2053 = arith.constant 0 : i32
    %dma_start3A_2054 = tpu.memref_slice %arg7[%dma_start3A_2052, %dma_start3A_2053] : memref<40x128xi32, #tpu.memory_space<vmem>> -> memref<1x128xi32, #tpu.memory_space<vmem>>
    %dma_start3A_2055 = tpu.memref_squeeze %dma_start3A_2054 : memref<1x128xi32, #tpu.memory_space<vmem>> -> memref<128xi32, #tpu.memory_space<vmem>>
    %dma_start3A_2056 = arith.constant 0 : i32
    %dma_start3A_2057 = arith.constant 0 : i32
    %dma_start3A_2058 = tpu.memref_slice %arg10[%dma_start3A_2056, %dma_start3A_2057] : memref<10112x128xf32, #tpu.memory_space<vmem_shared>> -> memref<10112x128xf32, #tpu.memory_space<vmem_shared>>
    tpu.enqueue_indirect_dma source(%arg8 : memref<128x128xf32, #tpu.memory_space<vmem>>) target(%dma_start3A_2058 : memref<10112x128xf32, #tpu.memory_space<vmem_shared>>) offsets(%dma_start3A_2055 : memref<128xi32, #tpu.memory_space<vmem>>) semaphore(%arg13 : memref<!tpu.dma_semaphore, #tpu.memory_space<semaphore_mem>>) {add = true}
    %dma_wait3A_2059 = arith.constant 33 : i32
    %dma_wait3A_2060 = arith.constant 0 : i32
    %dma_wait3A_2061 = tpu.memref_slice %arg6[%dma_wait3A_2059, %dma_wait3A_2060] : memref<40x128xi32, #tpu.memory_space<vmem>> -> memref<1x128xi32, #tpu.memory_space<vmem>>
    %dma_wait3A_2062 = tpu.memref_squeeze %dma_wait3A_2061 : memref<1x128xi32, #tpu.memory_space<vmem>> -> memref<128xi32, #tpu.memory_space<vmem>>
    %dma_wait3A_2063 = arith.constant 0 : i32
    %dma_wait3A_2064 = arith.constant 0 : i32
    %dma_wait3A_2065 = tpu.memref_slice %arg2[%dma_wait3A_2063, %dma_wait3A_2064] : memref<10000x128xf32, #tpu.memory_space<hbm>> -> memref<10000x128xf32, #tpu.memory_space<hbm>>
    tpu.wait_indirect_dma semaphore(%arg12 : memref<!tpu.dma_semaphore, #tpu.memory_space<semaphore_mem>>) src(%dma_wait3A_2065 : memref<10000x128xf32, #tpu.memory_space<hbm>>) dst(%arg9 : memref<128x128xf32, #tpu.memory_space<vmem>>)
    %dma_wait3A_2066 = arith.constant 32 : i32
    %dma_wait3A_2067 = arith.constant 0 : i32
    %dma_wait3A_2068 = tpu.memref_slice %arg7[%dma_wait3A_2066, %dma_wait3A_2067] : memref<40x128xi32, #tpu.memory_space<vmem>> -> memref<1x128xi32, #tpu.memory_space<vmem>>
    %dma_wait3A_2069 = tpu.memref_squeeze %dma_wait3A_2068 : memref<1x128xi32, #tpu.memory_space<vmem>> -> memref<128xi32, #tpu.memory_space<vmem>>
    %dma_wait3A_2070 = arith.constant 0 : i32
    %dma_wait3A_2071 = arith.constant 0 : i32
    %dma_wait3A_2072 = tpu.memref_slice %arg10[%dma_wait3A_2070, %dma_wait3A_2071] : memref<10112x128xf32, #tpu.memory_space<vmem_shared>> -> memref<10112x128xf32, #tpu.memory_space<vmem_shared>>
    tpu.wait_indirect_dma semaphore(%arg13 : memref<!tpu.dma_semaphore, #tpu.memory_space<semaphore_mem>>) src(%arg8 : memref<128x128xf32, #tpu.memory_space<vmem>>) dst(%dma_wait3A_2072 : memref<10112x128xf32, #tpu.memory_space<vmem_shared>>)
    %dma_start3A_2073 = arith.constant 34 : i32
    %dma_start3A_2074 = arith.constant 0 : i32
    %dma_start3A_2075 = tpu.memref_slice %arg6[%dma_start3A_2073, %dma_start3A_2074] : memref<40x128xi32, #tpu.memory_space<vmem>> -> memref<1x128xi32, #tpu.memory_space<vmem>>
    %dma_start3A_2076 = tpu.memref_squeeze %dma_start3A_2075 : memref<1x128xi32, #tpu.memory_space<vmem>> -> memref<128xi32, #tpu.memory_space<vmem>>
    %dma_start3A_2077 = arith.constant 0 : i32
    %dma_start3A_2078 = arith.constant 0 : i32
    %dma_start3A_2079 = tpu.memref_slice %arg2[%dma_start3A_2077, %dma_start3A_2078] : memref<10000x128xf32, #tpu.memory_space<hbm>> -> memref<10000x128xf32, #tpu.memory_space<hbm>>
    tpu.enqueue_indirect_dma source(%dma_start3A_2079 : memref<10000x128xf32, #tpu.memory_space<hbm>>) target(%arg8 : memref<128x128xf32, #tpu.memory_space<vmem>>) offsets(%dma_start3A_2076 : memref<128xi32, #tpu.memory_space<vmem>>) semaphore(%arg11 : memref<!tpu.dma_semaphore, #tpu.memory_space<semaphore_mem>>)
    %dma_start3A_2080 = arith.constant 33 : i32
    %dma_start3A_2081 = arith.constant 0 : i32
    %dma_start3A_2082 = tpu.memref_slice %arg7[%dma_start3A_2080, %dma_start3A_2081] : memref<40x128xi32, #tpu.memory_space<vmem>> -> memref<1x128xi32, #tpu.memory_space<vmem>>
    %dma_start3A_2083 = tpu.memref_squeeze %dma_start3A_2082 : memref<1x128xi32, #tpu.memory_space<vmem>> -> memref<128xi32, #tpu.memory_space<vmem>>
    %dma_start3A_2084 = arith.constant 0 : i32
    %dma_start3A_2085 = arith.constant 0 : i32
    %dma_start3A_2086 = tpu.memref_slice %arg10[%dma_start3A_2084, %dma_start3A_2085] : memref<10112x128xf32, #tpu.memory_space<vmem_shared>> -> memref<10112x128xf32, #tpu.memory_space<vmem_shared>>
    tpu.enqueue_indirect_dma source(%arg9 : memref<128x128xf32, #tpu.memory_space<vmem>>) target(%dma_start3A_2086 : memref<10112x128xf32, #tpu.memory_space<vmem_shared>>) offsets(%dma_start3A_2083 : memref<128xi32, #tpu.memory_space<vmem>>) semaphore(%arg13 : memref<!tpu.dma_semaphore, #tpu.memory_space<semaphore_mem>>) {add = true}
    %dma_wait3A_2087 = arith.constant 34 : i32
    %dma_wait3A_2088 = arith.constant 0 : i32
    %dma_wait3A_2089 = tpu.memref_slice %arg6[%dma_wait3A_2087, %dma_wait3A_2088] : memref<40x128xi32, #tpu.memory_space<vmem>> -> memref<1x128xi32, #tpu.memory_space<vmem>>
    %dma_wait3A_2090 = tpu.memref_squeeze %dma_wait3A_2089 : memref<1x128xi32, #tpu.memory_space<vmem>> -> memref<128xi32, #tpu.memory_space<vmem>>
    %dma_wait3A_2091 = arith.constant 0 : i32
    %dma_wait3A_2092 = arith.constant 0 : i32
    %dma_wait3A_2093 = tpu.memref_slice %arg2[%dma_wait3A_2091, %dma_wait3A_2092] : memref<10000x128xf32, #tpu.memory_space<hbm>> -> memref<10000x128xf32, #tpu.memory_space<hbm>>
    tpu.wait_indirect_dma semaphore(%arg11 : memref<!tpu.dma_semaphore, #tpu.memory_space<semaphore_mem>>) src(%dma_wait3A_2093 : memref<10000x128xf32, #tpu.memory_space<hbm>>) dst(%arg8 : memref<128x128xf32, #tpu.memory_space<vmem>>)
    %dma_wait3A_2094 = arith.constant 33 : i32
    %dma_wait3A_2095 = arith.constant 0 : i32
    %dma_wait3A_2096 = tpu.memref_slice %arg7[%dma_wait3A_2094, %dma_wait3A_2095] : memref<40x128xi32, #tpu.memory_space<vmem>> -> memref<1x128xi32, #tpu.memory_space<vmem>>
    %dma_wait3A_2097 = tpu.memref_squeeze %dma_wait3A_2096 : memref<1x128xi32, #tpu.memory_space<vmem>> -> memref<128xi32, #tpu.memory_space<vmem>>
    %dma_wait3A_2098 = arith.constant 0 : i32
    %dma_wait3A_2099 = arith.constant 0 : i32
    %dma_wait3A_2100 = tpu.memref_slice %arg10[%dma_wait3A_2098, %dma_wait3A_2099] : memref<10112x128xf32, #tpu.memory_space<vmem_shared>> -> memref<10112x128xf32, #tpu.memory_space<vmem_shared>>
    tpu.wait_indirect_dma semaphore(%arg13 : memref<!tpu.dma_semaphore, #tpu.memory_space<semaphore_mem>>) src(%arg9 : memref<128x128xf32, #tpu.memory_space<vmem>>) dst(%dma_wait3A_2100 : memref<10112x128xf32, #tpu.memory_space<vmem_shared>>)
    %dma_start3A_2101 = arith.constant 35 : i32
    %dma_start3A_2102 = arith.constant 0 : i32
    %dma_start3A_2103 = tpu.memref_slice %arg6[%dma_start3A_2101, %dma_start3A_2102] : memref<40x128xi32, #tpu.memory_space<vmem>> -> memref<1x128xi32, #tpu.memory_space<vmem>>
    %dma_start3A_2104 = tpu.memref_squeeze %dma_start3A_2103 : memref<1x128xi32, #tpu.memory_space<vmem>> -> memref<128xi32, #tpu.memory_space<vmem>>
    %dma_start3A_2105 = arith.constant 0 : i32
    %dma_start3A_2106 = arith.constant 0 : i32
    %dma_start3A_2107 = tpu.memref_slice %arg2[%dma_start3A_2105, %dma_start3A_2106] : memref<10000x128xf32, #tpu.memory_space<hbm>> -> memref<10000x128xf32, #tpu.memory_space<hbm>>
    tpu.enqueue_indirect_dma source(%dma_start3A_2107 : memref<10000x128xf32, #tpu.memory_space<hbm>>) target(%arg9 : memref<128x128xf32, #tpu.memory_space<vmem>>) offsets(%dma_start3A_2104 : memref<128xi32, #tpu.memory_space<vmem>>) semaphore(%arg12 : memref<!tpu.dma_semaphore, #tpu.memory_space<semaphore_mem>>)
    %dma_start3A_2108 = arith.constant 34 : i32
    %dma_start3A_2109 = arith.constant 0 : i32
    %dma_start3A_2110 = tpu.memref_slice %arg7[%dma_start3A_2108, %dma_start3A_2109] : memref<40x128xi32, #tpu.memory_space<vmem>> -> memref<1x128xi32, #tpu.memory_space<vmem>>
    %dma_start3A_2111 = tpu.memref_squeeze %dma_start3A_2110 : memref<1x128xi32, #tpu.memory_space<vmem>> -> memref<128xi32, #tpu.memory_space<vmem>>
    %dma_start3A_2112 = arith.constant 0 : i32
    %dma_start3A_2113 = arith.constant 0 : i32
    %dma_start3A_2114 = tpu.memref_slice %arg10[%dma_start3A_2112, %dma_start3A_2113] : memref<10112x128xf32, #tpu.memory_space<vmem_shared>> -> memref<10112x128xf32, #tpu.memory_space<vmem_shared>>
    tpu.enqueue_indirect_dma source(%arg8 : memref<128x128xf32, #tpu.memory_space<vmem>>) target(%dma_start3A_2114 : memref<10112x128xf32, #tpu.memory_space<vmem_shared>>) offsets(%dma_start3A_2111 : memref<128xi32, #tpu.memory_space<vmem>>) semaphore(%arg13 : memref<!tpu.dma_semaphore, #tpu.memory_space<semaphore_mem>>) {add = true}
    %dma_wait3A_2115 = arith.constant 35 : i32
    %dma_wait3A_2116 = arith.constant 0 : i32
    %dma_wait3A_2117 = tpu.memref_slice %arg6[%dma_wait3A_2115, %dma_wait3A_2116] : memref<40x128xi32, #tpu.memory_space<vmem>> -> memref<1x128xi32, #tpu.memory_space<vmem>>
    %dma_wait3A_2118 = tpu.memref_squeeze %dma_wait3A_2117 : memref<1x128xi32, #tpu.memory_space<vmem>> -> memref<128xi32, #tpu.memory_space<vmem>>
    %dma_wait3A_2119 = arith.constant 0 : i32
    %dma_wait3A_2120 = arith.constant 0 : i32
    %dma_wait3A_2121 = tpu.memref_slice %arg2[%dma_wait3A_2119, %dma_wait3A_2120] : memref<10000x128xf32, #tpu.memory_space<hbm>> -> memref<10000x128xf32, #tpu.memory_space<hbm>>
    tpu.wait_indirect_dma semaphore(%arg12 : memref<!tpu.dma_semaphore, #tpu.memory_space<semaphore_mem>>) src(%dma_wait3A_2121 : memref<10000x128xf32, #tpu.memory_space<hbm>>) dst(%arg9 : memref<128x128xf32, #tpu.memory_space<vmem>>)
    %dma_wait3A_2122 = arith.constant 34 : i32
    %dma_wait3A_2123 = arith.constant 0 : i32
    %dma_wait3A_2124 = tpu.memref_slice %arg7[%dma_wait3A_2122, %dma_wait3A_2123] : memref<40x128xi32, #tpu.memory_space<vmem>> -> memref<1x128xi32, #tpu.memory_space<vmem>>
    %dma_wait3A_2125 = tpu.memref_squeeze %dma_wait3A_2124 : memref<1x128xi32, #tpu.memory_space<vmem>> -> memref<128xi32, #tpu.memory_space<vmem>>
    %dma_wait3A_2126 = arith.constant 0 : i32
    %dma_wait3A_2127 = arith.constant 0 : i32
    %dma_wait3A_2128 = tpu.memref_slice %arg10[%dma_wait3A_2126, %dma_wait3A_2127] : memref<10112x128xf32, #tpu.memory_space<vmem_shared>> -> memref<10112x128xf32, #tpu.memory_space<vmem_shared>>
    tpu.wait_indirect_dma semaphore(%arg13 : memref<!tpu.dma_semaphore, #tpu.memory_space<semaphore_mem>>) src(%arg8 : memref<128x128xf32, #tpu.memory_space<vmem>>) dst(%dma_wait3A_2128 : memref<10112x128xf32, #tpu.memory_space<vmem_shared>>)
    %dma_start3A_2129 = arith.constant 36 : i32
    %dma_start3A_2130 = arith.constant 0 : i32
    %dma_start3A_2131 = tpu.memref_slice %arg6[%dma_start3A_2129, %dma_start3A_2130] : memref<40x128xi32, #tpu.memory_space<vmem>> -> memref<1x128xi32, #tpu.memory_space<vmem>>
    %dma_start3A_2132 = tpu.memref_squeeze %dma_start3A_2131 : memref<1x128xi32, #tpu.memory_space<vmem>> -> memref<128xi32, #tpu.memory_space<vmem>>
    %dma_start3A_2133 = arith.constant 0 : i32
    %dma_start3A_2134 = arith.constant 0 : i32
    %dma_start3A_2135 = tpu.memref_slice %arg2[%dma_start3A_2133, %dma_start3A_2134] : memref<10000x128xf32, #tpu.memory_space<hbm>> -> memref<10000x128xf32, #tpu.memory_space<hbm>>
    tpu.enqueue_indirect_dma source(%dma_start3A_2135 : memref<10000x128xf32, #tpu.memory_space<hbm>>) target(%arg8 : memref<128x128xf32, #tpu.memory_space<vmem>>) offsets(%dma_start3A_2132 : memref<128xi32, #tpu.memory_space<vmem>>) semaphore(%arg11 : memref<!tpu.dma_semaphore, #tpu.memory_space<semaphore_mem>>)
    %dma_start3A_2136 = arith.constant 35 : i32
    %dma_start3A_2137 = arith.constant 0 : i32
    %dma_start3A_2138 = tpu.memref_slice %arg7[%dma_start3A_2136, %dma_start3A_2137] : memref<40x128xi32, #tpu.memory_space<vmem>> -> memref<1x128xi32, #tpu.memory_space<vmem>>
    %dma_start3A_2139 = tpu.memref_squeeze %dma_start3A_2138 : memref<1x128xi32, #tpu.memory_space<vmem>> -> memref<128xi32, #tpu.memory_space<vmem>>
    %dma_start3A_2140 = arith.constant 0 : i32
    %dma_start3A_2141 = arith.constant 0 : i32
    %dma_start3A_2142 = tpu.memref_slice %arg10[%dma_start3A_2140, %dma_start3A_2141] : memref<10112x128xf32, #tpu.memory_space<vmem_shared>> -> memref<10112x128xf32, #tpu.memory_space<vmem_shared>>
    tpu.enqueue_indirect_dma source(%arg9 : memref<128x128xf32, #tpu.memory_space<vmem>>) target(%dma_start3A_2142 : memref<10112x128xf32, #tpu.memory_space<vmem_shared>>) offsets(%dma_start3A_2139 : memref<128xi32, #tpu.memory_space<vmem>>) semaphore(%arg13 : memref<!tpu.dma_semaphore, #tpu.memory_space<semaphore_mem>>) {add = true}
    %dma_wait3A_2143 = arith.constant 36 : i32
    %dma_wait3A_2144 = arith.constant 0 : i32
    %dma_wait3A_2145 = tpu.memref_slice %arg6[%dma_wait3A_2143, %dma_wait3A_2144] : memref<40x128xi32, #tpu.memory_space<vmem>> -> memref<1x128xi32, #tpu.memory_space<vmem>>
    %dma_wait3A_2146 = tpu.memref_squeeze %dma_wait3A_2145 : memref<1x128xi32, #tpu.memory_space<vmem>> -> memref<128xi32, #tpu.memory_space<vmem>>
    %dma_wait3A_2147 = arith.constant 0 : i32
    %dma_wait3A_2148 = arith.constant 0 : i32
    %dma_wait3A_2149 = tpu.memref_slice %arg2[%dma_wait3A_2147, %dma_wait3A_2148] : memref<10000x128xf32, #tpu.memory_space<hbm>> -> memref<10000x128xf32, #tpu.memory_space<hbm>>
    tpu.wait_indirect_dma semaphore(%arg11 : memref<!tpu.dma_semaphore, #tpu.memory_space<semaphore_mem>>) src(%dma_wait3A_2149 : memref<10000x128xf32, #tpu.memory_space<hbm>>) dst(%arg8 : memref<128x128xf32, #tpu.memory_space<vmem>>)
    %dma_wait3A_2150 = arith.constant 35 : i32
    %dma_wait3A_2151 = arith.constant 0 : i32
    %dma_wait3A_2152 = tpu.memref_slice %arg7[%dma_wait3A_2150, %dma_wait3A_2151] : memref<40x128xi32, #tpu.memory_space<vmem>> -> memref<1x128xi32, #tpu.memory_space<vmem>>
    %dma_wait3A_2153 = tpu.memref_squeeze %dma_wait3A_2152 : memref<1x128xi32, #tpu.memory_space<vmem>> -> memref<128xi32, #tpu.memory_space<vmem>>
    %dma_wait3A_2154 = arith.constant 0 : i32
    %dma_wait3A_2155 = arith.constant 0 : i32
    %dma_wait3A_2156 = tpu.memref_slice %arg10[%dma_wait3A_2154, %dma_wait3A_2155] : memref<10112x128xf32, #tpu.memory_space<vmem_shared>> -> memref<10112x128xf32, #tpu.memory_space<vmem_shared>>
    tpu.wait_indirect_dma semaphore(%arg13 : memref<!tpu.dma_semaphore, #tpu.memory_space<semaphore_mem>>) src(%arg9 : memref<128x128xf32, #tpu.memory_space<vmem>>) dst(%dma_wait3A_2156 : memref<10112x128xf32, #tpu.memory_space<vmem_shared>>)
    %dma_start3A_2157 = arith.constant 37 : i32
    %dma_start3A_2158 = arith.constant 0 : i32
    %dma_start3A_2159 = tpu.memref_slice %arg6[%dma_start3A_2157, %dma_start3A_2158] : memref<40x128xi32, #tpu.memory_space<vmem>> -> memref<1x128xi32, #tpu.memory_space<vmem>>
    %dma_start3A_2160 = tpu.memref_squeeze %dma_start3A_2159 : memref<1x128xi32, #tpu.memory_space<vmem>> -> memref<128xi32, #tpu.memory_space<vmem>>
    %dma_start3A_2161 = arith.constant 0 : i32
    %dma_start3A_2162 = arith.constant 0 : i32
    %dma_start3A_2163 = tpu.memref_slice %arg2[%dma_start3A_2161, %dma_start3A_2162] : memref<10000x128xf32, #tpu.memory_space<hbm>> -> memref<10000x128xf32, #tpu.memory_space<hbm>>
    tpu.enqueue_indirect_dma source(%dma_start3A_2163 : memref<10000x128xf32, #tpu.memory_space<hbm>>) target(%arg9 : memref<128x128xf32, #tpu.memory_space<vmem>>) offsets(%dma_start3A_2160 : memref<128xi32, #tpu.memory_space<vmem>>) semaphore(%arg12 : memref<!tpu.dma_semaphore, #tpu.memory_space<semaphore_mem>>)
    %dma_start3A_2164 = arith.constant 36 : i32
    %dma_start3A_2165 = arith.constant 0 : i32
    %dma_start3A_2166 = tpu.memref_slice %arg7[%dma_start3A_2164, %dma_start3A_2165] : memref<40x128xi32, #tpu.memory_space<vmem>> -> memref<1x128xi32, #tpu.memory_space<vmem>>
    %dma_start3A_2167 = tpu.memref_squeeze %dma_start3A_2166 : memref<1x128xi32, #tpu.memory_space<vmem>> -> memref<128xi32, #tpu.memory_space<vmem>>
    %dma_start3A_2168 = arith.constant 0 : i32
    %dma_start3A_2169 = arith.constant 0 : i32
    %dma_start3A_2170 = tpu.memref_slice %arg10[%dma_start3A_2168, %dma_start3A_2169] : memref<10112x128xf32, #tpu.memory_space<vmem_shared>> -> memref<10112x128xf32, #tpu.memory_space<vmem_shared>>
    tpu.enqueue_indirect_dma source(%arg8 : memref<128x128xf32, #tpu.memory_space<vmem>>) target(%dma_start3A_2170 : memref<10112x128xf32, #tpu.memory_space<vmem_shared>>) offsets(%dma_start3A_2167 : memref<128xi32, #tpu.memory_space<vmem>>) semaphore(%arg13 : memref<!tpu.dma_semaphore, #tpu.memory_space<semaphore_mem>>) {add = true}
    %dma_wait3A_2171 = arith.constant 37 : i32
    %dma_wait3A_2172 = arith.constant 0 : i32
    %dma_wait3A_2173 = tpu.memref_slice %arg6[%dma_wait3A_2171, %dma_wait3A_2172] : memref<40x128xi32, #tpu.memory_space<vmem>> -> memref<1x128xi32, #tpu.memory_space<vmem>>
    %dma_wait3A_2174 = tpu.memref_squeeze %dma_wait3A_2173 : memref<1x128xi32, #tpu.memory_space<vmem>> -> memref<128xi32, #tpu.memory_space<vmem>>
    %dma_wait3A_2175 = arith.constant 0 : i32
    %dma_wait3A_2176 = arith.constant 0 : i32
    %dma_wait3A_2177 = tpu.memref_slice %arg2[%dma_wait3A_2175, %dma_wait3A_2176] : memref<10000x128xf32, #tpu.memory_space<hbm>> -> memref<10000x128xf32, #tpu.memory_space<hbm>>
    tpu.wait_indirect_dma semaphore(%arg12 : memref<!tpu.dma_semaphore, #tpu.memory_space<semaphore_mem>>) src(%dma_wait3A_2177 : memref<10000x128xf32, #tpu.memory_space<hbm>>) dst(%arg9 : memref<128x128xf32, #tpu.memory_space<vmem>>)
    %dma_wait3A_2178 = arith.constant 36 : i32
    %dma_wait3A_2179 = arith.constant 0 : i32
    %dma_wait3A_2180 = tpu.memref_slice %arg7[%dma_wait3A_2178, %dma_wait3A_2179] : memref<40x128xi32, #tpu.memory_space<vmem>> -> memref<1x128xi32, #tpu.memory_space<vmem>>
    %dma_wait3A_2181 = tpu.memref_squeeze %dma_wait3A_2180 : memref<1x128xi32, #tpu.memory_space<vmem>> -> memref<128xi32, #tpu.memory_space<vmem>>
    %dma_wait3A_2182 = arith.constant 0 : i32
    %dma_wait3A_2183 = arith.constant 0 : i32
    %dma_wait3A_2184 = tpu.memref_slice %arg10[%dma_wait3A_2182, %dma_wait3A_2183] : memref<10112x128xf32, #tpu.memory_space<vmem_shared>> -> memref<10112x128xf32, #tpu.memory_space<vmem_shared>>
    tpu.wait_indirect_dma semaphore(%arg13 : memref<!tpu.dma_semaphore, #tpu.memory_space<semaphore_mem>>) src(%arg8 : memref<128x128xf32, #tpu.memory_space<vmem>>) dst(%dma_wait3A_2184 : memref<10112x128xf32, #tpu.memory_space<vmem_shared>>)
    %dma_start3A_2185 = arith.constant 38 : i32
    %dma_start3A_2186 = arith.constant 0 : i32
    %dma_start3A_2187 = tpu.memref_slice %arg6[%dma_start3A_2185, %dma_start3A_2186] : memref<40x128xi32, #tpu.memory_space<vmem>> -> memref<1x128xi32, #tpu.memory_space<vmem>>
    %dma_start3A_2188 = tpu.memref_squeeze %dma_start3A_2187 : memref<1x128xi32, #tpu.memory_space<vmem>> -> memref<128xi32, #tpu.memory_space<vmem>>
    %dma_start3A_2189 = arith.constant 0 : i32
    %dma_start3A_2190 = arith.constant 0 : i32
    %dma_start3A_2191 = tpu.memref_slice %arg2[%dma_start3A_2189, %dma_start3A_2190] : memref<10000x128xf32, #tpu.memory_space<hbm>> -> memref<10000x128xf32, #tpu.memory_space<hbm>>
    tpu.enqueue_indirect_dma source(%dma_start3A_2191 : memref<10000x128xf32, #tpu.memory_space<hbm>>) target(%arg8 : memref<128x128xf32, #tpu.memory_space<vmem>>) offsets(%dma_start3A_2188 : memref<128xi32, #tpu.memory_space<vmem>>) semaphore(%arg11 : memref<!tpu.dma_semaphore, #tpu.memory_space<semaphore_mem>>)
    %dma_start3A_2192 = arith.constant 37 : i32
    %dma_start3A_2193 = arith.constant 0 : i32
    %dma_start3A_2194 = tpu.memref_slice %arg7[%dma_start3A_2192, %dma_start3A_2193] : memref<40x128xi32, #tpu.memory_space<vmem>> -> memref<1x128xi32, #tpu.memory_space<vmem>>
    %dma_start3A_2195 = tpu.memref_squeeze %dma_start3A_2194 : memref<1x128xi32, #tpu.memory_space<vmem>> -> memref<128xi32, #tpu.memory_space<vmem>>
    %dma_start3A_2196 = arith.constant 0 : i32
    %dma_start3A_2197 = arith.constant 0 : i32
    %dma_start3A_2198 = tpu.memref_slice %arg10[%dma_start3A_2196, %dma_start3A_2197] : memref<10112x128xf32, #tpu.memory_space<vmem_shared>> -> memref<10112x128xf32, #tpu.memory_space<vmem_shared>>
    tpu.enqueue_indirect_dma source(%arg9 : memref<128x128xf32, #tpu.memory_space<vmem>>) target(%dma_start3A_2198 : memref<10112x128xf32, #tpu.memory_space<vmem_shared>>) offsets(%dma_start3A_2195 : memref<128xi32, #tpu.memory_space<vmem>>) semaphore(%arg13 : memref<!tpu.dma_semaphore, #tpu.memory_space<semaphore_mem>>) {add = true}
    %dma_wait3A_2199 = arith.constant 38 : i32
    %dma_wait3A_2200 = arith.constant 0 : i32
    %dma_wait3A_2201 = tpu.memref_slice %arg6[%dma_wait3A_2199, %dma_wait3A_2200] : memref<40x128xi32, #tpu.memory_space<vmem>> -> memref<1x128xi32, #tpu.memory_space<vmem>>
    %dma_wait3A_2202 = tpu.memref_squeeze %dma_wait3A_2201 : memref<1x128xi32, #tpu.memory_space<vmem>> -> memref<128xi32, #tpu.memory_space<vmem>>
    %dma_wait3A_2203 = arith.constant 0 : i32
    %dma_wait3A_2204 = arith.constant 0 : i32
    %dma_wait3A_2205 = tpu.memref_slice %arg2[%dma_wait3A_2203, %dma_wait3A_2204] : memref<10000x128xf32, #tpu.memory_space<hbm>> -> memref<10000x128xf32, #tpu.memory_space<hbm>>
    tpu.wait_indirect_dma semaphore(%arg11 : memref<!tpu.dma_semaphore, #tpu.memory_space<semaphore_mem>>) src(%dma_wait3A_2205 : memref<10000x128xf32, #tpu.memory_space<hbm>>) dst(%arg8 : memref<128x128xf32, #tpu.memory_space<vmem>>)
    %dma_wait3A_2206 = arith.constant 37 : i32
    %dma_wait3A_2207 = arith.constant 0 : i32
    %dma_wait3A_2208 = tpu.memref_slice %arg7[%dma_wait3A_2206, %dma_wait3A_2207] : memref<40x128xi32, #tpu.memory_space<vmem>> -> memref<1x128xi32, #tpu.memory_space<vmem>>
    %dma_wait3A_2209 = tpu.memref_squeeze %dma_wait3A_2208 : memref<1x128xi32, #tpu.memory_space<vmem>> -> memref<128xi32, #tpu.memory_space<vmem>>
    %dma_wait3A_2210 = arith.constant 0 : i32
    %dma_wait3A_2211 = arith.constant 0 : i32
    %dma_wait3A_2212 = tpu.memref_slice %arg10[%dma_wait3A_2210, %dma_wait3A_2211] : memref<10112x128xf32, #tpu.memory_space<vmem_shared>> -> memref<10112x128xf32, #tpu.memory_space<vmem_shared>>
    tpu.wait_indirect_dma semaphore(%arg13 : memref<!tpu.dma_semaphore, #tpu.memory_space<semaphore_mem>>) src(%arg9 : memref<128x128xf32, #tpu.memory_space<vmem>>) dst(%dma_wait3A_2212 : memref<10112x128xf32, #tpu.memory_space<vmem_shared>>)
    %dma_start3A_2213 = arith.constant 39 : i32
    %dma_start3A_2214 = arith.constant 0 : i32
    %dma_start3A_2215 = tpu.memref_slice %arg6[%dma_start3A_2213, %dma_start3A_2214] : memref<40x128xi32, #tpu.memory_space<vmem>> -> memref<1x128xi32, #tpu.memory_space<vmem>>
    %dma_start3A_2216 = tpu.memref_squeeze %dma_start3A_2215 : memref<1x128xi32, #tpu.memory_space<vmem>> -> memref<128xi32, #tpu.memory_space<vmem>>
    %dma_start3A_2217 = arith.constant 0 : i32
    %dma_start3A_2218 = arith.constant 0 : i32
    %dma_start3A_2219 = tpu.memref_slice %arg2[%dma_start3A_2217, %dma_start3A_2218] : memref<10000x128xf32, #tpu.memory_space<hbm>> -> memref<10000x128xf32, #tpu.memory_space<hbm>>
    tpu.enqueue_indirect_dma source(%dma_start3A_2219 : memref<10000x128xf32, #tpu.memory_space<hbm>>) target(%arg9 : memref<128x128xf32, #tpu.memory_space<vmem>>) offsets(%dma_start3A_2216 : memref<128xi32, #tpu.memory_space<vmem>>) semaphore(%arg12 : memref<!tpu.dma_semaphore, #tpu.memory_space<semaphore_mem>>)
    %dma_start3A_2220 = arith.constant 38 : i32
    %dma_start3A_2221 = arith.constant 0 : i32
    %dma_start3A_2222 = tpu.memref_slice %arg7[%dma_start3A_2220, %dma_start3A_2221] : memref<40x128xi32, #tpu.memory_space<vmem>> -> memref<1x128xi32, #tpu.memory_space<vmem>>
    %dma_start3A_2223 = tpu.memref_squeeze %dma_start3A_2222 : memref<1x128xi32, #tpu.memory_space<vmem>> -> memref<128xi32, #tpu.memory_space<vmem>>
    %dma_start3A_2224 = arith.constant 0 : i32
    %dma_start3A_2225 = arith.constant 0 : i32
    %dma_start3A_2226 = tpu.memref_slice %arg10[%dma_start3A_2224, %dma_start3A_2225] : memref<10112x128xf32, #tpu.memory_space<vmem_shared>> -> memref<10112x128xf32, #tpu.memory_space<vmem_shared>>
    tpu.enqueue_indirect_dma source(%arg8 : memref<128x128xf32, #tpu.memory_space<vmem>>) target(%dma_start3A_2226 : memref<10112x128xf32, #tpu.memory_space<vmem_shared>>) offsets(%dma_start3A_2223 : memref<128xi32, #tpu.memory_space<vmem>>) semaphore(%arg13 : memref<!tpu.dma_semaphore, #tpu.memory_space<semaphore_mem>>) {add = true}
    %dma_wait3A_2227 = arith.constant 39 : i32
    %dma_wait3A_2228 = arith.constant 0 : i32
    %dma_wait3A_2229 = tpu.memref_slice %arg6[%dma_wait3A_2227, %dma_wait3A_2228] : memref<40x128xi32, #tpu.memory_space<vmem>> -> memref<1x128xi32, #tpu.memory_space<vmem>>
    %dma_wait3A_2230 = tpu.memref_squeeze %dma_wait3A_2229 : memref<1x128xi32, #tpu.memory_space<vmem>> -> memref<128xi32, #tpu.memory_space<vmem>>
    %dma_wait3A_2231 = arith.constant 0 : i32
    %dma_wait3A_2232 = arith.constant 0 : i32
    %dma_wait3A_2233 = tpu.memref_slice %arg2[%dma_wait3A_2231, %dma_wait3A_2232] : memref<10000x128xf32, #tpu.memory_space<hbm>> -> memref<10000x128xf32, #tpu.memory_space<hbm>>
    tpu.wait_indirect_dma semaphore(%arg12 : memref<!tpu.dma_semaphore, #tpu.memory_space<semaphore_mem>>) src(%dma_wait3A_2233 : memref<10000x128xf32, #tpu.memory_space<hbm>>) dst(%arg9 : memref<128x128xf32, #tpu.memory_space<vmem>>)
    %dma_wait3A_2234 = arith.constant 38 : i32
    %dma_wait3A_2235 = arith.constant 0 : i32
    %dma_wait3A_2236 = tpu.memref_slice %arg7[%dma_wait3A_2234, %dma_wait3A_2235] : memref<40x128xi32, #tpu.memory_space<vmem>> -> memref<1x128xi32, #tpu.memory_space<vmem>>
    %dma_wait3A_2237 = tpu.memref_squeeze %dma_wait3A_2236 : memref<1x128xi32, #tpu.memory_space<vmem>> -> memref<128xi32, #tpu.memory_space<vmem>>
    %dma_wait3A_2238 = arith.constant 0 : i32
    %dma_wait3A_2239 = arith.constant 0 : i32
    %dma_wait3A_2240 = tpu.memref_slice %arg10[%dma_wait3A_2238, %dma_wait3A_2239] : memref<10112x128xf32, #tpu.memory_space<vmem_shared>> -> memref<10112x128xf32, #tpu.memory_space<vmem_shared>>
    tpu.wait_indirect_dma semaphore(%arg13 : memref<!tpu.dma_semaphore, #tpu.memory_space<semaphore_mem>>) src(%arg8 : memref<128x128xf32, #tpu.memory_space<vmem>>) dst(%dma_wait3A_2240 : memref<10112x128xf32, #tpu.memory_space<vmem_shared>>)
    %dma_start3A_2241 = arith.constant 39 : i32
    %dma_start3A_2242 = arith.constant 0 : i32
    %dma_start3A_2243 = tpu.memref_slice %arg7[%dma_start3A_2241, %dma_start3A_2242] : memref<40x128xi32, #tpu.memory_space<vmem>> -> memref<1x128xi32, #tpu.memory_space<vmem>>
    %dma_start3A_2244 = tpu.memref_squeeze %dma_start3A_2243 : memref<1x128xi32, #tpu.memory_space<vmem>> -> memref<128xi32, #tpu.memory_space<vmem>>
    %dma_start3A_2245 = arith.constant 0 : i32
    %dma_start3A_2246 = arith.constant 0 : i32
    %dma_start3A_2247 = tpu.memref_slice %arg10[%dma_start3A_2245, %dma_start3A_2246] : memref<10112x128xf32, #tpu.memory_space<vmem_shared>> -> memref<10112x128xf32, #tpu.memory_space<vmem_shared>>
    tpu.enqueue_indirect_dma source(%arg9 : memref<128x128xf32, #tpu.memory_space<vmem>>) target(%dma_start3A_2247 : memref<10112x128xf32, #tpu.memory_space<vmem_shared>>) offsets(%dma_start3A_2244 : memref<128xi32, #tpu.memory_space<vmem>>) semaphore(%arg13 : memref<!tpu.dma_semaphore, #tpu.memory_space<semaphore_mem>>) {add = true}
    %dma_wait3A_2248 = arith.constant 39 : i32
    %dma_wait3A_2249 = arith.constant 0 : i32
    %dma_wait3A_2250 = tpu.memref_slice %arg7[%dma_wait3A_2248, %dma_wait3A_2249] : memref<40x128xi32, #tpu.memory_space<vmem>> -> memref<1x128xi32, #tpu.memory_space<vmem>>
    %dma_wait3A_2251 = tpu.memref_squeeze %dma_wait3A_2250 : memref<1x128xi32, #tpu.memory_space<vmem>> -> memref<128xi32, #tpu.memory_space<vmem>>
    %dma_wait3A_2252 = arith.constant 0 : i32
    %dma_wait3A_2253 = arith.constant 0 : i32
    %dma_wait3A_2254 = tpu.memref_slice %arg10[%dma_wait3A_2252, %dma_wait3A_2253] : memref<10112x128xf32, #tpu.memory_space<vmem_shared>> -> memref<10112x128xf32, #tpu.memory_space<vmem_shared>>
    tpu.wait_indirect_dma semaphore(%arg13 : memref<!tpu.dma_semaphore, #tpu.memory_space<semaphore_mem>>) src(%arg9 : memref<128x128xf32, #tpu.memory_space<vmem>>) dst(%dma_wait3A_2254 : memref<10112x128xf32, #tpu.memory_space<vmem_shared>>)
    %barrier3A_2255 = arith.constant 0 : index
    tpu.barrier barrier_id(%barrier3A_2255)
    %mul3A_2256 = arith.constant 632 : i32
    %mul3A_2257 = arith.muli %arg1, %mul3A_2256 : i32
    %mul3A_2258 = arith.constant 10112 : i32
    %mul3A_2259 = arith.muli %arg0, %mul3A_2258 : i32
    %mul3A_2260 = arith.constant 632 : i32
    %mul3A_2261 = arith.muli %arg1, %mul3A_2260 : i32
    %add3A_2262 = arith.addi %mul3A_2259, %mul3A_2261 : i32
    "tpu.region"() ({
      %run_scoped3A = tpu.sem_alloc : memref<!tpu.dma_semaphore, #tpu.memory_space<semaphore_mem>>
      %dma_start3A_2263 = arith.constant 0 : i32
      %dma_start3A_2264 = tpu.memref_slice %arg5[%add3A_2262, %dma_start3A_2263] : memref<20224x128xf32, #tpu.memory_space<hbm>> -> memref<632x128xf32, #tpu.memory_space<hbm>>
      %dma_start3A_2265 = arith.constant 0 : i32
      %dma_start3A_2266 = tpu.memref_slice %arg10[%mul3A_2257, %dma_start3A_2265] : memref<10112x128xf32, #tpu.memory_space<vmem_shared>> -> memref<632x128xf32, #tpu.memory_space<vmem_shared>>
      tpu.enqueue_dma source(%dma_start3A_2266 : memref<632x128xf32, #tpu.memory_space<vmem_shared>>) target(%dma_start3A_2264 : memref<632x128xf32, #tpu.memory_space<hbm>>) target_semaphore(%run_scoped3A : memref<!tpu.dma_semaphore, #tpu.memory_space<semaphore_mem>>)
      %dma_wait3A_2267 = arith.constant 0 : i32
      %dma_wait3A_2268 = tpu.memref_slice %arg5[%add3A_2262, %dma_wait3A_2267] : memref<20224x128xf32, #tpu.memory_space<hbm>> -> memref<632x128xf32, #tpu.memory_space<hbm>>
      %dma_wait3A_2269 = arith.constant 0 : i32
      %dma_wait3A_2270 = tpu.memref_slice %arg10[%mul3A_2257, %dma_wait3A_2269] : memref<10112x128xf32, #tpu.memory_space<vmem_shared>> -> memref<632x128xf32, #tpu.memory_space<vmem_shared>>
      tpu.wait_dma2 semaphore(%run_scoped3A : memref<!tpu.dma_semaphore, #tpu.memory_space<semaphore_mem>>) src(%dma_wait3A_2270 : memref<632x128xf32, #tpu.memory_space<vmem_shared>>) dst(%dma_wait3A_2268 : memref<632x128xf32, #tpu.memory_space<hbm>>)
      tpu.yield
    }) : () -> ()
    return
  }
}

</mosaic_0001>

<sc_bundles>
// kernel: _spmm_partials.3.cloned.1.call-start
scs
__scs_entry_jumppad:
0x0: {  	(pc) =	sbr.rel $0x88, $3  }
0x1: {  	(tag) =	ssettag $0x0;
	lr =	simm.s32 $0x1  }
0x2: {  	[smem:$0x3F9E] =	sst lr;
	_ =	strace $0xD0000000  }
0x3: {  	_ = 	snop  }
0x4: {  	_ = 	snop  }
0x5: {  	_ = 	snop  }
0x6: {  	_ = 	snop  }
0x7: {  	_ = 	snop  }
__scs_overlays_trampoline_lowered:
0x8: {  	[smem:$0x3FAD] =	sst s0  }
0x9: {  	[smem:$0x3FAE] =	sst s1  }
0xa: {  	[smem:$0x3FAF] =	sst s2  }
0xb: {  	[smem:$0x3FB0] =	sst s3  }
0xc: {  	[smem:$0x3FB1] =	sst s4  }
0xd: {  	[smem:$0x3FB2] =	sst s5  }
0xe: {  	[smem:$0x3FB3] =	sst s6  }
0xf: {  	[smem:$0x3FB4] =	sst s7  }
0x10: {  	[smem:$0x3FB5] =	sst s8  }
0x11: {  	[smem:$0x3FB6] =	sst s9;
	s0 =	simm.s32 @!p0 $0x0  }
0x12: {  	s1 =	sld [smem:$0x3F9C];
	s0 =	simm.s32 @p0 $0x1  }
0x13: {  	[smem:$0x3FB7] =	sst s0;
	s0 =	simm.s32 @!p1 $0x0  }
0x14: {  	s2 =	sld [smem:$0x3F9B];
	s0 =	simm.s32 @p1 $0x1  }
0x15: {  	[smem:$0x3FB8] =	sst s0;
	s0 =	simm.s32 @!p2 $0x0  }
0x16: {  	s3 =	sld [smem:$0x3FDB];
	s0 =	simm.s32 @p2 $0x1  }
0x17: {  	s4 =	simm.s32 $0x1BF5;
	[smem:$0x3FBA] =	sst s0  }
0x18: {  	s0 =	sld [smem:$0x3F9D];
	_ =	swait.ge [sflag:s4], $0x0  }
0x19: {  	s7 =	sld [smem:$0x3F9E]  }
0x1a: {  	s8 =	sadd.s32 $0xFFFFE003, lr  }
0x1b: {  	s9 =	sadd.s32 $0xFFFFFEF7, lr;
	s5 =	simm.s32 $0xFFFFFFFF;
	p2 =	slt.u32 s8, $0xFFFFF086  }
0x1c: {  	p1 =	slt.u32 s9, $0xF7A;
	s5 =	simm.s32 @!p2 $0x0  }
0x1d: {  	s5 =	simm.s32 @p1 $0x1;
	p0 =	seq.s32 s7, s2  }
0x1e: {  	s7 =	smul.u32 @!p0 $0xF7A, s2;
	p2 =	seq.s32 @!p0 s5, $0x0  }
0x1f: {  	s9 =	smul.u32 $0xF7A, s1;
	s8 =	simm.s32 @!p0 $0x1BF5;
	p2 =	por !p2, p0  }
0x20: {  	[sflag:s8] =	ssyncset.s32 @!p0 $0xFFFFF086;
	s6 =	sadd.s32 @!p0 s3, s7;
	s7 =	simm.s32 @!p0 $0x108  }
0x21: {  	s3 =	sadd.s32 s3, s9;
	s6 =	sadd.s32 @!p0 $0x88, s6;
	s7 =	simm.s32 @p2 $0x1082  }
0x22: {  	[simem:s7], [sflag:s8] =	dma.local @!p0 [hbm:s6], $0xF7A  }
0x23: {  	s9 =	sor.u32 $0xD0000000, s2;
	s6 =	simm.s32 $0x108;
	_ =	swait.ge @!p0 [sflag:s8], $0x0  }
0x24: {  	s3 =	sadd.s32 $0x88, s3;
	s6 =	simm.s32 @!p1 $0x1082;
	[sflag:s4] =	ssyncset.s32 $0xFFFFF086  }
0x25: {  	[simem:s6], [sflag:s4] =	dma.local [hbm:s3], $0xF7A  }
0x26: {  	[smem:$0x3F9E] =	sst s1;
	(tag) =	ssettag s2;
	_ =	strace s9  }
0x27: {  	s1 =	sld [smem:$0x3FAE]  }
0x28: {  	s2 =	sld [smem:$0x3FAF]  }
0x29: {  	s4 =	sld [smem:$0x3FB1]  }
0x2a: {  	p0 =	seq.s32 s5, $0x0;
	s5 =	sld [smem:$0x3FB2]  }
0x2b: {  	s6 =	sld [smem:$0x3FB3]  }
0x2c: {  	s7 =	sld [smem:$0x3FB4]  }
0x2d: {  	s3 =	simm.s32 $0x108;
	s8 =	sld [smem:$0x3FB5]  }
0x2e: {  	s3 =	simm.s32 @!p0 $0x1082;
	s9 =	sld [smem:$0x3FB6]  }
0x2f: {  	lr =	sadd.s32 s0, s3;
	s0 =	sld [smem:$0x3FAD]  }
0x30: {  	s3 =	sld [smem:$0x3FB0]  }
0x31: {  	[smem:$0x3FB9] =	sst s10  }
0x32: {  	s10 =	sld [smem:$0x3FB7];
	_ =	sdelay $0x3  }
0x33: {  	p0 =	seq.s32 s10, $0x1;
	s10 =	sld [smem:$0x3FB9];
	_ =	sdelay $0x3  }
0x34: {  	[smem:$0x3FB9] =	sst s10  }
0x35: {  	s10 =	sld [smem:$0x3FB8];
	_ =	sdelay $0x3  }
0x36: {  	p1 =	seq.s32 s10, $0x1;
	s10 =	sld [smem:$0x3FB9];
	_ =	sdelay $0x3  }
0x37: {  	[smem:$0x3FB9] =	sst s10  }
0x38: {  	s10 =	sld [smem:$0x3FBA]  }
0x39: {  	_ = 	snop;
	(pc) =	sbr.ind lr, $3  }
0x3a: {  	_ = 	snop  }
0x3b: {  	_ = 	snop  }
0x3c: {  	p2 =	seq.s32 s10, $0x1;
	s10 =	sld [smem:$0x3FB9]  }
0x3d: {  	_ =	shalt  }
0x3e: {  	_ =	shalt  }
0x3f: {  	_ =	shalt  }
0x40: {  	_ =	shalt  }
0x41: {  	_ =	shalt  }
0x42: {  	_ =	shalt  }
0x43: {  	_ =	shalt  }
0x44: {  	_ =	shalt  }
0x45: {  	_ =	shalt  }
0x46: {  	_ =	shalt  }
0x47: {  	_ =	shalt  }
0x48: {  	_ =	shalt  }
0x49: {  	_ =	shalt  }
0x4a: {  	_ =	shalt  }
0x4b: {  	_ =	shalt  }
0x4c: {  	_ =	shalt  }
0x4d: {  	_ =	shalt  }
0x4e: {  	_ =	shalt  }
0x4f: {  	_ =	shalt  }
0x50: {  	_ =	shalt  }
0x51: {  	_ =	shalt  }
0x52: {  	_ =	shalt  }
0x53: {  	_ =	shalt  }
0x54: {  	_ =	shalt  }
0x55: {  	_ =	shalt  }
0x56: {  	_ =	shalt  }
0x57: {  	_ =	shalt  }
0x58: {  	_ =	shalt  }
0x59: {  	_ =	shalt  }
0x5a: {  	_ =	shalt  }
0x5b: {  	_ =	shalt  }
0x5c: {  	_ =	shalt  }
0x5d: {  	_ =	shalt  }
0x5e: {  	_ =	shalt  }
0x5f: {  	_ =	shalt  }
0x60: {  	_ =	shalt  }
0x61: {  	_ =	shalt  }
0x62: {  	_ =	shalt  }
0x63: {  	_ =	shalt  }
0x64: {  	_ =	shalt  }
0x65: {  	_ =	shalt  }
0x66: {  	_ =	shalt  }
0x67: {  	_ =	shalt  }
0x68: {  	_ =	shalt  }
0x69: {  	_ =	shalt  }
0x6a: {  	_ =	shalt  }
0x6b: {  	_ =	shalt  }
0x6c: {  	_ =	shalt  }
0x6d: {  	_ =	shalt  }
0x6e: {  	_ =	shalt  }
0x6f: {  	_ =	shalt  }
0x70: {  	_ =	shalt  }
0x71: {  	_ =	shalt  }
0x72: {  	_ =	shalt  }
0x73: {  	_ =	shalt  }
0x74: {  	_ =	shalt  }
0x75: {  	_ =	shalt  }
0x76: {  	_ =	shalt  }
0x77: {  	_ =	shalt  }
0x78: {  	_ =	shalt  }
0x79: {  	_ =	shalt  }
0x7a: {  	_ =	shalt  }
0x7b: {  	_ =	shalt  }
0x7c: {  	_ =	shalt  }
0x7d: {  	_ =	shalt  }
0x7e: {  	_ =	shalt  }
0x7f: {  	_ =	shalt  }
0x80: {  	_ =	shalt  }
0x81: {  	_ =	shalt  }
0x82: {  	_ =	shalt  }
0x83: {  	_ =	shalt  }
0x84: {  	_ =	shalt  }
0x85: {  	_ =	shalt  }
0x86: {  	_ =	shalt  }
0x87: {  	_ =	shalt  }
.Lfunc_end0:
.L_simem_size_0:
called_computation_lowered:
.L_overlay_start_0:
0x88: {  	s2 =	sld [smem:$0x3FD9]  }
0x89: {  	s3 =	sld [smem:$0x3FFE];
	_ =	sdelay $0x1  }
0x8a: {  	s1 =	srdreg.scid  }
0x8b: {  	s0 =	sand.u32 $0x1, s1  }
0x8c: {  	s18 =	sshll.u32 s0, $0xA;
	s2 =	sadd.s32 s3, s2  }
0x8d: {  	s2 =	sadd.s32 s2, s18  }
0x8e: {  	[smem:$0x3FC5] =	sst s2  }
0x8f: {  	_ = 	snop  }
0x90: {  	s2 =	sld [smem:$0x3FC9]  }
0x91: {  	s19 =	sld [smem:$0x3FC8]  }
0x92: {  	s4 =	sld [smem:$0x3FC7]  }
0x93: {  	s5 =	sld [smem:$0x3FD0];
	(tm) =	ssettm $0x1  }
0x94: {  	s6 =	sld [smem:$0x3FFB];
	_ =	sdelay $0x3  }
0x95: {  	_ =	strace s6  }
0x96: {  	s6 =	sld [smem:$0x3FFC];
	_ =	sdelay $0x3  }
0x97: {  	_ =	strace s6  }
0x98: {  	s6 =	sld [smem:$0x3FFD];
	_ =	sdelay $0x3  }
0x99: {  	_ =	strace s6  }
0x9a: {  	_ =	strace $0x8FFFFFFF  }
0x9b: {  	s20 =	sld [smem:$0x3FDB];
	_ =	sdelay $0x1  }
0x9c: {  	s7 =	simm.s32 $_scs_section_size  }
0x9d: {  	s8 =	simm.s32 $_size__tile_overlayer_lowered;
	s9 =	simm.s32 $_tile_overlayer_lowered  }
0x9e: {  	s23 =	simm.s32 $0x1BFF;
	s22 =	sshll.u32 s9, $0x1;
	s6 =	sadd.s32 s7, s20  }
0x9f: {  	s10 =	simm.s32 $0x0;
	s21 =	sshll.u32 s8, $0x1;
	s8 =	sadd.s32 s22, s6  }
0xa0: {  	[timem:s10], [sflag:s23] =	dma.local [hbm:s8], s21  }
0xa1: {  	_ =	swait.ge [sflag:s23], s21  }
0xa2: {  	s7 =	ssub.s32 $0x0, s21;
	[sflag:s23] =	ssyncset.done $0x0  }
0xa3: {  	[sflag:s23] =	ssyncadd.s32 s7;
	_ =	sdelay $0x1  }
0xa4: {  	s24 =	simm.s32 $0x1B8B  }
0xa5: {  	_ =	swait.ge [sflag:s24], $0x1  }
0xa6: {  	[sflag:s24] =	ssyncset.done $0x0  }
0xa7: {  	s25 =	simm.s32 $0x1B8E;
	[sflag:s24] =	ssyncadd.s32 $0xFFFFFFFF  }
0xa8: {  	s26 =	simm.s32 $execute0_lowered;
	[smem:$0x3FD2] =	sst s25  }
0xa9: {  	s7 =	sshll.u32 s26, $0x1;
	_ =	strace $0x80000046;
	[dreg:$0x1] =	wrdreg $0xFFFFFFFF  }
0xaa: {  	s28 =	simm.s32 $_size_execute0_lowered;
	s6 =	sadd.s32 s6, s7;
	[dreg:$0x0] =	wrdreg $0x0  }
0xab: {  	s7 =	sshll.u32 s28, $0x1;
	[dreg:$0x2] =	wrdreg s6  }
0xac: {  	[dreg:$0x3] =	wrdreg s7  }
0xad: {  	[dreg:$0x4] =	wrdreg $0xC0  }
0xae: {  	_ =	task [dreg:s10], $0x5FFFF  }
0xaf: {  	[dreg:$0x1] =	wrdreg $0xFFFFFFFF  }
0xb0: {  	[dreg:$0x0] =	wrdreg $0x60  }
0xb1: {  	[dreg:$0x2] =	wrdreg s2  }
0xb2: {  	[dreg:$0x3] =	wrdreg s19  }
0xb3: {  	[dreg:$0x4] =	wrdreg s4  }
0xb4: {  	[dreg:$0x5] =	wrdreg s5  }
0xb5: {  	[dreg:$0x6] =	wrdreg $0xA8000  }
0xb6: {  	[dreg:$0x7] =	wrdreg $0x9  }
0xb7: {  	_ =	task.clear_ibuf [dreg:s10], $0x8FFFF;
	_ =	strace $0x90000046  }
0xb8: {  	s29 =	simm.s32 $0x9;
	_ =	strace $0x80000048  }
0xb9: {  	_ =	swait.ge [sflag:s29], $0x1  }
0xba: {  	[sflag:s29] =	ssyncadd.s32 $0xFFFFFFFF  }
0xbb: {  	_ =	strace $0x90000048  }
0xbc: {  	_ =	sfence  }
0xbd: {  	s30 =	sld [smem:$0x0];
	_ =	sdelay $0x2  }
0xbe: {  	s31 =	sshll.u32 s1, $0xD;
	s1 =	sshrl.u32 s1, $0x2  }
0xbf: {  	s3 =	sand.u32 $0x4000, s31;
	s1 =	sadd.s32 s1, s30  }
0xc0: {  	s0 =	sor.u32 s3, s0;
	s1 =	sshll.u32 s1, $0x11  }
0xc1: {  	s0 =	sor.u32 s1, s0  }
0xc2: {  	s0 =	sadd.s32 $0x8F2B, s0  }
0xc3: {  	[sflag:s0] =	ssyncadd.remote.s32 $0x1  }
0xc4: {  	_ =	sfence.sel $0xFFFF  }
0xc5: {  	[dreg:$0x0] =	wrdreg $0xFFFFFFFF;
	(pc) =	sbr.abs _section_cstart, $3  }
0xc6: {  	[dreg:$0x1] =	wrdreg $0xFFFFFFFF  }
0xc7: {  	_ =	task.clear_ibuf [dreg:s10], $0x2FFFF;
	_ =	strace $0x9FFFFFFF  }
0xc8: {  	(tm) =	ssettm $0x7FFFFFFF  }
0xc9: {  	_ =	shalt  }
tec
execute0_lowered:
.L_overlay_start_1:
0x0: {  	(tag) =	ssettag $0x1  }
0x1: {  	s3 =	rddreg [dreg:$0x0]  }
0x2: {  	s0 =	rddreg [dreg:$0x1]  }
0x3: {  	s4 =	rddreg [dreg:$0x2]  }
0x4: {  	s1 =	srdreg.scid;
	s5 =	rddreg [dreg:$0x3]  }
0x5: {  	s11 =	stileid.u32;
	s2 =	rddreg [dreg:$0x4]  }
0x6: {  	s18 =	simm.s32 $0x0;
	s14 =	simm.s32 $0x4;
	s30 =	simm.s32 $0x1400  }
0x7: {  	s10 =	simm.s32 $0x2800;
	s12 =	simm.s32 $0x1;
	p0 =	por $0x0, $0x0  }
0x8: {  	s1 =	sand.u32 $0x1, s1;
	[smem:$0x7FF] =	sst s18;
	s21 =	smul.u32 $0x2780, s11  }
0x9: {  	s23 =	smul.u32 $0x4F000, s11;
	s31 =	sshll.u32 s11, $0x6;
	s6 =	sshll.u32 s1, $0x4  }
0xa: {  	_ =	strace $0x80000047;
	s8 =	ssub.s32 $0x2, s1;
	s1 =	smul.u32 $0x27800, s1  }
0xb: {  	s6 =	sor.u32 s11, s6;
	s9 =	sshrl.u32 s8, $0x1;
	s4 =	sadd.s32 s4, s21  }
0xc: {  	s25 =	sshrl.u32 s23, $0x2;
	s11 =	simm.s32 $0x2;
	s7 =	smul.u32 $0x2800, s6  }
0xd: {  	s6 =	smul.u32 $0x500, s6;
	[dreg:$0x8] =	wrdreg s4;
	s1 =	sadd.s32 s21, s1  }
0xe: {  	s28 =	ssub.s32 s8, s9;
	s8 =	simm.s32 $0x6800;
	s9 =	simm.s32 $0x3  }
0xf: {  	s26 =	sadd.s32 s5, s1;
	s29 =	smax.u32 s28, $0x1;
	s7 =	sshrl.u32 s7, $0x3  }
0x10: {  	s6 =	sadd.s32 s0, s6;
	[dreg:$0xb] =	wrdreg s26;
	p1 =	sne.s32 s29, $0x1  }
.Ltmp0:
0x11: {  	s0 =	sadd.s32 s0, s7;
	[dreg:$0x6] =	wrdreg s6;
	(pc) =	sbr.rel @!p1 .LBB2_5-.Ltmp0, $4  }
0x12: {  	s5 =	sor.u32 $0x1C04, s31;
	s22 =	sadd.s32 $0xA000, s0;
	s13 =	rddreg [dreg:$0x6]  }
0x13: {  	s4 =	sadd.s32 $0xFFFFFFFF, s29;
	s24 =	sadd.s32 $0x280, s0;
	[dreg:$0x7] =	wrdreg s22  }
0x14: {  	s6 =	sadd.s32 s25, s2;
	s0 =	sadd.s32 $0xA280, s0;
	[dreg:$0x9] =	wrdreg s24  }
0x15: {  	s7 =	simm.s32 $0x80;
	s6 =	sshrl.u32 s6, $0x3;
	[dreg:$0xa] =	wrdreg s0  }
0x16: {  	[tilespmem:s18], [sflag:$0x4] =	stream.linear.gather [hbm4b:s13+s18], $0x1400, $0x38;
	[tilespmem:$0x1E400] =	vst v63  }
0x17: {  	_ =	swait.ge [sflag:s14], $0x1400  }
0x18: {  	[sflag:s14] =	ssyncset.done $0x0  }
0x19: {  	s26 =	rddreg [dreg:$0x7];
	[sflag:s14] =	ssyncadd.s32 $0xFFFFEC00  }
0x1a: {  	[tilespmem:s30], [sflag:$0x4] =	stream.linear.gather [hbm4b:s26+s18], $0x1400, $0x38;
	[tilespmem:$0x1E400] =	vst v63  }
0x1b: {  	_ =	swait.ge [sflag:s14], $0x1400  }
0x1c: {  	[sflag:s14] =	ssyncset.done $0x0  }
0x1d: {  	[sflag:s14] =	ssyncadd.s32 $0xFFFFEC00  }
0x1e: {  	[tilespmem:s10], [sflag:$0x1] =	stream.indirect.gather [hbm4b:s3+s7], $0x80, s18, s7, $0xb8;
	[tilespmem:$0x1E400] =	vst v63  }
0x1f: {  	s28 =	rddreg [dreg:$0x8]  }
0x20: {  	[tilespmem:s8], [sflag:$0x2] =	stream.indirect.gather [hbm4b:s3+s7], $0x80, s7, s7, $0xb8;
	[tilespmem:$0x1E400] =	vst v63  }
0x21: {  	[spmem:s6], [sflag:s5] =	dma.local [hbm:s28], $0x2780  }
0x22: {  	_ =	swait.ge [sflag:s14], $0x2780  }
0x23: {  	[sflag:s14] =	ssyncset.done $0x0  }
0x24: {  	[sflag:s14] =	ssyncadd.s32 $0xFFFFD880  }
0x25: {  	[bflag:$0x0] =	sbarrier.arrive $0xFFFF  }
0x26: {  	_ =	swait.ge [sflag:s12], $0x4000  }
0x27: {  	[sflag:s12] =	ssyncset.done $0x0  }
0x28: {  	[sflag:s12] =	ssyncadd.s32 $0xFFFFC000  }
0x29: {  	[spmem:s2] =	stream.indirect.scatter.add.f32 [tilespmem:s10], [sflag:$0x3], $0x80, s30, s7, $0xb8;
	[tilespmem:$0x1E400] =	vst v63  }
0x2a: {  	_ =	swait.ge [sflag:s11], $0x4000  }
0x2b: {  	[sflag:s11] =	ssyncset.done $0x0  }
0x2c: {  	[sflag:s11] =	ssyncadd.s32 $0xFFFFC000  }
0x2d: {  	_ =	swait.ge [sflag:s9], $0x4000  }
0x2e: {  	[sflag:s9] =	ssyncset.done $0x0  }
0x2f: {  	s17 =	simm.s32 $0x100;
	[sflag:s9] =	ssyncadd.s32 $0xFFFFC000  }
0x30: {  	[tilespmem:s10], [sflag:$0x1] =	stream.indirect.gather [hbm4b:s3+s7], $0x80, s17, s7, $0xb8;
	[tilespmem:$0x1E400] =	vst v63  }
0x31: {  	s15 =	simm.s32 $0x1480  }
0x32: {  	[spmem:s2] =	stream.indirect.scatter.add.f32 [tilespmem:s8], [sflag:$0x3], $0x80, s15, s7, $0xb8;
	[tilespmem:$0x1E400] =	vst v63  }
0x33: {  	_ =	swait.ge [sflag:s12], $0x4000  }
0x34: {  	[sflag:s12] =	ssyncset.done $0x0  }
0x35: {  	[sflag:s12] =	ssyncadd.s32 $0xFFFFC000  }
0x36: {  	_ =	swait.ge [sflag:s9], $0x4000  }
0x37: {  	[sflag:s9] =	ssyncset.done $0x0  }
0x38: {  	s16 =	simm.s32 $0x180;
	[sflag:s9] =	ssyncadd.s32 $0xFFFFC000  }
0x39: {  	[tilespmem:s8], [sflag:$0x2] =	stream.indirect.gather [hbm4b:s3+s7], $0x80, s16, s7, $0xb8;
	[tilespmem:$0x1E400] =	vst v63  }
0x3a: {  	s18 =	simm.s32 $0x1500  }
0x3b: {  	[spmem:s2] =	stream.indirect.scatter.add.f32 [tilespmem:s10], [sflag:$0x3], $0x80, s18, s7, $0xb8;
	[tilespmem:$0x1E400] =	vst v63  }
0x3c: {  	_ =	swait.ge [sflag:s11], $0x4000  }
0x3d: {  	[sflag:s11] =	ssyncset.done $0x0  }
0x3e: {  	[sflag:s11] =	ssyncadd.s32 $0xFFFFC000  }
0x3f: {  	_ =	swait.ge [sflag:s9], $0x4000  }
0x40: {  	[sflag:s9] =	ssyncset.done $0x0  }
0x41: {  	s19 =	simm.s32 $0x200;
	[sflag:s9] =	ssyncadd.s32 $0xFFFFC000  }
0x42: {  	[tilespmem:s10], [sflag:$0x1] =	stream.indirect.gather [hbm4b:s3+s7], $0x80, s19, s7, $0xb8;
	[tilespmem:$0x1E400] =	vst v63  }
0x43: {  	s20 =	simm.s32 $0x1580  }
0x44: {  	[spmem:s2] =	stream.indirect.scatter.add.f32 [tilespmem:s8], [sflag:$0x3], $0x80, s20, s7, $0xb8;
	[tilespmem:$0x1E400] =	vst v63  }
0x45: {  	_ =	swait.ge [sflag:s12], $0x4000  }
0x46: {  	[sflag:s12] =	ssyncset.done $0x0  }
0x47: {  	[sflag:s12] =	ssyncadd.s32 $0xFFFFC000  }
0x48: {  	_ =	swait.ge [sflag:s9], $0x4000  }
0x49: {  	[sflag:s9] =	ssyncset.done $0x0  }
0x4a: {  	s21 =	simm.s32 $0x280;
	[sflag:s9] =	ssyncadd.s32 $0xFFFFC000  }
0x4b: {  	[tilespmem:s8], [sflag:$0x2] =	stream.indirect.gather [hbm4b:s3+s7], $0x80, s21, s7, $0xb8;
	[tilespmem:$0x1E400] =	vst v63  }
0x4c: {  	s22 =	simm.s32 $0x1600  }
0x4d: {  	[spmem:s2] =	stream.indirect.scatter.add.f32 [tilespmem:s10], [sflag:$0x3], $0x80, s22, s7, $0xb8;
	[tilespmem:$0x1E400] =	vst v63  }
0x4e: {  	_ =	swait.ge [sflag:s11], $0x4000  }
0x4f: {  	[sflag:s11] =	ssyncset.done $0x0  }
0x50: {  	[sflag:s11] =	ssyncadd.s32 $0xFFFFC000  }
0x51: {  	_ =	swait.ge [sflag:s9], $0x4000  }
0x52: {  	[sflag:s9] =	ssyncset.done $0x0  }
0x53: {  	s23 =	simm.s32 $0x300;
	[sflag:s9] =	ssyncadd.s32 $0xFFFFC000  }
0x54: {  	[tilespmem:s10], [sflag:$0x1] =	stream.indirect.gather [hbm4b:s3+s7], $0x80, s23, s7, $0xb8;
	[tilespmem:$0x1E400] =	vst v63  }
0x55: {  	s24 =	simm.s32 $0x1680  }
0x56: {  	[spmem:s2] =	stream.indirect.scatter.add.f32 [tilespmem:s8], [sflag:$0x3], $0x80, s24, s7, $0xb8;
	[tilespmem:$0x1E400] =	vst v63  }
0x57: {  	_ =	swait.ge [sflag:s12], $0x4000  }
0x58: {  	[sflag:s12] =	ssyncset.done $0x0  }
0x59: {  	[sflag:s12] =	ssyncadd.s32 $0xFFFFC000  }
0x5a: {  	_ =	swait.ge [sflag:s9], $0x4000  }
0x5b: {  	[sflag:s9] =	ssyncset.done $0x0  }
0x5c: {  	s25 =	simm.s32 $0x380;
	[sflag:s9] =	ssyncadd.s32 $0xFFFFC000  }
0x5d: {  	[tilespmem:s8], [sflag:$0x2] =	stream.indirect.gather [hbm4b:s3+s7], $0x80, s25, s7, $0xb8;
	[tilespmem:$0x1E400] =	vst v63  }
0x5e: {  	s26 =	simm.s32 $0x1700  }
0x5f: {  	[spmem:s2] =	stream.indirect.scatter.add.f32 [tilespmem:s10], [sflag:$0x3], $0x80, s26, s7, $0xb8;
	[tilespmem:$0x1E400] =	vst v63  }
0x60: {  	_ =	swait.ge [sflag:s11], $0x4000  }
0x61: {  	[sflag:s11] =	ssyncset.done $0x0  }
0x62: {  	[sflag:s11] =	ssyncadd.s32 $0xFFFFC000  }
0x63: {  	_ =	swait.ge [sflag:s9], $0x4000  }
0x64: {  	[sflag:s9] =	ssyncset.done $0x0  }
0x65: {  	s0 =	simm.s32 $0x400;
	[sflag:s9] =	ssyncadd.s32 $0xFFFFC000  }
0x66: {  	[tilespmem:s10], [sflag:$0x1] =	stream.indirect.gather [hbm4b:s3+s7], $0x80, s0, s7, $0xb8;
	[tilespmem:$0x1E400] =	vst v63  }
0x67: {  	s29 =	simm.s32 $0x1780  }
0x68: {  	[spmem:s2] =	stream.indirect.scatter.add.f32 [tilespmem:s8], [sflag:$0x3], $0x80, s29, s7, $0xb8;
	[tilespmem:$0x1E400] =	vst v63  }
0x69: {  	_ =	swait.ge [sflag:s12], $0x4000  }
0x6a: {  	[sflag:s12] =	ssyncset.done $0x0  }
0x6b: {  	[sflag:s12] =	ssyncadd.s32 $0xFFFFC000  }
0x6c: {  	_ =	swait.ge [sflag:s9], $0x4000  }
0x6d: {  	[sflag:s9] =	ssyncset.done $0x0  }
0x6e: {  	s30 =	simm.s32 $0x480;
	[sflag:s9] =	ssyncadd.s32 $0xFFFFC000  }
0x6f: {  	[tilespmem:s8], [sflag:$0x2] =	stream.indirect.gather [hbm4b:s3+s7], $0x80, s30, s7, $0xb8;
	[tilespmem:$0x1E400] =	vst v63  }
0x70: {  	s31 =	simm.s32 $0x1800  }
0x71: {  	[spmem:s2] =	stream.indirect.scatter.add.f32 [tilespmem:s10], [sflag:$0x3], $0x80, s31, s7, $0xb8;
	[tilespmem:$0x1E400] =	vst v63  }
0x72: {  	_ =	swait.ge [sflag:s11], $0x4000  }
0x73: {  	[sflag:s11] =	ssyncset.done $0x0  }
0x74: {  	[sflag:s11] =	ssyncadd.s32 $0xFFFFC000  }
0x75: {  	_ =	swait.ge [sflag:s9], $0x4000  }
0x76: {  	[sflag:s9] =	ssyncset.done $0x0  }
0x77: {  	s1 =	simm.s32 $0x500;
	[sflag:s9] =	ssyncadd.s32 $0xFFFFC000  }
0x78: {  	[tilespmem:s10], [sflag:$0x1] =	stream.indirect.gather [hbm4b:s3+s7], $0x80, s1, s7, $0xb8;
	[tilespmem:$0x1E400] =	vst v63  }
0x79: {  	s13 =	simm.s32 $0x1880  }
0x7a: {  	[spmem:s2] =	stream.indirect.scatter.add.f32 [tilespmem:s8], [sflag:$0x3], $0x80, s13, s7, $0xb8;
	[tilespmem:$0x1E400] =	vst v63  }
0x7b: {  	_ =	swait.ge [sflag:s12], $0x4000  }
0x7c: {  	[sflag:s12] =	ssyncset.done $0x0  }
0x7d: {  	[sflag:s12] =	ssyncadd.s32 $0xFFFFC000  }
0x7e: {  	_ =	swait.ge [sflag:s9], $0x4000  }
0x7f: {  	[sflag:s9] =	ssyncset.done $0x0  }
0x80: {  	s28 =	simm.s32 $0x580;
	[sflag:s9] =	ssyncadd.s32 $0xFFFFC000  }
0x81: {  	[tilespmem:s8], [sflag:$0x2] =	stream.indirect.gather [hbm4b:s3+s7], $0x80, s28, s7, $0xb8;
	[tilespmem:$0x1E400] =	vst v63  }
0x82: {  	s29 =	simm.s32 $0x1900  }
0x83: {  	[spmem:s2] =	stream.indirect.scatter.add.f32 [tilespmem:s10], [sflag:$0x3], $0x80, s29, s7, $0xb8;
	[tilespmem:$0x1E400] =	vst v63  }
0x84: {  	_ =	swait.ge [sflag:s11], $0x4000  }
0x85: {  	[sflag:s11] =	ssyncset.done $0x0  }
0x86: {  	[sflag:s11] =	ssyncadd.s32 $0xFFFFC000  }
0x87: {  	_ =	swait.ge [sflag:s9], $0x4000  }
0x88: {  	[sflag:s9] =	ssyncset.done $0x0  }
0x89: {  	s30 =	simm.s32 $0x600;
	[sflag:s9] =	ssyncadd.s32 $0xFFFFC000  }
0x8a: {  	[tilespmem:s10], [sflag:$0x1] =	stream.indirect.gather [hbm4b:s3+s7], $0x80, s30, s7, $0xb8;
	[tilespmem:$0x1E400] =	vst v63  }
0x8b: {  	s31 =	simm.s32 $0x1980  }
0x8c: {  	[spmem:s2] =	stream.indirect.scatter.add.f32 [tilespmem:s8], [sflag:$0x3], $0x80, s31, s7, $0xb8;
	[tilespmem:$0x1E400] =	vst v63  }
0x8d: {  	_ =	swait.ge [sflag:s12], $0x4000  }
0x8e: {  	[sflag:s12] =	ssyncset.done $0x0  }
0x8f: {  	[sflag:s12] =	ssyncadd.s32 $0xFFFFC000  }
0x90: {  	_ =	swait.ge [sflag:s9], $0x4000  }
0x91: {  	[sflag:s9] =	ssyncset.done $0x0  }
0x92: {  	s1 =	simm.s32 $0x680;
	[sflag:s9] =	ssyncadd.s32 $0xFFFFC000  }
0x93: {  	[tilespmem:s8], [sflag:$0x2] =	stream.indirect.gather [hbm4b:s3+s7], $0x80, s1, s7, $0xb8;
	[tilespmem:$0x1E400] =	vst v63  }
0x94: {  	s13 =	simm.s32 $0x1A00  }
0x95: {  	[spmem:s2] =	stream.indirect.scatter.add.f32 [tilespmem:s10], [sflag:$0x3], $0x80, s13, s7, $0xb8;
	[tilespmem:$0x1E400] =	vst v63  }
0x96: {  	_ =	swait.ge [sflag:s11], $0x4000  }
0x97: {  	[sflag:s11] =	ssyncset.done $0x0  }
0x98: {  	[sflag:s11] =	ssyncadd.s32 $0xFFFFC000  }
0x99: {  	_ =	swait.ge [sflag:s9], $0x4000  }
0x9a: {  	[sflag:s9] =	ssyncset.done $0x0  }
0x9b: {  	s28 =	simm.s32 $0x700;
	[sflag:s9] =	ssyncadd.s32 $0xFFFFC000  }
0x9c: {  	[tilespmem:s10], [sflag:$0x1] =	stream.indirect.gather [hbm4b:s3+s7], $0x80, s28, s7, $0xb8;
	[tilespmem:$0x1E400] =	vst v63  }
0x9d: {  	s29 =	simm.s32 $0x1A80  }
0x9e: {  	[spmem:s2] =	stream.indirect.scatter.add.f32 [tilespmem:s8], [sflag:$0x3], $0x80, s29, s7, $0xb8;
	[tilespmem:$0x1E400] =	vst v63  }
0x9f: {  	_ =	swait.ge [sflag:s12], $0x4000  }
0xa0: {  	[sflag:s12] =	ssyncset.done $0x0  }
0xa1: {  	[sflag:s12] =	ssyncadd.s32 $0xFFFFC000  }
0xa2: {  	_ =	swait.ge [sflag:s9], $0x4000  }
0xa3: {  	[sflag:s9] =	ssyncset.done $0x0  }
0xa4: {  	s30 =	simm.s32 $0x780;
	[sflag:s9] =	ssyncadd.s32 $0xFFFFC000  }
0xa5: {  	[tilespmem:s8], [sflag:$0x2] =	stream.indirect.gather [hbm4b:s3+s7], $0x80, s30, s7, $0xb8;
	[tilespmem:$0x1E400] =	vst v63  }
0xa6: {  	s31 =	simm.s32 $0x1B00  }
0xa7: {  	[spmem:s2] =	stream.indirect.scatter.add.f32 [tilespmem:s10], [sflag:$0x3], $0x80, s31, s7, $0xb8;
	[tilespmem:$0x1E400] =	vst v63  }
0xa8: {  	_ =	swait.ge [sflag:s11], $0x4000  }
0xa9: {  	[sflag:s11] =	ssyncset.done $0x0  }
0xaa: {  	[sflag:s11] =	ssyncadd.s32 $0xFFFFC000  }
0xab: {  	_ =	swait.ge [sflag:s9], $0x4000  }
0xac: {  	[sflag:s9] =	ssyncset.done $0x0  }
0xad: {  	s1 =	simm.s32 $0x800;
	[sflag:s9] =	ssyncadd.s32 $0xFFFFC000  }
0xae: {  	[tilespmem:s10], [sflag:$0x1] =	stream.indirect.gather [hbm4b:s3+s7], $0x80, s1, s7, $0xb8;
	[tilespmem:$0x1E400] =	vst v63  }
0xaf: {  	s13 =	simm.s32 $0x1B80  }
0xb0: {  	[spmem:s2] =	stream.indirect.scatter.add.f32 [tilespmem:s8], [sflag:$0x3], $0x80, s13, s7, $0xb8;
	[tilespmem:$0x1E400] =	vst v63  }
0xb1: {  	_ =	swait.ge [sflag:s12], $0x4000  }
0xb2: {  	[sflag:s12] =	ssyncset.done $0x0  }
0xb3: {  	[sflag:s12] =	ssyncadd.s32 $0xFFFFC000  }
0xb4: {  	_ =	swait.ge [sflag:s9], $0x4000  }
0xb5: {  	[sflag:s9] =	ssyncset.done $0x0  }
0xb6: {  	s1 =	simm.s32 $0x880;
	[sflag:s9] =	ssyncadd.s32 $0xFFFFC000  }
0xb7: {  	[tilespmem:s8], [sflag:$0x2] =	stream.indirect.gather [hbm4b:s3+s7], $0x80, s1, s7, $0xb8;
	[tilespmem:$0x1E400] =	vst v63  }
0xb8: {  	s28 =	simm.s32 $0x1C00  }
0xb9: {  	[spmem:s2] =	stream.indirect.scatter.add.f32 [tilespmem:s10], [sflag:$0x3], $0x80, s28, s7, $0xb8;
	[tilespmem:$0x1E400] =	vst v63  }
0xba: {  	_ =	swait.ge [sflag:s11], $0x4000  }
0xbb: {  	[sflag:s11] =	ssyncset.done $0x0  }
0xbc: {  	[sflag:s11] =	ssyncadd.s32 $0xFFFFC000  }
0xbd: {  	_ =	swait.ge [sflag:s9], $0x4000  }
0xbe: {  	[sflag:s9] =	ssyncset.done $0x0  }
0xbf: {  	s30 =	simm.s32 $0x900;
	[sflag:s9] =	ssyncadd.s32 $0xFFFFC000  }
0xc0: {  	[tilespmem:s10], [sflag:$0x1] =	stream.indirect.gather [hbm4b:s3+s7], $0x80, s30, s7, $0xb8;
	[tilespmem:$0x1E400] =	vst v63  }
0xc1: {  	s29 =	simm.s32 $0x1C80  }
0xc2: {  	[spmem:s2] =	stream.indirect.scatter.add.f32 [tilespmem:s8], [sflag:$0x3], $0x80, s29, s7, $0xb8;
	[tilespmem:$0x1E400] =	vst v63  }
0xc3: {  	_ =	swait.ge [sflag:s12], $0x4000  }
0xc4: {  	[sflag:s12] =	ssyncset.done $0x0  }
0xc5: {  	[sflag:s12] =	ssyncadd.s32 $0xFFFFC000  }
0xc6: {  	_ =	swait.ge [sflag:s9], $0x4000  }
0xc7: {  	[sflag:s9] =	ssyncset.done $0x0  }
0xc8: {  	[dreg:$0xd] =	wrdreg s6;
	s6 =	simm.s32 $0x980;
	[sflag:s9] =	ssyncadd.s32 $0xFFFFC000  }
0xc9: {  	[tilespmem:s8], [sflag:$0x2] =	stream.indirect.gather [hbm4b:s3+s7], $0x80, s6, s7, $0xb8;
	[tilespmem:$0x1E400] =	vst v63  }
0xca: {  	s31 =	simm.s32 $0x1D00  }
0xcb: {  	[spmem:s2] =	stream.indirect.scatter.add.f32 [tilespmem:s10], [sflag:$0x3], $0x80, s31, s7, $0xb8;
	[tilespmem:$0x1E400] =	vst v63  }
0xcc: {  	_ =	swait.ge [sflag:s11], $0x4000  }
0xcd: {  	[sflag:s11] =	ssyncset.done $0x0  }
0xce: {  	[sflag:s11] =	ssyncadd.s32 $0xFFFFC000  }
0xcf: {  	_ =	swait.ge [sflag:s9], $0x4000  }
0xd0: {  	[sflag:s9] =	ssyncset.done $0x0  }
0xd1: {  	[dreg:$0xc] =	wrdreg s5;
	s5 =	simm.s32 $0xA00;
	[sflag:s9] =	ssyncadd.s32 $0xFFFFC000  }
0xd2: {  	[tilespmem:s10], [sflag:$0x1] =	stream.indirect.gather [hbm4b:s3+s7], $0x80, s5, s7, $0xb8;
	[tilespmem:$0x1E400] =	vst v63  }
0xd3: {  	s28 =	simm.s32 $0x1D80  }
0xd4: {  	[spmem:s2] =	stream.indirect.scatter.add.f32 [tilespmem:s8], [sflag:$0x3], $0x80, s28, s7, $0xb8;
	[tilespmem:$0x1E400] =	vst v63  }
0xd5: {  	_ =	swait.ge [sflag:s12], $0x4000  }
0xd6: {  	[sflag:s12] =	ssyncset.done $0x0  }
0xd7: {  	[sflag:s12] =	ssyncadd.s32 $0xFFFFC000  }
0xd8: {  	_ =	swait.ge [sflag:s9], $0x4000  }
0xd9: {  	[sflag:s9] =	ssyncset.done $0x0  }
0xda: {  	s31 =	simm.s32 $0xA80;
	[sflag:s9] =	ssyncadd.s32 $0xFFFFC000  }
0xdb: {  	[tilespmem:s8], [sflag:$0x2] =	stream.indirect.gather [hbm4b:s3+s7], $0x80, s31, s7, $0xb8;
	[tilespmem:$0x1E400] =	vst v63  }
0xdc: {  	s29 =	simm.s32 $0x1E00  }
0xdd: {  	[spmem:s2] =	stream.indirect.scatter.add.f32 [tilespmem:s10], [sflag:$0x3], $0x80, s29, s7, $0xb8;
	[tilespmem:$0x1E400] =	vst v63  }
0xde: {  	_ =	swait.ge [sflag:s11], $0x4000  }
0xdf: {  	[sflag:s11] =	ssyncset.done $0x0  }
0xe0: {  	[sflag:s11] =	ssyncadd.s32 $0xFFFFC000  }
0xe1: {  	_ =	swait.ge [sflag:s9], $0x4000  }
0xe2: {  	[sflag:s9] =	ssyncset.done $0x0  }
0xe3: {  	s29 =	simm.s32 $0xB00;
	[sflag:s9] =	ssyncadd.s32 $0xFFFFC000  }
0xe4: {  	[tilespmem:s10], [sflag:$0x1] =	stream.indirect.gather [hbm4b:s3+s7], $0x80, s29, s7, $0xb8;
	[tilespmem:$0x1E400] =	vst v63  }
0xe5: {  	s28 =	simm.s32 $0x1E80  }
0xe6: {  	[spmem:s2] =	stream.indirect.scatter.add.f32 [tilespmem:s8], [sflag:$0x3], $0x80, s28, s7, $0xb8;
	[tilespmem:$0x1E400] =	vst v63  }
0xe7: {  	_ =	swait.ge [sflag:s12], $0x4000  }
0xe8: {  	[sflag:s12] =	ssyncset.done $0x0  }
0xe9: {  	[sflag:s12] =	ssyncadd.s32 $0xFFFFC000  }
0xea: {  	_ =	swait.ge [sflag:s9], $0x4000  }
0xeb: {  	[sflag:s9] =	ssyncset.done $0x0  }
0xec: {  	s28 =	simm.s32 $0xB80;
	[sflag:s9] =	ssyncadd.s32 $0xFFFFC000  }
0xed: {  	[tilespmem:s8], [sflag:$0x2] =	stream.indirect.gather [hbm4b:s3+s7], $0x80, s28, s7, $0xb8;
	[tilespmem:$0x1E400] =	vst v63  }
0xee: {  	s13 =	simm.s32 $0x1F00  }
0xef: {  	[spmem:s2] =	stream.indirect.scatter.add.f32 [tilespmem:s10], [sflag:$0x3], $0x80, s13, s7, $0xb8;
	[tilespmem:$0x1E400] =	vst v63  }
0xf0: {  	_ =	swait.ge [sflag:s11], $0x4000  }
0xf1: {  	[sflag:s11] =	ssyncset.done $0x0  }
0xf2: {  	[sflag:s11] =	ssyncadd.s32 $0xFFFFC000  }
0xf3: {  	_ =	swait.ge [sflag:s9], $0x4000  }
0xf4: {  	[sflag:s9] =	ssyncset.done $0x0  }
0xf5: {  	s13 =	simm.s32 $0xC00;
	[sflag:s9] =	ssyncadd.s32 $0xFFFFC000  }
0xf6: {  	[tilespmem:s10], [sflag:$0x1] =	stream.indirect.gather [hbm4b:s3+s7], $0x80, s13, s7, $0xb8;
	[tilespmem:$0x1E400] =	vst v63  }
0xf7: {  	s13 =	simm.s32 $0x1F80  }
0xf8: {  	[spmem:s2] =	stream.indirect.scatter.add.f32 [tilespmem:s8], [sflag:$0x3], $0x80, s13, s7, $0xb8;
	[tilespmem:$0x1E400] =	vst v63  }
0xf9: {  	_ =	swait.ge [sflag:s12], $0x4000  }
0xfa: {  	[sflag:s12] =	ssyncset.done $0x0  }
0xfb: {  	[sflag:s12] =	ssyncadd.s32 $0xFFFFC000  }
0xfc: {  	_ =	swait.ge [sflag:s9], $0x4000  }
0xfd: {  	[sflag:s9] =	ssyncset.done $0x0  }
0xfe: {  	s13 =	simm.s32 $0xC80;
	[sflag:s9] =	ssyncadd.s32 $0xFFFFC000  }
0xff: {  	[tilespmem:s8], [sflag:$0x2] =	stream.indirect.gather [hbm4b:s3+s7], $0x80, s13, s7, $0xb8;
	[tilespmem:$0x1E400] =	vst v63  }
0x100: {  	s13 =	simm.s32 $0x2000  }
0x101: {  	[spmem:s2] =	stream.indirect.scatter.add.f32 [tilespmem:s10], [sflag:$0x3], $0x80, s13, s7, $0xb8;
	[tilespmem:$0x1E400] =	vst v63  }
0x102: {  	_ =	swait.ge [sflag:s11], $0x4000  }
0x103: {  	[sflag:s11] =	ssyncset.done $0x0  }
0x104: {  	[sflag:s11] =	ssyncadd.s32 $0xFFFFC000  }
0x105: {  	_ =	swait.ge [sflag:s9], $0x4000  }
0x106: {  	[sflag:s9] =	ssyncset.done $0x0  }
0x107: {  	s13 =	simm.s32 $0xD00;
	[sflag:s9] =	ssyncadd.s32 $0xFFFFC000  }
0x108: {  	[tilespmem:s10], [sflag:$0x1] =	stream.indirect.gather [hbm4b:s3+s7], $0x80, s13, s7, $0xb8;
	[tilespmem:$0x1E400] =	vst v63  }
0x109: {  	s13 =	simm.s32 $0x2080  }
0x10a: {  	[spmem:s2] =	stream.indirect.scatter.add.f32 [tilespmem:s8], [sflag:$0x3], $0x80, s13, s7, $0xb8;
	[tilespmem:$0x1E400] =	vst v63  }
0x10b: {  	_ =	swait.ge [sflag:s12], $0x4000  }
0x10c: {  	[sflag:s12] =	ssyncset.done $0x0  }
0x10d: {  	[sflag:s12] =	ssyncadd.s32 $0xFFFFC000  }
0x10e: {  	_ =	swait.ge [sflag:s9], $0x4000  }
0x10f: {  	[sflag:s9] =	ssyncset.done $0x0  }
0x110: {  	s13 =	simm.s32 $0xD80;
	[sflag:s9] =	ssyncadd.s32 $0xFFFFC000  }
0x111: {  	[tilespmem:s8], [sflag:$0x2] =	stream.indirect.gather [hbm4b:s3+s7], $0x80, s13, s7, $0xb8;
	[tilespmem:$0x1E400] =	vst v63  }
0x112: {  	s13 =	simm.s32 $0x2100  }
0x113: {  	[spmem:s2] =	stream.indirect.scatter.add.f32 [tilespmem:s10], [sflag:$0x3], $0x80, s13, s7, $0xb8;
	[tilespmem:$0x1E400] =	vst v63  }
0x114: {  	_ =	swait.ge [sflag:s11], $0x4000  }
0x115: {  	[sflag:s11] =	ssyncset.done $0x0  }
0x116: {  	[sflag:s11] =	ssyncadd.s32 $0xFFFFC000  }
0x117: {  	_ =	swait.ge [sflag:s9], $0x4000  }
0x118: {  	[sflag:s9] =	ssyncset.done $0x0  }
0x119: {  	s13 =	simm.s32 $0xE00;
	[sflag:s9] =	ssyncadd.s32 $0xFFFFC000  }
0x11a: {  	[tilespmem:s10], [sflag:$0x1] =	stream.indirect.gather [hbm4b:s3+s7], $0x80, s13, s7, $0xb8;
	[tilespmem:$0x1E400] =	vst v63  }
0x11b: {  	s13 =	simm.s32 $0x2180  }
0x11c: {  	[spmem:s2] =	stream.indirect.scatter.add.f32 [tilespmem:s8], [sflag:$0x3], $0x80, s13, s7, $0xb8;
	[tilespmem:$0x1E400] =	vst v63  }
0x11d: {  	_ =	swait.ge [sflag:s12], $0x4000  }
0x11e: {  	[sflag:s12] =	ssyncset.done $0x0  }
0x11f: {  	[sflag:s12] =	ssyncadd.s32 $0xFFFFC000  }
0x120: {  	_ =	swait.ge [sflag:s9], $0x4000  }
0x121: {  	[sflag:s9] =	ssyncset.done $0x0  }
0x122: {  	s13 =	simm.s32 $0xE80;
	[sflag:s9] =	ssyncadd.s32 $0xFFFFC000  }
0x123: {  	[tilespmem:s8], [sflag:$0x2] =	stream.indirect.gather [hbm4b:s3+s7], $0x80, s13, s7, $0xb8;
	[tilespmem:$0x1E400] =	vst v63  }
0x124: {  	s13 =	simm.s32 $0x2200  }
0x125: {  	[spmem:s2] =	stream.indirect.scatter.add.f32 [tilespmem:s10], [sflag:$0x3], $0x80, s13, s7, $0xb8;
	[tilespmem:$0x1E400] =	vst v63  }
0x126: {  	_ =	swait.ge [sflag:s11], $0x4000  }
0x127: {  	[sflag:s11] =	ssyncset.done $0x0  }
0x128: {  	[sflag:s11] =	ssyncadd.s32 $0xFFFFC000  }
0x129: {  	_ =	swait.ge [sflag:s9], $0x4000  }
0x12a: {  	[sflag:s9] =	ssyncset.done $0x0  }
0x12b: {  	s13 =	simm.s32 $0xF00;
	[sflag:s9] =	ssyncadd.s32 $0xFFFFC000  }
0x12c: {  	[tilespmem:s10], [sflag:$0x1] =	stream.indirect.gather [hbm4b:s3+s7], $0x80, s13, s7, $0xb8;
	[tilespmem:$0x1E400] =	vst v63  }
0x12d: {  	s13 =	simm.s32 $0x2280  }
0x12e: {  	[spmem:s2] =	stream.indirect.scatter.add.f32 [tilespmem:s8], [sflag:$0x3], $0x80, s13, s7, $0xb8;
	[tilespmem:$0x1E400] =	vst v63  }
0x12f: {  	_ =	swait.ge [sflag:s12], $0x4000  }
0x130: {  	[sflag:s12] =	ssyncset.done $0x0  }
0x131: {  	[sflag:s12] =	ssyncadd.s32 $0xFFFFC000  }
0x132: {  	_ =	swait.ge [sflag:s9], $0x4000  }
0x133: {  	[sflag:s9] =	ssyncset.done $0x0  }
0x134: {  	s13 =	simm.s32 $0xF80;
	[sflag:s9] =	ssyncadd.s32 $0xFFFFC000  }
0x135: {  	[tilespmem:s8], [sflag:$0x2] =	stream.indirect.gather [hbm4b:s3+s7], $0x80, s13, s7, $0xb8;
	[tilespmem:$0x1E400] =	vst v63  }
0x136: {  	s13 =	simm.s32 $0x2300  }
0x137: {  	[spmem:s2] =	stream.indirect.scatter.add.f32 [tilespmem:s10], [sflag:$0x3], $0x80, s13, s7, $0xb8;
	[tilespmem:$0x1E400] =	vst v63  }
0x138: {  	_ =	swait.ge [sflag:s11], $0x4000  }
0x139: {  	[sflag:s11] =	ssyncset.done $0x0  }
0x13a: {  	[sflag:s11] =	ssyncadd.s32 $0xFFFFC000  }
0x13b: {  	_ =	swait.ge [sflag:s9], $0x4000  }
0x13c: {  	[sflag:s9] =	ssyncset.done $0x0  }
0x13d: {  	s13 =	simm.s32 $0x1000;
	[sflag:s9] =	ssyncadd.s32 $0xFFFFC000  }
0x13e: {  	[tilespmem:s10], [sflag:$0x1] =	stream.indirect.gather [hbm4b:s3+s7], $0x80, s13, s7, $0xb8;
	[tilespmem:$0x1E400] =	vst v63  }
0x13f: {  	s13 =	simm.s32 $0x2380  }
0x140: {  	[spmem:s2] =	stream.indirect.scatter.add.f32 [tilespmem:s8], [sflag:$0x3], $0x80, s13, s7, $0xb8;
	[tilespmem:$0x1E400] =	vst v63  }
0x141: {  	_ =	swait.ge [sflag:s12], $0x4000  }
0x142: {  	[sflag:s12] =	ssyncset.done $0x0  }
0x143: {  	[sflag:s12] =	ssyncadd.s32 $0xFFFFC000  }
0x144: {  	_ =	swait.ge [sflag:s9], $0x4000  }
0x145: {  	[sflag:s9] =	ssyncset.done $0x0  }
0x146: {  	s13 =	simm.s32 $0x1080;
	[sflag:s9] =	ssyncadd.s32 $0xFFFFC000  }
0x147: {  	[tilespmem:s8], [sflag:$0x2] =	stream.indirect.gather [hbm4b:s3+s7], $0x80, s13, s7, $0xb8;
	[tilespmem:$0x1E400] =	vst v63  }
0x148: {  	s13 =	simm.s32 $0x2400  }
0x149: {  	[spmem:s2] =	stream.indirect.scatter.add.f32 [tilespmem:s10], [sflag:$0x3], $0x80, s13, s7, $0xb8;
	[tilespmem:$0x1E400] =	vst v63  }
0x14a: {  	_ =	swait.ge [sflag:s11], $0x4000  }
0x14b: {  	[sflag:s11] =	ssyncset.done $0x0  }
0x14c: {  	[sflag:s11] =	ssyncadd.s32 $0xFFFFC000  }
0x14d: {  	_ =	swait.ge [sflag:s9], $0x4000  }
0x14e: {  	[sflag:s9] =	ssyncset.done $0x0  }
0x14f: {  	s13 =	simm.s32 $0x1100;
	[sflag:s9] =	ssyncadd.s32 $0xFFFFC000  }
0x150: {  	[tilespmem:s10], [sflag:$0x1] =	stream.indirect.gather [hbm4b:s3+s7], $0x80, s13, s7, $0xb8;
	[tilespmem:$0x1E400] =	vst v63  }
0x151: {  	s13 =	simm.s32 $0x2480  }
0x152: {  	[spmem:s2] =	stream.indirect.scatter.add.f32 [tilespmem:s8], [sflag:$0x3], $0x80, s13, s7, $0xb8;
	[tilespmem:$0x1E400] =	vst v63  }
0x153: {  	_ =	swait.ge [sflag:s12], $0x4000  }
0x154: {  	[sflag:s12] =	ssyncset.done $0x0  }
0x155: {  	[sflag:s12] =	ssyncadd.s32 $0xFFFFC000  }
0x156: {  	_ =	swait.ge [sflag:s9], $0x4000  }
0x157: {  	[sflag:s9] =	ssyncset.done $0x0  }
0x158: {  	s13 =	simm.s32 $0x1180;
	[sflag:s9] =	ssyncadd.s32 $0xFFFFC000  }
0x159: {  	[tilespmem:s8], [sflag:$0x2] =	stream.indirect.gather [hbm4b:s3+s7], $0x80, s13, s7, $0xb8;
	[tilespmem:$0x1E400] =	vst v63  }
0x15a: {  	s13 =	simm.s32 $0x2500  }
0x15b: {  	[spmem:s2] =	stream.indirect.scatter.add.f32 [tilespmem:s10], [sflag:$0x3], $0x80, s13, s7, $0xb8;
	[tilespmem:$0x1E400] =	vst v63  }
0x15c: {  	_ =	swait.ge [sflag:s11], $0x4000  }
0x15d: {  	[sflag:s11] =	ssyncset.done $0x0  }
0x15e: {  	[sflag:s11] =	ssyncadd.s32 $0xFFFFC000  }
0x15f: {  	_ =	swait.ge [sflag:s9], $0x4000  }
0x160: {  	[sflag:s9] =	ssyncset.done $0x0  }
0x161: {  	s13 =	simm.s32 $0x1200;
	[sflag:s9] =	ssyncadd.s32 $0xFFFFC000  }
0x162: {  	[tilespmem:s10], [sflag:$0x1] =	stream.indirect.gather [hbm4b:s3+s7], $0x80, s13, s7, $0xb8;
	[tilespmem:$0x1E400] =	vst v63  }
0x163: {  	s13 =	simm.s32 $0x2580  }
0x164: {  	[spmem:s2] =	stream.indirect.scatter.add.f32 [tilespmem:s8], [sflag:$0x3], $0x80, s13, s7, $0xb8;
	[tilespmem:$0x1E400] =	vst v63  }
0x165: {  	_ =	swait.ge [sflag:s12], $0x4000  }
0x166: {  	[sflag:s12] =	ssyncset.done $0x0  }
0x167: {  	[sflag:s12] =	ssyncadd.s32 $0xFFFFC000  }
0x168: {  	_ =	swait.ge [sflag:s9], $0x4000  }
0x169: {  	[sflag:s9] =	ssyncset.done $0x0  }
0x16a: {  	s13 =	simm.s32 $0x1280;
	[sflag:s9] =	ssyncadd.s32 $0xFFFFC000  }
0x16b: {  	[tilespmem:s8], [sflag:$0x2] =	stream.indirect.gather [hbm4b:s3+s7], $0x80, s13, s7, $0xb8;
	[tilespmem:$0x1E400] =	vst v63  }
0x16c: {  	s13 =	simm.s32 $0x2600  }
0x16d: {  	[spmem:s2] =	stream.indirect.scatter.add.f32 [tilespmem:s10], [sflag:$0x3], $0x80, s13, s7, $0xb8;
	[tilespmem:$0x1E400] =	vst v63  }
0x16e: {  	_ =	swait.ge [sflag:s11], $0x4000  }
0x16f: {  	[sflag:s11] =	ssyncset.done $0x0  }
0x170: {  	[sflag:s11] =	ssyncadd.s32 $0xFFFFC000  }
0x171: {  	_ =	swait.ge [sflag:s9], $0x4000  }
0x172: {  	[sflag:s9] =	ssyncset.done $0x0  }
0x173: {  	s13 =	simm.s32 $0x1300;
	[sflag:s9] =	ssyncadd.s32 $0xFFFFC000  }
0x174: {  	[tilespmem:s10], [sflag:$0x1] =	stream.indirect.gather [hbm4b:s3+s7], $0x80, s13, s7, $0xb8;
	[tilespmem:$0x1E400] =	vst v63  }
0x175: {  	s13 =	simm.s32 $0x2680  }
0x176: {  	[spmem:s2] =	stream.indirect.scatter.add.f32 [tilespmem:s8], [sflag:$0x3], $0x80, s13, s7, $0xb8;
	[tilespmem:$0x1E400] =	vst v63  }
0x177: {  	_ =	swait.ge [sflag:s12], $0x4000  }
0x178: {  	[sflag:s12] =	ssyncset.done $0x0  }
0x179: {  	[sflag:s12] =	ssyncadd.s32 $0xFFFFC000  }
0x17a: {  	_ =	swait.ge [sflag:s9], $0x4000  }
0x17b: {  	[sflag:s9] =	ssyncset.done $0x0  }
0x17c: {  	s13 =	simm.s32 $0x1380;
	[sflag:s9] =	ssyncadd.s32 $0xFFFFC000  }
0x17d: {  	[tilespmem:s8], [sflag:$0x2] =	stream.indirect.gather [hbm4b:s3+s7], $0x80, s13, s7, $0xb8;
	[tilespmem:$0x1E400] =	vst v63  }
0x17e: {  	s13 =	simm.s32 $0x2700  }
0x17f: {  	[spmem:s2] =	stream.indirect.scatter.add.f32 [tilespmem:s10], [sflag:$0x3], $0x80, s13, s7, $0xb8;
	[tilespmem:$0x1E400] =	vst v63  }
0x180: {  	_ =	swait.ge [sflag:s11], $0x4000  }
0x181: {  	[sflag:s11] =	ssyncset.done $0x0  }
0x182: {  	[sflag:s11] =	ssyncadd.s32 $0xFFFFC000  }
0x183: {  	_ =	swait.ge [sflag:s9], $0x4000  }
0x184: {  	[sflag:s9] =	ssyncset.done $0x0  }
0x185: {  	s13 =	simm.s32 $0x2780;
	[sflag:s9] =	ssyncadd.s32 $0xFFFFC000  }
0x186: {  	[spmem:s2] =	stream.indirect.scatter.add.f32 [tilespmem:s8], [sflag:$0x3], $0x80, s13, s7, $0xb8;
	[tilespmem:$0x1E400] =	vst v63  }
0x187: {  	_ =	swait.ge [sflag:s9], $0x4000  }
0x188: {  	[sflag:s9] =	ssyncset.done $0x0  }
0x189: {  	s0 =	simm.s32 $0x0;
	s13 =	rddreg [dreg:$0x9];
	[sflag:s9] =	ssyncadd.s32 $0xFFFFC000  }
0x18a: {  	[tilespmem:s0], [sflag:$0x4] =	stream.linear.gather [hbm4b:s13+s0], $0x1400, $0x38;
	[tilespmem:$0x1E400] =	vst v63  }
0x18b: {  	_ =	swait.ge [sflag:s14], $0x1400  }
0x18c: {  	[sflag:s14] =	ssyncset.done $0x0  }
0x18d: {  	s1 =	simm.s32 $0x1400;
	s13 =	rddreg [dreg:$0xa];
	[sflag:s14] =	ssyncadd.s32 $0xFFFFEC00  }
0x18e: {  	[tilespmem:s1], [sflag:$0x4] =	stream.linear.gather [hbm4b:s13+s0], $0x1400, $0x38;
	[tilespmem:$0x1E400] =	vst v63  }
0x18f: {  	_ =	swait.ge [sflag:s14], $0x1400  }
0x190: {  	[sflag:s14] =	ssyncset.done $0x0  }
0x191: {  	[sflag:s14] =	ssyncadd.s32 $0xFFFFEC00  }
0x192: {  	[tilespmem:s10], [sflag:$0x1] =	stream.indirect.gather [hbm4b:s3+s7], $0x80, s0, s7, $0xb8;
	[tilespmem:$0x1E400] =	vst v63  }
0x193: {  	_ = 	snop  }
0x194: {  	[tilespmem:s8], [sflag:$0x2] =	stream.indirect.gather [hbm4b:s3+s7], $0x80, s7, s7, $0xb8;
	[tilespmem:$0x1E400] =	vst v63  }
0x195: {  	_ =	swait.ge [sflag:s12], $0x4000  }
0x196: {  	[sflag:s12] =	ssyncset.done $0x0  }
0x197: {  	[sflag:s12] =	ssyncadd.s32 $0xFFFFC000  }
0x198: {  	[spmem:s2] =	stream.indirect.scatter.add.f32 [tilespmem:s10], [sflag:$0x3], $0x80, s1, s7, $0xb8;
	[tilespmem:$0x1E400] =	vst v63  }
0x199: {  	_ =	swait.ge [sflag:s11], $0x4000  }
0x19a: {  	[sflag:s11] =	ssyncset.done $0x0  }
0x19b: {  	[sflag:s11] =	ssyncadd.s32 $0xFFFFC000  }
0x19c: {  	_ =	swait.ge [sflag:s9], $0x4000  }
0x19d: {  	[sflag:s9] =	ssyncset.done $0x0  }
0x19e: {  	[sflag:s9] =	ssyncadd.s32 $0xFFFFC000  }
0x19f: {  	[tilespmem:s10], [sflag:$0x1] =	stream.indirect.gather [hbm4b:s3+s7], $0x80, s17, s7, $0xb8;
	[tilespmem:$0x1E400] =	vst v63  }
0x1a0: {  	_ = 	snop  }
0x1a1: {  	[spmem:s2] =	stream.indirect.scatter.add.f32 [tilespmem:s8], [sflag:$0x3], $0x80, s15, s7, $0xb8;
	[tilespmem:$0x1E400] =	vst v63  }
0x1a2: {  	_ =	swait.ge [sflag:s12], $0x4000  }
0x1a3: {  	[sflag:s12] =	ssyncset.done $0x0  }
0x1a4: {  	[sflag:s12] =	ssyncadd.s32 $0xFFFFC000  }
0x1a5: {  	_ =	swait.ge [sflag:s9], $0x4000  }
0x1a6: {  	[sflag:s9] =	ssyncset.done $0x0  }
0x1a7: {  	[sflag:s9] =	ssyncadd.s32 $0xFFFFC000  }
0x1a8: {  	[tilespmem:s8], [sflag:$0x2] =	stream.indirect.gather [hbm4b:s3+s7], $0x80, s16, s7, $0xb8;
	[tilespmem:$0x1E400] =	vst v63  }
0x1a9: {  	_ = 	snop  }
0x1aa: {  	[spmem:s2] =	stream.indirect.scatter.add.f32 [tilespmem:s10], [sflag:$0x3], $0x80, s18, s7, $0xb8;
	[tilespmem:$0x1E400] =	vst v63  }
0x1ab: {  	_ =	swait.ge [sflag:s11], $0x4000  }
0x1ac: {  	[sflag:s11] =	ssyncset.done $0x0  }
0x1ad: {  	[sflag:s11] =	ssyncadd.s32 $0xFFFFC000  }
0x1ae: {  	_ =	swait.ge [sflag:s9], $0x4000  }
0x1af: {  	[sflag:s9] =	ssyncset.done $0x0  }
0x1b0: {  	[sflag:s9] =	ssyncadd.s32 $0xFFFFC000  }
0x1b1: {  	[tilespmem:s10], [sflag:$0x1] =	stream.indirect.gather [hbm4b:s3+s7], $0x80, s19, s7, $0xb8;
	[tilespmem:$0x1E400] =	vst v63  }
0x1b2: {  	_ = 	snop  }
0x1b3: {  	[spmem:s2] =	stream.indirect.scatter.add.f32 [tilespmem:s8], [sflag:$0x3], $0x80, s20, s7, $0xb8;
	[tilespmem:$0x1E400] =	vst v63  }
0x1b4: {  	_ =	swait.ge [sflag:s12], $0x4000  }
0x1b5: {  	[sflag:s12] =	ssyncset.done $0x0  }
0x1b6: {  	[sflag:s12] =	ssyncadd.s32 $0xFFFFC000  }
0x1b7: {  	_ =	swait.ge [sflag:s9], $0x4000  }
0x1b8: {  	[sflag:s9] =	ssyncset.done $0x0  }
0x1b9: {  	[sflag:s9] =	ssyncadd.s32 $0xFFFFC000  }
0x1ba: {  	[tilespmem:s8], [sflag:$0x2] =	stream.indirect.gather [hbm4b:s3+s7], $0x80, s21, s7, $0xb8;
	[tilespmem:$0x1E400] =	vst v63  }
0x1bb: {  	_ = 	snop  }
0x1bc: {  	[spmem:s2] =	stream.indirect.scatter.add.f32 [tilespmem:s10], [sflag:$0x3], $0x80, s22, s7, $0xb8;
	[tilespmem:$0x1E400] =	vst v63  }
0x1bd: {  	_ =	swait.ge [sflag:s11], $0x4000  }
0x1be: {  	[sflag:s11] =	ssyncset.done $0x0  }
0x1bf: {  	[sflag:s11] =	ssyncadd.s32 $0xFFFFC000  }
0x1c0: {  	_ =	swait.ge [sflag:s9], $0x4000  }
0x1c1: {  	[sflag:s9] =	ssyncset.done $0x0  }
0x1c2: {  	[sflag:s9] =	ssyncadd.s32 $0xFFFFC000  }
0x1c3: {  	[tilespmem:s10], [sflag:$0x1] =	stream.indirect.gather [hbm4b:s3+s7], $0x80, s23, s7, $0xb8;
	[tilespmem:$0x1E400] =	vst v63  }
0x1c4: {  	_ = 	snop  }
0x1c5: {  	[spmem:s2] =	stream.indirect.scatter.add.f32 [tilespmem:s8], [sflag:$0x3], $0x80, s24, s7, $0xb8;
	[tilespmem:$0x1E400] =	vst v63  }
0x1c6: {  	_ =	swait.ge [sflag:s12], $0x4000  }
0x1c7: {  	[sflag:s12] =	ssyncset.done $0x0  }
0x1c8: {  	[sflag:s12] =	ssyncadd.s32 $0xFFFFC000  }
0x1c9: {  	_ =	swait.ge [sflag:s9], $0x4000  }
0x1ca: {  	[sflag:s9] =	ssyncset.done $0x0  }
0x1cb: {  	[sflag:s9] =	ssyncadd.s32 $0xFFFFC000  }
0x1cc: {  	[tilespmem:s8], [sflag:$0x2] =	stream.indirect.gather [hbm4b:s3+s7], $0x80, s25, s7, $0xb8;
	[tilespmem:$0x1E400] =	vst v63  }
0x1cd: {  	_ = 	snop  }
0x1ce: {  	[spmem:s2] =	stream.indirect.scatter.add.f32 [tilespmem:s10], [sflag:$0x3], $0x80, s26, s7, $0xb8;
	[tilespmem:$0x1E400] =	vst v63  }
0x1cf: {  	_ =	swait.ge [sflag:s11], $0x4000  }
0x1d0: {  	[sflag:s11] =	ssyncset.done $0x0  }
0x1d1: {  	[sflag:s11] =	ssyncadd.s32 $0xFFFFC000  }
0x1d2: {  	_ =	swait.ge [sflag:s9], $0x4000  }
0x1d3: {  	[sflag:s9] =	ssyncset.done $0x0  }
0x1d4: {  	s19 =	simm.s32 $0x400;
	[sflag:s9] =	ssyncadd.s32 $0xFFFFC000  }
0x1d5: {  	[tilespmem:s10], [sflag:$0x1] =	stream.indirect.gather [hbm4b:s3+s7], $0x80, s19, s7, $0xb8;
	[tilespmem:$0x1E400] =	vst v63  }
0x1d6: {  	s20 =	simm.s32 $0x1780  }
0x1d7: {  	[spmem:s2] =	stream.indirect.scatter.add.f32 [tilespmem:s8], [sflag:$0x3], $0x80, s20, s7, $0xb8;
	[tilespmem:$0x1E400] =	vst v63  }
0x1d8: {  	_ =	swait.ge [sflag:s12], $0x4000  }
0x1d9: {  	[sflag:s12] =	ssyncset.done $0x0  }
0x1da: {  	[sflag:s12] =	ssyncadd.s32 $0xFFFFC000  }
0x1db: {  	_ =	swait.ge [sflag:s9], $0x4000  }
0x1dc: {  	[sflag:s9] =	ssyncset.done $0x0  }
0x1dd: {  	s21 =	simm.s32 $0x480;
	[sflag:s9] =	ssyncadd.s32 $0xFFFFC000  }
0x1de: {  	[tilespmem:s8], [sflag:$0x2] =	stream.indirect.gather [hbm4b:s3+s7], $0x80, s21, s7, $0xb8;
	[tilespmem:$0x1E400] =	vst v63  }
0x1df: {  	s22 =	simm.s32 $0x1800  }
0x1e0: {  	[spmem:s2] =	stream.indirect.scatter.add.f32 [tilespmem:s10], [sflag:$0x3], $0x80, s22, s7, $0xb8;
	[tilespmem:$0x1E400] =	vst v63  }
0x1e1: {  	_ =	swait.ge [sflag:s11], $0x4000  }
0x1e2: {  	[sflag:s11] =	ssyncset.done $0x0  }
0x1e3: {  	[sflag:s11] =	ssyncadd.s32 $0xFFFFC000  }
0x1e4: {  	_ =	swait.ge [sflag:s9], $0x4000  }
0x1e5: {  	[sflag:s9] =	ssyncset.done $0x0  }
0x1e6: {  	s23 =	simm.s32 $0x500;
	[sflag:s9] =	ssyncadd.s32 $0xFFFFC000  }
0x1e7: {  	[tilespmem:s10], [sflag:$0x1] =	stream.indirect.gather [hbm4b:s3+s7], $0x80, s23, s7, $0xb8;
	[tilespmem:$0x1E400] =	vst v63  }
0x1e8: {  	s24 =	simm.s32 $0x1880  }
0x1e9: {  	[spmem:s2] =	stream.indirect.scatter.add.f32 [tilespmem:s8], [sflag:$0x3], $0x80, s24, s7, $0xb8;
	[tilespmem:$0x1E400] =	vst v63  }
0x1ea: {  	_ =	swait.ge [sflag:s12], $0x4000  }
0x1eb: {  	[sflag:s12] =	ssyncset.done $0x0  }
0x1ec: {  	[sflag:s12] =	ssyncadd.s32 $0xFFFFC000  }
0x1ed: {  	_ =	swait.ge [sflag:s9], $0x4000  }
0x1ee: {  	[sflag:s9] =	ssyncset.done $0x0  }
0x1ef: {  	s25 =	simm.s32 $0x580;
	[sflag:s9] =	ssyncadd.s32 $0xFFFFC000  }
0x1f0: {  	[tilespmem:s8], [sflag:$0x2] =	stream.indirect.gather [hbm4b:s3+s7], $0x80, s25, s7, $0xb8;
	[tilespmem:$0x1E400] =	vst v63  }
0x1f1: {  	s26 =	simm.s32 $0x1900  }
0x1f2: {  	[spmem:s2] =	stream.indirect.scatter.add.f32 [tilespmem:s10], [sflag:$0x3], $0x80, s26, s7, $0xb8;
	[tilespmem:$0x1E400] =	vst v63  }
0x1f3: {  	_ =	swait.ge [sflag:s11], $0x4000  }
0x1f4: {  	[sflag:s11] =	ssyncset.done $0x0  }
0x1f5: {  	[sflag:s11] =	ssyncadd.s32 $0xFFFFC000  }
0x1f6: {  	_ =	swait.ge [sflag:s9], $0x4000  }
0x1f7: {  	[sflag:s9] =	ssyncset.done $0x0  }
0x1f8: {  	s1 =	simm.s32 $0x600;
	[sflag:s9] =	ssyncadd.s32 $0xFFFFC000  }
0x1f9: {  	[tilespmem:s10], [sflag:$0x1] =	stream.indirect.gather [hbm4b:s3+s7], $0x80, s1, s7, $0xb8;
	[tilespmem:$0x1E400] =	vst v63  }
0x1fa: {  	s13 =	simm.s32 $0x1980  }
0x1fb: {  	[spmem:s2] =	stream.indirect.scatter.add.f32 [tilespmem:s8], [sflag:$0x3], $0x80, s13, s7, $0xb8;
	[tilespmem:$0x1E400] =	vst v63  }
0x1fc: {  	_ =	swait.ge [sflag:s12], $0x4000  }
0x1fd: {  	[sflag:s12] =	ssyncset.done $0x0  }
0x1fe: {  	[sflag:s12] =	ssyncadd.s32 $0xFFFFC000  }
0x1ff: {  	_ =	swait.ge [sflag:s9], $0x4000  }
0x200: {  	[sflag:s9] =	ssyncset.done $0x0  }
0x201: {  	s15 =	simm.s32 $0x680;
	[sflag:s9] =	ssyncadd.s32 $0xFFFFC000  }
0x202: {  	[tilespmem:s8], [sflag:$0x2] =	stream.indirect.gather [hbm4b:s3+s7], $0x80, s15, s7, $0xb8;
	[tilespmem:$0x1E400] =	vst v63  }
0x203: {  	s16 =	simm.s32 $0x1A00  }
0x204: {  	[spmem:s2] =	stream.indirect.scatter.add.f32 [tilespmem:s10], [sflag:$0x3], $0x80, s16, s7, $0xb8;
	[tilespmem:$0x1E400] =	vst v63  }
0x205: {  	_ =	swait.ge [sflag:s11], $0x4000  }
0x206: {  	[sflag:s11] =	ssyncset.done $0x0  }
0x207: {  	[sflag:s11] =	ssyncadd.s32 $0xFFFFC000  }
0x208: {  	_ =	swait.ge [sflag:s9], $0x4000  }
0x209: {  	[sflag:s9] =	ssyncset.done $0x0  }
0x20a: {  	s17 =	simm.s32 $0x700;
	[sflag:s9] =	ssyncadd.s32 $0xFFFFC000  }
0x20b: {  	[tilespmem:s10], [sflag:$0x1] =	stream.indirect.gather [hbm4b:s3+s7], $0x80, s17, s7, $0xb8;
	[tilespmem:$0x1E400] =	vst v63  }
0x20c: {  	s18 =	simm.s32 $0x1A80  }
0x20d: {  	[spmem:s2] =	stream.indirect.scatter.add.f32 [tilespmem:s8], [sflag:$0x3], $0x80, s18, s7, $0xb8;
	[tilespmem:$0x1E400] =	vst v63  }
0x20e: {  	_ =	swait.ge [sflag:s12], $0x4000  }
0x20f: {  	[sflag:s12] =	ssyncset.done $0x0  }
0x210: {  	[sflag:s12] =	ssyncadd.s32 $0xFFFFC000  }
0x211: {  	_ =	swait.ge [sflag:s9], $0x4000  }
0x212: {  	[sflag:s9] =	ssyncset.done $0x0  }
0x213: {  	s19 =	simm.s32 $0x780;
	[sflag:s9] =	ssyncadd.s32 $0xFFFFC000  }
0x214: {  	[tilespmem:s8], [sflag:$0x2] =	stream.indirect.gather [hbm4b:s3+s7], $0x80, s19, s7, $0xb8;
	[tilespmem:$0x1E400] =	vst v63  }
0x215: {  	s20 =	simm.s32 $0x1B00  }
0x216: {  	[spmem:s2] =	stream.indirect.scatter.add.f32 [tilespmem:s10], [sflag:$0x3], $0x80, s20, s7, $0xb8;
	[tilespmem:$0x1E400] =	vst v63  }
0x217: {  	_ =	swait.ge [sflag:s11], $0x4000  }
0x218: {  	[sflag:s11] =	ssyncset.done $0x0  }
0x219: {  	[sflag:s11] =	ssyncadd.s32 $0xFFFFC000  }
0x21a: {  	_ =	swait.ge [sflag:s9], $0x4000  }
0x21b: {  	[sflag:s9] =	ssyncset.done $0x0  }
0x21c: {  	s21 =	simm.s32 $0x800;
	[sflag:s9] =	ssyncadd.s32 $0xFFFFC000  }
0x21d: {  	[tilespmem:s10], [sflag:$0x1] =	stream.indirect.gather [hbm4b:s3+s7], $0x80, s21, s7, $0xb8;
	[tilespmem:$0x1E400] =	vst v63  }
0x21e: {  	s22 =	simm.s32 $0x1B80  }
0x21f: {  	[spmem:s2] =	stream.indirect.scatter.add.f32 [tilespmem:s8], [sflag:$0x3], $0x80, s22, s7, $0xb8;
	[tilespmem:$0x1E400] =	vst v63  }
0x220: {  	_ =	swait.ge [sflag:s12], $0x4000  }
0x221: {  	[sflag:s12] =	ssyncset.done $0x0  }
0x222: {  	[sflag:s12] =	ssyncadd.s32 $0xFFFFC000  }
0x223: {  	_ =	swait.ge [sflag:s9], $0x4000  }
0x224: {  	[sflag:s9] =	ssyncset.done $0x0  }
0x225: {  	s23 =	simm.s32 $0x880;
	[sflag:s9] =	ssyncadd.s32 $0xFFFFC000  }
0x226: {  	[tilespmem:s8], [sflag:$0x2] =	stream.indirect.gather [hbm4b:s3+s7], $0x80, s23, s7, $0xb8;
	[tilespmem:$0x1E400] =	vst v63  }
0x227: {  	s24 =	simm.s32 $0x1C00  }
0x228: {  	[spmem:s2] =	stream.indirect.scatter.add.f32 [tilespmem:s10], [sflag:$0x3], $0x80, s24, s7, $0xb8;
	[tilespmem:$0x1E400] =	vst v63  }
0x229: {  	_ =	swait.ge [sflag:s11], $0x4000  }
0x22a: {  	[sflag:s11] =	ssyncset.done $0x0  }
0x22b: {  	[sflag:s11] =	ssyncadd.s32 $0xFFFFC000  }
0x22c: {  	_ =	swait.ge [sflag:s9], $0x4000  }
0x22d: {  	[sflag:s9] =	ssyncset.done $0x0  }
0x22e: {  	[sflag:s9] =	ssyncadd.s32 $0xFFFFC000  }
0x22f: {  	[tilespmem:s10], [sflag:$0x1] =	stream.indirect.gather [hbm4b:s3+s7], $0x80, s30, s7, $0xb8;
	[tilespmem:$0x1E400] =	vst v63  }
0x230: {  	s25 =	simm.s32 $0x1C80  }
0x231: {  	[spmem:s2] =	stream.indirect.scatter.add.f32 [tilespmem:s8], [sflag:$0x3], $0x80, s25, s7, $0xb8;
	[tilespmem:$0x1E400] =	vst v63  }
0x232: {  	_ =	swait.ge [sflag:s12], $0x4000  }
0x233: {  	[sflag:s12] =	ssyncset.done $0x0  }
0x234: {  	[sflag:s12] =	ssyncadd.s32 $0xFFFFC000  }
0x235: {  	_ =	swait.ge [sflag:s9], $0x4000  }
0x236: {  	[sflag:s9] =	ssyncset.done $0x0  }
0x237: {  	[sflag:s9] =	ssyncadd.s32 $0xFFFFC000  }
0x238: {  	[tilespmem:s8], [sflag:$0x2] =	stream.indirect.gather [hbm4b:s3+s7], $0x80, s6, s7, $0xb8;
	[tilespmem:$0x1E400] =	vst v63  }
0x239: {  	s26 =	simm.s32 $0x1D00  }
0x23a: {  	[spmem:s2] =	stream.indirect.scatter.add.f32 [tilespmem:s10], [sflag:$0x3], $0x80, s26, s7, $0xb8;
	[tilespmem:$0x1E400] =	vst v63  }
0x23b: {  	s6 =	rddreg [dreg:$0xd];
	_ =	swait.ge [sflag:s11], $0x4000  }
0x23c: {  	[sflag:s11] =	ssyncset.done $0x0  }
0x23d: {  	[sflag:s11] =	ssyncadd.s32 $0xFFFFC000  }
0x23e: {  	_ =	swait.ge [sflag:s9], $0x4000  }
0x23f: {  	[sflag:s9] =	ssyncset.done $0x0  }
0x240: {  	[sflag:s9] =	ssyncadd.s32 $0xFFFFC000  }
0x241: {  	[tilespmem:s10], [sflag:$0x1] =	stream.indirect.gather [hbm4b:s3+s7], $0x80, s5, s7, $0xb8;
	[tilespmem:$0x1E400] =	vst v63  }
0x242: {  	s30 =	simm.s32 $0x1D80  }
0x243: {  	[spmem:s2] =	stream.indirect.scatter.add.f32 [tilespmem:s8], [sflag:$0x3], $0x80, s30, s7, $0xb8;
	[tilespmem:$0x1E400] =	vst v63  }
0x244: {  	s5 =	rddreg [dreg:$0xc];
	_ =	swait.ge [sflag:s12], $0x4000  }
0x245: {  	[sflag:s12] =	ssyncset.done $0x0  }
0x246: {  	[sflag:s12] =	ssyncadd.s32 $0xFFFFC000  }
0x247: {  	_ =	swait.ge [sflag:s9], $0x4000  }
0x248: {  	[sflag:s9] =	ssyncset.done $0x0  }
0x249: {  	[sflag:s9] =	ssyncadd.s32 $0xFFFFC000  }
0x24a: {  	[tilespmem:s8], [sflag:$0x2] =	stream.indirect.gather [hbm4b:s3+s7], $0x80, s31, s7, $0xb8;
	[tilespmem:$0x1E400] =	vst v63  }
0x24b: {  	s31 =	simm.s32 $0x1E00  }
0x24c: {  	[spmem:s2] =	stream.indirect.scatter.add.f32 [tilespmem:s10], [sflag:$0x3], $0x80, s31, s7, $0xb8;
	[tilespmem:$0x1E400] =	vst v63  }
0x24d: {  	_ =	swait.ge [sflag:s11], $0x4000  }
0x24e: {  	[sflag:s11] =	ssyncset.done $0x0  }
0x24f: {  	[sflag:s11] =	ssyncadd.s32 $0xFFFFC000  }
0x250: {  	_ =	swait.ge [sflag:s9], $0x4000  }
0x251: {  	[sflag:s9] =	ssyncset.done $0x0  }
0x252: {  	[sflag:s9] =	ssyncadd.s32 $0xFFFFC000  }
0x253: {  	[tilespmem:s10], [sflag:$0x1] =	stream.indirect.gather [hbm4b:s3+s7], $0x80, s29, s7, $0xb8;
	[tilespmem:$0x1E400] =	vst v63  }
0x254: {  	s1 =	simm.s32 $0x1E80  }
0x255: {  	[spmem:s2] =	stream.indirect.scatter.add.f32 [tilespmem:s8], [sflag:$0x3], $0x80, s1, s7, $0xb8;
	[tilespmem:$0x1E400] =	vst v63  }
0x256: {  	_ =	swait.ge [sflag:s12], $0x4000  }
0x257: {  	[sflag:s12] =	ssyncset.done $0x0  }
0x258: {  	[sflag:s12] =	ssyncadd.s32 $0xFFFFC000  }
0x259: {  	_ =	swait.ge [sflag:s9], $0x4000  }
0x25a: {  	[sflag:s9] =	ssyncset.done $0x0  }
0x25b: {  	[sflag:s9] =	ssyncadd.s32 $0xFFFFC000  }
0x25c: {  	[tilespmem:s8], [sflag:$0x2] =	stream.indirect.gather [hbm4b:s3+s7], $0x80, s28, s7, $0xb8;
	[tilespmem:$0x1E400] =	vst v63  }
0x25d: {  	s13 =	simm.s32 $0x1F00  }
0x25e: {  	[spmem:s2] =	stream.indirect.scatter.add.f32 [tilespmem:s10], [sflag:$0x3], $0x80, s13, s7, $0xb8;
	[tilespmem:$0x1E400] =	vst v63  }
0x25f: {  	_ =	swait.ge [sflag:s11], $0x4000  }
0x260: {  	[sflag:s11] =	ssyncset.done $0x0  }
0x261: {  	[sflag:s11] =	ssyncadd.s32 $0xFFFFC000  }
0x262: {  	_ =	swait.ge [sflag:s9], $0x4000  }
0x263: {  	[sflag:s9] =	ssyncset.done $0x0  }
0x264: {  	s15 =	simm.s32 $0xC00;
	[sflag:s9] =	ssyncadd.s32 $0xFFFFC000  }
0x265: {  	[tilespmem:s10], [sflag:$0x1] =	stream.indirect.gather [hbm4b:s3+s7], $0x80, s15, s7, $0xb8;
	[tilespmem:$0x1E400] =	vst v63  }
0x266: {  	s16 =	simm.s32 $0x1F80  }
0x267: {  	[spmem:s2] =	stream.indirect.scatter.add.f32 [tilespmem:s8], [sflag:$0x3], $0x80, s16, s7, $0xb8;
	[tilespmem:$0x1E400] =	vst v63  }
0x268: {  	_ =	swait.ge [sflag:s12], $0x4000  }
0x269: {  	[sflag:s12] =	ssyncset.done $0x0  }
0x26a: {  	[sflag:s12] =	ssyncadd.s32 $0xFFFFC000  }
0x26b: {  	_ =	swait.ge [sflag:s9], $0x4000  }
0x26c: {  	[sflag:s9] =	ssyncset.done $0x0  }
0x26d: {  	s17 =	simm.s32 $0xC80;
	[sflag:s9] =	ssyncadd.s32 $0xFFFFC000  }
0x26e: {  	[tilespmem:s8], [sflag:$0x2] =	stream.indirect.gather [hbm4b:s3+s7], $0x80, s17, s7, $0xb8;
	[tilespmem:$0x1E400] =	vst v63  }
0x26f: {  	s18 =	simm.s32 $0x2000  }
0x270: {  	[spmem:s2] =	stream.indirect.scatter.add.f32 [tilespmem:s10], [sflag:$0x3], $0x80, s18, s7, $0xb8;
	[tilespmem:$0x1E400] =	vst v63  }
0x271: {  	_ =	swait.ge [sflag:s11], $0x4000  }
0x272: {  	[sflag:s11] =	ssyncset.done $0x0  }
0x273: {  	[sflag:s11] =	ssyncadd.s32 $0xFFFFC000  }
0x274: {  	_ =	swait.ge [sflag:s9], $0x4000  }
0x275: {  	[sflag:s9] =	ssyncset.done $0x0  }
0x276: {  	s19 =	simm.s32 $0xD00;
	[sflag:s9] =	ssyncadd.s32 $0xFFFFC000  }
0x277: {  	[tilespmem:s10], [sflag:$0x1] =	stream.indirect.gather [hbm4b:s3+s7], $0x80, s19, s7, $0xb8;
	[tilespmem:$0x1E400] =	vst v63  }
0x278: {  	s20 =	simm.s32 $0x2080  }
0x279: {  	[spmem:s2] =	stream.indirect.scatter.add.f32 [tilespmem:s8], [sflag:$0x3], $0x80, s20, s7, $0xb8;
	[tilespmem:$0x1E400] =	vst v63  }
0x27a: {  	_ =	swait.ge [sflag:s12], $0x4000  }
0x27b: {  	[sflag:s12] =	ssyncset.done $0x0  }
0x27c: {  	[sflag:s12] =	ssyncadd.s32 $0xFFFFC000  }
0x27d: {  	_ =	swait.ge [sflag:s9], $0x4000  }
0x27e: {  	[sflag:s9] =	ssyncset.done $0x0  }
0x27f: {  	s21 =	simm.s32 $0xD80;
	[sflag:s9] =	ssyncadd.s32 $0xFFFFC000  }
0x280: {  	[tilespmem:s8], [sflag:$0x2] =	stream.indirect.gather [hbm4b:s3+s7], $0x80, s21, s7, $0xb8;
	[tilespmem:$0x1E400] =	vst v63  }
0x281: {  	s22 =	simm.s32 $0x2100  }
0x282: {  	[spmem:s2] =	stream.indirect.scatter.add.f32 [tilespmem:s10], [sflag:$0x3], $0x80, s22, s7, $0xb8;
	[tilespmem:$0x1E400] =	vst v63  }
0x283: {  	_ =	swait.ge [sflag:s11], $0x4000  }
0x284: {  	[sflag:s11] =	ssyncset.done $0x0  }
0x285: {  	[sflag:s11] =	ssyncadd.s32 $0xFFFFC000  }
0x286: {  	_ =	swait.ge [sflag:s9], $0x4000  }
0x287: {  	[sflag:s9] =	ssyncset.done $0x0  }
0x288: {  	s23 =	simm.s32 $0xE00;
	[sflag:s9] =	ssyncadd.s32 $0xFFFFC000  }
0x289: {  	[tilespmem:s10], [sflag:$0x1] =	stream.indirect.gather [hbm4b:s3+s7], $0x80, s23, s7, $0xb8;
	[tilespmem:$0x1E400] =	vst v63  }
0x28a: {  	s24 =	simm.s32 $0x2180  }
0x28b: {  	[spmem:s2] =	stream.indirect.scatter.add.f32 [tilespmem:s8], [sflag:$0x3], $0x80, s24, s7, $0xb8;
	[tilespmem:$0x1E400] =	vst v63  }
0x28c: {  	_ =	swait.ge [sflag:s12], $0x4000  }
0x28d: {  	[sflag:s12] =	ssyncset.done $0x0  }
0x28e: {  	[sflag:s12] =	ssyncadd.s32 $0xFFFFC000  }
0x28f: {  	_ =	swait.ge [sflag:s9], $0x4000  }
0x290: {  	[sflag:s9] =	ssyncset.done $0x0  }
0x291: {  	s25 =	simm.s32 $0xE80;
	[sflag:s9] =	ssyncadd.s32 $0xFFFFC000  }
0x292: {  	[tilespmem:s8], [sflag:$0x2] =	stream.indirect.gather [hbm4b:s3+s7], $0x80, s25, s7, $0xb8;
	[tilespmem:$0x1E400] =	vst v63  }
0x293: {  	s26 =	simm.s32 $0x2200  }
0x294: {  	[spmem:s2] =	stream.indirect.scatter.add.f32 [tilespmem:s10], [sflag:$0x3], $0x80, s26, s7, $0xb8;
	[tilespmem:$0x1E400] =	vst v63  }
0x295: {  	_ =	swait.ge [sflag:s11], $0x4000  }
0x296: {  	[sflag:s11] =	ssyncset.done $0x0  }
0x297: {  	[sflag:s11] =	ssyncadd.s32 $0xFFFFC000  }
0x298: {  	_ =	swait.ge [sflag:s9], $0x4000  }
0x299: {  	[sflag:s9] =	ssyncset.done $0x0  }
0x29a: {  	s28 =	simm.s32 $0xF00;
	[sflag:s9] =	ssyncadd.s32 $0xFFFFC000  }
0x29b: {  	[tilespmem:s10], [sflag:$0x1] =	stream.indirect.gather [hbm4b:s3+s7], $0x80, s28, s7, $0xb8;
	[tilespmem:$0x1E400] =	vst v63  }
0x29c: {  	s29 =	simm.s32 $0x2280  }
0x29d: {  	[spmem:s2] =	stream.indirect.scatter.add.f32 [tilespmem:s8], [sflag:$0x3], $0x80, s29, s7, $0xb8;
	[tilespmem:$0x1E400] =	vst v63  }
0x29e: {  	_ =	swait.ge [sflag:s12], $0x4000  }
0x29f: {  	[sflag:s12] =	ssyncset.done $0x0  }
0x2a0: {  	[sflag:s12] =	ssyncadd.s32 $0xFFFFC000  }
0x2a1: {  	_ =	swait.ge [sflag:s9], $0x4000  }
0x2a2: {  	[sflag:s9] =	ssyncset.done $0x0  }
0x2a3: {  	s30 =	simm.s32 $0xF80;
	[sflag:s9] =	ssyncadd.s32 $0xFFFFC000  }
0x2a4: {  	[tilespmem:s8], [sflag:$0x2] =	stream.indirect.gather [hbm4b:s3+s7], $0x80, s30, s7, $0xb8;
	[tilespmem:$0x1E400] =	vst v63  }
0x2a5: {  	s31 =	simm.s32 $0x2300  }
0x2a6: {  	[spmem:s2] =	stream.indirect.scatter.add.f32 [tilespmem:s10], [sflag:$0x3], $0x80, s31, s7, $0xb8;
	[tilespmem:$0x1E400] =	vst v63  }
0x2a7: {  	_ =	swait.ge [sflag:s11], $0x4000  }
0x2a8: {  	[sflag:s11] =	ssyncset.done $0x0  }
0x2a9: {  	[sflag:s11] =	ssyncadd.s32 $0xFFFFC000  }
0x2aa: {  	_ =	swait.ge [sflag:s9], $0x4000  }
0x2ab: {  	[sflag:s9] =	ssyncset.done $0x0  }
0x2ac: {  	s1 =	simm.s32 $0x1000;
	[sflag:s9] =	ssyncadd.s32 $0xFFFFC000  }
0x2ad: {  	[tilespmem:s10], [sflag:$0x1] =	stream.indirect.gather [hbm4b:s3+s7], $0x80, s1, s7, $0xb8;
	[tilespmem:$0x1E400] =	vst v63  }
0x2ae: {  	s13 =	simm.s32 $0x2380  }
0x2af: {  	[spmem:s2] =	stream.indirect.scatter.add.f32 [tilespmem:s8], [sflag:$0x3], $0x80, s13, s7, $0xb8;
	[tilespmem:$0x1E400] =	vst v63  }
0x2b0: {  	_ =	swait.ge [sflag:s12], $0x4000  }
0x2b1: {  	[sflag:s12] =	ssyncset.done $0x0  }
0x2b2: {  	[sflag:s12] =	ssyncadd.s32 $0xFFFFC000  }
0x2b3: {  	_ =	swait.ge [sflag:s9], $0x4000  }
0x2b4: {  	[sflag:s9] =	ssyncset.done $0x0  }
0x2b5: {  	s15 =	simm.s32 $0x1080;
	[sflag:s9] =	ssyncadd.s32 $0xFFFFC000  }
0x2b6: {  	[tilespmem:s8], [sflag:$0x2] =	stream.indirect.gather [hbm4b:s3+s7], $0x80, s15, s7, $0xb8;
	[tilespmem:$0x1E400] =	vst v63  }
0x2b7: {  	s16 =	simm.s32 $0x2400  }
0x2b8: {  	[spmem:s2] =	stream.indirect.scatter.add.f32 [tilespmem:s10], [sflag:$0x3], $0x80, s16, s7, $0xb8;
	[tilespmem:$0x1E400] =	vst v63  }
0x2b9: {  	_ =	swait.ge [sflag:s11], $0x4000  }
0x2ba: {  	[sflag:s11] =	ssyncset.done $0x0  }
0x2bb: {  	[sflag:s11] =	ssyncadd.s32 $0xFFFFC000  }
0x2bc: {  	_ =	swait.ge [sflag:s9], $0x4000  }
0x2bd: {  	[sflag:s9] =	ssyncset.done $0x0  }
0x2be: {  	s17 =	simm.s32 $0x1100;
	[sflag:s9] =	ssyncadd.s32 $0xFFFFC000  }
0x2bf: {  	[tilespmem:s10], [sflag:$0x1] =	stream.indirect.gather [hbm4b:s3+s7], $0x80, s17, s7, $0xb8;
	[tilespmem:$0x1E400] =	vst v63  }
0x2c0: {  	s18 =	simm.s32 $0x2480  }
0x2c1: {  	[spmem:s2] =	stream.indirect.scatter.add.f32 [tilespmem:s8], [sflag:$0x3], $0x80, s18, s7, $0xb8;
	[tilespmem:$0x1E400] =	vst v63  }
0x2c2: {  	_ =	swait.ge [sflag:s12], $0x4000  }
0x2c3: {  	[sflag:s12] =	ssyncset.done $0x0  }
0x2c4: {  	[sflag:s12] =	ssyncadd.s32 $0xFFFFC000  }
0x2c5: {  	_ =	swait.ge [sflag:s9], $0x4000  }
0x2c6: {  	[sflag:s9] =	ssyncset.done $0x0  }
0x2c7: {  	s19 =	simm.s32 $0x1180;
	[sflag:s9] =	ssyncadd.s32 $0xFFFFC000  }
0x2c8: {  	[tilespmem:s8], [sflag:$0x2] =	stream.indirect.gather [hbm4b:s3+s7], $0x80, s19, s7, $0xb8;
	[tilespmem:$0x1E400] =	vst v63  }
0x2c9: {  	s20 =	simm.s32 $0x2500  }
0x2ca: {  	[spmem:s2] =	stream.indirect.scatter.add.f32 [tilespmem:s10], [sflag:$0x3], $0x80, s20, s7, $0xb8;
	[tilespmem:$0x1E400] =	vst v63  }
0x2cb: {  	_ =	swait.ge [sflag:s11], $0x4000  }
0x2cc: {  	[sflag:s11] =	ssyncset.done $0x0  }
0x2cd: {  	[sflag:s11] =	ssyncadd.s32 $0xFFFFC000  }
0x2ce: {  	_ =	swait.ge [sflag:s9], $0x4000  }
0x2cf: {  	[sflag:s9] =	ssyncset.done $0x0  }
0x2d0: {  	s21 =	simm.s32 $0x1200;
	[sflag:s9] =	ssyncadd.s32 $0xFFFFC000  }
0x2d1: {  	[tilespmem:s10], [sflag:$0x1] =	stream.indirect.gather [hbm4b:s3+s7], $0x80, s21, s7, $0xb8;
	[tilespmem:$0x1E400] =	vst v63  }
0x2d2: {  	s22 =	simm.s32 $0x2580  }
0x2d3: {  	[spmem:s2] =	stream.indirect.scatter.add.f32 [tilespmem:s8], [sflag:$0x3], $0x80, s22, s7, $0xb8;
	[tilespmem:$0x1E400] =	vst v63  }
0x2d4: {  	_ =	swait.ge [sflag:s12], $0x4000  }
0x2d5: {  	[sflag:s12] =	ssyncset.done $0x0  }
0x2d6: {  	[sflag:s12] =	ssyncadd.s32 $0xFFFFC000  }
0x2d7: {  	_ =	swait.ge [sflag:s9], $0x4000  }
0x2d8: {  	[sflag:s9] =	ssyncset.done $0x0  }
0x2d9: {  	s23 =	simm.s32 $0x1280;
	[sflag:s9] =	ssyncadd.s32 $0xFFFFC000  }
0x2da: {  	[tilespmem:s8], [sflag:$0x2] =	stream.indirect.gather [hbm4b:s3+s7], $0x80, s23, s7, $0xb8;
	[tilespmem:$0x1E400] =	vst v63  }
0x2db: {  	s24 =	simm.s32 $0x2600  }
0x2dc: {  	[spmem:s2] =	stream.indirect.scatter.add.f32 [tilespmem:s10], [sflag:$0x3], $0x80, s24, s7, $0xb8;
	[tilespmem:$0x1E400] =	vst v63  }
0x2dd: {  	_ =	swait.ge [sflag:s11], $0x4000  }
0x2de: {  	[sflag:s11] =	ssyncset.done $0x0  }
0x2df: {  	[sflag:s11] =	ssyncadd.s32 $0xFFFFC000  }
0x2e0: {  	_ =	swait.ge [sflag:s9], $0x4000  }
0x2e1: {  	[sflag:s9] =	ssyncset.done $0x0  }
0x2e2: {  	s25 =	simm.s32 $0x1300;
	[sflag:s9] =	ssyncadd.s32 $0xFFFFC000  }
0x2e3: {  	[tilespmem:s10], [sflag:$0x1] =	stream.indirect.gather [hbm4b:s3+s7], $0x80, s25, s7, $0xb8;
	[tilespmem:$0x1E400] =	vst v63  }
0x2e4: {  	s26 =	simm.s32 $0x2680  }
0x2e5: {  	[spmem:s2] =	stream.indirect.scatter.add.f32 [tilespmem:s8], [sflag:$0x3], $0x80, s26, s7, $0xb8;
	[tilespmem:$0x1E400] =	vst v63  }
0x2e6: {  	_ =	swait.ge [sflag:s12], $0x4000  }
0x2e7: {  	[sflag:s12] =	ssyncset.done $0x0  }
0x2e8: {  	[sflag:s12] =	ssyncadd.s32 $0xFFFFC000  }
0x2e9: {  	_ =	swait.ge [sflag:s9], $0x4000  }
0x2ea: {  	[sflag:s9] =	ssyncset.done $0x0  }
0x2eb: {  	s28 =	simm.s32 $0x1380;
	[sflag:s9] =	ssyncadd.s32 $0xFFFFC000  }
0x2ec: {  	[tilespmem:s8], [sflag:$0x2] =	stream.indirect.gather [hbm4b:s3+s7], $0x80, s28, s7, $0xb8;
	[tilespmem:$0x1E400] =	vst v63  }
0x2ed: {  	s29 =	simm.s32 $0x2700  }
0x2ee: {  	[spmem:s2] =	stream.indirect.scatter.add.f32 [tilespmem:s10], [sflag:$0x3], $0x80, s29, s7, $0xb8;
	[tilespmem:$0x1E400] =	vst v63  }
0x2ef: {  	_ =	swait.ge [sflag:s11], $0x4000  }
0x2f0: {  	[sflag:s11] =	ssyncset.done $0x0  }
0x2f1: {  	[sflag:s11] =	ssyncadd.s32 $0xFFFFC000  }
0x2f2: {  	_ =	swait.ge [sflag:s9], $0x4000  }
0x2f3: {  	[sflag:s9] =	ssyncset.done $0x0  }
0x2f4: {  	s30 =	simm.s32 $0x2780;
	[sflag:s9] =	ssyncadd.s32 $0xFFFFC000  }
0x2f5: {  	[spmem:s2] =	stream.indirect.scatter.add.f32 [tilespmem:s8], [sflag:$0x3], $0x80, s30, s7, $0xb8;
	[tilespmem:$0x1E400] =	vst v63  }
0x2f6: {  	_ =	swait.ge [sflag:s9], $0x4000  }
0x2f7: {  	[sflag:s9] =	ssyncset.done $0x0  }
0x2f8: {  	p1 =	sne.s32 s4, $0x1;
	[sflag:s9] =	ssyncadd.s32 $0xFFFFC000  }
.Ltmp1:
0x2f9: {  	[bflag:$0x0] =	sbarrier.arrive $0xFFFF;
	(pc) =	sbr.rel @!p1 .LBB2_6-.Ltmp1, $4  }
0x2fa: {  	s31 =	rddreg [dreg:$0xb]  }
0x2fb: {  	[hbm:s31], [sflag:s5] =	dma.local [spmem:s6], $0x2780  }
0x2fc: {  	p0 =	por $0x1, $0x1;
	_ =	swait.ge [sflag:s14], $0x2780  }
0x2fd: {  	s0 =	sadd.s32 $0xFFFFFFFF, s4;
	s13 =	rddreg [dreg:$0x6];
	[sflag:s14] =	ssyncset.done $0x0  }
0x2fe: {  	s4 =	simm.s32 $0x0;
	s17 =	simm.s32 $0x100  }
0x2ff: {  	s16 =	simm.s32 $0x180;
	s15 =	simm.s32 $0x200;
	s18 =	simm.s32 $0x880  }
0x300: {  	s30 =	simm.s32 $0x900;
	s31 =	simm.s32 $0xA80;
	s29 =	simm.s32 $0xB00  }
0x301: {  	s28 =	simm.s32 $0xB80;
	s26 =	simm.s32 $0xC00;
	s25 =	simm.s32 $0xC80  }
0x302: {  	s24 =	simm.s32 $0xD00;
	s23 =	simm.s32 $0xD80;
	s22 =	simm.s32 $0xE00  }
0x303: {  	s21 =	simm.s32 $0xE80;
	s20 =	simm.s32 $0xF00;
	s19 =	simm.s32 $0xF80  }
.LBB2_3:
0x304: {  	[sflag:s14] =	ssyncadd.s32 $0xFFFFD880  }
0x305: {  	[tilespmem:s4], [sflag:$0x4] =	stream.linear.gather [hbm4b:s13+s4], $0x1400, $0x38;
	[tilespmem:$0x1E400] =	vst v63  }
0x306: {  	_ =	swait.ge [sflag:s14], $0x1400  }
0x307: {  	[sflag:s14] =	ssyncset.done $0x0  }
0x308: {  	s1 =	simm.s32 $0x1400;
	s13 =	rddreg [dreg:$0x7];
	[sflag:s14] =	ssyncadd.s32 $0xFFFFEC00  }
0x309: {  	[tilespmem:s1], [sflag:$0x4] =	stream.linear.gather [hbm4b:s13+s4], $0x1400, $0x38;
	[tilespmem:$0x1E400] =	vst v63  }
0x30a: {  	_ =	swait.ge [sflag:s14], $0x1400  }
0x30b: {  	[sflag:s14] =	ssyncset.done $0x0  }
0x30c: {  	[sflag:s14] =	ssyncadd.s32 $0xFFFFEC00  }
0x30d: {  	[tilespmem:s10], [sflag:$0x1] =	stream.indirect.gather [hbm4b:s3+s7], $0x80, s4, s7, $0xb8;
	[tilespmem:$0x1E400] =	vst v63  }
0x30e: {  	s13 =	rddreg [dreg:$0x8]  }
0x30f: {  	[tilespmem:s8], [sflag:$0x2] =	stream.indirect.gather [hbm4b:s3+s7], $0x80, s7, s7, $0xb8;
	[tilespmem:$0x1E400] =	vst v63  }
0x310: {  	[spmem:s6], [sflag:s5] =	dma.local [hbm:s13], $0x2780  }
0x311: {  	_ =	swait.ge [sflag:s14], $0x2780  }
0x312: {  	[sflag:s14] =	ssyncset.done $0x0  }
0x313: {  	[sflag:s14] =	ssyncadd.s32 $0xFFFFD880  }
0x314: {  	[bflag:$0x0] =	sbarrier.arrive $0xFFFF  }
0x315: {  	_ =	swait.ge [sflag:s12], $0x4000  }
0x316: {  	[sflag:s12] =	ssyncset.done $0x0  }
0x317: {  	[sflag:s12] =	ssyncadd.s32 $0xFFFFC000  }
0x318: {  	[spmem:s2] =	stream.indirect.scatter.add.f32 [tilespmem:s10], [sflag:$0x3], $0x80, s1, s7, $0xb8;
	[tilespmem:$0x1E400] =	vst v63  }
0x319: {  	_ =	swait.ge [sflag:s11], $0x4000  }
0x31a: {  	[sflag:s11] =	ssyncset.done $0x0  }
0x31b: {  	[sflag:s11] =	ssyncadd.s32 $0xFFFFC000  }
0x31c: {  	_ =	swait.ge [sflag:s9], $0x4000  }
0x31d: {  	[sflag:s9] =	ssyncset.done $0x0  }
0x31e: {  	[sflag:s9] =	ssyncadd.s32 $0xFFFFC000  }
0x31f: {  	[tilespmem:s10], [sflag:$0x1] =	stream.indirect.gather [hbm4b:s3+s7], $0x80, s17, s7, $0xb8;
	[tilespmem:$0x1E400] =	vst v63  }
0x320: {  	s5 =	simm.s32 $0x1480  }
0x321: {  	[spmem:s2] =	stream.indirect.scatter.add.f32 [tilespmem:s8], [sflag:$0x3], $0x80, s5, s7, $0xb8;
	[tilespmem:$0x1E400] =	vst v63  }
0x322: {  	_ =	swait.ge [sflag:s12], $0x4000  }
0x323: {  	[sflag:s12] =	ssyncset.done $0x0  }
0x324: {  	[sflag:s12] =	ssyncadd.s32 $0xFFFFC000  }
0x325: {  	_ =	swait.ge [sflag:s9], $0x4000  }
0x326: {  	[sflag:s9] =	ssyncset.done $0x0  }
0x327: {  	[sflag:s9] =	ssyncadd.s32 $0xFFFFC000  }
0x328: {  	[tilespmem:s8], [sflag:$0x2] =	stream.indirect.gather [hbm4b:s3+s7], $0x80, s16, s7, $0xb8;
	[tilespmem:$0x1E400] =	vst v63  }
0x329: {  	s13 =	simm.s32 $0x1500  }
0x32a: {  	[spmem:s2] =	stream.indirect.scatter.add.f32 [tilespmem:s10], [sflag:$0x3], $0x80, s13, s7, $0xb8;
	[tilespmem:$0x1E400] =	vst v63  }
0x32b: {  	_ =	swait.ge [sflag:s11], $0x4000  }
0x32c: {  	[sflag:s11] =	ssyncset.done $0x0  }
0x32d: {  	[sflag:s11] =	ssyncadd.s32 $0xFFFFC000  }
0x32e: {  	_ =	swait.ge [sflag:s9], $0x4000  }
0x32f: {  	[sflag:s9] =	ssyncset.done $0x0  }
0x330: {  	[sflag:s9] =	ssyncadd.s32 $0xFFFFC000  }
0x331: {  	[tilespmem:s10], [sflag:$0x1] =	stream.indirect.gather [hbm4b:s3+s7], $0x80, s15, s7, $0xb8;
	[tilespmem:$0x1E400] =	vst v63  }
0x332: {  	s13 =	simm.s32 $0x1580  }
0x333: {  	[spmem:s2] =	stream.indirect.scatter.add.f32 [tilespmem:s8], [sflag:$0x3], $0x80, s13, s7, $0xb8;
	[tilespmem:$0x1E400] =	vst v63  }
0x334: {  	_ =	swait.ge [sflag:s12], $0x4000  }
0x335: {  	[sflag:s12] =	ssyncset.done $0x0  }
0x336: {  	[sflag:s12] =	ssyncadd.s32 $0xFFFFC000  }
0x337: {  	_ =	swait.ge [sflag:s9], $0x4000  }
0x338: {  	[sflag:s9] =	ssyncset.done $0x0  }
0x339: {  	s13 =	simm.s32 $0x280;
	[sflag:s9] =	ssyncadd.s32 $0xFFFFC000  }
0x33a: {  	[tilespmem:s8], [sflag:$0x2] =	stream.indirect.gather [hbm4b:s3+s7], $0x80, s13, s7, $0xb8;
	[tilespmem:$0x1E400] =	vst v63  }
0x33b: {  	s13 =	simm.s32 $0x1600  }
0x33c: {  	[spmem:s2] =	stream.indirect.scatter.add.f32 [tilespmem:s10], [sflag:$0x3], $0x80, s13, s7, $0xb8;
	[tilespmem:$0x1E400] =	vst v63  }
0x33d: {  	_ =	swait.ge [sflag:s11], $0x4000  }
0x33e: {  	[sflag:s11] =	ssyncset.done $0x0  }
0x33f: {  	[sflag:s11] =	ssyncadd.s32 $0xFFFFC000  }
0x340: {  	_ =	swait.ge [sflag:s9], $0x4000  }
0x341: {  	[sflag:s9] =	ssyncset.done $0x0  }
0x342: {  	s13 =	simm.s32 $0x300;
	[sflag:s9] =	ssyncadd.s32 $0xFFFFC000  }
0x343: {  	[tilespmem:s10], [sflag:$0x1] =	stream.indirect.gather [hbm4b:s3+s7], $0x80, s13, s7, $0xb8;
	[tilespmem:$0x1E400] =	vst v63  }
0x344: {  	s13 =	simm.s32 $0x1680  }
0x345: {  	[spmem:s2] =	stream.indirect.scatter.add.f32 [tilespmem:s8], [sflag:$0x3], $0x80, s13, s7, $0xb8;
	[tilespmem:$0x1E400] =	vst v63  }
0x346: {  	_ =	swait.ge [sflag:s12], $0x4000  }
0x347: {  	[sflag:s12] =	ssyncset.done $0x0  }
0x348: {  	[sflag:s12] =	ssyncadd.s32 $0xFFFFC000  }
0x349: {  	_ =	swait.ge [sflag:s9], $0x4000  }
0x34a: {  	[sflag:s9] =	ssyncset.done $0x0  }
0x34b: {  	s13 =	simm.s32 $0x380;
	[sflag:s9] =	ssyncadd.s32 $0xFFFFC000  }
0x34c: {  	[tilespmem:s8], [sflag:$0x2] =	stream.indirect.gather [hbm4b:s3+s7], $0x80, s13, s7, $0xb8;
	[tilespmem:$0x1E400] =	vst v63  }
0x34d: {  	s13 =	simm.s32 $0x1700  }
0x34e: {  	[spmem:s2] =	stream.indirect.scatter.add.f32 [tilespmem:s10], [sflag:$0x3], $0x80, s13, s7, $0xb8;
	[tilespmem:$0x1E400] =	vst v63  }
0x34f: {  	_ =	swait.ge [sflag:s11], $0x4000  }
0x350: {  	[sflag:s11] =	ssyncset.done $0x0  }
0x351: {  	[sflag:s11] =	ssyncadd.s32 $0xFFFFC000  }
0x352: {  	_ =	swait.ge [sflag:s9], $0x4000  }
0x353: {  	[sflag:s9] =	ssyncset.done $0x0  }
0x354: {  	s13 =	simm.s32 $0x400;
	[sflag:s9] =	ssyncadd.s32 $0xFFFFC000  }
0x355: {  	[tilespmem:s10], [sflag:$0x1] =	stream.indirect.gather [hbm4b:s3+s7], $0x80, s13, s7, $0xb8;
	[tilespmem:$0x1E400] =	vst v63  }
0x356: {  	s13 =	simm.s32 $0x1780  }
0x357: {  	[spmem:s2] =	stream.indirect.scatter.add.f32 [tilespmem:s8], [sflag:$0x3], $0x80, s13, s7, $0xb8;
	[tilespmem:$0x1E400] =	vst v63  }
0x358: {  	_ =	swait.ge [sflag:s12], $0x4000  }
0x359: {  	[sflag:s12] =	ssyncset.done $0x0  }
0x35a: {  	[sflag:s12] =	ssyncadd.s32 $0xFFFFC000  }
0x35b: {  	_ =	swait.ge [sflag:s9], $0x4000  }
0x35c: {  	[sflag:s9] =	ssyncset.done $0x0  }
0x35d: {  	s13 =	simm.s32 $0x480;
	[sflag:s9] =	ssyncadd.s32 $0xFFFFC000  }
0x35e: {  	[tilespmem:s8], [sflag:$0x2] =	stream.indirect.gather [hbm4b:s3+s7], $0x80, s13, s7, $0xb8;
	[tilespmem:$0x1E400] =	vst v63  }
0x35f: {  	s13 =	simm.s32 $0x1800  }
0x360: {  	[spmem:s2] =	stream.indirect.scatter.add.f32 [tilespmem:s10], [sflag:$0x3], $0x80, s13, s7, $0xb8;
	[tilespmem:$0x1E400] =	vst v63  }
0x361: {  	_ =	swait.ge [sflag:s11], $0x4000  }
0x362: {  	[sflag:s11] =	ssyncset.done $0x0  }
0x363: {  	[sflag:s11] =	ssyncadd.s32 $0xFFFFC000  }
0x364: {  	_ =	swait.ge [sflag:s9], $0x4000  }
0x365: {  	[sflag:s9] =	ssyncset.done $0x0  }
0x366: {  	s13 =	simm.s32 $0x500;
	[sflag:s9] =	ssyncadd.s32 $0xFFFFC000  }
0x367: {  	[tilespmem:s10], [sflag:$0x1] =	stream.indirect.gather [hbm4b:s3+s7], $0x80, s13, s7, $0xb8;
	[tilespmem:$0x1E400] =	vst v63  }
0x368: {  	s13 =	simm.s32 $0x1880  }
0x369: {  	[spmem:s2] =	stream.indirect.scatter.add.f32 [tilespmem:s8], [sflag:$0x3], $0x80, s13, s7, $0xb8;
	[tilespmem:$0x1E400] =	vst v63  }
0x36a: {  	_ =	swait.ge [sflag:s12], $0x4000  }
0x36b: {  	[sflag:s12] =	ssyncset.done $0x0  }
0x36c: {  	[sflag:s12] =	ssyncadd.s32 $0xFFFFC000  }
0x36d: {  	_ =	swait.ge [sflag:s9], $0x4000  }
0x36e: {  	[sflag:s9] =	ssyncset.done $0x0  }
0x36f: {  	s13 =	simm.s32 $0x580;
	[sflag:s9] =	ssyncadd.s32 $0xFFFFC000  }
0x370: {  	[tilespmem:s8], [sflag:$0x2] =	stream.indirect.gather [hbm4b:s3+s7], $0x80, s13, s7, $0xb8;
	[tilespmem:$0x1E400] =	vst v63  }
0x371: {  	s13 =	simm.s32 $0x1900  }
0x372: {  	[spmem:s2] =	stream.indirect.scatter.add.f32 [tilespmem:s10], [sflag:$0x3], $0x80, s13, s7, $0xb8;
	[tilespmem:$0x1E400] =	vst v63  }
0x373: {  	_ =	swait.ge [sflag:s11], $0x4000  }
0x374: {  	[sflag:s11] =	ssyncset.done $0x0  }
0x375: {  	[sflag:s11] =	ssyncadd.s32 $0xFFFFC000  }
0x376: {  	_ =	swait.ge [sflag:s9], $0x4000  }
0x377: {  	[sflag:s9] =	ssyncset.done $0x0  }
0x378: {  	s13 =	simm.s32 $0x600;
	[sflag:s9] =	ssyncadd.s32 $0xFFFFC000  }
0x379: {  	[tilespmem:s10], [sflag:$0x1] =	stream.indirect.gather [hbm4b:s3+s7], $0x80, s13, s7, $0xb8;
	[tilespmem:$0x1E400] =	vst v63  }
0x37a: {  	s13 =	simm.s32 $0x1980  }
0x37b: {  	[spmem:s2] =	stream.indirect.scatter.add.f32 [tilespmem:s8], [sflag:$0x3], $0x80, s13, s7, $0xb8;
	[tilespmem:$0x1E400] =	vst v63  }
0x37c: {  	_ =	swait.ge [sflag:s12], $0x4000  }
0x37d: {  	[sflag:s12] =	ssyncset.done $0x0  }
0x37e: {  	[sflag:s12] =	ssyncadd.s32 $0xFFFFC000  }
0x37f: {  	_ =	swait.ge [sflag:s9], $0x4000  }
0x380: {  	[sflag:s9] =	ssyncset.done $0x0  }
0x381: {  	s13 =	simm.s32 $0x680;
	[sflag:s9] =	ssyncadd.s32 $0xFFFFC000  }
0x382: {  	[tilespmem:s8], [sflag:$0x2] =	stream.indirect.gather [hbm4b:s3+s7], $0x80, s13, s7, $0xb8;
	[tilespmem:$0x1E400] =	vst v63  }
0x383: {  	s13 =	simm.s32 $0x1A00  }
0x384: {  	[spmem:s2] =	stream.indirect.scatter.add.f32 [tilespmem:s10], [sflag:$0x3], $0x80, s13, s7, $0xb8;
	[tilespmem:$0x1E400] =	vst v63  }
0x385: {  	_ =	swait.ge [sflag:s11], $0x4000  }
0x386: {  	[sflag:s11] =	ssyncset.done $0x0  }
0x387: {  	[sflag:s11] =	ssyncadd.s32 $0xFFFFC000  }
0x388: {  	_ =	swait.ge [sflag:s9], $0x4000  }
0x389: {  	[sflag:s9] =	ssyncset.done $0x0  }
0x38a: {  	s13 =	simm.s32 $0x700;
	[sflag:s9] =	ssyncadd.s32 $0xFFFFC000  }
0x38b: {  	[tilespmem:s10], [sflag:$0x1] =	stream.indirect.gather [hbm4b:s3+s7], $0x80, s13, s7, $0xb8;
	[tilespmem:$0x1E400] =	vst v63  }
0x38c: {  	s13 =	simm.s32 $0x1A80  }
0x38d: {  	[spmem:s2] =	stream.indirect.scatter.add.f32 [tilespmem:s8], [sflag:$0x3], $0x80, s13, s7, $0xb8;
	[tilespmem:$0x1E400] =	vst v63  }
0x38e: {  	_ =	swait.ge [sflag:s12], $0x4000  }
0x38f: {  	[sflag:s12] =	ssyncset.done $0x0  }
0x390: {  	[sflag:s12] =	ssyncadd.s32 $0xFFFFC000  }
0x391: {  	_ =	swait.ge [sflag:s9], $0x4000  }
0x392: {  	[sflag:s9] =	ssyncset.done $0x0  }
0x393: {  	s13 =	simm.s32 $0x780;
	[sflag:s9] =	ssyncadd.s32 $0xFFFFC000  }
0x394: {  	[tilespmem:s8], [sflag:$0x2] =	stream.indirect.gather [hbm4b:s3+s7], $0x80, s13, s7, $0xb8;
	[tilespmem:$0x1E400] =	vst v63  }
0x395: {  	s13 =	simm.s32 $0x1B00  }
0x396: {  	[spmem:s2] =	stream.indirect.scatter.add.f32 [tilespmem:s10], [sflag:$0x3], $0x80, s13, s7, $0xb8;
	[tilespmem:$0x1E400] =	vst v63  }
0x397: {  	_ =	swait.ge [sflag:s11], $0x4000  }
0x398: {  	[sflag:s11] =	ssyncset.done $0x0  }
0x399: {  	[sflag:s11] =	ssyncadd.s32 $0xFFFFC000  }
0x39a: {  	_ =	swait.ge [sflag:s9], $0x4000  }
0x39b: {  	[sflag:s9] =	ssyncset.done $0x0  }
0x39c: {  	s13 =	simm.s32 $0x800;
	[sflag:s9] =	ssyncadd.s32 $0xFFFFC000  }
0x39d: {  	[tilespmem:s10], [sflag:$0x1] =	stream.indirect.gather [hbm4b:s3+s7], $0x80, s13, s7, $0xb8;
	[tilespmem:$0x1E400] =	vst v63  }
0x39e: {  	s13 =	simm.s32 $0x1B80  }
0x39f: {  	[spmem:s2] =	stream.indirect.scatter.add.f32 [tilespmem:s8], [sflag:$0x3], $0x80, s13, s7, $0xb8;
	[tilespmem:$0x1E400] =	vst v63  }
0x3a0: {  	_ =	swait.ge [sflag:s12], $0x4000  }
0x3a1: {  	[sflag:s12] =	ssyncset.done $0x0  }
0x3a2: {  	[sflag:s12] =	ssyncadd.s32 $0xFFFFC000  }
0x3a3: {  	_ =	swait.ge [sflag:s9], $0x4000  }
0x3a4: {  	[sflag:s9] =	ssyncset.done $0x0  }
0x3a5: {  	[sflag:s9] =	ssyncadd.s32 $0xFFFFC000  }
0x3a6: {  	[tilespmem:s8], [sflag:$0x2] =	stream.indirect.gather [hbm4b:s3+s7], $0x80, s18, s7, $0xb8;
	[tilespmem:$0x1E400] =	vst v63  }
0x3a7: {  	s13 =	simm.s32 $0x1C00  }
0x3a8: {  	[spmem:s2] =	stream.indirect.scatter.add.f32 [tilespmem:s10], [sflag:$0x3], $0x80, s13, s7, $0xb8;
	[tilespmem:$0x1E400] =	vst v63  }
0x3a9: {  	_ =	swait.ge [sflag:s11], $0x4000  }
0x3aa: {  	[sflag:s11] =	ssyncset.done $0x0  }
0x3ab: {  	[sflag:s11] =	ssyncadd.s32 $0xFFFFC000  }
0x3ac: {  	_ =	swait.ge [sflag:s9], $0x4000  }
0x3ad: {  	[sflag:s9] =	ssyncset.done $0x0  }
0x3ae: {  	[sflag:s9] =	ssyncadd.s32 $0xFFFFC000  }
0x3af: {  	[tilespmem:s10], [sflag:$0x1] =	stream.indirect.gather [hbm4b:s3+s7], $0x80, s30, s7, $0xb8;
	[tilespmem:$0x1E400] =	vst v63  }
0x3b0: {  	s13 =	simm.s32 $0x1C80  }
0x3b1: {  	[spmem:s2] =	stream.indirect.scatter.add.f32 [tilespmem:s8], [sflag:$0x3], $0x80, s13, s7, $0xb8;
	[tilespmem:$0x1E400] =	vst v63  }
0x3b2: {  	_ =	swait.ge [sflag:s12], $0x4000  }
0x3b3: {  	[sflag:s12] =	ssyncset.done $0x0  }
0x3b4: {  	[sflag:s12] =	ssyncadd.s32 $0xFFFFC000  }
0x3b5: {  	_ =	swait.ge [sflag:s9], $0x4000  }
0x3b6: {  	[sflag:s9] =	ssyncset.done $0x0  }
0x3b7: {  	s6 =	simm.s32 $0x980;
	[sflag:s9] =	ssyncadd.s32 $0xFFFFC000  }
0x3b8: {  	[tilespmem:s8], [sflag:$0x2] =	stream.indirect.gather [hbm4b:s3+s7], $0x80, s6, s7, $0xb8;
	[tilespmem:$0x1E400] =	vst v63  }
0x3b9: {  	s13 =	simm.s32 $0x1D00  }
0x3ba: {  	[spmem:s2] =	stream.indirect.scatter.add.f32 [tilespmem:s10], [sflag:$0x3], $0x80, s13, s7, $0xb8;
	[tilespmem:$0x1E400] =	vst v63  }
0x3bb: {  	_ =	swait.ge [sflag:s11], $0x4000  }
0x3bc: {  	[sflag:s11] =	ssyncset.done $0x0  }
0x3bd: {  	[sflag:s11] =	ssyncadd.s32 $0xFFFFC000  }
0x3be: {  	_ =	swait.ge [sflag:s9], $0x4000  }
0x3bf: {  	[sflag:s9] =	ssyncset.done $0x0  }
0x3c0: {  	s13 =	simm.s32 $0xA00;
	[sflag:s9] =	ssyncadd.s32 $0xFFFFC000  }
0x3c1: {  	[tilespmem:s10], [sflag:$0x1] =	stream.indirect.gather [hbm4b:s3+s7], $0x80, s13, s7, $0xb8;
	[tilespmem:$0x1E400] =	vst v63  }
0x3c2: {  	s13 =	simm.s32 $0x1D80  }
0x3c3: {  	[spmem:s2] =	stream.indirect.scatter.add.f32 [tilespmem:s8], [sflag:$0x3], $0x80, s13, s7, $0xb8;
	[tilespmem:$0x1E400] =	vst v63  }
0x3c4: {  	_ =	swait.ge [sflag:s12], $0x4000  }
0x3c5: {  	[sflag:s12] =	ssyncset.done $0x0  }
0x3c6: {  	[sflag:s12] =	ssyncadd.s32 $0xFFFFC000  }
0x3c7: {  	_ =	swait.ge [sflag:s9], $0x4000  }
0x3c8: {  	[sflag:s9] =	ssyncset.done $0x0  }
0x3c9: {  	[sflag:s9] =	ssyncadd.s32 $0xFFFFC000  }
0x3ca: {  	[tilespmem:s8], [sflag:$0x2] =	stream.indirect.gather [hbm4b:s3+s7], $0x80, s31, s7, $0xb8;
	[tilespmem:$0x1E400] =	vst v63  }
0x3cb: {  	s13 =	simm.s32 $0x1E00  }
0x3cc: {  	[spmem:s2] =	stream.indirect.scatter.add.f32 [tilespmem:s10], [sflag:$0x3], $0x80, s13, s7, $0xb8;
	[tilespmem:$0x1E400] =	vst v63  }
0x3cd: {  	_ =	swait.ge [sflag:s11], $0x4000  }
0x3ce: {  	[sflag:s11] =	ssyncset.done $0x0  }
0x3cf: {  	[sflag:s11] =	ssyncadd.s32 $0xFFFFC000  }
0x3d0: {  	_ =	swait.ge [sflag:s9], $0x4000  }
0x3d1: {  	[sflag:s9] =	ssyncset.done $0x0  }
0x3d2: {  	[sflag:s9] =	ssyncadd.s32 $0xFFFFC000  }
0x3d3: {  	[tilespmem:s10], [sflag:$0x1] =	stream.indirect.gather [hbm4b:s3+s7], $0x80, s29, s7, $0xb8;
	[tilespmem:$0x1E400] =	vst v63  }
0x3d4: {  	s13 =	simm.s32 $0x1E80  }
0x3d5: {  	[spmem:s2] =	stream.indirect.scatter.add.f32 [tilespmem:s8], [sflag:$0x3], $0x80, s13, s7, $0xb8;
	[tilespmem:$0x1E400] =	vst v63  }
0x3d6: {  	_ =	swait.ge [sflag:s12], $0x4000  }
0x3d7: {  	[sflag:s12] =	ssyncset.done $0x0  }
0x3d8: {  	[sflag:s12] =	ssyncadd.s32 $0xFFFFC000  }
0x3d9: {  	_ =	swait.ge [sflag:s9], $0x4000  }
0x3da: {  	[sflag:s9] =	ssyncset.done $0x0  }
0x3db: {  	[sflag:s9] =	ssyncadd.s32 $0xFFFFC000  }
0x3dc: {  	[tilespmem:s8], [sflag:$0x2] =	stream.indirect.gather [hbm4b:s3+s7], $0x80, s28, s7, $0xb8;
	[tilespmem:$0x1E400] =	vst v63  }
0x3dd: {  	s13 =	simm.s32 $0x1F00  }
0x3de: {  	[spmem:s2] =	stream.indirect.scatter.add.f32 [tilespmem:s10], [sflag:$0x3], $0x80, s13, s7, $0xb8;
	[tilespmem:$0x1E400] =	vst v63  }
0x3df: {  	_ =	swait.ge [sflag:s11], $0x4000  }
0x3e0: {  	[sflag:s11] =	ssyncset.done $0x0  }
0x3e1: {  	[sflag:s11] =	ssyncadd.s32 $0xFFFFC000  }
0x3e2: {  	_ =	swait.ge [sflag:s9], $0x4000  }
0x3e3: {  	[sflag:s9] =	ssyncset.done $0x0  }
0x3e4: {  	[sflag:s9] =	ssyncadd.s32 $0xFFFFC000  }
0x3e5: {  	[tilespmem:s10], [sflag:$0x1] =	stream.indirect.gather [hbm4b:s3+s7], $0x80, s26, s7, $0xb8;
	[tilespmem:$0x1E400] =	vst v63  }
0x3e6: {  	s13 =	simm.s32 $0x1F80  }
0x3e7: {  	[spmem:s2] =	stream.indirect.scatter.add.f32 [tilespmem:s8], [sflag:$0x3], $0x80, s13, s7, $0xb8;
	[tilespmem:$0x1E400] =	vst v63  }
0x3e8: {  	_ =	swait.ge [sflag:s12], $0x4000  }
0x3e9: {  	[sflag:s12] =	ssyncset.done $0x0  }
0x3ea: {  	[sflag:s12] =	ssyncadd.s32 $0xFFFFC000  }
0x3eb: {  	_ =	swait.ge [sflag:s9], $0x4000  }
0x3ec: {  	[sflag:s9] =	ssyncset.done $0x0  }
0x3ed: {  	[sflag:s9] =	ssyncadd.s32 $0xFFFFC000  }
0x3ee: {  	[tilespmem:s8], [sflag:$0x2] =	stream.indirect.gather [hbm4b:s3+s7], $0x80, s25, s7, $0xb8;
	[tilespmem:$0x1E400] =	vst v63  }
0x3ef: {  	s13 =	simm.s32 $0x2000  }
0x3f0: {  	[spmem:s2] =	stream.indirect.scatter.add.f32 [tilespmem:s10], [sflag:$0x3], $0x80, s13, s7, $0xb8;
	[tilespmem:$0x1E400] =	vst v63  }
0x3f1: {  	_ =	swait.ge [sflag:s11], $0x4000  }
0x3f2: {  	[sflag:s11] =	ssyncset.done $0x0  }
0x3f3: {  	[sflag:s11] =	ssyncadd.s32 $0xFFFFC000  }
0x3f4: {  	_ =	swait.ge [sflag:s9], $0x4000  }
0x3f5: {  	[sflag:s9] =	ssyncset.done $0x0  }
0x3f6: {  	[sflag:s9] =	ssyncadd.s32 $0xFFFFC000  }
0x3f7: {  	[tilespmem:s10], [sflag:$0x1] =	stream.indirect.gather [hbm4b:s3+s7], $0x80, s24, s7, $0xb8;
	[tilespmem:$0x1E400] =	vst v63  }
0x3f8: {  	s13 =	simm.s32 $0x2080  }
0x3f9: {  	[spmem:s2] =	stream.indirect.scatter.add.f32 [tilespmem:s8], [sflag:$0x3], $0x80, s13, s7, $0xb8;
	[tilespmem:$0x1E400] =	vst v63  }
0x3fa: {  	_ =	swait.ge [sflag:s12], $0x4000  }
0x3fb: {  	[sflag:s12] =	ssyncset.done $0x0  }
0x3fc: {  	[sflag:s12] =	ssyncadd.s32 $0xFFFFC000  }
0x3fd: {  	_ =	swait.ge [sflag:s9], $0x4000  }
0x3fe: {  	[sflag:s9] =	ssyncset.done $0x0  }
0x3ff: {  	[sflag:s9] =	ssyncadd.s32 $0xFFFFC000  }
0x400: {  	[tilespmem:s8], [sflag:$0x2] =	stream.indirect.gather [hbm4b:s3+s7], $0x80, s23, s7, $0xb8;
	[tilespmem:$0x1E400] =	vst v63  }
0x401: {  	s13 =	simm.s32 $0x2100  }
0x402: {  	[spmem:s2] =	stream.indirect.scatter.add.f32 [tilespmem:s10], [sflag:$0x3], $0x80, s13, s7, $0xb8;
	[tilespmem:$0x1E400] =	vst v63  }
0x403: {  	_ =	swait.ge [sflag:s11], $0x4000  }
0x404: {  	[sflag:s11] =	ssyncset.done $0x0  }
0x405: {  	[sflag:s11] =	ssyncadd.s32 $0xFFFFC000  }
0x406: {  	_ =	swait.ge [sflag:s9], $0x4000  }
0x407: {  	[sflag:s9] =	ssyncset.done $0x0  }
0x408: {  	[sflag:s9] =	ssyncadd.s32 $0xFFFFC000  }
0x409: {  	[tilespmem:s10], [sflag:$0x1] =	stream.indirect.gather [hbm4b:s3+s7], $0x80, s22, s7, $0xb8;
	[tilespmem:$0x1E400] =	vst v63  }
0x40a: {  	s13 =	simm.s32 $0x2180  }
0x40b: {  	[spmem:s2] =	stream.indirect.scatter.add.f32 [tilespmem:s8], [sflag:$0x3], $0x80, s13, s7, $0xb8;
	[tilespmem:$0x1E400] =	vst v63  }
0x40c: {  	_ =	swait.ge [sflag:s12], $0x4000  }
0x40d: {  	[sflag:s12] =	ssyncset.done $0x0  }
0x40e: {  	[sflag:s12] =	ssyncadd.s32 $0xFFFFC000  }
0x40f: {  	_ =	swait.ge [sflag:s9], $0x4000  }
0x410: {  	[sflag:s9] =	ssyncset.done $0x0  }
0x411: {  	[sflag:s9] =	ssyncadd.s32 $0xFFFFC000  }
0x412: {  	[tilespmem:s8], [sflag:$0x2] =	stream.indirect.gather [hbm4b:s3+s7], $0x80, s21, s7, $0xb8;
	[tilespmem:$0x1E400] =	vst v63  }
0x413: {  	s13 =	simm.s32 $0x2200  }
0x414: {  	[spmem:s2] =	stream.indirect.scatter.add.f32 [tilespmem:s10], [sflag:$0x3], $0x80, s13, s7, $0xb8;
	[tilespmem:$0x1E400] =	vst v63  }
0x415: {  	_ =	swait.ge [sflag:s11], $0x4000  }
0x416: {  	[sflag:s11] =	ssyncset.done $0x0  }
0x417: {  	[sflag:s11] =	ssyncadd.s32 $0xFFFFC000  }
0x418: {  	_ =	swait.ge [sflag:s9], $0x4000  }
0x419: {  	[sflag:s9] =	ssyncset.done $0x0  }
0x41a: {  	[sflag:s9] =	ssyncadd.s32 $0xFFFFC000  }
0x41b: {  	[tilespmem:s10], [sflag:$0x1] =	stream.indirect.gather [hbm4b:s3+s7], $0x80, s20, s7, $0xb8;
	[tilespmem:$0x1E400] =	vst v63  }
0x41c: {  	s13 =	simm.s32 $0x2280  }
0x41d: {  	[spmem:s2] =	stream.indirect.scatter.add.f32 [tilespmem:s8], [sflag:$0x3], $0x80, s13, s7, $0xb8;
	[tilespmem:$0x1E400] =	vst v63  }
0x41e: {  	_ =	swait.ge [sflag:s12], $0x4000  }
0x41f: {  	[sflag:s12] =	ssyncset.done $0x0  }
0x420: {  	[sflag:s12] =	ssyncadd.s32 $0xFFFFC000  }
0x421: {  	_ =	swait.ge [sflag:s9], $0x4000  }
0x422: {  	[sflag:s9] =	ssyncset.done $0x0  }
0x423: {  	[sflag:s9] =	ssyncadd.s32 $0xFFFFC000  }
0x424: {  	[tilespmem:s8], [sflag:$0x2] =	stream.indirect.gather [hbm4b:s3+s7], $0x80, s19, s7, $0xb8;
	[tilespmem:$0x1E400] =	vst v63  }
0x425: {  	s13 =	simm.s32 $0x2300  }
0x426: {  	[spmem:s2] =	stream.indirect.scatter.add.f32 [tilespmem:s10], [sflag:$0x3], $0x80, s13, s7, $0xb8;
	[tilespmem:$0x1E400] =	vst v63  }
0x427: {  	_ =	swait.ge [sflag:s11], $0x4000  }
0x428: {  	[sflag:s11] =	ssyncset.done $0x0  }
0x429: {  	[sflag:s11] =	ssyncadd.s32 $0xFFFFC000  }
0x42a: {  	_ =	swait.ge [sflag:s9], $0x4000  }
0x42b: {  	[sflag:s9] =	ssyncset.done $0x0  }
0x42c: {  	s13 =	simm.s32 $0x1000;
	[sflag:s9] =	ssyncadd.s32 $0xFFFFC000  }
0x42d: {  	[tilespmem:s10], [sflag:$0x1] =	stream.indirect.gather [hbm4b:s3+s7], $0x80, s13, s7, $0xb8;
	[tilespmem:$0x1E400] =	vst v63  }
0x42e: {  	s13 =	simm.s32 $0x2380  }
0x42f: {  	[spmem:s2] =	stream.indirect.scatter.add.f32 [tilespmem:s8], [sflag:$0x3], $0x80, s13, s7, $0xb8;
	[tilespmem:$0x1E400] =	vst v63  }
0x430: {  	_ =	swait.ge [sflag:s12], $0x4000  }
0x431: {  	[sflag:s12] =	ssyncset.done $0x0  }
0x432: {  	[sflag:s12] =	ssyncadd.s32 $0xFFFFC000  }
0x433: {  	_ =	swait.ge [sflag:s9], $0x4000  }
0x434: {  	[sflag:s9] =	ssyncset.done $0x0  }
0x435: {  	s13 =	simm.s32 $0x1080;
	[sflag:s9] =	ssyncadd.s32 $0xFFFFC000  }
0x436: {  	[tilespmem:s8], [sflag:$0x2] =	stream.indirect.gather [hbm4b:s3+s7], $0x80, s13, s7, $0xb8;
	[tilespmem:$0x1E400] =	vst v63  }
0x437: {  	s13 =	simm.s32 $0x2400  }
0x438: {  	[spmem:s2] =	stream.indirect.scatter.add.f32 [tilespmem:s10], [sflag:$0x3], $0x80, s13, s7, $0xb8;
	[tilespmem:$0x1E400] =	vst v63  }
0x439: {  	_ =	swait.ge [sflag:s11], $0x4000  }
0x43a: {  	[sflag:s11] =	ssyncset.done $0x0  }
0x43b: {  	[sflag:s11] =	ssyncadd.s32 $0xFFFFC000  }
0x43c: {  	_ =	swait.ge [sflag:s9], $0x4000  }
0x43d: {  	[sflag:s9] =	ssyncset.done $0x0  }
0x43e: {  	s13 =	simm.s32 $0x1100;
	[sflag:s9] =	ssyncadd.s32 $0xFFFFC000  }
0x43f: {  	[tilespmem:s10], [sflag:$0x1] =	stream.indirect.gather [hbm4b:s3+s7], $0x80, s13, s7, $0xb8;
	[tilespmem:$0x1E400] =	vst v63  }
0x440: {  	s13 =	simm.s32 $0x2480  }
0x441: {  	[spmem:s2] =	stream.indirect.scatter.add.f32 [tilespmem:s8], [sflag:$0x3], $0x80, s13, s7, $0xb8;
	[tilespmem:$0x1E400] =	vst v63  }
0x442: {  	_ =	swait.ge [sflag:s12], $0x4000  }
0x443: {  	[sflag:s12] =	ssyncset.done $0x0  }
0x444: {  	[sflag:s12] =	ssyncadd.s32 $0xFFFFC000  }
0x445: {  	_ =	swait.ge [sflag:s9], $0x4000  }
0x446: {  	[sflag:s9] =	ssyncset.done $0x0  }
0x447: {  	s13 =	simm.s32 $0x1180;
	[sflag:s9] =	ssyncadd.s32 $0xFFFFC000  }
0x448: {  	[tilespmem:s8], [sflag:$0x2] =	stream.indirect.gather [hbm4b:s3+s7], $0x80, s13, s7, $0xb8;
	[tilespmem:$0x1E400] =	vst v63  }
0x449: {  	s13 =	simm.s32 $0x2500  }
0x44a: {  	[spmem:s2] =	stream.indirect.scatter.add.f32 [tilespmem:s10], [sflag:$0x3], $0x80, s13, s7, $0xb8;
	[tilespmem:$0x1E400] =	vst v63  }
0x44b: {  	_ =	swait.ge [sflag:s11], $0x4000  }
0x44c: {  	[sflag:s11] =	ssyncset.done $0x0  }
0x44d: {  	[sflag:s11] =	ssyncadd.s32 $0xFFFFC000  }
0x44e: {  	_ =	swait.ge [sflag:s9], $0x4000  }
0x44f: {  	[sflag:s9] =	ssyncset.done $0x0  }
0x450: {  	s13 =	simm.s32 $0x1200;
	[sflag:s9] =	ssyncadd.s32 $0xFFFFC000  }
0x451: {  	[tilespmem:s10], [sflag:$0x1] =	stream.indirect.gather [hbm4b:s3+s7], $0x80, s13, s7, $0xb8;
	[tilespmem:$0x1E400] =	vst v63  }
0x452: {  	s13 =	simm.s32 $0x2580  }
0x453: {  	[spmem:s2] =	stream.indirect.scatter.add.f32 [tilespmem:s8], [sflag:$0x3], $0x80, s13, s7, $0xb8;
	[tilespmem:$0x1E400] =	vst v63  }
0x454: {  	_ =	swait.ge [sflag:s12], $0x4000  }
0x455: {  	[sflag:s12] =	ssyncset.done $0x0  }
0x456: {  	[sflag:s12] =	ssyncadd.s32 $0xFFFFC000  }
0x457: {  	_ =	swait.ge [sflag:s9], $0x4000  }
0x458: {  	[sflag:s9] =	ssyncset.done $0x0  }
0x459: {  	s13 =	simm.s32 $0x1280;
	[sflag:s9] =	ssyncadd.s32 $0xFFFFC000  }
0x45a: {  	[tilespmem:s8], [sflag:$0x2] =	stream.indirect.gather [hbm4b:s3+s7], $0x80, s13, s7, $0xb8;
	[tilespmem:$0x1E400] =	vst v63  }
0x45b: {  	s13 =	simm.s32 $0x2600  }
0x45c: {  	[spmem:s2] =	stream.indirect.scatter.add.f32 [tilespmem:s10], [sflag:$0x3], $0x80, s13, s7, $0xb8;
	[tilespmem:$0x1E400] =	vst v63  }
0x45d: {  	_ =	swait.ge [sflag:s11], $0x4000  }
0x45e: {  	[sflag:s11] =	ssyncset.done $0x0  }
0x45f: {  	[sflag:s11] =	ssyncadd.s32 $0xFFFFC000  }
0x460: {  	_ =	swait.ge [sflag:s9], $0x4000  }
0x461: {  	[sflag:s9] =	ssyncset.done $0x0  }
0x462: {  	s13 =	simm.s32 $0x1300;
	[sflag:s9] =	ssyncadd.s32 $0xFFFFC000  }
0x463: {  	[tilespmem:s10], [sflag:$0x1] =	stream.indirect.gather [hbm4b:s3+s7], $0x80, s13, s7, $0xb8;
	[tilespmem:$0x1E400] =	vst v63  }
0x464: {  	s13 =	simm.s32 $0x2680  }
0x465: {  	[spmem:s2] =	stream.indirect.scatter.add.f32 [tilespmem:s8], [sflag:$0x3], $0x80, s13, s7, $0xb8;
	[tilespmem:$0x1E400] =	vst v63  }
0x466: {  	_ =	swait.ge [sflag:s12], $0x4000  }
0x467: {  	[sflag:s12] =	ssyncset.done $0x0  }
0x468: {  	[sflag:s12] =	ssyncadd.s32 $0xFFFFC000  }
0x469: {  	_ =	swait.ge [sflag:s9], $0x4000  }
0x46a: {  	[sflag:s9] =	ssyncset.done $0x0  }
0x46b: {  	s13 =	simm.s32 $0x1380;
	[sflag:s9] =	ssyncadd.s32 $0xFFFFC000  }
0x46c: {  	[tilespmem:s8], [sflag:$0x2] =	stream.indirect.gather [hbm4b:s3+s7], $0x80, s13, s7, $0xb8;
	[tilespmem:$0x1E400] =	vst v63  }
0x46d: {  	s13 =	simm.s32 $0x2700  }
0x46e: {  	[spmem:s2] =	stream.indirect.scatter.add.f32 [tilespmem:s10], [sflag:$0x3], $0x80, s13, s7, $0xb8;
	[tilespmem:$0x1E400] =	vst v63  }
0x46f: {  	_ =	swait.ge [sflag:s11], $0x4000  }
0x470: {  	[sflag:s11] =	ssyncset.done $0x0  }
0x471: {  	[sflag:s11] =	ssyncadd.s32 $0xFFFFC000  }
0x472: {  	_ =	swait.ge [sflag:s9], $0x4000  }
0x473: {  	[sflag:s9] =	ssyncset.done $0x0  }
0x474: {  	s13 =	simm.s32 $0x2780;
	[sflag:s9] =	ssyncadd.s32 $0xFFFFC000  }
0x475: {  	[spmem:s2] =	stream.indirect.scatter.add.f32 [tilespmem:s8], [sflag:$0x3], $0x80, s13, s7, $0xb8;
	[tilespmem:$0x1E400] =	vst v63  }
0x476: {  	_ =	swait.ge [sflag:s9], $0x4000  }
0x477: {  	[sflag:s9] =	ssyncset.done $0x0  }
0x478: {  	s13 =	rddreg [dreg:$0x9];
	[sflag:s9] =	ssyncadd.s32 $0xFFFFC000  }
0x479: {  	[tilespmem:s4], [sflag:$0x4] =	stream.linear.gather [hbm4b:s13+s4], $0x1400, $0x38;
	[tilespmem:$0x1E400] =	vst v63  }
0x47a: {  	_ =	swait.ge [sflag:s14], $0x1400  }
0x47b: {  	[sflag:s14] =	ssyncset.done $0x0  }
0x47c: {  	s13 =	rddreg [dreg:$0xa];
	[sflag:s14] =	ssyncadd.s32 $0xFFFFEC00  }
0x47d: {  	[tilespmem:s1], [sflag:$0x4] =	stream.linear.gather [hbm4b:s13+s4], $0x1400, $0x38;
	[tilespmem:$0x1E400] =	vst v63  }
0x47e: {  	_ =	swait.ge [sflag:s14], $0x1400  }
0x47f: {  	[sflag:s14] =	ssyncset.done $0x0  }
0x480: {  	[sflag:s14] =	ssyncadd.s32 $0xFFFFEC00  }
0x481: {  	[tilespmem:s10], [sflag:$0x1] =	stream.indirect.gather [hbm4b:s3+s7], $0x80, s4, s7, $0xb8;
	[tilespmem:$0x1E400] =	vst v63  }
0x482: {  	_ = 	snop  }
0x483: {  	[tilespmem:s8], [sflag:$0x2] =	stream.indirect.gather [hbm4b:s3+s7], $0x80, s7, s7, $0xb8;
	[tilespmem:$0x1E400] =	vst v63  }
0x484: {  	_ =	swait.ge [sflag:s12], $0x4000  }
0x485: {  	[sflag:s12] =	ssyncset.done $0x0  }
0x486: {  	[sflag:s12] =	ssyncadd.s32 $0xFFFFC000  }
0x487: {  	[spmem:s2] =	stream.indirect.scatter.add.f32 [tilespmem:s10], [sflag:$0x3], $0x80, s1, s7, $0xb8;
	[tilespmem:$0x1E400] =	vst v63  }
0x488: {  	_ =	swait.ge [sflag:s11], $0x4000  }
0x489: {  	[sflag:s11] =	ssyncset.done $0x0  }
0x48a: {  	[sflag:s11] =	ssyncadd.s32 $0xFFFFC000  }
0x48b: {  	_ =	swait.ge [sflag:s9], $0x4000  }
0x48c: {  	[sflag:s9] =	ssyncset.done $0x0  }
0x48d: {  	[sflag:s9] =	ssyncadd.s32 $0xFFFFC000  }
0x48e: {  	[tilespmem:s10], [sflag:$0x1] =	stream.indirect.gather [hbm4b:s3+s7], $0x80, s17, s7, $0xb8;
	[tilespmem:$0x1E400] =	vst v63  }
0x48f: {  	_ = 	snop  }
0x490: {  	[spmem:s2] =	stream.indirect.scatter.add.f32 [tilespmem:s8], [sflag:$0x3], $0x80, s5, s7, $0xb8;
	[tilespmem:$0x1E400] =	vst v63  }
0x491: {  	_ =	swait.ge [sflag:s12], $0x4000  }
0x492: {  	[sflag:s12] =	ssyncset.done $0x0  }
0x493: {  	[sflag:s12] =	ssyncadd.s32 $0xFFFFC000  }
0x494: {  	_ =	swait.ge [sflag:s9], $0x4000  }
0x495: {  	[sflag:s9] =	ssyncset.done $0x0  }
0x496: {  	[sflag:s9] =	ssyncadd.s32 $0xFFFFC000  }
0x497: {  	[tilespmem:s8], [sflag:$0x2] =	stream.indirect.gather [hbm4b:s3+s7], $0x80, s16, s7, $0xb8;
	[tilespmem:$0x1E400] =	vst v63  }
0x498: {  	s13 =	simm.s32 $0x1500  }
0x499: {  	[spmem:s2] =	stream.indirect.scatter.add.f32 [tilespmem:s10], [sflag:$0x3], $0x80, s13, s7, $0xb8;
	[tilespmem:$0x1E400] =	vst v63  }
0x49a: {  	_ =	swait.ge [sflag:s11], $0x4000  }
0x49b: {  	[sflag:s11] =	ssyncset.done $0x0  }
0x49c: {  	[sflag:s11] =	ssyncadd.s32 $0xFFFFC000  }
0x49d: {  	_ =	swait.ge [sflag:s9], $0x4000  }
0x49e: {  	[sflag:s9] =	ssyncset.done $0x0  }
0x49f: {  	[sflag:s9] =	ssyncadd.s32 $0xFFFFC000  }
0x4a0: {  	[tilespmem:s10], [sflag:$0x1] =	stream.indirect.gather [hbm4b:s3+s7], $0x80, s15, s7, $0xb8;
	[tilespmem:$0x1E400] =	vst v63  }
0x4a1: {  	s5 =	simm.s32 $0x1580  }
0x4a2: {  	[spmem:s2] =	stream.indirect.scatter.add.f32 [tilespmem:s8], [sflag:$0x3], $0x80, s5, s7, $0xb8;
	[tilespmem:$0x1E400] =	vst v63  }
0x4a3: {  	_ =	swait.ge [sflag:s12], $0x4000  }
0x4a4: {  	[sflag:s12] =	ssyncset.done $0x0  }
0x4a5: {  	[sflag:s12] =	ssyncadd.s32 $0xFFFFC000  }
0x4a6: {  	_ =	swait.ge [sflag:s9], $0x4000  }
0x4a7: {  	[sflag:s9] =	ssyncset.done $0x0  }
0x4a8: {  	s13 =	simm.s32 $0x280;
	[sflag:s9] =	ssyncadd.s32 $0xFFFFC000  }
0x4a9: {  	[tilespmem:s8], [sflag:$0x2] =	stream.indirect.gather [hbm4b:s3+s7], $0x80, s13, s7, $0xb8;
	[tilespmem:$0x1E400] =	vst v63  }
0x4aa: {  	s5 =	simm.s32 $0x1600  }
0x4ab: {  	[spmem:s2] =	stream.indirect.scatter.add.f32 [tilespmem:s10], [sflag:$0x3], $0x80, s5, s7, $0xb8;
	[tilespmem:$0x1E400] =	vst v63  }
0x4ac: {  	_ =	swait.ge [sflag:s11], $0x4000  }
0x4ad: {  	[sflag:s11] =	ssyncset.done $0x0  }
0x4ae: {  	[sflag:s11] =	ssyncadd.s32 $0xFFFFC000  }
0x4af: {  	_ =	swait.ge [sflag:s9], $0x4000  }
0x4b0: {  	[sflag:s9] =	ssyncset.done $0x0  }
0x4b1: {  	s13 =	simm.s32 $0x300;
	[sflag:s9] =	ssyncadd.s32 $0xFFFFC000  }
0x4b2: {  	[tilespmem:s10], [sflag:$0x1] =	stream.indirect.gather [hbm4b:s3+s7], $0x80, s13, s7, $0xb8;
	[tilespmem:$0x1E400] =	vst v63  }
0x4b3: {  	s5 =	simm.s32 $0x1680  }
0x4b4: {  	[spmem:s2] =	stream.indirect.scatter.add.f32 [tilespmem:s8], [sflag:$0x3], $0x80, s5, s7, $0xb8;
	[tilespmem:$0x1E400] =	vst v63  }
0x4b5: {  	_ =	swait.ge [sflag:s12], $0x4000  }
0x4b6: {  	[sflag:s12] =	ssyncset.done $0x0  }
0x4b7: {  	[sflag:s12] =	ssyncadd.s32 $0xFFFFC000  }
0x4b8: {  	_ =	swait.ge [sflag:s9], $0x4000  }
0x4b9: {  	[sflag:s9] =	ssyncset.done $0x0  }
0x4ba: {  	s13 =	simm.s32 $0x380;
	[sflag:s9] =	ssyncadd.s32 $0xFFFFC000  }
0x4bb: {  	[tilespmem:s8], [sflag:$0x2] =	stream.indirect.gather [hbm4b:s3+s7], $0x80, s13, s7, $0xb8;
	[tilespmem:$0x1E400] =	vst v63  }
0x4bc: {  	s5 =	simm.s32 $0x1700  }
0x4bd: {  	[spmem:s2] =	stream.indirect.scatter.add.f32 [tilespmem:s10], [sflag:$0x3], $0x80, s5, s7, $0xb8;
	[tilespmem:$0x1E400] =	vst v63  }
0x4be: {  	_ =	swait.ge [sflag:s11], $0x4000  }
0x4bf: {  	[sflag:s11] =	ssyncset.done $0x0  }
0x4c0: {  	[sflag:s11] =	ssyncadd.s32 $0xFFFFC000  }
0x4c1: {  	_ =	swait.ge [sflag:s9], $0x4000  }
0x4c2: {  	[sflag:s9] =	ssyncset.done $0x0  }
0x4c3: {  	s13 =	simm.s32 $0x400;
	[sflag:s9] =	ssyncadd.s32 $0xFFFFC000  }
0x4c4: {  	[tilespmem:s10], [sflag:$0x1] =	stream.indirect.gather [hbm4b:s3+s7], $0x80, s13, s7, $0xb8;
	[tilespmem:$0x1E400] =	vst v63  }
0x4c5: {  	s5 =	simm.s32 $0x1780  }
0x4c6: {  	[spmem:s2] =	stream.indirect.scatter.add.f32 [tilespmem:s8], [sflag:$0x3], $0x80, s5, s7, $0xb8;
	[tilespmem:$0x1E400] =	vst v63  }
0x4c7: {  	_ =	swait.ge [sflag:s12], $0x4000  }
0x4c8: {  	[sflag:s12] =	ssyncset.done $0x0  }
0x4c9: {  	[sflag:s12] =	ssyncadd.s32 $0xFFFFC000  }
0x4ca: {  	_ =	swait.ge [sflag:s9], $0x4000  }
0x4cb: {  	[sflag:s9] =	ssyncset.done $0x0  }
0x4cc: {  	s13 =	simm.s32 $0x480;
	[sflag:s9] =	ssyncadd.s32 $0xFFFFC000  }
0x4cd: {  	[tilespmem:s8], [sflag:$0x2] =	stream.indirect.gather [hbm4b:s3+s7], $0x80, s13, s7, $0xb8;
	[tilespmem:$0x1E400] =	vst v63  }
0x4ce: {  	s5 =	simm.s32 $0x1800  }
0x4cf: {  	[spmem:s2] =	stream.indirect.scatter.add.f32 [tilespmem:s10], [sflag:$0x3], $0x80, s5, s7, $0xb8;
	[tilespmem:$0x1E400] =	vst v63  }
0x4d0: {  	_ =	swait.ge [sflag:s11], $0x4000  }
0x4d1: {  	[sflag:s11] =	ssyncset.done $0x0  }
0x4d2: {  	[sflag:s11] =	ssyncadd.s32 $0xFFFFC000  }
0x4d3: {  	_ =	swait.ge [sflag:s9], $0x4000  }
0x4d4: {  	[sflag:s9] =	ssyncset.done $0x0  }
0x4d5: {  	s13 =	simm.s32 $0x500;
	[sflag:s9] =	ssyncadd.s32 $0xFFFFC000  }
0x4d6: {  	[tilespmem:s10], [sflag:$0x1] =	stream.indirect.gather [hbm4b:s3+s7], $0x80, s13, s7, $0xb8;
	[tilespmem:$0x1E400] =	vst v63  }
0x4d7: {  	s5 =	simm.s32 $0x1880  }
0x4d8: {  	[spmem:s2] =	stream.indirect.scatter.add.f32 [tilespmem:s8], [sflag:$0x3], $0x80, s5, s7, $0xb8;
	[tilespmem:$0x1E400] =	vst v63  }
0x4d9: {  	_ =	swait.ge [sflag:s12], $0x4000  }
0x4da: {  	[sflag:s12] =	ssyncset.done $0x0  }
0x4db: {  	[sflag:s12] =	ssyncadd.s32 $0xFFFFC000  }
0x4dc: {  	_ =	swait.ge [sflag:s9], $0x4000  }
0x4dd: {  	[sflag:s9] =	ssyncset.done $0x0  }
0x4de: {  	s13 =	simm.s32 $0x580;
	[sflag:s9] =	ssyncadd.s32 $0xFFFFC000  }
0x4df: {  	[tilespmem:s8], [sflag:$0x2] =	stream.indirect.gather [hbm4b:s3+s7], $0x80, s13, s7, $0xb8;
	[tilespmem:$0x1E400] =	vst v63  }
0x4e0: {  	s5 =	simm.s32 $0x1900  }
0x4e1: {  	[spmem:s2] =	stream.indirect.scatter.add.f32 [tilespmem:s10], [sflag:$0x3], $0x80, s5, s7, $0xb8;
	[tilespmem:$0x1E400] =	vst v63  }
0x4e2: {  	_ =	swait.ge [sflag:s11], $0x4000  }
0x4e3: {  	[sflag:s11] =	ssyncset.done $0x0  }
0x4e4: {  	[sflag:s11] =	ssyncadd.s32 $0xFFFFC000  }
0x4e5: {  	_ =	swait.ge [sflag:s9], $0x4000  }
0x4e6: {  	[sflag:s9] =	ssyncset.done $0x0  }
0x4e7: {  	s13 =	simm.s32 $0x600;
	[sflag:s9] =	ssyncadd.s32 $0xFFFFC000  }
0x4e8: {  	[tilespmem:s10], [sflag:$0x1] =	stream.indirect.gather [hbm4b:s3+s7], $0x80, s13, s7, $0xb8;
	[tilespmem:$0x1E400] =	vst v63  }
0x4e9: {  	s5 =	simm.s32 $0x1980  }
0x4ea: {  	[spmem:s2] =	stream.indirect.scatter.add.f32 [tilespmem:s8], [sflag:$0x3], $0x80, s5, s7, $0xb8;
	[tilespmem:$0x1E400] =	vst v63  }
0x4eb: {  	_ =	swait.ge [sflag:s12], $0x4000  }
0x4ec: {  	[sflag:s12] =	ssyncset.done $0x0  }
0x4ed: {  	[sflag:s12] =	ssyncadd.s32 $0xFFFFC000  }
0x4ee: {  	_ =	swait.ge [sflag:s9], $0x4000  }
0x4ef: {  	[sflag:s9] =	ssyncset.done $0x0  }
0x4f0: {  	s13 =	simm.s32 $0x680;
	[sflag:s9] =	ssyncadd.s32 $0xFFFFC000  }
0x4f1: {  	[tilespmem:s8], [sflag:$0x2] =	stream.indirect.gather [hbm4b:s3+s7], $0x80, s13, s7, $0xb8;
	[tilespmem:$0x1E400] =	vst v63  }
0x4f2: {  	s5 =	simm.s32 $0x1A00  }
0x4f3: {  	[spmem:s2] =	stream.indirect.scatter.add.f32 [tilespmem:s10], [sflag:$0x3], $0x80, s5, s7, $0xb8;
	[tilespmem:$0x1E400] =	vst v63  }
0x4f4: {  	_ =	swait.ge [sflag:s11], $0x4000  }
0x4f5: {  	[sflag:s11] =	ssyncset.done $0x0  }
0x4f6: {  	[sflag:s11] =	ssyncadd.s32 $0xFFFFC000  }
0x4f7: {  	_ =	swait.ge [sflag:s9], $0x4000  }
0x4f8: {  	[sflag:s9] =	ssyncset.done $0x0  }
0x4f9: {  	s13 =	simm.s32 $0x700;
	[sflag:s9] =	ssyncadd.s32 $0xFFFFC000  }
0x4fa: {  	[tilespmem:s10], [sflag:$0x1] =	stream.indirect.gather [hbm4b:s3+s7], $0x80, s13, s7, $0xb8;
	[tilespmem:$0x1E400] =	vst v63  }
0x4fb: {  	s5 =	simm.s32 $0x1A80  }
0x4fc: {  	[spmem:s2] =	stream.indirect.scatter.add.f32 [tilespmem:s8], [sflag:$0x3], $0x80, s5, s7, $0xb8;
	[tilespmem:$0x1E400] =	vst v63  }
0x4fd: {  	_ =	swait.ge [sflag:s12], $0x4000  }
0x4fe: {  	[sflag:s12] =	ssyncset.done $0x0  }
0x4ff: {  	[sflag:s12] =	ssyncadd.s32 $0xFFFFC000  }
0x500: {  	_ =	swait.ge [sflag:s9], $0x4000  }
0x501: {  	[sflag:s9] =	ssyncset.done $0x0  }
0x502: {  	s13 =	simm.s32 $0x780;
	[sflag:s9] =	ssyncadd.s32 $0xFFFFC000  }
0x503: {  	[tilespmem:s8], [sflag:$0x2] =	stream.indirect.gather [hbm4b:s3+s7], $0x80, s13, s7, $0xb8;
	[tilespmem:$0x1E400] =	vst v63  }
0x504: {  	s5 =	simm.s32 $0x1B00  }
0x505: {  	[spmem:s2] =	stream.indirect.scatter.add.f32 [tilespmem:s10], [sflag:$0x3], $0x80, s5, s7, $0xb8;
	[tilespmem:$0x1E400] =	vst v63  }
0x506: {  	_ =	swait.ge [sflag:s11], $0x4000  }
0x507: {  	[sflag:s11] =	ssyncset.done $0x0  }
0x508: {  	[sflag:s11] =	ssyncadd.s32 $0xFFFFC000  }
0x509: {  	_ =	swait.ge [sflag:s9], $0x4000  }
0x50a: {  	[sflag:s9] =	ssyncset.done $0x0  }
0x50b: {  	s13 =	simm.s32 $0x800;
	[sflag:s9] =	ssyncadd.s32 $0xFFFFC000  }
0x50c: {  	[tilespmem:s10], [sflag:$0x1] =	stream.indirect.gather [hbm4b:s3+s7], $0x80, s13, s7, $0xb8;
	[tilespmem:$0x1E400] =	vst v63  }
0x50d: {  	s5 =	simm.s32 $0x1B80  }
0x50e: {  	[spmem:s2] =	stream.indirect.scatter.add.f32 [tilespmem:s8], [sflag:$0x3], $0x80, s5, s7, $0xb8;
	[tilespmem:$0x1E400] =	vst v63  }
0x50f: {  	_ =	swait.ge [sflag:s12], $0x4000  }
0x510: {  	[sflag:s12] =	ssyncset.done $0x0  }
0x511: {  	[sflag:s12] =	ssyncadd.s32 $0xFFFFC000  }
0x512: {  	_ =	swait.ge [sflag:s9], $0x4000  }
0x513: {  	[sflag:s9] =	ssyncset.done $0x0  }
0x514: {  	[sflag:s9] =	ssyncadd.s32 $0xFFFFC000  }
0x515: {  	[tilespmem:s8], [sflag:$0x2] =	stream.indirect.gather [hbm4b:s3+s7], $0x80, s18, s7, $0xb8;
	[tilespmem:$0x1E400] =	vst v63  }
0x516: {  	s13 =	simm.s32 $0x1C00  }
0x517: {  	[spmem:s2] =	stream.indirect.scatter.add.f32 [tilespmem:s10], [sflag:$0x3], $0x80, s13, s7, $0xb8;
	[tilespmem:$0x1E400] =	vst v63  }
0x518: {  	_ =	swait.ge [sflag:s11], $0x4000  }
0x519: {  	[sflag:s11] =	ssyncset.done $0x0  }
0x51a: {  	[sflag:s11] =	ssyncadd.s32 $0xFFFFC000  }
0x51b: {  	_ =	swait.ge [sflag:s9], $0x4000  }
0x51c: {  	[sflag:s9] =	ssyncset.done $0x0  }
0x51d: {  	[sflag:s9] =	ssyncadd.s32 $0xFFFFC000  }
0x51e: {  	[tilespmem:s10], [sflag:$0x1] =	stream.indirect.gather [hbm4b:s3+s7], $0x80, s30, s7, $0xb8;
	[tilespmem:$0x1E400] =	vst v63  }
0x51f: {  	s5 =	simm.s32 $0x1C80  }
0x520: {  	[spmem:s2] =	stream.indirect.scatter.add.f32 [tilespmem:s8], [sflag:$0x3], $0x80, s5, s7, $0xb8;
	[tilespmem:$0x1E400] =	vst v63  }
0x521: {  	_ =	swait.ge [sflag:s12], $0x4000  }
0x522: {  	[sflag:s12] =	ssyncset.done $0x0  }
0x523: {  	[sflag:s12] =	ssyncadd.s32 $0xFFFFC000  }
0x524: {  	_ =	swait.ge [sflag:s9], $0x4000  }
0x525: {  	[sflag:s9] =	ssyncset.done $0x0  }
0x526: {  	[sflag:s9] =	ssyncadd.s32 $0xFFFFC000  }
0x527: {  	[tilespmem:s8], [sflag:$0x2] =	stream.indirect.gather [hbm4b:s3+s7], $0x80, s6, s7, $0xb8;
	[tilespmem:$0x1E400] =	vst v63  }
0x528: {  	s13 =	simm.s32 $0x1D00  }
0x529: {  	[spmem:s2] =	stream.indirect.scatter.add.f32 [tilespmem:s10], [sflag:$0x3], $0x80, s13, s7, $0xb8;
	[tilespmem:$0x1E400] =	vst v63  }
0x52a: {  	s6 =	rddreg [dreg:$0xd];
	_ =	swait.ge [sflag:s11], $0x4000  }
0x52b: {  	[sflag:s11] =	ssyncset.done $0x0  }
0x52c: {  	[sflag:s11] =	ssyncadd.s32 $0xFFFFC000  }
0x52d: {  	_ =	swait.ge [sflag:s9], $0x4000  }
0x52e: {  	[sflag:s9] =	ssyncset.done $0x0  }
0x52f: {  	s5 =	simm.s32 $0xA00;
	[sflag:s9] =	ssyncadd.s32 $0xFFFFC000  }
0x530: {  	[tilespmem:s10], [sflag:$0x1] =	stream.indirect.gather [hbm4b:s3+s7], $0x80, s5, s7, $0xb8;
	[tilespmem:$0x1E400] =	vst v63  }
0x531: {  	s13 =	simm.s32 $0x1D80  }
0x532: {  	[spmem:s2] =	stream.indirect.scatter.add.f32 [tilespmem:s8], [sflag:$0x3], $0x80, s13, s7, $0xb8;
	[tilespmem:$0x1E400] =	vst v63  }
0x533: {  	s5 =	rddreg [dreg:$0xc];
	_ =	swait.ge [sflag:s12], $0x4000  }
0x534: {  	[sflag:s12] =	ssyncset.done $0x0  }
0x535: {  	[sflag:s12] =	ssyncadd.s32 $0xFFFFC000  }
0x536: {  	_ =	swait.ge [sflag:s9], $0x4000  }
0x537: {  	[sflag:s9] =	ssyncset.done $0x0  }
0x538: {  	[sflag:s9] =	ssyncadd.s32 $0xFFFFC000  }
0x539: {  	[tilespmem:s8], [sflag:$0x2] =	stream.indirect.gather [hbm4b:s3+s7], $0x80, s31, s7, $0xb8;
	[tilespmem:$0x1E400] =	vst v63  }
0x53a: {  	s13 =	simm.s32 $0x1E00  }
0x53b: {  	[spmem:s2] =	stream.indirect.scatter.add.f32 [tilespmem:s10], [sflag:$0x3], $0x80, s13, s7, $0xb8;
	[tilespmem:$0x1E400] =	vst v63  }
0x53c: {  	_ =	swait.ge [sflag:s11], $0x4000  }
0x53d: {  	[sflag:s11] =	ssyncset.done $0x0  }
0x53e: {  	[sflag:s11] =	ssyncadd.s32 $0xFFFFC000  }
0x53f: {  	_ =	swait.ge [sflag:s9], $0x4000  }
0x540: {  	[sflag:s9] =	ssyncset.done $0x0  }
0x541: {  	[sflag:s9] =	ssyncadd.s32 $0xFFFFC000  }
0x542: {  	[tilespmem:s10], [sflag:$0x1] =	stream.indirect.gather [hbm4b:s3+s7], $0x80, s29, s7, $0xb8;
	[tilespmem:$0x1E400] =	vst v63  }
0x543: {  	s13 =	simm.s32 $0x1E80  }
0x544: {  	[spmem:s2] =	stream.indirect.scatter.add.f32 [tilespmem:s8], [sflag:$0x3], $0x80, s13, s7, $0xb8;
	[tilespmem:$0x1E400] =	vst v63  }
0x545: {  	_ =	swait.ge [sflag:s12], $0x4000  }
0x546: {  	[sflag:s12] =	ssyncset.done $0x0  }
0x547: {  	[sflag:s12] =	ssyncadd.s32 $0xFFFFC000  }
0x548: {  	_ =	swait.ge [sflag:s9], $0x4000  }
0x549: {  	[sflag:s9] =	ssyncset.done $0x0  }
0x54a: {  	[sflag:s9] =	ssyncadd.s32 $0xFFFFC000  }
0x54b: {  	[tilespmem:s8], [sflag:$0x2] =	stream.indirect.gather [hbm4b:s3+s7], $0x80, s28, s7, $0xb8;
	[tilespmem:$0x1E400] =	vst v63  }
0x54c: {  	s13 =	simm.s32 $0x1F00  }
0x54d: {  	[spmem:s2] =	stream.indirect.scatter.add.f32 [tilespmem:s10], [sflag:$0x3], $0x80, s13, s7, $0xb8;
	[tilespmem:$0x1E400] =	vst v63  }
0x54e: {  	_ =	swait.ge [sflag:s11], $0x4000  }
0x54f: {  	[sflag:s11] =	ssyncset.done $0x0  }
0x550: {  	[sflag:s11] =	ssyncadd.s32 $0xFFFFC000  }
0x551: {  	_ =	swait.ge [sflag:s9], $0x4000  }
0x552: {  	[sflag:s9] =	ssyncset.done $0x0  }
0x553: {  	[sflag:s9] =	ssyncadd.s32 $0xFFFFC000  }
0x554: {  	[tilespmem:s10], [sflag:$0x1] =	stream.indirect.gather [hbm4b:s3+s7], $0x80, s26, s7, $0xb8;
	[tilespmem:$0x1E400] =	vst v63  }
0x555: {  	s13 =	simm.s32 $0x1F80  }
0x556: {  	[spmem:s2] =	stream.indirect.scatter.add.f32 [tilespmem:s8], [sflag:$0x3], $0x80, s13, s7, $0xb8;
	[tilespmem:$0x1E400] =	vst v63  }
0x557: {  	_ =	swait.ge [sflag:s12], $0x4000  }
0x558: {  	[sflag:s12] =	ssyncset.done $0x0  }
0x559: {  	[sflag:s12] =	ssyncadd.s32 $0xFFFFC000  }
0x55a: {  	_ =	swait.ge [sflag:s9], $0x4000  }
0x55b: {  	[sflag:s9] =	ssyncset.done $0x0  }
0x55c: {  	[sflag:s9] =	ssyncadd.s32 $0xFFFFC000  }
0x55d: {  	[tilespmem:s8], [sflag:$0x2] =	stream.indirect.gather [hbm4b:s3+s7], $0x80, s25, s7, $0xb8;
	[tilespmem:$0x1E400] =	vst v63  }
0x55e: {  	s13 =	simm.s32 $0x2000  }
0x55f: {  	[spmem:s2] =	stream.indirect.scatter.add.f32 [tilespmem:s10], [sflag:$0x3], $0x80, s13, s7, $0xb8;
	[tilespmem:$0x1E400] =	vst v63  }
0x560: {  	_ =	swait.ge [sflag:s11], $0x4000  }
0x561: {  	[sflag:s11] =	ssyncset.done $0x0  }
0x562: {  	[sflag:s11] =	ssyncadd.s32 $0xFFFFC000  }
0x563: {  	_ =	swait.ge [sflag:s9], $0x4000  }
0x564: {  	[sflag:s9] =	ssyncset.done $0x0  }
0x565: {  	[sflag:s9] =	ssyncadd.s32 $0xFFFFC000  }
0x566: {  	[tilespmem:s10], [sflag:$0x1] =	stream.indirect.gather [hbm4b:s3+s7], $0x80, s24, s7, $0xb8;
	[tilespmem:$0x1E400] =	vst v63  }
0x567: {  	s13 =	simm.s32 $0x2080  }
0x568: {  	[spmem:s2] =	stream.indirect.scatter.add.f32 [tilespmem:s8], [sflag:$0x3], $0x80, s13, s7, $0xb8;
	[tilespmem:$0x1E400] =	vst v63  }
0x569: {  	_ =	swait.ge [sflag:s12], $0x4000  }
0x56a: {  	[sflag:s12] =	ssyncset.done $0x0  }
0x56b: {  	[sflag:s12] =	ssyncadd.s32 $0xFFFFC000  }
0x56c: {  	_ =	swait.ge [sflag:s9], $0x4000  }
0x56d: {  	[sflag:s9] =	ssyncset.done $0x0  }
0x56e: {  	[sflag:s9] =	ssyncadd.s32 $0xFFFFC000  }
0x56f: {  	[tilespmem:s8], [sflag:$0x2] =	stream.indirect.gather [hbm4b:s3+s7], $0x80, s23, s7, $0xb8;
	[tilespmem:$0x1E400] =	vst v63  }
0x570: {  	s13 =	simm.s32 $0x2100  }
0x571: {  	[spmem:s2] =	stream.indirect.scatter.add.f32 [tilespmem:s10], [sflag:$0x3], $0x80, s13, s7, $0xb8;
	[tilespmem:$0x1E400] =	vst v63  }
0x572: {  	_ =	swait.ge [sflag:s11], $0x4000  }
0x573: {  	[sflag:s11] =	ssyncset.done $0x0  }
0x574: {  	[sflag:s11] =	ssyncadd.s32 $0xFFFFC000  }
0x575: {  	_ =	swait.ge [sflag:s9], $0x4000  }
0x576: {  	[sflag:s9] =	ssyncset.done $0x0  }
0x577: {  	[sflag:s9] =	ssyncadd.s32 $0xFFFFC000  }
0x578: {  	[tilespmem:s10], [sflag:$0x1] =	stream.indirect.gather [hbm4b:s3+s7], $0x80, s22, s7, $0xb8;
	[tilespmem:$0x1E400] =	vst v63  }
0x579: {  	s13 =	simm.s32 $0x2180  }
0x57a: {  	[spmem:s2] =	stream.indirect.scatter.add.f32 [tilespmem:s8], [sflag:$0x3], $0x80, s13, s7, $0xb8;
	[tilespmem:$0x1E400] =	vst v63  }
0x57b: {  	_ =	swait.ge [sflag:s12], $0x4000  }
0x57c: {  	[sflag:s12] =	ssyncset.done $0x0  }
0x57d: {  	[sflag:s12] =	ssyncadd.s32 $0xFFFFC000  }
0x57e: {  	_ =	swait.ge [sflag:s9], $0x4000  }
0x57f: {  	[sflag:s9] =	ssyncset.done $0x0  }
0x580: {  	[sflag:s9] =	ssyncadd.s32 $0xFFFFC000  }
0x581: {  	[tilespmem:s8], [sflag:$0x2] =	stream.indirect.gather [hbm4b:s3+s7], $0x80, s21, s7, $0xb8;
	[tilespmem:$0x1E400] =	vst v63  }
0x582: {  	s13 =	simm.s32 $0x2200  }
0x583: {  	[spmem:s2] =	stream.indirect.scatter.add.f32 [tilespmem:s10], [sflag:$0x3], $0x80, s13, s7, $0xb8;
	[tilespmem:$0x1E400] =	vst v63  }
0x584: {  	_ =	swait.ge [sflag:s11], $0x4000  }
0x585: {  	[sflag:s11] =	ssyncset.done $0x0  }
0x586: {  	[sflag:s11] =	ssyncadd.s32 $0xFFFFC000  }
0x587: {  	_ =	swait.ge [sflag:s9], $0x4000  }
0x588: {  	[sflag:s9] =	ssyncset.done $0x0  }
0x589: {  	[sflag:s9] =	ssyncadd.s32 $0xFFFFC000  }
0x58a: {  	[tilespmem:s10], [sflag:$0x1] =	stream.indirect.gather [hbm4b:s3+s7], $0x80, s20, s7, $0xb8;
	[tilespmem:$0x1E400] =	vst v63  }
0x58b: {  	s13 =	simm.s32 $0x2280  }
0x58c: {  	[spmem:s2] =	stream.indirect.scatter.add.f32 [tilespmem:s8], [sflag:$0x3], $0x80, s13, s7, $0xb8;
	[tilespmem:$0x1E400] =	vst v63  }
0x58d: {  	_ =	swait.ge [sflag:s12], $0x4000  }
0x58e: {  	[sflag:s12] =	ssyncset.done $0x0  }
0x58f: {  	[sflag:s12] =	ssyncadd.s32 $0xFFFFC000  }
0x590: {  	_ =	swait.ge [sflag:s9], $0x4000  }
0x591: {  	[sflag:s9] =	ssyncset.done $0x0  }
0x592: {  	[sflag:s9] =	ssyncadd.s32 $0xFFFFC000  }
0x593: {  	[tilespmem:s8], [sflag:$0x2] =	stream.indirect.gather [hbm4b:s3+s7], $0x80, s19, s7, $0xb8;
	[tilespmem:$0x1E400] =	vst v63  }
0x594: {  	s13 =	simm.s32 $0x2300  }
0x595: {  	[spmem:s2] =	stream.indirect.scatter.add.f32 [tilespmem:s10], [sflag:$0x3], $0x80, s13, s7, $0xb8;
	[tilespmem:$0x1E400] =	vst v63  }
0x596: {  	_ =	swait.ge [sflag:s11], $0x4000  }
0x597: {  	[sflag:s11] =	ssyncset.done $0x0  }
0x598: {  	[sflag:s11] =	ssyncadd.s32 $0xFFFFC000  }
0x599: {  	_ =	swait.ge [sflag:s9], $0x4000  }
0x59a: {  	[sflag:s9] =	ssyncset.done $0x0  }
0x59b: {  	s13 =	simm.s32 $0x1000;
	[sflag:s9] =	ssyncadd.s32 $0xFFFFC000  }
0x59c: {  	[tilespmem:s10], [sflag:$0x1] =	stream.indirect.gather [hbm4b:s3+s7], $0x80, s13, s7, $0xb8;
	[tilespmem:$0x1E400] =	vst v63  }
0x59d: {  	s13 =	simm.s32 $0x2380  }
0x59e: {  	[spmem:s2] =	stream.indirect.scatter.add.f32 [tilespmem:s8], [sflag:$0x3], $0x80, s13, s7, $0xb8;
	[tilespmem:$0x1E400] =	vst v63  }
0x59f: {  	_ =	swait.ge [sflag:s12], $0x4000  }
0x5a0: {  	[sflag:s12] =	ssyncset.done $0x0  }
0x5a1: {  	[sflag:s12] =	ssyncadd.s32 $0xFFFFC000  }
0x5a2: {  	_ =	swait.ge [sflag:s9], $0x4000  }
0x5a3: {  	[sflag:s9] =	ssyncset.done $0x0  }
0x5a4: {  	s13 =	simm.s32 $0x1080;
	[sflag:s9] =	ssyncadd.s32 $0xFFFFC000  }
0x5a5: {  	[tilespmem:s8], [sflag:$0x2] =	stream.indirect.gather [hbm4b:s3+s7], $0x80, s13, s7, $0xb8;
	[tilespmem:$0x1E400] =	vst v63  }
0x5a6: {  	s13 =	simm.s32 $0x2400  }
0x5a7: {  	[spmem:s2] =	stream.indirect.scatter.add.f32 [tilespmem:s10], [sflag:$0x3], $0x80, s13, s7, $0xb8;
	[tilespmem:$0x1E400] =	vst v63  }
0x5a8: {  	_ =	swait.ge [sflag:s11], $0x4000  }
0x5a9: {  	[sflag:s11] =	ssyncset.done $0x0  }
0x5aa: {  	[sflag:s11] =	ssyncadd.s32 $0xFFFFC000  }
0x5ab: {  	_ =	swait.ge [sflag:s9], $0x4000  }
0x5ac: {  	[sflag:s9] =	ssyncset.done $0x0  }
0x5ad: {  	s13 =	simm.s32 $0x1100;
	[sflag:s9] =	ssyncadd.s32 $0xFFFFC000  }
0x5ae: {  	[tilespmem:s10], [sflag:$0x1] =	stream.indirect.gather [hbm4b:s3+s7], $0x80, s13, s7, $0xb8;
	[tilespmem:$0x1E400] =	vst v63  }
0x5af: {  	s13 =	simm.s32 $0x2480  }
0x5b0: {  	[spmem:s2] =	stream.indirect.scatter.add.f32 [tilespmem:s8], [sflag:$0x3], $0x80, s13, s7, $0xb8;
	[tilespmem:$0x1E400] =	vst v63  }
0x5b1: {  	_ =	swait.ge [sflag:s12], $0x4000  }
0x5b2: {  	[sflag:s12] =	ssyncset.done $0x0  }
0x5b3: {  	[sflag:s12] =	ssyncadd.s32 $0xFFFFC000  }
0x5b4: {  	_ =	swait.ge [sflag:s9], $0x4000  }
0x5b5: {  	[sflag:s9] =	ssyncset.done $0x0  }
0x5b6: {  	s13 =	simm.s32 $0x1180;
	[sflag:s9] =	ssyncadd.s32 $0xFFFFC000  }
0x5b7: {  	[tilespmem:s8], [sflag:$0x2] =	stream.indirect.gather [hbm4b:s3+s7], $0x80, s13, s7, $0xb8;
	[tilespmem:$0x1E400] =	vst v63  }
0x5b8: {  	s13 =	simm.s32 $0x2500  }
0x5b9: {  	[spmem:s2] =	stream.indirect.scatter.add.f32 [tilespmem:s10], [sflag:$0x3], $0x80, s13, s7, $0xb8;
	[tilespmem:$0x1E400] =	vst v63  }
0x5ba: {  	_ =	swait.ge [sflag:s11], $0x4000  }
0x5bb: {  	[sflag:s11] =	ssyncset.done $0x0  }
0x5bc: {  	[sflag:s11] =	ssyncadd.s32 $0xFFFFC000  }
0x5bd: {  	_ =	swait.ge [sflag:s9], $0x4000  }
0x5be: {  	[sflag:s9] =	ssyncset.done $0x0  }
0x5bf: {  	s13 =	simm.s32 $0x1200;
	[sflag:s9] =	ssyncadd.s32 $0xFFFFC000  }
0x5c0: {  	[tilespmem:s10], [sflag:$0x1] =	stream.indirect.gather [hbm4b:s3+s7], $0x80, s13, s7, $0xb8;
	[tilespmem:$0x1E400] =	vst v63  }
0x5c1: {  	s13 =	simm.s32 $0x2580  }
0x5c2: {  	[spmem:s2] =	stream.indirect.scatter.add.f32 [tilespmem:s8], [sflag:$0x3], $0x80, s13, s7, $0xb8;
	[tilespmem:$0x1E400] =	vst v63  }
0x5c3: {  	_ =	swait.ge [sflag:s12], $0x4000  }
0x5c4: {  	[sflag:s12] =	ssyncset.done $0x0  }
0x5c5: {  	[sflag:s12] =	ssyncadd.s32 $0xFFFFC000  }
0x5c6: {  	_ =	swait.ge [sflag:s9], $0x4000  }
0x5c7: {  	[sflag:s9] =	ssyncset.done $0x0  }
0x5c8: {  	s13 =	simm.s32 $0x1280;
	[sflag:s9] =	ssyncadd.s32 $0xFFFFC000  }
0x5c9: {  	[tilespmem:s8], [sflag:$0x2] =	stream.indirect.gather [hbm4b:s3+s7], $0x80, s13, s7, $0xb8;
	[tilespmem:$0x1E400] =	vst v63  }
0x5ca: {  	s13 =	simm.s32 $0x2600  }
0x5cb: {  	[spmem:s2] =	stream.indirect.scatter.add.f32 [tilespmem:s10], [sflag:$0x3], $0x80, s13, s7, $0xb8;
	[tilespmem:$0x1E400] =	vst v63  }
0x5cc: {  	_ =	swait.ge [sflag:s11], $0x4000  }
0x5cd: {  	[sflag:s11] =	ssyncset.done $0x0  }
0x5ce: {  	[sflag:s11] =	ssyncadd.s32 $0xFFFFC000  }
0x5cf: {  	_ =	swait.ge [sflag:s9], $0x4000  }
0x5d0: {  	[sflag:s9] =	ssyncset.done $0x0  }
0x5d1: {  	s13 =	simm.s32 $0x1300;
	[sflag:s9] =	ssyncadd.s32 $0xFFFFC000  }
0x5d2: {  	[tilespmem:s10], [sflag:$0x1] =	stream.indirect.gather [hbm4b:s3+s7], $0x80, s13, s7, $0xb8;
	[tilespmem:$0x1E400] =	vst v63  }
0x5d3: {  	s13 =	simm.s32 $0x2680  }
0x5d4: {  	[spmem:s2] =	stream.indirect.scatter.add.f32 [tilespmem:s8], [sflag:$0x3], $0x80, s13, s7, $0xb8;
	[tilespmem:$0x1E400] =	vst v63  }
0x5d5: {  	_ =	swait.ge [sflag:s12], $0x4000  }
0x5d6: {  	[sflag:s12] =	ssyncset.done $0x0  }
0x5d7: {  	[sflag:s12] =	ssyncadd.s32 $0xFFFFC000  }
0x5d8: {  	_ =	swait.ge [sflag:s9], $0x4000  }
0x5d9: {  	[sflag:s9] =	ssyncset.done $0x0  }
0x5da: {  	s13 =	simm.s32 $0x1380;
	[sflag:s9] =	ssyncadd.s32 $0xFFFFC000  }
0x5db: {  	[tilespmem:s8], [sflag:$0x2] =	stream.indirect.gather [hbm4b:s3+s7], $0x80, s13, s7, $0xb8;
	[tilespmem:$0x1E400] =	vst v63  }
0x5dc: {  	s13 =	simm.s32 $0x2700  }
0x5dd: {  	[spmem:s2] =	stream.indirect.scatter.add.f32 [tilespmem:s10], [sflag:$0x3], $0x80, s13, s7, $0xb8;
	[tilespmem:$0x1E400] =	vst v63  }
0x5de: {  	_ =	swait.ge [sflag:s11], $0x4000  }
0x5df: {  	[sflag:s11] =	ssyncset.done $0x0  }
0x5e0: {  	[sflag:s11] =	ssyncadd.s32 $0xFFFFC000  }
0x5e1: {  	_ =	swait.ge [sflag:s9], $0x4000  }
0x5e2: {  	[sflag:s9] =	ssyncset.done $0x0  }
0x5e3: {  	s13 =	simm.s32 $0x2780;
	[sflag:s9] =	ssyncadd.s32 $0xFFFFC000  }
0x5e4: {  	[spmem:s2] =	stream.indirect.scatter.add.f32 [tilespmem:s8], [sflag:$0x3], $0x80, s13, s7, $0xb8;
	[tilespmem:$0x1E400] =	vst v63  }
0x5e5: {  	_ =	swait.ge [sflag:s9], $0x4000  }
0x5e6: {  	[sflag:s9] =	ssyncset.done $0x0  }
0x5e7: {  	p1 =	sne.s32 s0, $0x1;
	[sflag:s9] =	ssyncadd.s32 $0xFFFFC000  }
.Ltmp2:
0x5e8: {  	[bflag:$0x0] =	sbarrier.arrive $0xFFFF;
	(pc) =	sbr.rel @p1 .LBB2_3-.Ltmp2, $4  }
0x5e9: {  	s1 =	rddreg [dreg:$0xb]  }
0x5ea: {  	[hbm:s1], [sflag:s5] =	dma.local [spmem:s6], $0x2780  }
0x5eb: {  	_ =	swait.ge [sflag:s14], $0x2780  }
0x5ec: {  	s0 =	sadd.s32 $0xFFFFFFFF, s0;
	s13 =	rddreg [dreg:$0x6];
	[sflag:s14] =	ssyncset.done $0x0  }
0x5ed: {  	s30 =	simm.s32 $0x1400;
	s18 =	simm.s32 $0x0  }
.LBB2_5:
0x5ee: {  	[sflag:s14] =	ssyncadd.s32 @p0 $0xFFFFD880  }
0x5ef: {  	[tilespmem:s18], [sflag:$0x4] =	stream.linear.gather [hbm4b:s13+s18], $0x1400, $0x38;
	[tilespmem:$0x1E400] =	vst v63  }
0x5f0: {  	_ =	swait.ge [sflag:s14], $0x1400  }
0x5f1: {  	[sflag:s14] =	ssyncset.done $0x0  }
0x5f2: {  	s0 =	rddreg [dreg:$0x7];
	[sflag:s14] =	ssyncadd.s32 $0xFFFFEC00  }
0x5f3: {  	[tilespmem:s30], [sflag:$0x4] =	stream.linear.gather [hbm4b:s0+s18], $0x1400, $0x38;
	[tilespmem:$0x1E400] =	vst v63  }
0x5f4: {  	_ =	swait.ge [sflag:s14], $0x1400  }
0x5f5: {  	[sflag:s14] =	ssyncset.done $0x0  }
0x5f6: {  	[sflag:s14] =	ssyncadd.s32 $0xFFFFEC00  }
0x5f7: {  	[tilespmem:s10], [sflag:$0x1] =	stream.indirect.gather [hbm4b:s3+s7], $0x80, s18, s7, $0xb8;
	[tilespmem:$0x1E400] =	vst v63  }
0x5f8: {  	s24 =	rddreg [dreg:$0x8]  }
0x5f9: {  	[tilespmem:s8], [sflag:$0x2] =	stream.indirect.gather [hbm4b:s3+s7], $0x80, s7, s7, $0xb8;
	[tilespmem:$0x1E400] =	vst v63  }
0x5fa: {  	[spmem:s6], [sflag:s5] =	dma.local [hbm:s24], $0x2780  }
0x5fb: {  	_ =	swait.ge [sflag:s14], $0x2780  }
0x5fc: {  	[sflag:s14] =	ssyncset.done $0x0  }
0x5fd: {  	[sflag:s14] =	ssyncadd.s32 $0xFFFFD880  }
0x5fe: {  	[bflag:$0x0] =	sbarrier.arrive $0xFFFF  }
0x5ff: {  	_ =	swait.ge [sflag:s12], $0x4000  }
0x600: {  	[sflag:s12] =	ssyncset.done $0x0  }
0x601: {  	[sflag:s12] =	ssyncadd.s32 $0xFFFFC000  }
0x602: {  	[spmem:s2] =	stream.indirect.scatter.add.f32 [tilespmem:s10], [sflag:$0x3], $0x80, s30, s7, $0xb8;
	[tilespmem:$0x1E400] =	vst v63  }
0x603: {  	_ =	swait.ge [sflag:s11], $0x4000  }
0x604: {  	[sflag:s11] =	ssyncset.done $0x0  }
0x605: {  	[sflag:s11] =	ssyncadd.s32 $0xFFFFC000  }
0x606: {  	_ =	swait.ge [sflag:s9], $0x4000  }
0x607: {  	[sflag:s9] =	ssyncset.done $0x0  }
0x608: {  	s13 =	simm.s32 $0x100;
	[sflag:s9] =	ssyncadd.s32 $0xFFFFC000  }
0x609: {  	[tilespmem:s10], [sflag:$0x1] =	stream.indirect.gather [hbm4b:s3+s7], $0x80, s13, s7, $0xb8;
	[tilespmem:$0x1E400] =	vst v63  }
0x60a: {  	s1 =	simm.s32 $0x1480  }
0x60b: {  	[spmem:s2] =	stream.indirect.scatter.add.f32 [tilespmem:s8], [sflag:$0x3], $0x80, s1, s7, $0xb8;
	[tilespmem:$0x1E400] =	vst v63  }
0x60c: {  	_ =	swait.ge [sflag:s12], $0x4000  }
0x60d: {  	[sflag:s12] =	ssyncset.done $0x0  }
0x60e: {  	[sflag:s12] =	ssyncadd.s32 $0xFFFFC000  }
0x60f: {  	_ =	swait.ge [sflag:s9], $0x4000  }
0x610: {  	[sflag:s9] =	ssyncset.done $0x0  }
0x611: {  	s15 =	simm.s32 $0x180;
	[sflag:s9] =	ssyncadd.s32 $0xFFFFC000  }
0x612: {  	[tilespmem:s8], [sflag:$0x2] =	stream.indirect.gather [hbm4b:s3+s7], $0x80, s15, s7, $0xb8;
	[tilespmem:$0x1E400] =	vst v63  }
0x613: {  	s4 =	simm.s32 $0x1500  }
0x614: {  	[spmem:s2] =	stream.indirect.scatter.add.f32 [tilespmem:s10], [sflag:$0x3], $0x80, s4, s7, $0xb8;
	[tilespmem:$0x1E400] =	vst v63  }
0x615: {  	_ =	swait.ge [sflag:s11], $0x4000  }
0x616: {  	[sflag:s11] =	ssyncset.done $0x0  }
0x617: {  	[sflag:s11] =	ssyncadd.s32 $0xFFFFC000  }
0x618: {  	_ =	swait.ge [sflag:s9], $0x4000  }
0x619: {  	[sflag:s9] =	ssyncset.done $0x0  }
0x61a: {  	s17 =	simm.s32 $0x200;
	[sflag:s9] =	ssyncadd.s32 $0xFFFFC000  }
0x61b: {  	[tilespmem:s10], [sflag:$0x1] =	stream.indirect.gather [hbm4b:s3+s7], $0x80, s17, s7, $0xb8;
	[tilespmem:$0x1E400] =	vst v63  }
0x61c: {  	s16 =	simm.s32 $0x1580  }
0x61d: {  	[spmem:s2] =	stream.indirect.scatter.add.f32 [tilespmem:s8], [sflag:$0x3], $0x80, s16, s7, $0xb8;
	[tilespmem:$0x1E400] =	vst v63  }
0x61e: {  	_ =	swait.ge [sflag:s12], $0x4000  }
0x61f: {  	[sflag:s12] =	ssyncset.done $0x0  }
0x620: {  	[sflag:s12] =	ssyncadd.s32 $0xFFFFC000  }
0x621: {  	_ =	swait.ge [sflag:s9], $0x4000  }
0x622: {  	[sflag:s9] =	ssyncset.done $0x0  }
0x623: {  	s20 =	simm.s32 $0x280;
	[sflag:s9] =	ssyncadd.s32 $0xFFFFC000  }
0x624: {  	[tilespmem:s8], [sflag:$0x2] =	stream.indirect.gather [hbm4b:s3+s7], $0x80, s20, s7, $0xb8;
	[tilespmem:$0x1E400] =	vst v63  }
0x625: {  	s19 =	simm.s32 $0x1600  }
0x626: {  	[spmem:s2] =	stream.indirect.scatter.add.f32 [tilespmem:s10], [sflag:$0x3], $0x80, s19, s7, $0xb8;
	[tilespmem:$0x1E400] =	vst v63  }
0x627: {  	_ =	swait.ge [sflag:s11], $0x4000  }
0x628: {  	[sflag:s11] =	ssyncset.done $0x0  }
0x629: {  	[sflag:s11] =	ssyncadd.s32 $0xFFFFC000  }
0x62a: {  	_ =	swait.ge [sflag:s9], $0x4000  }
0x62b: {  	[sflag:s9] =	ssyncset.done $0x0  }
0x62c: {  	s22 =	simm.s32 $0x300;
	[sflag:s9] =	ssyncadd.s32 $0xFFFFC000  }
0x62d: {  	[tilespmem:s10], [sflag:$0x1] =	stream.indirect.gather [hbm4b:s3+s7], $0x80, s22, s7, $0xb8;
	[tilespmem:$0x1E400] =	vst v63  }
0x62e: {  	s21 =	simm.s32 $0x1680  }
0x62f: {  	[spmem:s2] =	stream.indirect.scatter.add.f32 [tilespmem:s8], [sflag:$0x3], $0x80, s21, s7, $0xb8;
	[tilespmem:$0x1E400] =	vst v63  }
0x630: {  	_ =	swait.ge [sflag:s12], $0x4000  }
0x631: {  	[sflag:s12] =	ssyncset.done $0x0  }
0x632: {  	[sflag:s12] =	ssyncadd.s32 $0xFFFFC000  }
0x633: {  	_ =	swait.ge [sflag:s9], $0x4000  }
0x634: {  	[sflag:s9] =	ssyncset.done $0x0  }
0x635: {  	s25 =	simm.s32 $0x380;
	[sflag:s9] =	ssyncadd.s32 $0xFFFFC000  }
0x636: {  	[tilespmem:s8], [sflag:$0x2] =	stream.indirect.gather [hbm4b:s3+s7], $0x80, s25, s7, $0xb8;
	[tilespmem:$0x1E400] =	vst v63  }
0x637: {  	s26 =	simm.s32 $0x1700  }
0x638: {  	[spmem:s2] =	stream.indirect.scatter.add.f32 [tilespmem:s10], [sflag:$0x3], $0x80, s26, s7, $0xb8;
	[tilespmem:$0x1E400] =	vst v63  }
0x639: {  	_ =	swait.ge [sflag:s11], $0x4000  }
0x63a: {  	[sflag:s11] =	ssyncset.done $0x0  }
0x63b: {  	[sflag:s11] =	ssyncadd.s32 $0xFFFFC000  }
0x63c: {  	_ =	swait.ge [sflag:s9], $0x4000  }
0x63d: {  	[sflag:s9] =	ssyncset.done $0x0  }
0x63e: {  	s28 =	simm.s32 $0x400;
	[sflag:s9] =	ssyncadd.s32 $0xFFFFC000  }
0x63f: {  	[tilespmem:s10], [sflag:$0x1] =	stream.indirect.gather [hbm4b:s3+s7], $0x80, s28, s7, $0xb8;
	[tilespmem:$0x1E400] =	vst v63  }
0x640: {  	s29 =	simm.s32 $0x1780  }
0x641: {  	[spmem:s2] =	stream.indirect.scatter.add.f32 [tilespmem:s8], [sflag:$0x3], $0x80, s29, s7, $0xb8;
	[tilespmem:$0x1E400] =	vst v63  }
0x642: {  	_ =	swait.ge [sflag:s12], $0x4000  }
0x643: {  	[sflag:s12] =	ssyncset.done $0x0  }
0x644: {  	[sflag:s12] =	ssyncadd.s32 $0xFFFFC000  }
0x645: {  	_ =	swait.ge [sflag:s9], $0x4000  }
0x646: {  	[sflag:s9] =	ssyncset.done $0x0  }
0x647: {  	s31 =	simm.s32 $0x480;
	[sflag:s9] =	ssyncadd.s32 $0xFFFFC000  }
0x648: {  	[tilespmem:s8], [sflag:$0x2] =	stream.indirect.gather [hbm4b:s3+s7], $0x80, s31, s7, $0xb8;
	[tilespmem:$0x1E400] =	vst v63  }
0x649: {  	s23 =	simm.s32 $0x1800  }
0x64a: {  	[spmem:s2] =	stream.indirect.scatter.add.f32 [tilespmem:s10], [sflag:$0x3], $0x80, s23, s7, $0xb8;
	[tilespmem:$0x1E400] =	vst v63  }
0x64b: {  	_ =	swait.ge [sflag:s11], $0x4000  }
0x64c: {  	[sflag:s11] =	ssyncset.done $0x0  }
0x64d: {  	[sflag:s11] =	ssyncadd.s32 $0xFFFFC000  }
0x64e: {  	_ =	swait.ge [sflag:s9], $0x4000  }
0x64f: {  	[sflag:s9] =	ssyncset.done $0x0  }
0x650: {  	s24 =	simm.s32 $0x500;
	[sflag:s9] =	ssyncadd.s32 $0xFFFFC000  }
0x651: {  	[tilespmem:s10], [sflag:$0x1] =	stream.indirect.gather [hbm4b:s3+s7], $0x80, s24, s7, $0xb8;
	[tilespmem:$0x1E400] =	vst v63  }
0x652: {  	s25 =	simm.s32 $0x1880  }
0x653: {  	[spmem:s2] =	stream.indirect.scatter.add.f32 [tilespmem:s8], [sflag:$0x3], $0x80, s25, s7, $0xb8;
	[tilespmem:$0x1E400] =	vst v63  }
0x654: {  	_ =	swait.ge [sflag:s12], $0x4000  }
0x655: {  	[sflag:s12] =	ssyncset.done $0x0  }
0x656: {  	[sflag:s12] =	ssyncadd.s32 $0xFFFFC000  }
0x657: {  	_ =	swait.ge [sflag:s9], $0x4000  }
0x658: {  	[sflag:s9] =	ssyncset.done $0x0  }
0x659: {  	s26 =	simm.s32 $0x580;
	[sflag:s9] =	ssyncadd.s32 $0xFFFFC000  }
0x65a: {  	[tilespmem:s8], [sflag:$0x2] =	stream.indirect.gather [hbm4b:s3+s7], $0x80, s26, s7, $0xb8;
	[tilespmem:$0x1E400] =	vst v63  }
0x65b: {  	s28 =	simm.s32 $0x1900  }
0x65c: {  	[spmem:s2] =	stream.indirect.scatter.add.f32 [tilespmem:s10], [sflag:$0x3], $0x80, s28, s7, $0xb8;
	[tilespmem:$0x1E400] =	vst v63  }
0x65d: {  	_ =	swait.ge [sflag:s11], $0x4000  }
0x65e: {  	[sflag:s11] =	ssyncset.done $0x0  }
0x65f: {  	[sflag:s11] =	ssyncadd.s32 $0xFFFFC000  }
0x660: {  	_ =	swait.ge [sflag:s9], $0x4000  }
0x661: {  	[sflag:s9] =	ssyncset.done $0x0  }
0x662: {  	s29 =	simm.s32 $0x600;
	[sflag:s9] =	ssyncadd.s32 $0xFFFFC000  }
0x663: {  	[tilespmem:s10], [sflag:$0x1] =	stream.indirect.gather [hbm4b:s3+s7], $0x80, s29, s7, $0xb8;
	[tilespmem:$0x1E400] =	vst v63  }
0x664: {  	s31 =	simm.s32 $0x1980  }
0x665: {  	[spmem:s2] =	stream.indirect.scatter.add.f32 [tilespmem:s8], [sflag:$0x3], $0x80, s31, s7, $0xb8;
	[tilespmem:$0x1E400] =	vst v63  }
0x666: {  	_ =	swait.ge [sflag:s12], $0x4000  }
0x667: {  	[sflag:s12] =	ssyncset.done $0x0  }
0x668: {  	[sflag:s12] =	ssyncadd.s32 $0xFFFFC000  }
0x669: {  	_ =	swait.ge [sflag:s9], $0x4000  }
0x66a: {  	[sflag:s9] =	ssyncset.done $0x0  }
0x66b: {  	s23 =	simm.s32 $0x680;
	[sflag:s9] =	ssyncadd.s32 $0xFFFFC000  }
0x66c: {  	[tilespmem:s8], [sflag:$0x2] =	stream.indirect.gather [hbm4b:s3+s7], $0x80, s23, s7, $0xb8;
	[tilespmem:$0x1E400] =	vst v63  }
0x66d: {  	s24 =	simm.s32 $0x1A00  }
0x66e: {  	[spmem:s2] =	stream.indirect.scatter.add.f32 [tilespmem:s10], [sflag:$0x3], $0x80, s24, s7, $0xb8;
	[tilespmem:$0x1E400] =	vst v63  }
0x66f: {  	_ =	swait.ge [sflag:s11], $0x4000  }
0x670: {  	[sflag:s11] =	ssyncset.done $0x0  }
0x671: {  	[sflag:s11] =	ssyncadd.s32 $0xFFFFC000  }
0x672: {  	_ =	swait.ge [sflag:s9], $0x4000  }
0x673: {  	[sflag:s9] =	ssyncset.done $0x0  }
0x674: {  	s25 =	simm.s32 $0x700;
	[sflag:s9] =	ssyncadd.s32 $0xFFFFC000  }
0x675: {  	[tilespmem:s10], [sflag:$0x1] =	stream.indirect.gather [hbm4b:s3+s7], $0x80, s25, s7, $0xb8;
	[tilespmem:$0x1E400] =	vst v63  }
0x676: {  	s26 =	simm.s32 $0x1A80  }
0x677: {  	[spmem:s2] =	stream.indirect.scatter.add.f32 [tilespmem:s8], [sflag:$0x3], $0x80, s26, s7, $0xb8;
	[tilespmem:$0x1E400] =	vst v63  }
0x678: {  	_ =	swait.ge [sflag:s12], $0x4000  }
0x679: {  	[sflag:s12] =	ssyncset.done $0x0  }
0x67a: {  	[sflag:s12] =	ssyncadd.s32 $0xFFFFC000  }
0x67b: {  	_ =	swait.ge [sflag:s9], $0x4000  }
0x67c: {  	[sflag:s9] =	ssyncset.done $0x0  }
0x67d: {  	s28 =	simm.s32 $0x780;
	[sflag:s9] =	ssyncadd.s32 $0xFFFFC000  }
0x67e: {  	[tilespmem:s8], [sflag:$0x2] =	stream.indirect.gather [hbm4b:s3+s7], $0x80, s28, s7, $0xb8;
	[tilespmem:$0x1E400] =	vst v63  }
0x67f: {  	s29 =	simm.s32 $0x1B00  }
0x680: {  	[spmem:s2] =	stream.indirect.scatter.add.f32 [tilespmem:s10], [sflag:$0x3], $0x80, s29, s7, $0xb8;
	[tilespmem:$0x1E400] =	vst v63  }
0x681: {  	_ =	swait.ge [sflag:s11], $0x4000  }
0x682: {  	[sflag:s11] =	ssyncset.done $0x0  }
0x683: {  	[sflag:s11] =	ssyncadd.s32 $0xFFFFC000  }
0x684: {  	_ =	swait.ge [sflag:s9], $0x4000  }
0x685: {  	[sflag:s9] =	ssyncset.done $0x0  }
0x686: {  	s31 =	simm.s32 $0x800;
	[sflag:s9] =	ssyncadd.s32 $0xFFFFC000  }
0x687: {  	[tilespmem:s10], [sflag:$0x1] =	stream.indirect.gather [hbm4b:s3+s7], $0x80, s31, s7, $0xb8;
	[tilespmem:$0x1E400] =	vst v63  }
0x688: {  	s23 =	simm.s32 $0x1B80  }
0x689: {  	[spmem:s2] =	stream.indirect.scatter.add.f32 [tilespmem:s8], [sflag:$0x3], $0x80, s23, s7, $0xb8;
	[tilespmem:$0x1E400] =	vst v63  }
0x68a: {  	_ =	swait.ge [sflag:s12], $0x4000  }
0x68b: {  	[sflag:s12] =	ssyncset.done $0x0  }
0x68c: {  	[sflag:s12] =	ssyncadd.s32 $0xFFFFC000  }
0x68d: {  	_ =	swait.ge [sflag:s9], $0x4000  }
0x68e: {  	[sflag:s9] =	ssyncset.done $0x0  }
0x68f: {  	s24 =	simm.s32 $0x880;
	[sflag:s9] =	ssyncadd.s32 $0xFFFFC000  }
0x690: {  	[tilespmem:s8], [sflag:$0x2] =	stream.indirect.gather [hbm4b:s3+s7], $0x80, s24, s7, $0xb8;
	[tilespmem:$0x1E400] =	vst v63  }
0x691: {  	s25 =	simm.s32 $0x1C00  }
0x692: {  	[spmem:s2] =	stream.indirect.scatter.add.f32 [tilespmem:s10], [sflag:$0x3], $0x80, s25, s7, $0xb8;
	[tilespmem:$0x1E400] =	vst v63  }
0x693: {  	_ =	swait.ge [sflag:s11], $0x4000  }
0x694: {  	[sflag:s11] =	ssyncset.done $0x0  }
0x695: {  	[sflag:s11] =	ssyncadd.s32 $0xFFFFC000  }
0x696: {  	_ =	swait.ge [sflag:s9], $0x4000  }
0x697: {  	[sflag:s9] =	ssyncset.done $0x0  }
0x698: {  	s26 =	simm.s32 $0x900;
	[sflag:s9] =	ssyncadd.s32 $0xFFFFC000  }
0x699: {  	[tilespmem:s10], [sflag:$0x1] =	stream.indirect.gather [hbm4b:s3+s7], $0x80, s26, s7, $0xb8;
	[tilespmem:$0x1E400] =	vst v63  }
0x69a: {  	s28 =	simm.s32 $0x1C80  }
0x69b: {  	[spmem:s2] =	stream.indirect.scatter.add.f32 [tilespmem:s8], [sflag:$0x3], $0x80, s28, s7, $0xb8;
	[tilespmem:$0x1E400] =	vst v63  }
0x69c: {  	_ =	swait.ge [sflag:s12], $0x4000  }
0x69d: {  	[sflag:s12] =	ssyncset.done $0x0  }
0x69e: {  	[sflag:s12] =	ssyncadd.s32 $0xFFFFC000  }
0x69f: {  	_ =	swait.ge [sflag:s9], $0x4000  }
0x6a0: {  	[sflag:s9] =	ssyncset.done $0x0  }
0x6a1: {  	s29 =	simm.s32 $0x980;
	[sflag:s9] =	ssyncadd.s32 $0xFFFFC000  }
0x6a2: {  	[tilespmem:s8], [sflag:$0x2] =	stream.indirect.gather [hbm4b:s3+s7], $0x80, s29, s7, $0xb8;
	[tilespmem:$0x1E400] =	vst v63  }
0x6a3: {  	s31 =	simm.s32 $0x1D00  }
0x6a4: {  	[spmem:s2] =	stream.indirect.scatter.add.f32 [tilespmem:s10], [sflag:$0x3], $0x80, s31, s7, $0xb8;
	[tilespmem:$0x1E400] =	vst v63  }
0x6a5: {  	_ =	swait.ge [sflag:s11], $0x4000  }
0x6a6: {  	[sflag:s11] =	ssyncset.done $0x0  }
0x6a7: {  	[sflag:s11] =	ssyncadd.s32 $0xFFFFC000  }
0x6a8: {  	_ =	swait.ge [sflag:s9], $0x4000  }
0x6a9: {  	[sflag:s9] =	ssyncset.done $0x0  }
0x6aa: {  	s23 =	simm.s32 $0xA00;
	[sflag:s9] =	ssyncadd.s32 $0xFFFFC000  }
0x6ab: {  	[tilespmem:s10], [sflag:$0x1] =	stream.indirect.gather [hbm4b:s3+s7], $0x80, s23, s7, $0xb8;
	[tilespmem:$0x1E400] =	vst v63  }
0x6ac: {  	s24 =	simm.s32 $0x1D80  }
0x6ad: {  	[spmem:s2] =	stream.indirect.scatter.add.f32 [tilespmem:s8], [sflag:$0x3], $0x80, s24, s7, $0xb8;
	[tilespmem:$0x1E400] =	vst v63  }
0x6ae: {  	_ =	swait.ge [sflag:s12], $0x4000  }
0x6af: {  	[sflag:s12] =	ssyncset.done $0x0  }
0x6b0: {  	[sflag:s12] =	ssyncadd.s32 $0xFFFFC000  }
0x6b1: {  	_ =	swait.ge [sflag:s9], $0x4000  }
0x6b2: {  	[sflag:s9] =	ssyncset.done $0x0  }
0x6b3: {  	s25 =	simm.s32 $0xA80;
	[sflag:s9] =	ssyncadd.s32 $0xFFFFC000  }
0x6b4: {  	[tilespmem:s8], [sflag:$0x2] =	stream.indirect.gather [hbm4b:s3+s7], $0x80, s25, s7, $0xb8;
	[tilespmem:$0x1E400] =	vst v63  }
0x6b5: {  	s26 =	simm.s32 $0x1E00  }
0x6b6: {  	[spmem:s2] =	stream.indirect.scatter.add.f32 [tilespmem:s10], [sflag:$0x3], $0x80, s26, s7, $0xb8;
	[tilespmem:$0x1E400] =	vst v63  }
0x6b7: {  	_ =	swait.ge [sflag:s11], $0x4000  }
0x6b8: {  	[sflag:s11] =	ssyncset.done $0x0  }
0x6b9: {  	[sflag:s11] =	ssyncadd.s32 $0xFFFFC000  }
0x6ba: {  	_ =	swait.ge [sflag:s9], $0x4000  }
0x6bb: {  	[sflag:s9] =	ssyncset.done $0x0  }
0x6bc: {  	s28 =	simm.s32 $0xB00;
	[sflag:s9] =	ssyncadd.s32 $0xFFFFC000  }
0x6bd: {  	[tilespmem:s10], [sflag:$0x1] =	stream.indirect.gather [hbm4b:s3+s7], $0x80, s28, s7, $0xb8;
	[tilespmem:$0x1E400] =	vst v63  }
0x6be: {  	s29 =	simm.s32 $0x1E80  }
0x6bf: {  	[spmem:s2] =	stream.indirect.scatter.add.f32 [tilespmem:s8], [sflag:$0x3], $0x80, s29, s7, $0xb8;
	[tilespmem:$0x1E400] =	vst v63  }
0x6c0: {  	_ =	swait.ge [sflag:s12], $0x4000  }
0x6c1: {  	[sflag:s12] =	ssyncset.done $0x0  }
0x6c2: {  	[sflag:s12] =	ssyncadd.s32 $0xFFFFC000  }
0x6c3: {  	_ =	swait.ge [sflag:s9], $0x4000  }
0x6c4: {  	[sflag:s9] =	ssyncset.done $0x0  }
0x6c5: {  	s31 =	simm.s32 $0xB80;
	[sflag:s9] =	ssyncadd.s32 $0xFFFFC000  }
0x6c6: {  	[tilespmem:s8], [sflag:$0x2] =	stream.indirect.gather [hbm4b:s3+s7], $0x80, s31, s7, $0xb8;
	[tilespmem:$0x1E400] =	vst v63  }
0x6c7: {  	s23 =	simm.s32 $0x1F00  }
0x6c8: {  	[spmem:s2] =	stream.indirect.scatter.add.f32 [tilespmem:s10], [sflag:$0x3], $0x80, s23, s7, $0xb8;
	[tilespmem:$0x1E400] =	vst v63  }
0x6c9: {  	_ =	swait.ge [sflag:s11], $0x4000  }
0x6ca: {  	[sflag:s11] =	ssyncset.done $0x0  }
0x6cb: {  	[sflag:s11] =	ssyncadd.s32 $0xFFFFC000  }
0x6cc: {  	_ =	swait.ge [sflag:s9], $0x4000  }
0x6cd: {  	[sflag:s9] =	ssyncset.done $0x0  }
0x6ce: {  	s24 =	simm.s32 $0xC00;
	[sflag:s9] =	ssyncadd.s32 $0xFFFFC000  }
0x6cf: {  	[tilespmem:s10], [sflag:$0x1] =	stream.indirect.gather [hbm4b:s3+s7], $0x80, s24, s7, $0xb8;
	[tilespmem:$0x1E400] =	vst v63  }
0x6d0: {  	s25 =	simm.s32 $0x1F80  }
0x6d1: {  	[spmem:s2] =	stream.indirect.scatter.add.f32 [tilespmem:s8], [sflag:$0x3], $0x80, s25, s7, $0xb8;
	[tilespmem:$0x1E400] =	vst v63  }
0x6d2: {  	_ =	swait.ge [sflag:s12], $0x4000  }
0x6d3: {  	[sflag:s12] =	ssyncset.done $0x0  }
0x6d4: {  	[sflag:s12] =	ssyncadd.s32 $0xFFFFC000  }
0x6d5: {  	_ =	swait.ge [sflag:s9], $0x4000  }
0x6d6: {  	[sflag:s9] =	ssyncset.done $0x0  }
0x6d7: {  	s26 =	simm.s32 $0xC80;
	[sflag:s9] =	ssyncadd.s32 $0xFFFFC000  }
0x6d8: {  	[tilespmem:s8], [sflag:$0x2] =	stream.indirect.gather [hbm4b:s3+s7], $0x80, s26, s7, $0xb8;
	[tilespmem:$0x1E400] =	vst v63  }
0x6d9: {  	s28 =	simm.s32 $0x2000  }
0x6da: {  	[spmem:s2] =	stream.indirect.scatter.add.f32 [tilespmem:s10], [sflag:$0x3], $0x80, s28, s7, $0xb8;
	[tilespmem:$0x1E400] =	vst v63  }
0x6db: {  	_ =	swait.ge [sflag:s11], $0x4000  }
0x6dc: {  	[sflag:s11] =	ssyncset.done $0x0  }
0x6dd: {  	[sflag:s11] =	ssyncadd.s32 $0xFFFFC000  }
0x6de: {  	_ =	swait.ge [sflag:s9], $0x4000  }
0x6df: {  	[sflag:s9] =	ssyncset.done $0x0  }
0x6e0: {  	s29 =	simm.s32 $0xD00;
	[sflag:s9] =	ssyncadd.s32 $0xFFFFC000  }
0x6e1: {  	[tilespmem:s10], [sflag:$0x1] =	stream.indirect.gather [hbm4b:s3+s7], $0x80, s29, s7, $0xb8;
	[tilespmem:$0x1E400] =	vst v63  }
0x6e2: {  	s31 =	simm.s32 $0x2080  }
0x6e3: {  	[spmem:s2] =	stream.indirect.scatter.add.f32 [tilespmem:s8], [sflag:$0x3], $0x80, s31, s7, $0xb8;
	[tilespmem:$0x1E400] =	vst v63  }
0x6e4: {  	_ =	swait.ge [sflag:s12], $0x4000  }
0x6e5: {  	[sflag:s12] =	ssyncset.done $0x0  }
0x6e6: {  	[sflag:s12] =	ssyncadd.s32 $0xFFFFC000  }
0x6e7: {  	_ =	swait.ge [sflag:s9], $0x4000  }
0x6e8: {  	[sflag:s9] =	ssyncset.done $0x0  }
0x6e9: {  	s23 =	simm.s32 $0xD80;
	[sflag:s9] =	ssyncadd.s32 $0xFFFFC000  }
0x6ea: {  	[tilespmem:s8], [sflag:$0x2] =	stream.indirect.gather [hbm4b:s3+s7], $0x80, s23, s7, $0xb8;
	[tilespmem:$0x1E400] =	vst v63  }
0x6eb: {  	s24 =	simm.s32 $0x2100  }
0x6ec: {  	[spmem:s2] =	stream.indirect.scatter.add.f32 [tilespmem:s10], [sflag:$0x3], $0x80, s24, s7, $0xb8;
	[tilespmem:$0x1E400] =	vst v63  }
0x6ed: {  	_ =	swait.ge [sflag:s11], $0x4000  }
0x6ee: {  	[sflag:s11] =	ssyncset.done $0x0  }
0x6ef: {  	[sflag:s11] =	ssyncadd.s32 $0xFFFFC000  }
0x6f0: {  	_ =	swait.ge [sflag:s9], $0x4000  }
0x6f1: {  	[sflag:s9] =	ssyncset.done $0x0  }
0x6f2: {  	s25 =	simm.s32 $0xE00;
	[sflag:s9] =	ssyncadd.s32 $0xFFFFC000  }
0x6f3: {  	[tilespmem:s10], [sflag:$0x1] =	stream.indirect.gather [hbm4b:s3+s7], $0x80, s25, s7, $0xb8;
	[tilespmem:$0x1E400] =	vst v63  }
0x6f4: {  	s26 =	simm.s32 $0x2180  }
0x6f5: {  	[spmem:s2] =	stream.indirect.scatter.add.f32 [tilespmem:s8], [sflag:$0x3], $0x80, s26, s7, $0xb8;
	[tilespmem:$0x1E400] =	vst v63  }
0x6f6: {  	_ =	swait.ge [sflag:s12], $0x4000  }
0x6f7: {  	[sflag:s12] =	ssyncset.done $0x0  }
0x6f8: {  	[sflag:s12] =	ssyncadd.s32 $0xFFFFC000  }
0x6f9: {  	_ =	swait.ge [sflag:s9], $0x4000  }
0x6fa: {  	[sflag:s9] =	ssyncset.done $0x0  }
0x6fb: {  	s28 =	simm.s32 $0xE80;
	[sflag:s9] =	ssyncadd.s32 $0xFFFFC000  }
0x6fc: {  	[tilespmem:s8], [sflag:$0x2] =	stream.indirect.gather [hbm4b:s3+s7], $0x80, s28, s7, $0xb8;
	[tilespmem:$0x1E400] =	vst v63  }
0x6fd: {  	s29 =	simm.s32 $0x2200  }
0x6fe: {  	[spmem:s2] =	stream.indirect.scatter.add.f32 [tilespmem:s10], [sflag:$0x3], $0x80, s29, s7, $0xb8;
	[tilespmem:$0x1E400] =	vst v63  }
0x6ff: {  	_ =	swait.ge [sflag:s11], $0x4000  }
0x700: {  	[sflag:s11] =	ssyncset.done $0x0  }
0x701: {  	[sflag:s11] =	ssyncadd.s32 $0xFFFFC000  }
0x702: {  	_ =	swait.ge [sflag:s9], $0x4000  }
0x703: {  	[sflag:s9] =	ssyncset.done $0x0  }
0x704: {  	s31 =	simm.s32 $0xF00;
	[sflag:s9] =	ssyncadd.s32 $0xFFFFC000  }
0x705: {  	[tilespmem:s10], [sflag:$0x1] =	stream.indirect.gather [hbm4b:s3+s7], $0x80, s31, s7, $0xb8;
	[tilespmem:$0x1E400] =	vst v63  }
0x706: {  	s23 =	simm.s32 $0x2280  }
0x707: {  	[spmem:s2] =	stream.indirect.scatter.add.f32 [tilespmem:s8], [sflag:$0x3], $0x80, s23, s7, $0xb8;
	[tilespmem:$0x1E400] =	vst v63  }
0x708: {  	_ =	swait.ge [sflag:s12], $0x4000  }
0x709: {  	[sflag:s12] =	ssyncset.done $0x0  }
0x70a: {  	[sflag:s12] =	ssyncadd.s32 $0xFFFFC000  }
0x70b: {  	_ =	swait.ge [sflag:s9], $0x4000  }
0x70c: {  	[sflag:s9] =	ssyncset.done $0x0  }
0x70d: {  	s24 =	simm.s32 $0xF80;
	[sflag:s9] =	ssyncadd.s32 $0xFFFFC000  }
0x70e: {  	[tilespmem:s8], [sflag:$0x2] =	stream.indirect.gather [hbm4b:s3+s7], $0x80, s24, s7, $0xb8;
	[tilespmem:$0x1E400] =	vst v63  }
0x70f: {  	s25 =	simm.s32 $0x2300  }
0x710: {  	[spmem:s2] =	stream.indirect.scatter.add.f32 [tilespmem:s10], [sflag:$0x3], $0x80, s25, s7, $0xb8;
	[tilespmem:$0x1E400] =	vst v63  }
0x711: {  	_ =	swait.ge [sflag:s11], $0x4000  }
0x712: {  	[sflag:s11] =	ssyncset.done $0x0  }
0x713: {  	[sflag:s11] =	ssyncadd.s32 $0xFFFFC000  }
0x714: {  	_ =	swait.ge [sflag:s9], $0x4000  }
0x715: {  	[sflag:s9] =	ssyncset.done $0x0  }
0x716: {  	s29 =	simm.s32 $0x1000;
	[sflag:s9] =	ssyncadd.s32 $0xFFFFC000  }
0x717: {  	[tilespmem:s10], [sflag:$0x1] =	stream.indirect.gather [hbm4b:s3+s7], $0x80, s29, s7, $0xb8;
	[tilespmem:$0x1E400] =	vst v63  }
0x718: {  	s31 =	simm.s32 $0x2380  }
0x719: {  	[spmem:s2] =	stream.indirect.scatter.add.f32 [tilespmem:s8], [sflag:$0x3], $0x80, s31, s7, $0xb8;
	[tilespmem:$0x1E400] =	vst v63  }
0x71a: {  	_ =	swait.ge [sflag:s12], $0x4000  }
0x71b: {  	[sflag:s12] =	ssyncset.done $0x0  }
0x71c: {  	[sflag:s12] =	ssyncadd.s32 $0xFFFFC000  }
0x71d: {  	_ =	swait.ge [sflag:s9], $0x4000  }
0x71e: {  	[sflag:s9] =	ssyncset.done $0x0  }
0x71f: {  	s28 =	simm.s32 $0x1080;
	[sflag:s9] =	ssyncadd.s32 $0xFFFFC000  }
0x720: {  	[tilespmem:s8], [sflag:$0x2] =	stream.indirect.gather [hbm4b:s3+s7], $0x80, s28, s7, $0xb8;
	[tilespmem:$0x1E400] =	vst v63  }
0x721: {  	s26 =	simm.s32 $0x2400  }
0x722: {  	[spmem:s2] =	stream.indirect.scatter.add.f32 [tilespmem:s10], [sflag:$0x3], $0x80, s26, s7, $0xb8;
	[tilespmem:$0x1E400] =	vst v63  }
0x723: {  	_ =	swait.ge [sflag:s11], $0x4000  }
0x724: {  	[sflag:s11] =	ssyncset.done $0x0  }
0x725: {  	[sflag:s11] =	ssyncadd.s32 $0xFFFFC000  }
0x726: {  	_ =	swait.ge [sflag:s9], $0x4000  }
0x727: {  	[sflag:s9] =	ssyncset.done $0x0  }
0x728: {  	s25 =	simm.s32 $0x1100;
	[sflag:s9] =	ssyncadd.s32 $0xFFFFC000  }
0x729: {  	[tilespmem:s10], [sflag:$0x1] =	stream.indirect.gather [hbm4b:s3+s7], $0x80, s25, s7, $0xb8;
	[tilespmem:$0x1E400] =	vst v63  }
0x72a: {  	s26 =	simm.s32 $0x2480  }
0x72b: {  	[spmem:s2] =	stream.indirect.scatter.add.f32 [tilespmem:s8], [sflag:$0x3], $0x80, s26, s7, $0xb8;
	[tilespmem:$0x1E400] =	vst v63  }
0x72c: {  	_ =	swait.ge [sflag:s12], $0x4000  }
0x72d: {  	[sflag:s12] =	ssyncset.done $0x0  }
0x72e: {  	[sflag:s12] =	ssyncadd.s32 $0xFFFFC000  }
0x72f: {  	_ =	swait.ge [sflag:s9], $0x4000  }
0x730: {  	[sflag:s9] =	ssyncset.done $0x0  }
0x731: {  	s23 =	simm.s32 $0x1180;
	[sflag:s9] =	ssyncadd.s32 $0xFFFFC000  }
0x732: {  	[tilespmem:s8], [sflag:$0x2] =	stream.indirect.gather [hbm4b:s3+s7], $0x80, s23, s7, $0xb8;
	[tilespmem:$0x1E400] =	vst v63  }
0x733: {  	s24 =	simm.s32 $0x2500  }
0x734: {  	[spmem:s2] =	stream.indirect.scatter.add.f32 [tilespmem:s10], [sflag:$0x3], $0x80, s24, s7, $0xb8;
	[tilespmem:$0x1E400] =	vst v63  }
0x735: {  	_ =	swait.ge [sflag:s11], $0x4000  }
0x736: {  	[sflag:s11] =	ssyncset.done $0x0  }
0x737: {  	[sflag:s11] =	ssyncadd.s32 $0xFFFFC000  }
0x738: {  	_ =	swait.ge [sflag:s9], $0x4000  }
0x739: {  	[sflag:s9] =	ssyncset.done $0x0  }
0x73a: {  	s0 =	simm.s32 $0x1200;
	[sflag:s9] =	ssyncadd.s32 $0xFFFFC000  }
0x73b: {  	[tilespmem:s10], [sflag:$0x1] =	stream.indirect.gather [hbm4b:s3+s7], $0x80, s0, s7, $0xb8;
	[tilespmem:$0x1E400] =	vst v63  }
0x73c: {  	s0 =	simm.s32 $0x2580  }
0x73d: {  	[spmem:s2] =	stream.indirect.scatter.add.f32 [tilespmem:s8], [sflag:$0x3], $0x80, s0, s7, $0xb8;
	[tilespmem:$0x1E400] =	vst v63  }
0x73e: {  	_ =	swait.ge [sflag:s12], $0x4000  }
0x73f: {  	[sflag:s12] =	ssyncset.done $0x0  }
0x740: {  	[sflag:s12] =	ssyncadd.s32 $0xFFFFC000  }
0x741: {  	_ =	swait.ge [sflag:s9], $0x4000  }
0x742: {  	[sflag:s9] =	ssyncset.done $0x0  }
0x743: {  	s0 =	simm.s32 $0x1280;
	[sflag:s9] =	ssyncadd.s32 $0xFFFFC000  }
0x744: {  	[tilespmem:s8], [sflag:$0x2] =	stream.indirect.gather [hbm4b:s3+s7], $0x80, s0, s7, $0xb8;
	[tilespmem:$0x1E400] =	vst v63  }
0x745: {  	s0 =	simm.s32 $0x2600  }
0x746: {  	[spmem:s2] =	stream.indirect.scatter.add.f32 [tilespmem:s10], [sflag:$0x3], $0x80, s0, s7, $0xb8;
	[tilespmem:$0x1E400] =	vst v63  }
0x747: {  	_ =	swait.ge [sflag:s11], $0x4000  }
0x748: {  	[sflag:s11] =	ssyncset.done $0x0  }
0x749: {  	[sflag:s11] =	ssyncadd.s32 $0xFFFFC000  }
0x74a: {  	_ =	swait.ge [sflag:s9], $0x4000  }
0x74b: {  	[sflag:s9] =	ssyncset.done $0x0  }
0x74c: {  	s0 =	simm.s32 $0x1300;
	[sflag:s9] =	ssyncadd.s32 $0xFFFFC000  }
0x74d: {  	[tilespmem:s10], [sflag:$0x1] =	stream.indirect.gather [hbm4b:s3+s7], $0x80, s0, s7, $0xb8;
	[tilespmem:$0x1E400] =	vst v63  }
0x74e: {  	s0 =	simm.s32 $0x2680  }
0x74f: {  	[spmem:s2] =	stream.indirect.scatter.add.f32 [tilespmem:s8], [sflag:$0x3], $0x80, s0, s7, $0xb8;
	[tilespmem:$0x1E400] =	vst v63  }
0x750: {  	_ =	swait.ge [sflag:s12], $0x4000  }
0x751: {  	[sflag:s12] =	ssyncset.done $0x0  }
0x752: {  	[sflag:s12] =	ssyncadd.s32 $0xFFFFC000  }
0x753: {  	_ =	swait.ge [sflag:s9], $0x4000  }
0x754: {  	[sflag:s9] =	ssyncset.done $0x0  }
0x755: {  	s0 =	simm.s32 $0x1380;
	[sflag:s9] =	ssyncadd.s32 $0xFFFFC000  }
0x756: {  	[tilespmem:s8], [sflag:$0x2] =	stream.indirect.gather [hbm4b:s3+s7], $0x80, s0, s7, $0xb8;
	[tilespmem:$0x1E400] =	vst v63  }
0x757: {  	s0 =	simm.s32 $0x2700  }
0x758: {  	[spmem:s2] =	stream.indirect.scatter.add.f32 [tilespmem:s10], [sflag:$0x3], $0x80, s0, s7, $0xb8;
	[tilespmem:$0x1E400] =	vst v63  }
0x759: {  	_ =	swait.ge [sflag:s11], $0x4000  }
0x75a: {  	[sflag:s11] =	ssyncset.done $0x0  }
0x75b: {  	[sflag:s11] =	ssyncadd.s32 $0xFFFFC000  }
0x75c: {  	_ =	swait.ge [sflag:s9], $0x4000  }
0x75d: {  	[sflag:s9] =	ssyncset.done $0x0  }
0x75e: {  	s0 =	simm.s32 $0x2780;
	[sflag:s9] =	ssyncadd.s32 $0xFFFFC000  }
0x75f: {  	[spmem:s2] =	stream.indirect.scatter.add.f32 [tilespmem:s8], [sflag:$0x3], $0x80, s0, s7, $0xb8;
	[tilespmem:$0x1E400] =	vst v63  }
0x760: {  	_ =	swait.ge [sflag:s9], $0x4000  }
0x761: {  	[sflag:s9] =	ssyncset.done $0x0  }
0x762: {  	s0 =	rddreg [dreg:$0x9];
	[sflag:s9] =	ssyncadd.s32 $0xFFFFC000  }
0x763: {  	[tilespmem:s18], [sflag:$0x4] =	stream.linear.gather [hbm4b:s0+s18], $0x1400, $0x38;
	[tilespmem:$0x1E400] =	vst v63  }
0x764: {  	_ =	swait.ge [sflag:s14], $0x1400  }
0x765: {  	[sflag:s14] =	ssyncset.done $0x0  }
0x766: {  	s0 =	rddreg [dreg:$0xa];
	[sflag:s14] =	ssyncadd.s32 $0xFFFFEC00  }
0x767: {  	[tilespmem:s30], [sflag:$0x4] =	stream.linear.gather [hbm4b:s0+s18], $0x1400, $0x38;
	[tilespmem:$0x1E400] =	vst v63  }
0x768: {  	_ =	swait.ge [sflag:s14], $0x1400  }
0x769: {  	[sflag:s14] =	ssyncset.done $0x0  }
0x76a: {  	[sflag:s14] =	ssyncadd.s32 $0xFFFFEC00  }
0x76b: {  	[tilespmem:s10], [sflag:$0x1] =	stream.indirect.gather [hbm4b:s3+s7], $0x80, s18, s7, $0xb8;
	[tilespmem:$0x1E400] =	vst v63  }
0x76c: {  	_ = 	snop  }
0x76d: {  	[tilespmem:s8], [sflag:$0x2] =	stream.indirect.gather [hbm4b:s3+s7], $0x80, s7, s7, $0xb8;
	[tilespmem:$0x1E400] =	vst v63  }
0x76e: {  	_ =	swait.ge [sflag:s12], $0x4000  }
0x76f: {  	[sflag:s12] =	ssyncset.done $0x0  }
0x770: {  	[sflag:s12] =	ssyncadd.s32 $0xFFFFC000  }
0x771: {  	[spmem:s2] =	stream.indirect.scatter.add.f32 [tilespmem:s10], [sflag:$0x3], $0x80, s30, s7, $0xb8;
	[tilespmem:$0x1E400] =	vst v63  }
0x772: {  	_ =	swait.ge [sflag:s11], $0x4000  }
0x773: {  	[sflag:s11] =	ssyncset.done $0x0  }
0x774: {  	[sflag:s11] =	ssyncadd.s32 $0xFFFFC000  }
0x775: {  	_ =	swait.ge [sflag:s9], $0x4000  }
0x776: {  	[sflag:s9] =	ssyncset.done $0x0  }
0x777: {  	[sflag:s9] =	ssyncadd.s32 $0xFFFFC000  }
0x778: {  	[tilespmem:s10], [sflag:$0x1] =	stream.indirect.gather [hbm4b:s3+s7], $0x80, s13, s7, $0xb8;
	[tilespmem:$0x1E400] =	vst v63  }
0x779: {  	_ = 	snop  }
0x77a: {  	[spmem:s2] =	stream.indirect.scatter.add.f32 [tilespmem:s8], [sflag:$0x3], $0x80, s1, s7, $0xb8;
	[tilespmem:$0x1E400] =	vst v63  }
0x77b: {  	_ =	swait.ge [sflag:s12], $0x4000  }
0x77c: {  	[sflag:s12] =	ssyncset.done $0x0  }
0x77d: {  	[sflag:s12] =	ssyncadd.s32 $0xFFFFC000  }
0x77e: {  	_ =	swait.ge [sflag:s9], $0x4000  }
0x77f: {  	[sflag:s9] =	ssyncset.done $0x0  }
0x780: {  	[sflag:s9] =	ssyncadd.s32 $0xFFFFC000  }
0x781: {  	[tilespmem:s8], [sflag:$0x2] =	stream.indirect.gather [hbm4b:s3+s7], $0x80, s15, s7, $0xb8;
	[tilespmem:$0x1E400] =	vst v63  }
0x782: {  	_ = 	snop  }
0x783: {  	[spmem:s2] =	stream.indirect.scatter.add.f32 [tilespmem:s10], [sflag:$0x3], $0x80, s4, s7, $0xb8;
	[tilespmem:$0x1E400] =	vst v63  }
0x784: {  	_ =	swait.ge [sflag:s11], $0x4000  }
0x785: {  	[sflag:s11] =	ssyncset.done $0x0  }
0x786: {  	[sflag:s11] =	ssyncadd.s32 $0xFFFFC000  }
0x787: {  	_ =	swait.ge [sflag:s9], $0x4000  }
0x788: {  	[sflag:s9] =	ssyncset.done $0x0  }
0x789: {  	[sflag:s9] =	ssyncadd.s32 $0xFFFFC000  }
0x78a: {  	[tilespmem:s10], [sflag:$0x1] =	stream.indirect.gather [hbm4b:s3+s7], $0x80, s17, s7, $0xb8;
	[tilespmem:$0x1E400] =	vst v63  }
0x78b: {  	_ = 	snop  }
0x78c: {  	[spmem:s2] =	stream.indirect.scatter.add.f32 [tilespmem:s8], [sflag:$0x3], $0x80, s16, s7, $0xb8;
	[tilespmem:$0x1E400] =	vst v63  }
0x78d: {  	_ =	swait.ge [sflag:s12], $0x4000  }
0x78e: {  	[sflag:s12] =	ssyncset.done $0x0  }
0x78f: {  	[sflag:s12] =	ssyncadd.s32 $0xFFFFC000  }
0x790: {  	_ =	swait.ge [sflag:s9], $0x4000  }
0x791: {  	[sflag:s9] =	ssyncset.done $0x0  }
0x792: {  	[sflag:s9] =	ssyncadd.s32 $0xFFFFC000  }
0x793: {  	[tilespmem:s8], [sflag:$0x2] =	stream.indirect.gather [hbm4b:s3+s7], $0x80, s20, s7, $0xb8;
	[tilespmem:$0x1E400] =	vst v63  }
0x794: {  	_ = 	snop  }
0x795: {  	[spmem:s2] =	stream.indirect.scatter.add.f32 [tilespmem:s10], [sflag:$0x3], $0x80, s19, s7, $0xb8;
	[tilespmem:$0x1E400] =	vst v63  }
0x796: {  	_ =	swait.ge [sflag:s11], $0x4000  }
0x797: {  	[sflag:s11] =	ssyncset.done $0x0  }
0x798: {  	[sflag:s11] =	ssyncadd.s32 $0xFFFFC000  }
0x799: {  	_ =	swait.ge [sflag:s9], $0x4000  }
0x79a: {  	[sflag:s9] =	ssyncset.done $0x0  }
0x79b: {  	[sflag:s9] =	ssyncadd.s32 $0xFFFFC000  }
0x79c: {  	[tilespmem:s10], [sflag:$0x1] =	stream.indirect.gather [hbm4b:s3+s7], $0x80, s22, s7, $0xb8;
	[tilespmem:$0x1E400] =	vst v63  }
0x79d: {  	_ = 	snop  }
0x79e: {  	[spmem:s2] =	stream.indirect.scatter.add.f32 [tilespmem:s8], [sflag:$0x3], $0x80, s21, s7, $0xb8;
	[tilespmem:$0x1E400] =	vst v63  }
0x79f: {  	_ =	swait.ge [sflag:s12], $0x4000  }
0x7a0: {  	[sflag:s12] =	ssyncset.done $0x0  }
0x7a1: {  	[sflag:s12] =	ssyncadd.s32 $0xFFFFC000  }
0x7a2: {  	_ =	swait.ge [sflag:s9], $0x4000  }
0x7a3: {  	[sflag:s9] =	ssyncset.done $0x0  }
0x7a4: {  	s17 =	simm.s32 $0x380;
	[sflag:s9] =	ssyncadd.s32 $0xFFFFC000  }
0x7a5: {  	[tilespmem:s8], [sflag:$0x2] =	stream.indirect.gather [hbm4b:s3+s7], $0x80, s17, s7, $0xb8;
	[tilespmem:$0x1E400] =	vst v63  }
0x7a6: {  	s18 =	simm.s32 $0x1700  }
0x7a7: {  	[spmem:s2] =	stream.indirect.scatter.add.f32 [tilespmem:s10], [sflag:$0x3], $0x80, s18, s7, $0xb8;
	[tilespmem:$0x1E400] =	vst v63  }
0x7a8: {  	_ =	swait.ge [sflag:s11], $0x4000  }
0x7a9: {  	[sflag:s11] =	ssyncset.done $0x0  }
0x7aa: {  	[sflag:s11] =	ssyncadd.s32 $0xFFFFC000  }
0x7ab: {  	_ =	swait.ge [sflag:s9], $0x4000  }
0x7ac: {  	[sflag:s9] =	ssyncset.done $0x0  }
0x7ad: {  	s19 =	simm.s32 $0x400;
	[sflag:s9] =	ssyncadd.s32 $0xFFFFC000  }
0x7ae: {  	[tilespmem:s10], [sflag:$0x1] =	stream.indirect.gather [hbm4b:s3+s7], $0x80, s19, s7, $0xb8;
	[tilespmem:$0x1E400] =	vst v63  }
0x7af: {  	s20 =	simm.s32 $0x1780  }
0x7b0: {  	[spmem:s2] =	stream.indirect.scatter.add.f32 [tilespmem:s8], [sflag:$0x3], $0x80, s20, s7, $0xb8;
	[tilespmem:$0x1E400] =	vst v63  }
0x7b1: {  	_ =	swait.ge [sflag:s12], $0x4000  }
0x7b2: {  	[sflag:s12] =	ssyncset.done $0x0  }
0x7b3: {  	[sflag:s12] =	ssyncadd.s32 $0xFFFFC000  }
0x7b4: {  	_ =	swait.ge [sflag:s9], $0x4000  }
0x7b5: {  	[sflag:s9] =	ssyncset.done $0x0  }
0x7b6: {  	s21 =	simm.s32 $0x480;
	[sflag:s9] =	ssyncadd.s32 $0xFFFFC000  }
0x7b7: {  	[tilespmem:s8], [sflag:$0x2] =	stream.indirect.gather [hbm4b:s3+s7], $0x80, s21, s7, $0xb8;
	[tilespmem:$0x1E400] =	vst v63  }
0x7b8: {  	s22 =	simm.s32 $0x1800  }
0x7b9: {  	[spmem:s2] =	stream.indirect.scatter.add.f32 [tilespmem:s10], [sflag:$0x3], $0x80, s22, s7, $0xb8;
	[tilespmem:$0x1E400] =	vst v63  }
0x7ba: {  	_ =	swait.ge [sflag:s11], $0x4000  }
0x7bb: {  	[sflag:s11] =	ssyncset.done $0x0  }
0x7bc: {  	[sflag:s11] =	ssyncadd.s32 $0xFFFFC000  }
0x7bd: {  	_ =	swait.ge [sflag:s9], $0x4000  }
0x7be: {  	[sflag:s9] =	ssyncset.done $0x0  }
0x7bf: {  	s30 =	simm.s32 $0x500;
	[sflag:s9] =	ssyncadd.s32 $0xFFFFC000  }
0x7c0: {  	[tilespmem:s10], [sflag:$0x1] =	stream.indirect.gather [hbm4b:s3+s7], $0x80, s30, s7, $0xb8;
	[tilespmem:$0x1E400] =	vst v63  }
0x7c1: {  	s1 =	simm.s32 $0x1880  }
0x7c2: {  	[spmem:s2] =	stream.indirect.scatter.add.f32 [tilespmem:s8], [sflag:$0x3], $0x80, s1, s7, $0xb8;
	[tilespmem:$0x1E400] =	vst v63  }
0x7c3: {  	_ =	swait.ge [sflag:s12], $0x4000  }
0x7c4: {  	[sflag:s12] =	ssyncset.done $0x0  }
0x7c5: {  	[sflag:s12] =	ssyncadd.s32 $0xFFFFC000  }
0x7c6: {  	_ =	swait.ge [sflag:s9], $0x4000  }
0x7c7: {  	[sflag:s9] =	ssyncset.done $0x0  }
0x7c8: {  	s4 =	simm.s32 $0x580;
	[sflag:s9] =	ssyncadd.s32 $0xFFFFC000  }
0x7c9: {  	[tilespmem:s8], [sflag:$0x2] =	stream.indirect.gather [hbm4b:s3+s7], $0x80, s4, s7, $0xb8;
	[tilespmem:$0x1E400] =	vst v63  }
0x7ca: {  	s13 =	simm.s32 $0x1900  }
0x7cb: {  	[spmem:s2] =	stream.indirect.scatter.add.f32 [tilespmem:s10], [sflag:$0x3], $0x80, s13, s7, $0xb8;
	[tilespmem:$0x1E400] =	vst v63  }
0x7cc: {  	_ =	swait.ge [sflag:s11], $0x4000  }
0x7cd: {  	[sflag:s11] =	ssyncset.done $0x0  }
0x7ce: {  	[sflag:s11] =	ssyncadd.s32 $0xFFFFC000  }
0x7cf: {  	_ =	swait.ge [sflag:s9], $0x4000  }
0x7d0: {  	[sflag:s9] =	ssyncset.done $0x0  }
0x7d1: {  	s15 =	simm.s32 $0x600;
	[sflag:s9] =	ssyncadd.s32 $0xFFFFC000  }
0x7d2: {  	[tilespmem:s10], [sflag:$0x1] =	stream.indirect.gather [hbm4b:s3+s7], $0x80, s15, s7, $0xb8;
	[tilespmem:$0x1E400] =	vst v63  }
0x7d3: {  	s16 =	simm.s32 $0x1980  }
0x7d4: {  	[spmem:s2] =	stream.indirect.scatter.add.f32 [tilespmem:s8], [sflag:$0x3], $0x80, s16, s7, $0xb8;
	[tilespmem:$0x1E400] =	vst v63  }
0x7d5: {  	_ =	swait.ge [sflag:s12], $0x4000  }
0x7d6: {  	[sflag:s12] =	ssyncset.done $0x0  }
0x7d7: {  	[sflag:s12] =	ssyncadd.s32 $0xFFFFC000  }
0x7d8: {  	_ =	swait.ge [sflag:s9], $0x4000  }
0x7d9: {  	[sflag:s9] =	ssyncset.done $0x0  }
0x7da: {  	s17 =	simm.s32 $0x680;
	[sflag:s9] =	ssyncadd.s32 $0xFFFFC000  }
0x7db: {  	[tilespmem:s8], [sflag:$0x2] =	stream.indirect.gather [hbm4b:s3+s7], $0x80, s17, s7, $0xb8;
	[tilespmem:$0x1E400] =	vst v63  }
0x7dc: {  	s18 =	simm.s32 $0x1A00  }
0x7dd: {  	[spmem:s2] =	stream.indirect.scatter.add.f32 [tilespmem:s10], [sflag:$0x3], $0x80, s18, s7, $0xb8;
	[tilespmem:$0x1E400] =	vst v63  }
0x7de: {  	_ =	swait.ge [sflag:s11], $0x4000  }
0x7df: {  	[sflag:s11] =	ssyncset.done $0x0  }
0x7e0: {  	[sflag:s11] =	ssyncadd.s32 $0xFFFFC000  }
0x7e1: {  	_ =	swait.ge [sflag:s9], $0x4000  }
0x7e2: {  	[sflag:s9] =	ssyncset.done $0x0  }
0x7e3: {  	s19 =	simm.s32 $0x700;
	[sflag:s9] =	ssyncadd.s32 $0xFFFFC000  }
0x7e4: {  	[tilespmem:s10], [sflag:$0x1] =	stream.indirect.gather [hbm4b:s3+s7], $0x80, s19, s7, $0xb8;
	[tilespmem:$0x1E400] =	vst v63  }
0x7e5: {  	s20 =	simm.s32 $0x1A80  }
0x7e6: {  	[spmem:s2] =	stream.indirect.scatter.add.f32 [tilespmem:s8], [sflag:$0x3], $0x80, s20, s7, $0xb8;
	[tilespmem:$0x1E400] =	vst v63  }
0x7e7: {  	_ =	swait.ge [sflag:s12], $0x4000  }
0x7e8: {  	[sflag:s12] =	ssyncset.done $0x0  }
0x7e9: {  	[sflag:s12] =	ssyncadd.s32 $0xFFFFC000  }
0x7ea: {  	_ =	swait.ge [sflag:s9], $0x4000  }
0x7eb: {  	[sflag:s9] =	ssyncset.done $0x0  }
0x7ec: {  	s21 =	simm.s32 $0x780;
	[sflag:s9] =	ssyncadd.s32 $0xFFFFC000  }
0x7ed: {  	[tilespmem:s8], [sflag:$0x2] =	stream.indirect.gather [hbm4b:s3+s7], $0x80, s21, s7, $0xb8;
	[tilespmem:$0x1E400] =	vst v63  }
0x7ee: {  	s22 =	simm.s32 $0x1B00  }
0x7ef: {  	[spmem:s2] =	stream.indirect.scatter.add.f32 [tilespmem:s10], [sflag:$0x3], $0x80, s22, s7, $0xb8;
	[tilespmem:$0x1E400] =	vst v63  }
0x7f0: {  	_ =	swait.ge [sflag:s11], $0x4000  }
0x7f1: {  	[sflag:s11] =	ssyncset.done $0x0  }
0x7f2: {  	[sflag:s11] =	ssyncadd.s32 $0xFFFFC000  }
0x7f3: {  	_ =	swait.ge [sflag:s9], $0x4000  }
0x7f4: {  	[sflag:s9] =	ssyncset.done $0x0  }
0x7f5: {  	s30 =	simm.s32 $0x800;
	[sflag:s9] =	ssyncadd.s32 $0xFFFFC000  }
0x7f6: {  	[tilespmem:s10], [sflag:$0x1] =	stream.indirect.gather [hbm4b:s3+s7], $0x80, s30, s7, $0xb8;
	[tilespmem:$0x1E400] =	vst v63  }
0x7f7: {  	s1 =	simm.s32 $0x1B80  }
0x7f8: {  	[spmem:s2] =	stream.indirect.scatter.add.f32 [tilespmem:s8], [sflag:$0x3], $0x80, s1, s7, $0xb8;
	[tilespmem:$0x1E400] =	vst v63  }
0x7f9: {  	_ =	swait.ge [sflag:s12], $0x4000  }
0x7fa: {  	[sflag:s12] =	ssyncset.done $0x0  }
0x7fb: {  	[sflag:s12] =	ssyncadd.s32 $0xFFFFC000  }
0x7fc: {  	_ =	swait.ge [sflag:s9], $0x4000  }
0x7fd: {  	[sflag:s9] =	ssyncset.done $0x0  }
0x7fe: {  	s4 =	simm.s32 $0x880;
	[sflag:s9] =	ssyncadd.s32 $0xFFFFC000  }
0x7ff: {  	[tilespmem:s8], [sflag:$0x2] =	stream.indirect.gather [hbm4b:s3+s7], $0x80, s4, s7, $0xb8;
	[tilespmem:$0x1E400] =	vst v63  }
0x800: {  	s13 =	simm.s32 $0x1C00  }
0x801: {  	[spmem:s2] =	stream.indirect.scatter.add.f32 [tilespmem:s10], [sflag:$0x3], $0x80, s13, s7, $0xb8;
	[tilespmem:$0x1E400] =	vst v63  }
0x802: {  	_ =	swait.ge [sflag:s11], $0x4000  }
0x803: {  	[sflag:s11] =	ssyncset.done $0x0  }
0x804: {  	[sflag:s11] =	ssyncadd.s32 $0xFFFFC000  }
0x805: {  	_ =	swait.ge [sflag:s9], $0x4000  }
0x806: {  	[sflag:s9] =	ssyncset.done $0x0  }
0x807: {  	s15 =	simm.s32 $0x900;
	[sflag:s9] =	ssyncadd.s32 $0xFFFFC000  }
0x808: {  	[tilespmem:s10], [sflag:$0x1] =	stream.indirect.gather [hbm4b:s3+s7], $0x80, s15, s7, $0xb8;
	[tilespmem:$0x1E400] =	vst v63  }
0x809: {  	s16 =	simm.s32 $0x1C80  }
0x80a: {  	[spmem:s2] =	stream.indirect.scatter.add.f32 [tilespmem:s8], [sflag:$0x3], $0x80, s16, s7, $0xb8;
	[tilespmem:$0x1E400] =	vst v63  }
0x80b: {  	_ =	swait.ge [sflag:s12], $0x4000  }
0x80c: {  	[sflag:s12] =	ssyncset.done $0x0  }
0x80d: {  	[sflag:s12] =	ssyncadd.s32 $0xFFFFC000  }
0x80e: {  	_ =	swait.ge [sflag:s9], $0x4000  }
0x80f: {  	[sflag:s9] =	ssyncset.done $0x0  }
0x810: {  	s17 =	simm.s32 $0x980;
	[sflag:s9] =	ssyncadd.s32 $0xFFFFC000  }
0x811: {  	[tilespmem:s8], [sflag:$0x2] =	stream.indirect.gather [hbm4b:s3+s7], $0x80, s17, s7, $0xb8;
	[tilespmem:$0x1E400] =	vst v63  }
0x812: {  	s18 =	simm.s32 $0x1D00  }
0x813: {  	[spmem:s2] =	stream.indirect.scatter.add.f32 [tilespmem:s10], [sflag:$0x3], $0x80, s18, s7, $0xb8;
	[tilespmem:$0x1E400] =	vst v63  }
0x814: {  	_ =	swait.ge [sflag:s11], $0x4000  }
0x815: {  	[sflag:s11] =	ssyncset.done $0x0  }
0x816: {  	[sflag:s11] =	ssyncadd.s32 $0xFFFFC000  }
0x817: {  	_ =	swait.ge [sflag:s9], $0x4000  }
0x818: {  	[sflag:s9] =	ssyncset.done $0x0  }
0x819: {  	s19 =	simm.s32 $0xA00;
	[sflag:s9] =	ssyncadd.s32 $0xFFFFC000  }
0x81a: {  	[tilespmem:s10], [sflag:$0x1] =	stream.indirect.gather [hbm4b:s3+s7], $0x80, s19, s7, $0xb8;
	[tilespmem:$0x1E400] =	vst v63  }
0x81b: {  	s20 =	simm.s32 $0x1D80  }
0x81c: {  	[spmem:s2] =	stream.indirect.scatter.add.f32 [tilespmem:s8], [sflag:$0x3], $0x80, s20, s7, $0xb8;
	[tilespmem:$0x1E400] =	vst v63  }
0x81d: {  	_ =	swait.ge [sflag:s12], $0x4000  }
0x81e: {  	[sflag:s12] =	ssyncset.done $0x0  }
0x81f: {  	[sflag:s12] =	ssyncadd.s32 $0xFFFFC000  }
0x820: {  	_ =	swait.ge [sflag:s9], $0x4000  }
0x821: {  	[sflag:s9] =	ssyncset.done $0x0  }
0x822: {  	s21 =	simm.s32 $0xA80;
	[sflag:s9] =	ssyncadd.s32 $0xFFFFC000  }
0x823: {  	[tilespmem:s8], [sflag:$0x2] =	stream.indirect.gather [hbm4b:s3+s7], $0x80, s21, s7, $0xb8;
	[tilespmem:$0x1E400] =	vst v63  }
0x824: {  	s22 =	simm.s32 $0x1E00  }
0x825: {  	[spmem:s2] =	stream.indirect.scatter.add.f32 [tilespmem:s10], [sflag:$0x3], $0x80, s22, s7, $0xb8;
	[tilespmem:$0x1E400] =	vst v63  }
0x826: {  	_ =	swait.ge [sflag:s11], $0x4000  }
0x827: {  	[sflag:s11] =	ssyncset.done $0x0  }
0x828: {  	[sflag:s11] =	ssyncadd.s32 $0xFFFFC000  }
0x829: {  	_ =	swait.ge [sflag:s9], $0x4000  }
0x82a: {  	[sflag:s9] =	ssyncset.done $0x0  }
0x82b: {  	s30 =	simm.s32 $0xB00;
	[sflag:s9] =	ssyncadd.s32 $0xFFFFC000  }
0x82c: {  	[tilespmem:s10], [sflag:$0x1] =	stream.indirect.gather [hbm4b:s3+s7], $0x80, s30, s7, $0xb8;
	[tilespmem:$0x1E400] =	vst v63  }
0x82d: {  	s1 =	simm.s32 $0x1E80  }
0x82e: {  	[spmem:s2] =	stream.indirect.scatter.add.f32 [tilespmem:s8], [sflag:$0x3], $0x80, s1, s7, $0xb8;
	[tilespmem:$0x1E400] =	vst v63  }
0x82f: {  	_ =	swait.ge [sflag:s12], $0x4000  }
0x830: {  	[sflag:s12] =	ssyncset.done $0x0  }
0x831: {  	[sflag:s12] =	ssyncadd.s32 $0xFFFFC000  }
0x832: {  	_ =	swait.ge [sflag:s9], $0x4000  }
0x833: {  	[sflag:s9] =	ssyncset.done $0x0  }
0x834: {  	s4 =	simm.s32 $0xB80;
	[sflag:s9] =	ssyncadd.s32 $0xFFFFC000  }
0x835: {  	[tilespmem:s8], [sflag:$0x2] =	stream.indirect.gather [hbm4b:s3+s7], $0x80, s4, s7, $0xb8;
	[tilespmem:$0x1E400] =	vst v63  }
0x836: {  	s13 =	simm.s32 $0x1F00  }
0x837: {  	[spmem:s2] =	stream.indirect.scatter.add.f32 [tilespmem:s10], [sflag:$0x3], $0x80, s13, s7, $0xb8;
	[tilespmem:$0x1E400] =	vst v63  }
0x838: {  	_ =	swait.ge [sflag:s11], $0x4000  }
0x839: {  	[sflag:s11] =	ssyncset.done $0x0  }
0x83a: {  	[sflag:s11] =	ssyncadd.s32 $0xFFFFC000  }
0x83b: {  	_ =	swait.ge [sflag:s9], $0x4000  }
0x83c: {  	[sflag:s9] =	ssyncset.done $0x0  }
0x83d: {  	s15 =	simm.s32 $0xC00;
	[sflag:s9] =	ssyncadd.s32 $0xFFFFC000  }
0x83e: {  	[tilespmem:s10], [sflag:$0x1] =	stream.indirect.gather [hbm4b:s3+s7], $0x80, s15, s7, $0xb8;
	[tilespmem:$0x1E400] =	vst v63  }
0x83f: {  	s16 =	simm.s32 $0x1F80  }
0x840: {  	[spmem:s2] =	stream.indirect.scatter.add.f32 [tilespmem:s8], [sflag:$0x3], $0x80, s16, s7, $0xb8;
	[tilespmem:$0x1E400] =	vst v63  }
0x841: {  	_ =	swait.ge [sflag:s12], $0x4000  }
0x842: {  	[sflag:s12] =	ssyncset.done $0x0  }
0x843: {  	[sflag:s12] =	ssyncadd.s32 $0xFFFFC000  }
0x844: {  	_ =	swait.ge [sflag:s9], $0x4000  }
0x845: {  	[sflag:s9] =	ssyncset.done $0x0  }
0x846: {  	s17 =	simm.s32 $0xC80;
	[sflag:s9] =	ssyncadd.s32 $0xFFFFC000  }
0x847: {  	[tilespmem:s8], [sflag:$0x2] =	stream.indirect.gather [hbm4b:s3+s7], $0x80, s17, s7, $0xb8;
	[tilespmem:$0x1E400] =	vst v63  }
0x848: {  	s18 =	simm.s32 $0x2000  }
0x849: {  	[spmem:s2] =	stream.indirect.scatter.add.f32 [tilespmem:s10], [sflag:$0x3], $0x80, s18, s7, $0xb8;
	[tilespmem:$0x1E400] =	vst v63  }
0x84a: {  	_ =	swait.ge [sflag:s11], $0x4000  }
0x84b: {  	[sflag:s11] =	ssyncset.done $0x0  }
0x84c: {  	[sflag:s11] =	ssyncadd.s32 $0xFFFFC000  }
0x84d: {  	_ =	swait.ge [sflag:s9], $0x4000  }
0x84e: {  	[sflag:s9] =	ssyncset.done $0x0  }
0x84f: {  	s19 =	simm.s32 $0xD00;
	[sflag:s9] =	ssyncadd.s32 $0xFFFFC000  }
0x850: {  	[tilespmem:s10], [sflag:$0x1] =	stream.indirect.gather [hbm4b:s3+s7], $0x80, s19, s7, $0xb8;
	[tilespmem:$0x1E400] =	vst v63  }
0x851: {  	s20 =	simm.s32 $0x2080  }
0x852: {  	[spmem:s2] =	stream.indirect.scatter.add.f32 [tilespmem:s8], [sflag:$0x3], $0x80, s20, s7, $0xb8;
	[tilespmem:$0x1E400] =	vst v63  }
0x853: {  	_ =	swait.ge [sflag:s12], $0x4000  }
0x854: {  	[sflag:s12] =	ssyncset.done $0x0  }
0x855: {  	[sflag:s12] =	ssyncadd.s32 $0xFFFFC000  }
0x856: {  	_ =	swait.ge [sflag:s9], $0x4000  }
0x857: {  	[sflag:s9] =	ssyncset.done $0x0  }
0x858: {  	s21 =	simm.s32 $0xD80;
	[sflag:s9] =	ssyncadd.s32 $0xFFFFC000  }
0x859: {  	[tilespmem:s8], [sflag:$0x2] =	stream.indirect.gather [hbm4b:s3+s7], $0x80, s21, s7, $0xb8;
	[tilespmem:$0x1E400] =	vst v63  }
0x85a: {  	s22 =	simm.s32 $0x2100  }
0x85b: {  	[spmem:s2] =	stream.indirect.scatter.add.f32 [tilespmem:s10], [sflag:$0x3], $0x80, s22, s7, $0xb8;
	[tilespmem:$0x1E400] =	vst v63  }
0x85c: {  	_ =	swait.ge [sflag:s11], $0x4000  }
0x85d: {  	[sflag:s11] =	ssyncset.done $0x0  }
0x85e: {  	[sflag:s11] =	ssyncadd.s32 $0xFFFFC000  }
0x85f: {  	_ =	swait.ge [sflag:s9], $0x4000  }
0x860: {  	[sflag:s9] =	ssyncset.done $0x0  }
0x861: {  	s30 =	simm.s32 $0xE00;
	[sflag:s9] =	ssyncadd.s32 $0xFFFFC000  }
0x862: {  	[tilespmem:s10], [sflag:$0x1] =	stream.indirect.gather [hbm4b:s3+s7], $0x80, s30, s7, $0xb8;
	[tilespmem:$0x1E400] =	vst v63  }
0x863: {  	s1 =	simm.s32 $0x2180  }
0x864: {  	[spmem:s2] =	stream.indirect.scatter.add.f32 [tilespmem:s8], [sflag:$0x3], $0x80, s1, s7, $0xb8;
	[tilespmem:$0x1E400] =	vst v63  }
0x865: {  	_ =	swait.ge [sflag:s12], $0x4000  }
0x866: {  	[sflag:s12] =	ssyncset.done $0x0  }
0x867: {  	[sflag:s12] =	ssyncadd.s32 $0xFFFFC000  }
0x868: {  	_ =	swait.ge [sflag:s9], $0x4000  }
0x869: {  	[sflag:s9] =	ssyncset.done $0x0  }
0x86a: {  	s4 =	simm.s32 $0xE80;
	[sflag:s9] =	ssyncadd.s32 $0xFFFFC000  }
0x86b: {  	[tilespmem:s8], [sflag:$0x2] =	stream.indirect.gather [hbm4b:s3+s7], $0x80, s4, s7, $0xb8;
	[tilespmem:$0x1E400] =	vst v63  }
0x86c: {  	s13 =	simm.s32 $0x2200  }
0x86d: {  	[spmem:s2] =	stream.indirect.scatter.add.f32 [tilespmem:s10], [sflag:$0x3], $0x80, s13, s7, $0xb8;
	[tilespmem:$0x1E400] =	vst v63  }
0x86e: {  	_ =	swait.ge [sflag:s11], $0x4000  }
0x86f: {  	[sflag:s11] =	ssyncset.done $0x0  }
0x870: {  	[sflag:s11] =	ssyncadd.s32 $0xFFFFC000  }
0x871: {  	_ =	swait.ge [sflag:s9], $0x4000  }
0x872: {  	[sflag:s9] =	ssyncset.done $0x0  }
0x873: {  	s15 =	simm.s32 $0xF00;
	[sflag:s9] =	ssyncadd.s32 $0xFFFFC000  }
0x874: {  	[tilespmem:s10], [sflag:$0x1] =	stream.indirect.gather [hbm4b:s3+s7], $0x80, s15, s7, $0xb8;
	[tilespmem:$0x1E400] =	vst v63  }
0x875: {  	s16 =	simm.s32 $0x2280  }
0x876: {  	[spmem:s2] =	stream.indirect.scatter.add.f32 [tilespmem:s8], [sflag:$0x3], $0x80, s16, s7, $0xb8;
	[tilespmem:$0x1E400] =	vst v63  }
0x877: {  	_ =	swait.ge [sflag:s12], $0x4000  }
0x878: {  	[sflag:s12] =	ssyncset.done $0x0  }
0x879: {  	[sflag:s12] =	ssyncadd.s32 $0xFFFFC000  }
0x87a: {  	_ =	swait.ge [sflag:s9], $0x4000  }
0x87b: {  	[sflag:s9] =	ssyncset.done $0x0  }
0x87c: {  	s17 =	simm.s32 $0xF80;
	[sflag:s9] =	ssyncadd.s32 $0xFFFFC000  }
0x87d: {  	[tilespmem:s8], [sflag:$0x2] =	stream.indirect.gather [hbm4b:s3+s7], $0x80, s17, s7, $0xb8;
	[tilespmem:$0x1E400] =	vst v63  }
0x87e: {  	s18 =	simm.s32 $0x2300  }
0x87f: {  	[spmem:s2] =	stream.indirect.scatter.add.f32 [tilespmem:s10], [sflag:$0x3], $0x80, s18, s7, $0xb8;
	[tilespmem:$0x1E400] =	vst v63  }
0x880: {  	_ =	swait.ge [sflag:s11], $0x4000  }
0x881: {  	[sflag:s11] =	ssyncset.done $0x0  }
0x882: {  	[sflag:s11] =	ssyncadd.s32 $0xFFFFC000  }
0x883: {  	_ =	swait.ge [sflag:s9], $0x4000  }
0x884: {  	[sflag:s9] =	ssyncset.done $0x0  }
0x885: {  	[sflag:s9] =	ssyncadd.s32 $0xFFFFC000  }
0x886: {  	[tilespmem:s10], [sflag:$0x1] =	stream.indirect.gather [hbm4b:s3+s7], $0x80, s29, s7, $0xb8;
	[tilespmem:$0x1E400] =	vst v63  }
0x887: {  	_ = 	snop  }
0x888: {  	[spmem:s2] =	stream.indirect.scatter.add.f32 [tilespmem:s8], [sflag:$0x3], $0x80, s31, s7, $0xb8;
	[tilespmem:$0x1E400] =	vst v63  }
0x889: {  	_ =	swait.ge [sflag:s12], $0x4000  }
0x88a: {  	[sflag:s12] =	ssyncset.done $0x0  }
0x88b: {  	[sflag:s12] =	ssyncadd.s32 $0xFFFFC000  }
0x88c: {  	_ =	swait.ge [sflag:s9], $0x4000  }
0x88d: {  	[sflag:s9] =	ssyncset.done $0x0  }
0x88e: {  	[sflag:s9] =	ssyncadd.s32 $0xFFFFC000  }
0x88f: {  	[tilespmem:s8], [sflag:$0x2] =	stream.indirect.gather [hbm4b:s3+s7], $0x80, s28, s7, $0xb8;
	[tilespmem:$0x1E400] =	vst v63  }
0x890: {  	s19 =	simm.s32 $0x2400  }
0x891: {  	[spmem:s2] =	stream.indirect.scatter.add.f32 [tilespmem:s10], [sflag:$0x3], $0x80, s19, s7, $0xb8;
	[tilespmem:$0x1E400] =	vst v63  }
0x892: {  	_ =	swait.ge [sflag:s11], $0x4000  }
0x893: {  	[sflag:s11] =	ssyncset.done $0x0  }
0x894: {  	[sflag:s11] =	ssyncadd.s32 $0xFFFFC000  }
0x895: {  	_ =	swait.ge [sflag:s9], $0x4000  }
0x896: {  	[sflag:s9] =	ssyncset.done $0x0  }
0x897: {  	[sflag:s9] =	ssyncadd.s32 $0xFFFFC000  }
0x898: {  	[tilespmem:s10], [sflag:$0x1] =	stream.indirect.gather [hbm4b:s3+s7], $0x80, s25, s7, $0xb8;
	[tilespmem:$0x1E400] =	vst v63  }
0x899: {  	_ = 	snop  }
0x89a: {  	[spmem:s2] =	stream.indirect.scatter.add.f32 [tilespmem:s8], [sflag:$0x3], $0x80, s26, s7, $0xb8;
	[tilespmem:$0x1E400] =	vst v63  }
0x89b: {  	_ =	swait.ge [sflag:s12], $0x4000  }
0x89c: {  	[sflag:s12] =	ssyncset.done $0x0  }
0x89d: {  	[sflag:s12] =	ssyncadd.s32 $0xFFFFC000  }
0x89e: {  	_ =	swait.ge [sflag:s9], $0x4000  }
0x89f: {  	[sflag:s9] =	ssyncset.done $0x0  }
0x8a0: {  	[sflag:s9] =	ssyncadd.s32 $0xFFFFC000  }
0x8a1: {  	[tilespmem:s8], [sflag:$0x2] =	stream.indirect.gather [hbm4b:s3+s7], $0x80, s23, s7, $0xb8;
	[tilespmem:$0x1E400] =	vst v63  }
0x8a2: {  	_ = 	snop  }
0x8a3: {  	[spmem:s2] =	stream.indirect.scatter.add.f32 [tilespmem:s10], [sflag:$0x3], $0x80, s24, s7, $0xb8;
	[tilespmem:$0x1E400] =	vst v63  }
0x8a4: {  	_ =	swait.ge [sflag:s11], $0x4000  }
0x8a5: {  	[sflag:s11] =	ssyncset.done $0x0  }
0x8a6: {  	[sflag:s11] =	ssyncadd.s32 $0xFFFFC000  }
0x8a7: {  	_ =	swait.ge [sflag:s9], $0x4000  }
0x8a8: {  	[sflag:s9] =	ssyncset.done $0x0  }
0x8a9: {  	s20 =	simm.s32 $0x1200;
	[sflag:s9] =	ssyncadd.s32 $0xFFFFC000  }
0x8aa: {  	[tilespmem:s10], [sflag:$0x1] =	stream.indirect.gather [hbm4b:s3+s7], $0x80, s20, s7, $0xb8;
	[tilespmem:$0x1E400] =	vst v63  }
0x8ab: {  	s21 =	simm.s32 $0x2580  }
0x8ac: {  	[spmem:s2] =	stream.indirect.scatter.add.f32 [tilespmem:s8], [sflag:$0x3], $0x80, s21, s7, $0xb8;
	[tilespmem:$0x1E400] =	vst v63  }
0x8ad: {  	_ =	swait.ge [sflag:s12], $0x4000  }
0x8ae: {  	[sflag:s12] =	ssyncset.done $0x0  }
0x8af: {  	[sflag:s12] =	ssyncadd.s32 $0xFFFFC000  }
0x8b0: {  	_ =	swait.ge [sflag:s9], $0x4000  }
0x8b1: {  	[sflag:s9] =	ssyncset.done $0x0  }
0x8b2: {  	s22 =	simm.s32 $0x1280;
	[sflag:s9] =	ssyncadd.s32 $0xFFFFC000  }
0x8b3: {  	[tilespmem:s8], [sflag:$0x2] =	stream.indirect.gather [hbm4b:s3+s7], $0x80, s22, s7, $0xb8;
	[tilespmem:$0x1E400] =	vst v63  }
0x8b4: {  	s23 =	simm.s32 $0x2600  }
0x8b5: {  	[spmem:s2] =	stream.indirect.scatter.add.f32 [tilespmem:s10], [sflag:$0x3], $0x80, s23, s7, $0xb8;
	[tilespmem:$0x1E400] =	vst v63  }
0x8b6: {  	_ =	swait.ge [sflag:s11], $0x4000  }
0x8b7: {  	[sflag:s11] =	ssyncset.done $0x0  }
0x8b8: {  	[sflag:s11] =	ssyncadd.s32 $0xFFFFC000  }
0x8b9: {  	_ =	swait.ge [sflag:s9], $0x4000  }
0x8ba: {  	[sflag:s9] =	ssyncset.done $0x0  }
0x8bb: {  	s24 =	simm.s32 $0x1300;
	[sflag:s9] =	ssyncadd.s32 $0xFFFFC000  }
0x8bc: {  	[tilespmem:s10], [sflag:$0x1] =	stream.indirect.gather [hbm4b:s3+s7], $0x80, s24, s7, $0xb8;
	[tilespmem:$0x1E400] =	vst v63  }
0x8bd: {  	s25 =	simm.s32 $0x2680  }
0x8be: {  	[spmem:s2] =	stream.indirect.scatter.add.f32 [tilespmem:s8], [sflag:$0x3], $0x80, s25, s7, $0xb8;
	[tilespmem:$0x1E400] =	vst v63  }
0x8bf: {  	_ =	swait.ge [sflag:s12], $0x4000  }
0x8c0: {  	[sflag:s12] =	ssyncset.done $0x0  }
0x8c1: {  	[sflag:s12] =	ssyncadd.s32 $0xFFFFC000  }
0x8c2: {  	_ =	swait.ge [sflag:s9], $0x4000  }
0x8c3: {  	[sflag:s9] =	ssyncset.done $0x0  }
0x8c4: {  	s26 =	simm.s32 $0x1380;
	[sflag:s9] =	ssyncadd.s32 $0xFFFFC000  }
0x8c5: {  	[tilespmem:s8], [sflag:$0x2] =	stream.indirect.gather [hbm4b:s3+s7], $0x80, s26, s7, $0xb8;
	[tilespmem:$0x1E400] =	vst v63  }
0x8c6: {  	s28 =	simm.s32 $0x2700  }
0x8c7: {  	[spmem:s2] =	stream.indirect.scatter.add.f32 [tilespmem:s10], [sflag:$0x3], $0x80, s28, s7, $0xb8;
	[tilespmem:$0x1E400] =	vst v63  }
0x8c8: {  	_ =	swait.ge [sflag:s11], $0x4000  }
0x8c9: {  	[sflag:s11] =	ssyncset.done $0x0  }
0x8ca: {  	[sflag:s11] =	ssyncadd.s32 $0xFFFFC000  }
0x8cb: {  	_ =	swait.ge [sflag:s9], $0x4000  }
0x8cc: {  	[sflag:s9] =	ssyncset.done $0x0  }
0x8cd: {  	s29 =	simm.s32 $0x2780;
	[sflag:s9] =	ssyncadd.s32 $0xFFFFC000  }
0x8ce: {  	[spmem:s2] =	stream.indirect.scatter.add.f32 [tilespmem:s8], [sflag:$0x3], $0x80, s29, s7, $0xb8;
	[tilespmem:$0x1E400] =	vst v63  }
0x8cf: {  	_ =	swait.ge [sflag:s9], $0x4000  }
0x8d0: {  	[sflag:s9] =	ssyncset.done $0x0  }
0x8d1: {  	[sflag:s9] =	ssyncadd.s32 $0xFFFFC000  }
0x8d2: {  	[bflag:$0x0] =	sbarrier.arrive $0xFFFF  }
0x8d3: {  	s30 =	rddreg [dreg:$0xb]  }
0x8d4: {  	[hbm:s30], [sflag:s5] =	dma.local [spmem:s6], $0x2780  }
0x8d5: {  	_ =	swait.ge [sflag:s14], $0x2780  }
0x8d6: {  	[sflag:s14] =	ssyncset.done $0x0  }
0x8d7: {  	[sflag:s14] =	ssyncadd.s32 $0xFFFFD880  }
0x8d8: {  	_ =	sfence.sel $0x180000  }
0x8d9: {  	[bflag:$0x0] =	sbarrier.arrive $0xFFFF  }
0x8da: {  	_ =	strace $0x90000047  }
0x8db: {  	s31 =	stileid.u32;
	[bflag:$0x2] =	sbarrier.arrive $0xFFFF  }
0x8dc: {  	p0 =	sne.s32 s31, $0x0;
	s0 =	rddreg [dreg:$0x5]  }
0x8dd: {  	s0 =	sadd.s32 @!p0 $0x100000, s0  }
0x8de: {  	[sflag:s0] =	ssyncadd.tile.s32 @!p0 $0x1;
	_ =	shalt  }
.LBB2_6:
.Ltmp3:
0x8df: {  	(pc) =	sbr.rel .LBB2_5-.Ltmp3, $2  }
0x8e0: {  	_ =	sdelay $0x2  }
0x8e1: {  	s30 =	simm.s32 $0x1400;
	s18 =	simm.s32 $0x0  }
.Lfunc_end2:
_tile_overlayer_lowered:
.L_overlay_start_2:
0x8e2: {  	(tag) =	ssettag $0x2  }
0x8e3: {  	s0 =	rddreg [dreg:$0x0];
	s2 =	stileid.u32  }
0x8e4: {  	s1 =	rddreg [dreg:$0x1];
	p0 =	sne.s32 s2, $0x0  }
0x8e5: {  	s3 =	rddreg [dreg:$0x2];
	[bflag:$0x3] =	sbarrier.arrive $0xFFFF;
	s2 =	simm.s32 @!p0 $0x1C04  }
0x8e6: {  	[timem:s3], [sflag:s2] =	dma.local @!p0 [hbm:s0], s1  }
0x8e7: {  	s0 =	simm.s32 @!p0 $0x4  }
0x8e8: {  	_ =	swait.ge @!p0 [sflag:s0], s1  }
0x8e9: {  	s1 =	ssub.s32 @!p0 $0x0, s1;
	[sflag:s0] =	ssyncset.done @!p0 $0x0  }
0x8ea: {  	[sflag:s0] =	ssyncadd.s32 @!p0 s1  }
0x8eb: {  	[bflag:$0x3] =	sbarrier.arrive $0xFFFF  }
0x8ec: {  	_ =	shalt  }

</sc_bundles>
